<compile_context>
chip_gen: v7x
topology: tpu7x:2x2x1
jax: 0.10.2.dev20260603
libtpu: 0.0.44.dev20260713+nightly
codegen_flags: <defaults>
</compile_context>

<pallas_src>
import functools

import jax
import jax.numpy as jnp
from jax import lax
from jax.experimental import pallas as pl
from jax.experimental.pallas import tpu as pltpu
from jax.experimental.pallas import tpu_sc as plsc

_B, _C, _H, _W = 64, 96, 64, 64
_BT = 48
_SCB = _B - _BT
_TILE = _H * _W
_NW = 32
_NCH_TOT = _SCB * _C // _NW
_CCH = 4
_NCH = _NCH_TOT // _CCH
_LN2 = 0.6931471805599453
_BB = 2


def _tc_body(lab_ref, hp_ref, hprot_ref, out_ref):
    step = pl.program_id(0)
    iota = lax.broadcasted_iota(jnp.int32, (_C, _H, _W), 2)
    rev = (_W - 1) - iota

    for i in range(_BB):
        x = hp_ref[i]
        y = hprot_ref[i]
        r = lab_ref[step * _BB + i]

        idx1 = jnp.where(r == 0, iota, rev)
        idxy = jnp.where(r == 2, rev, iota)
        xt = jnp.swapaxes(x, 1, 2)
        a = jnp.where((r == 1) | (r == 2), xt, x)
        bb = jnp.take_along_axis(a, idx1, axis=2)
        c = jnp.swapaxes(bb, 1, 2)
        xr = jnp.where(r <= 1, bb, c)
        yg = jnp.take_along_axis(y, idxy, axis=2)

        diff = xr - yg
        out_ref[0, i, 0] = jnp.sum(diff * diff)
        out_ref[0, i, 1] = jnp.sum(xr * jnp.log(xr / jnp.maximum(yg, 1e-9)))


def _tc_call(hp, hp_rot, labs):
    grid_spec = pltpu.PrefetchScalarGridSpec(
        num_scalar_prefetch=1,
        grid=(_BT // _BB,),
        in_specs=[
            pl.BlockSpec((_BB, _C, _H, _W), lambda b, lab: (b, 0, 0, 0)),
            pl.BlockSpec((_BB, _C, _H, _W), lambda b, lab: (b, 0, 0, 0)),
        ],
        out_specs=[
            pl.BlockSpec(memory_space=pltpu.SMEM, block_shape=(1, _BB, 2),
                         index_map=lambda b, lab: (b, 0, 0)),
        ],
    )
    return pl.pallas_call(
        _tc_body,
        grid_spec=grid_spec,
        out_shape=[jax.ShapeDtypeStruct((_BT // _BB, _BB, 2), jnp.float32)],
    )(labs, hp, hp_rot)[0]


def _tile_pair_loss(xref, yref, rvec, l2v, klv):
    lane = lax.broadcasted_iota(jnp.int32, (16,), 0)
    is_odd = (rvec & 1) == 1
    is_hi = rvec >= 2

    def h_body(h, carry):
        l2c, klc = carry
        for wc in range(4):
            w = wc * 16 + lane
            i0 = h * 64 + w
            i1 = (63 * 64) + h - (w * 64)
            idx01 = jnp.where(is_odd, i1, i0)
            idx = jnp.where(is_hi, 4095 - idx01, idx01)
            xv = plsc.load_gather(xref, [idx])
            yv = yref[pl.ds(h * 64 + wc * 16, 16)]
            d = xv - yv
            l2c = l2c + d * d
            t = xv / jnp.maximum(yv, 1e-9)
            bits = plsc.bitcast(t, jnp.int32)
            e = (bits >> 23) - 127
            m = plsc.bitcast((bits & 0x007FFFFF) | 0x3F800000, jnp.float32)
            s = (m - 1.0) / (m + 1.0)
            s2 = s * s
            lg = s * (2.0 + s2 * (0.66666667 + s2 * (0.4 + s2 * (0.28571429
                      + s2 * 0.22222222))))
            klc = klc + xv * (lg + e.astype(jnp.float32) * _LN2)
        return l2c, klc

    return lax.fori_loop(0, _H, h_body, (l2v, klv))


def _sc_call(hp2, hprot2, labw):
    mesh = plsc.VectorSubcoreMesh(core_axis_name="c", subcore_axis_name="s")

    @functools.partial(
        pl.kernel,
        mesh=mesh,
        compiler_params=pltpu.CompilerParams(
            needs_layout_passes=False, use_tc_tiling_on_sc=False),
        out_type=[
            jax.ShapeDtypeStruct((_NW, 16), jnp.float32),
            jax.ShapeDtypeStruct((_NW, 16), jnp.float32),
        ],
        scratch_types=[
            pltpu.VMEM((2, _CCH, _TILE), jnp.float32),
            pltpu.VMEM((2, _CCH, _TILE), jnp.float32),
            pltpu.VMEM((_NCH, 16), jnp.int32),
            pltpu.SemaphoreType.DMA,
            pltpu.SemaphoreType.DMA,
        ],
    )
    def sc_kernel(hp_hbm, hprot_hbm, lab_hbm, l2_hbm, kl_hbm,
                  xb, yb, labv, semx, semy):
        wid = lax.axis_index("s") * 2 + lax.axis_index("c")
        pltpu.sync_copy(lab_hbm.at[pl.ds(wid * _NCH, _NCH)], labv)

        base_row = wid * _NCH_TOT

        def issue(ch, slot):
            row0 = base_row + ch * _CCH
            pltpu.async_copy(hp_hbm.at[pl.ds(row0, _CCH)], xb.at[slot], semx)
            pltpu.async_copy(hprot_hbm.at[pl.ds(row0, _CCH)], yb.at[slot],
                             semy)

        def drain(slot):
            pltpu.make_async_copy(
                hp_hbm.at[pl.ds(0, _CCH)], xb.at[slot], semx).wait()
            pltpu.make_async_copy(
                hprot_hbm.at[pl.ds(0, _CCH)], yb.at[slot], semy).wait()

        issue(0, 0)
        issue(1, 1)
        zero = jnp.zeros((16,), jnp.float32)

        def pair_body(i, carry):
            l2v, klv = carry
            for k in (0, 1):
                g = 2 * i + k
                drain(k)
                rvec = labv[g]
                for ci in range(_CCH):
                    l2v, klv = _tile_pair_loss(
                        xb.at[k, ci], yb.at[k, ci], rvec, l2v, klv)

                @pl.when(g + 2 < _NCH)
                def _():
                    issue(g + 2, k)
            return l2v, klv

        l2v, klv = lax.fori_loop(0, _NCH // 2, pair_body, (zero, zero))
        xb[0, 0, pl.ds(0, 16)] = l2v
        xb[0, 0, pl.ds(16, 16)] = klv
        pltpu.sync_copy(xb.at[0, 0, pl.ds(0, 16)], l2_hbm.at[wid])
        pltpu.sync_copy(xb.at[0, 0, pl.ds(16, 16)], kl_hbm.at[wid])

    return sc_kernel(hp2, hprot2, labw)


def kernel(hp, hp_rot, label_rot):
    labs = label_rot.astype(jnp.int32)
    tc_out = _tc_call(hp[:_BT], hp_rot[:_BT], labs[:_BT])

    hp2 = hp[_BT:].reshape(_SCB * _C, _TILE)
    hprot2 = hp_rot[_BT:].reshape(_SCB * _C, _TILE)
    chunk_batch = (jnp.arange(_NW * _NCH, dtype=jnp.int32)
                   * _CCH) // _C
    labw = jnp.broadcast_to(
        labs[_BT:][chunk_batch][:, None], (_NW * _NCH, 16))
    l2p, klp = _sc_call(hp2, hprot2, labw)

    l2 = tc_out[:, :, 0].sum() + l2p.sum()
    kl = tc_out[:, :, 1].sum() + klp.sum()
    return (kl / _B) * 0.4 + (l2 / (_B * _C * _H * _W)) * 0.6

# --- scband reference (transcript-rebuilt; emitter-appended) ---
"""Pipeline reference for scband-equivariance-constraint-loss-17686675325023 (READ-ONLY COPY).

The authoritative reference and input builder live on the scoring server;
editing this copy changes nothing except your own understanding.
"""

import jax, jax.numpy as jnp
import numpy as np


def _apply_2d_rotation(x, r):
    # x: [B, C, H, W]; rotation = r * 90 degrees, matching the torch helper:
    #   90  -> flip_left_right(spatial_transpose(x))
    #   180 -> flip_left_right(flip_upside_down(x))
    #   270 -> spatial_transpose(flip_left_right(x))
    if r == 0:
        return x
    elif r == 1:
        return jnp.flip(jnp.swapaxes(x, 2, 3), axis=3)
    elif r == 2:
        return jnp.flip(x, axis=(2, 3))
    else:
        return jnp.swapaxes(jnp.flip(x, axis=3), 2, 3)


def setup_inputs(seed: int = 0):
    key = jax.random.key(seed)
    k1, k2, k3 = jax.random.split(key, 3)
    # heatmap-like strictly positive activations (e.g. post-softmax/sigmoid), as the KL term requires
    hp = jax.random.uniform(k1, (64, 96, 64, 64), dtype=jnp.float32, minval=1e-6, maxval=1.0)
    hp_rot = jax.random.uniform(k2, (64, 96, 64, 64), dtype=jnp.float32, minval=1e-6, maxval=1.0)
    label_rot = jax.random.randint(k3, (64,), 0, 4)
    return {"hp": hp, "hp_rot": hp_rot, "label_rot": label_rot}


def reference(hp, hp_rot, label_rot):
    loss_l2 = jnp.float32(0.0)
    loss_kl = jnp.float32(0.0)
    for r in range(4):
        # torch code gathers rows with hp[mask]; summing masked per-row terms is mathematically identical
        mask = (label_rot == r).astype(hp.dtype)[:, None, None, None]
        hp_r = _apply_2d_rotation(hp, r)
        loss_l2 = loss_l2 + (((hp_r - hp_rot) ** 2) * mask).sum()
        ratio = hp_r / jnp.maximum(hp_rot, 1e-9)
        loss_kl = loss_kl + ((hp_r * jnp.log(ratio)) * mask).sum()
    loss_kl = loss_kl / hp.shape[0]
    loss_l2 = loss_l2 / hp.size
    return loss_kl * 0.4 + loss_l2 * 0.6

if __name__ == "__main__":
    import jax
    _d = setup_inputs()
    print(jax.jit(kernel)(*tuple(_d.values())))

</pallas_src>

<mosaic_0001>
#map = affine_map<(d0, d1) -> (0, 0)>
module attributes {stable_mosaic.version = 14 : i64} {
  func.func @sc_kernel(%arg0: i32, %arg1: i32, %arg2: memref<1536x4096xf32, #tpu.memory_space<hbm>>, %arg3: memref<1536x4096xf32, #tpu.memory_space<hbm>>, %arg4: memref<384x16xi32, #tpu.memory_space<hbm>>, %arg5: memref<32x16xf32, #tpu.memory_space<hbm>>, %arg6: memref<32x16xf32, #tpu.memory_space<hbm>>, %arg7: memref<2x4x4096xf32, #tpu.memory_space<vmem>>, %arg8: memref<2x4x4096xf32, #tpu.memory_space<vmem>>, %arg9: memref<12x16xi32, #tpu.memory_space<vmem>>, %arg10: memref<!tpu.dma_semaphore, #tpu.memory_space<semaphore_mem>>, %arg11: memref<!tpu.dma_semaphore, #tpu.memory_space<semaphore_mem>>) attributes {dimension_semantics = [#tpu.dimension_semantics<core_parallel>, #tpu.dimension_semantics<subcore_parallel>], iteration_bounds = array<i64: 2, 16>, scalar_prefetch = 0 : i64, scratch_operands = 5 : i64, tpu.core_type = #tpu.core_type<sc_vector_subcore>, window_params = [{transform_indices = #map}, {transform_indices = #map}, {transform_indices = #map}, {transform_indices = #map}, {transform_indices = #map}]} {
    %mul3A = arith.constant 2 : i32
    %mul3A_0 = arith.muli %arg1, %mul3A : i32
    %add3A = arith.addi %mul3A_0, %arg0 : i32
    %mul3A_1 = arith.constant 12 : i32
    %mul3A_2 = arith.muli %add3A, %mul3A_1 : i32
    "tpu.region"() ({
      %run_scoped3A_80 = tpu.sem_alloc : memref<!tpu.dma_semaphore, #tpu.memory_space<semaphore_mem>>
      %dma_start3A_81 = arith.constant 0 : i32
      %dma_start3A_82 = tpu.memref_slice %arg4[%mul3A_2, %dma_start3A_81] : memref<384x16xi32, #tpu.memory_space<hbm>> -> memref<12x16xi32, #tpu.memory_space<hbm>>
      %dma_start3A_83 = arith.constant 0 : i32
      %dma_start3A_84 = tpu.memref_slice %arg4[%mul3A_2, %dma_start3A_83] : memref<384x16xi32, #tpu.memory_space<hbm>> -> memref<12x16xi32, #tpu.memory_space<hbm>>
      tpu.enqueue_dma source(%dma_start3A_84 : memref<12x16xi32, #tpu.memory_space<hbm>>) target(%arg9 : memref<12x16xi32, #tpu.memory_space<vmem>>) target_semaphore(%run_scoped3A_80 : memref<!tpu.dma_semaphore, #tpu.memory_space<semaphore_mem>>)
      %dma_wait3A = arith.constant 0 : i32
      %dma_wait3A_85 = tpu.memref_slice %arg4[%mul3A_2, %dma_wait3A] : memref<384x16xi32, #tpu.memory_space<hbm>> -> memref<12x16xi32, #tpu.memory_space<hbm>>
      %dma_wait3A_86 = arith.constant 0 : i32
      %dma_wait3A_87 = tpu.memref_slice %arg4[%mul3A_2, %dma_wait3A_86] : memref<384x16xi32, #tpu.memory_space<hbm>> -> memref<12x16xi32, #tpu.memory_space<hbm>>
      tpu.wait_dma2 semaphore(%run_scoped3A_80 : memref<!tpu.dma_semaphore, #tpu.memory_space<semaphore_mem>>) src(%dma_wait3A_87 : memref<12x16xi32, #tpu.memory_space<hbm>>) dst(%arg9 : memref<12x16xi32, #tpu.memory_space<vmem>>)
      tpu.yield
    }) : () -> ()
    %mul3A_3 = arith.constant 48 : i32
    %mul3A_4 = arith.muli %add3A, %mul3A_3 : i32
    %add3A_5 = arith.constant 0 : i32
    %add3A_6 = arith.addi %mul3A_4, %add3A_5 : i32
    %dma_start3A = arith.constant 0 : i32
    %dma_start3A_7 = arith.constant 0 : i32
    %dma_start3A_8 = arith.constant 0 : i32
    %dma_start3A_9 = tpu.memref_slice %arg7[%dma_start3A, %dma_start3A_7, %dma_start3A_8] : memref<2x4x4096xf32, #tpu.memory_space<vmem>> -> memref<1x4x4096xf32, #tpu.memory_space<vmem>>
    %dma_start3A_10 = tpu.memref_squeeze %dma_start3A_9 : memref<1x4x4096xf32, #tpu.memory_space<vmem>> -> memref<4x4096xf32, #tpu.memory_space<vmem>>
    %dma_start3A_11 = arith.constant 0 : i32
    %dma_start3A_12 = tpu.memref_slice %arg2[%add3A_6, %dma_start3A_11] : memref<1536x4096xf32, #tpu.memory_space<hbm>> -> memref<4x4096xf32, #tpu.memory_space<hbm>>
    %dma_start3A_13 = arith.constant 0 : i32
    %dma_start3A_14 = arith.constant 0 : i32
    %dma_start3A_15 = tpu.memref_slice %arg7[%dma_start3A, %dma_start3A_13, %dma_start3A_14] : memref<2x4x4096xf32, #tpu.memory_space<vmem>> -> memref<1x4x4096xf32, #tpu.memory_space<vmem>>
    %dma_start3A_16 = tpu.memref_squeeze %dma_start3A_15 : memref<1x4x4096xf32, #tpu.memory_space<vmem>> -> memref<4x4096xf32, #tpu.memory_space<vmem>>
    %dma_start3A_17 = arith.constant 0 : i32
    %dma_start3A_18 = tpu.memref_slice %arg2[%add3A_6, %dma_start3A_17] : memref<1536x4096xf32, #tpu.memory_space<hbm>> -> memref<4x4096xf32, #tpu.memory_space<hbm>>
    tpu.enqueue_dma source(%dma_start3A_18 : memref<4x4096xf32, #tpu.memory_space<hbm>>) target(%dma_start3A_16 : memref<4x4096xf32, #tpu.memory_space<vmem>>) target_semaphore(%arg10 : memref<!tpu.dma_semaphore, #tpu.memory_space<semaphore_mem>>)
    %dma_start3A_19 = arith.constant 0 : i32
    %dma_start3A_20 = arith.constant 0 : i32
    %dma_start3A_21 = arith.constant 0 : i32
    %dma_start3A_22 = tpu.memref_slice %arg8[%dma_start3A_19, %dma_start3A_20, %dma_start3A_21] : memref<2x4x4096xf32, #tpu.memory_space<vmem>> -> memref<1x4x4096xf32, #tpu.memory_space<vmem>>
    %dma_start3A_23 = tpu.memref_squeeze %dma_start3A_22 : memref<1x4x4096xf32, #tpu.memory_space<vmem>> -> memref<4x4096xf32, #tpu.memory_space<vmem>>
    %dma_start3A_24 = arith.constant 0 : i32
    %dma_start3A_25 = tpu.memref_slice %arg3[%add3A_6, %dma_start3A_24] : memref<1536x4096xf32, #tpu.memory_space<hbm>> -> memref<4x4096xf32, #tpu.memory_space<hbm>>
    %dma_start3A_26 = arith.constant 0 : i32
    %dma_start3A_27 = arith.constant 0 : i32
    %dma_start3A_28 = tpu.memref_slice %arg8[%dma_start3A_19, %dma_start3A_26, %dma_start3A_27] : memref<2x4x4096xf32, #tpu.memory_space<vmem>> -> memref<1x4x4096xf32, #tpu.memory_space<vmem>>
    %dma_start3A_29 = tpu.memref_squeeze %dma_start3A_28 : memref<1x4x4096xf32, #tpu.memory_space<vmem>> -> memref<4x4096xf32, #tpu.memory_space<vmem>>
    %dma_start3A_30 = arith.constant 0 : i32
    %dma_start3A_31 = tpu.memref_slice %arg3[%add3A_6, %dma_start3A_30] : memref<1536x4096xf32, #tpu.memory_space<hbm>> -> memref<4x4096xf32, #tpu.memory_space<hbm>>
    tpu.enqueue_dma source(%dma_start3A_31 : memref<4x4096xf32, #tpu.memory_space<hbm>>) target(%dma_start3A_29 : memref<4x4096xf32, #tpu.memory_space<vmem>>) target_semaphore(%arg11 : memref<!tpu.dma_semaphore, #tpu.memory_space<semaphore_mem>>)
    %add3A_32 = arith.constant 4 : i32
    %add3A_33 = arith.addi %mul3A_4, %add3A_32 : i32
    %dma_start3A_34 = arith.constant 1 : i32
    %dma_start3A_35 = arith.constant 0 : i32
    %dma_start3A_36 = arith.constant 0 : i32
    %dma_start3A_37 = tpu.memref_slice %arg7[%dma_start3A_34, %dma_start3A_35, %dma_start3A_36] : memref<2x4x4096xf32, #tpu.memory_space<vmem>> -> memref<1x4x4096xf32, #tpu.memory_space<vmem>>
    %dma_start3A_38 = tpu.memref_squeeze %dma_start3A_37 : memref<1x4x4096xf32, #tpu.memory_space<vmem>> -> memref<4x4096xf32, #tpu.memory_space<vmem>>
    %dma_start3A_39 = arith.constant 0 : i32
    %dma_start3A_40 = tpu.memref_slice %arg2[%add3A_33, %dma_start3A_39] : memref<1536x4096xf32, #tpu.memory_space<hbm>> -> memref<4x4096xf32, #tpu.memory_space<hbm>>
    %dma_start3A_41 = arith.constant 0 : i32
    %dma_start3A_42 = arith.constant 0 : i32
    %dma_start3A_43 = tpu.memref_slice %arg7[%dma_start3A_34, %dma_start3A_41, %dma_start3A_42] : memref<2x4x4096xf32, #tpu.memory_space<vmem>> -> memref<1x4x4096xf32, #tpu.memory_space<vmem>>
    %dma_start3A_44 = tpu.memref_squeeze %dma_start3A_43 : memref<1x4x4096xf32, #tpu.memory_space<vmem>> -> memref<4x4096xf32, #tpu.memory_space<vmem>>
    %dma_start3A_45 = arith.constant 0 : i32
    %dma_start3A_46 = tpu.memref_slice %arg2[%add3A_33, %dma_start3A_45] : memref<1536x4096xf32, #tpu.memory_space<hbm>> -> memref<4x4096xf32, #tpu.memory_space<hbm>>
    tpu.enqueue_dma source(%dma_start3A_46 : memref<4x4096xf32, #tpu.memory_space<hbm>>) target(%dma_start3A_44 : memref<4x4096xf32, #tpu.memory_space<vmem>>) target_semaphore(%arg10 : memref<!tpu.dma_semaphore, #tpu.memory_space<semaphore_mem>>)
    %dma_start3A_47 = arith.constant 1 : i32
    %dma_start3A_48 = arith.constant 0 : i32
    %dma_start3A_49 = arith.constant 0 : i32
    %dma_start3A_50 = tpu.memref_slice %arg8[%dma_start3A_47, %dma_start3A_48, %dma_start3A_49] : memref<2x4x4096xf32, #tpu.memory_space<vmem>> -> memref<1x4x4096xf32, #tpu.memory_space<vmem>>
    %dma_start3A_51 = tpu.memref_squeeze %dma_start3A_50 : memref<1x4x4096xf32, #tpu.memory_space<vmem>> -> memref<4x4096xf32, #tpu.memory_space<vmem>>
    %dma_start3A_52 = arith.constant 0 : i32
    %dma_start3A_53 = tpu.memref_slice %arg3[%add3A_33, %dma_start3A_52] : memref<1536x4096xf32, #tpu.memory_space<hbm>> -> memref<4x4096xf32, #tpu.memory_space<hbm>>
    %dma_start3A_54 = arith.constant 0 : i32
    %dma_start3A_55 = arith.constant 0 : i32
    %dma_start3A_56 = tpu.memref_slice %arg8[%dma_start3A_47, %dma_start3A_54, %dma_start3A_55] : memref<2x4x4096xf32, #tpu.memory_space<vmem>> -> memref<1x4x4096xf32, #tpu.memory_space<vmem>>
    %dma_start3A_57 = tpu.memref_squeeze %dma_start3A_56 : memref<1x4x4096xf32, #tpu.memory_space<vmem>> -> memref<4x4096xf32, #tpu.memory_space<vmem>>
    %dma_start3A_58 = arith.constant 0 : i32
    %dma_start3A_59 = tpu.memref_slice %arg3[%add3A_33, %dma_start3A_58] : memref<1536x4096xf32, #tpu.memory_space<hbm>> -> memref<4x4096xf32, #tpu.memory_space<hbm>>
    tpu.enqueue_dma source(%dma_start3A_59 : memref<4x4096xf32, #tpu.memory_space<hbm>>) target(%dma_start3A_57 : memref<4x4096xf32, #tpu.memory_space<vmem>>) target_semaphore(%arg11 : memref<!tpu.dma_semaphore, #tpu.memory_space<semaphore_mem>>)
    %broadcast_in_dim3A = arith.constant 0.000000e+00 : f32
    %broadcast_in_dim3A_60 = vector.broadcast %broadcast_in_dim3A : f32 to vector<16xf32>
    %scan3A = arith.constant 0 : i32
    %scan3A_61 = arith.constant 6 : i32
    %scan3A_62 = arith.addi %scan3A, %scan3A_61 : i32
    %scan3A_63 = arith.constant 1 : i32
    %scan3A_64:2 = scf.for %scan3A_80 = %scan3A to %scan3A_62 step %scan3A_63 iter_args(%scan3A_81 = %broadcast_in_dim3A_60, %scan3A_82 = %broadcast_in_dim3A_60) -> (vector<16xf32>, vector<16xf32>)  : i32 {
      %mul3A_83 = arith.constant 2 : i32
      %mul3A_84 = arith.muli %mul3A_83, %scan3A_80 : i32
      %add3A_85 = arith.constant 0 : i32
      %add3A_86 = arith.addi %mul3A_84, %add3A_85 : i32
      %dma_wait3A = arith.constant 0 : i32
      %dma_wait3A_87 = arith.constant 0 : i32
      %dma_wait3A_88 = arith.constant 0 : i32
      %dma_wait3A_89 = tpu.memref_slice %arg7[%dma_wait3A, %dma_wait3A_87, %dma_wait3A_88] : memref<2x4x4096xf32, #tpu.memory_space<vmem>> -> memref<1x4x4096xf32, #tpu.memory_space<vmem>>
      %dma_wait3A_90 = tpu.memref_squeeze %dma_wait3A_89 : memref<1x4x4096xf32, #tpu.memory_space<vmem>> -> memref<4x4096xf32, #tpu.memory_space<vmem>>
      %dma_wait3A_91 = arith.constant 0 : i32
      %dma_wait3A_92 = arith.constant 0 : i32
      %dma_wait3A_93 = tpu.memref_slice %arg2[%dma_wait3A_91, %dma_wait3A_92] : memref<1536x4096xf32, #tpu.memory_space<hbm>> -> memref<4x4096xf32, #tpu.memory_space<hbm>>
      %dma_wait3A_94 = arith.constant 0 : i32
      %dma_wait3A_95 = arith.constant 0 : i32
      %dma_wait3A_96 = tpu.memref_slice %arg7[%dma_wait3A, %dma_wait3A_94, %dma_wait3A_95] : memref<2x4x4096xf32, #tpu.memory_space<vmem>> -> memref<1x4x4096xf32, #tpu.memory_space<vmem>>
      %dma_wait3A_97 = tpu.memref_squeeze %dma_wait3A_96 : memref<1x4x4096xf32, #tpu.memory_space<vmem>> -> memref<4x4096xf32, #tpu.memory_space<vmem>>
      %dma_wait3A_98 = arith.constant 0 : i32
      %dma_wait3A_99 = arith.constant 0 : i32
      %dma_wait3A_100 = tpu.memref_slice %arg2[%dma_wait3A_98, %dma_wait3A_99] : memref<1536x4096xf32, #tpu.memory_space<hbm>> -> memref<4x4096xf32, #tpu.memory_space<hbm>>
      tpu.wait_dma2 semaphore(%arg10 : memref<!tpu.dma_semaphore, #tpu.memory_space<semaphore_mem>>) src(%dma_wait3A_100 : memref<4x4096xf32, #tpu.memory_space<hbm>>) dst(%dma_wait3A_97 : memref<4x4096xf32, #tpu.memory_space<vmem>>)
      %dma_wait3A_101 = arith.constant 0 : i32
      %dma_wait3A_102 = arith.constant 0 : i32
      %dma_wait3A_103 = arith.constant 0 : i32
      %dma_wait3A_104 = tpu.memref_slice %arg8[%dma_wait3A_101, %dma_wait3A_102, %dma_wait3A_103] : memref<2x4x4096xf32, #tpu.memory_space<vmem>> -> memref<1x4x4096xf32, #tpu.memory_space<vmem>>
      %dma_wait3A_105 = tpu.memref_squeeze %dma_wait3A_104 : memref<1x4x4096xf32, #tpu.memory_space<vmem>> -> memref<4x4096xf32, #tpu.memory_space<vmem>>
      %dma_wait3A_106 = arith.constant 0 : i32
      %dma_wait3A_107 = arith.constant 0 : i32
      %dma_wait3A_108 = tpu.memref_slice %arg3[%dma_wait3A_106, %dma_wait3A_107] : memref<1536x4096xf32, #tpu.memory_space<hbm>> -> memref<4x4096xf32, #tpu.memory_space<hbm>>
      %dma_wait3A_109 = arith.constant 0 : i32
      %dma_wait3A_110 = arith.constant 0 : i32
      %dma_wait3A_111 = tpu.memref_slice %arg8[%dma_wait3A_101, %dma_wait3A_109, %dma_wait3A_110] : memref<2x4x4096xf32, #tpu.memory_space<vmem>> -> memref<1x4x4096xf32, #tpu.memory_space<vmem>>
      %dma_wait3A_112 = tpu.memref_squeeze %dma_wait3A_111 : memref<1x4x4096xf32, #tpu.memory_space<vmem>> -> memref<4x4096xf32, #tpu.memory_space<vmem>>
      %dma_wait3A_113 = arith.constant 0 : i32
      %dma_wait3A_114 = arith.constant 0 : i32
      %dma_wait3A_115 = tpu.memref_slice %arg3[%dma_wait3A_113, %dma_wait3A_114] : memref<1536x4096xf32, #tpu.memory_space<hbm>> -> memref<4x4096xf32, #tpu.memory_space<hbm>>
      tpu.wait_dma2 semaphore(%arg11 : memref<!tpu.dma_semaphore, #tpu.memory_space<semaphore_mem>>) src(%dma_wait3A_115 : memref<4x4096xf32, #tpu.memory_space<hbm>>) dst(%dma_wait3A_112 : memref<4x4096xf32, #tpu.memory_space<vmem>>)
      %get3A = arith.index_cast %add3A_86 : i32 to index
      %get3A_116 = arith.constant 0 : index
      %get3A_117 = tpu.vector_load %arg9[%get3A, %get3A_116] {strides = array<i32>} : memref<12x16xi32, #tpu.memory_space<vmem>>, vector<16xi32>,
      %iota3A = tpu.iota {dimensions = array<i32: 0>} : vector<16xi32>
      %and3A = arith.constant 1 : i32
      %and3A_118 = vector.broadcast %and3A : i32 to vector<16xi32>
      %and3A_119 = arith.andi %get3A_117, %and3A_118 : vector<16xi32>
      %eq3A = arith.constant 1 : i32
      %eq3A_120 = vector.broadcast %eq3A : i32 to vector<16xi32>
      %eq3A_121 = arith.cmpi eq, %and3A_119, %eq3A_120 : vector<16xi32>
      %ge3A = arith.constant 2 : i32
      %ge3A_122 = vector.broadcast %ge3A : i32 to vector<16xi32>
      %ge3A_123 = arith.cmpi sge, %get3A_117, %ge3A_122 : vector<16xi32>
      %scan3A_124 = arith.constant 0 : i32
      %scan3A_125 = arith.constant 0 : i32
      %scan3A_126 = arith.constant 0 : i32
      %scan3A_127 = arith.constant 0 : i32
      %scan3A_128 = arith.constant 0 : i32
      %scan3A_129 = arith.constant 64 : i32
      %scan3A_130 = arith.addi %scan3A_128, %scan3A_129 : i32
      %scan3A_131 = arith.constant 1 : i32
      %scan3A_132:2 = scf.for %scan3A_322 = %scan3A_128 to %scan3A_130 step %scan3A_131 iter_args(%scan3A_323 = %scan3A_81, %scan3A_324 = %scan3A_82) -> (vector<16xf32>, vector<16xf32>)  : i32 {
        %add3A_325 = arith.constant 0 : i32
        %add3A_326 = vector.broadcast %add3A_325 : i32 to vector<16xi32>
        %add3A_327 = arith.addi %add3A_326, %iota3A : vector<16xi32>
        %mul3A_328 = arith.constant 64 : i32
        %mul3A_329 = arith.muli %scan3A_322, %mul3A_328 : i32
        %add3A_330 = vector.broadcast %mul3A_329 : i32 to vector<16xi32>
        %add3A_331 = arith.addi %add3A_330, %add3A_327 : vector<16xi32>
        %add3A_332 = arith.constant 4032 : i32
        %add3A_333 = arith.addi %add3A_332, %scan3A_322 : i32
        %mul3A_334 = arith.constant 64 : i32
        %mul3A_335 = vector.broadcast %mul3A_334 : i32 to vector<16xi32>
        %mul3A_336 = arith.muli %add3A_327, %mul3A_335 : vector<16xi32>
        %sub3A = vector.broadcast %add3A_333 : i32 to vector<16xi32>
        %sub3A_337 = arith.subi %sub3A, %mul3A_336 : vector<16xi32>
        %select_n3A = arith.select %eq3A_121, %sub3A_337, %add3A_331 : vector<16xi1>, vector<16xi32>
        %sub3A_338 = arith.constant 4095 : i32
        %sub3A_339 = vector.broadcast %sub3A_338 : i32 to vector<16xi32>
        %sub3A_340 = arith.subi %sub3A_339, %select_n3A : vector<16xi32>
        %select_n3A_341 = arith.select %ge3A_123, %sub3A_340, %select_n3A : vector<16xi1>, vector<16xi32>
        %gather3A = arith.constant 0 : i32
        %gather3A_342 = tpu.memref_slice %arg7[%scan3A_124, %scan3A_125, %gather3A] : memref<2x4x4096xf32, #tpu.memory_space<vmem>> -> memref<1x1x4096xf32, #tpu.memory_space<vmem>>
        %gather3A_343 = tpu.memref_squeeze %gather3A_342 : memref<1x1x4096xf32, #tpu.memory_space<vmem>> -> memref<4096xf32, #tpu.memory_space<vmem>>
        %gather3A_344 = tpu.vector_load_idx %gather3A_343[%select_n3A_341] : memref<4096xf32, #tpu.memory_space<vmem>>[vector<16xi32>], vector<16xf32>,
        %mul3A_345 = arith.constant 64 : i32
        %mul3A_346 = arith.muli %scan3A_322, %mul3A_345 : i32
        %add3A_347 = arith.constant 0 : i32
        %add3A_348 = arith.addi %mul3A_346, %add3A_347 : i32
        %get3A_349 = arith.constant 0 : i32
        %get3A_350 = tpu.memref_slice %arg8[%scan3A_126, %scan3A_127, %get3A_349] : memref<2x4x4096xf32, #tpu.memory_space<vmem>> -> memref<1x1x4096xf32, #tpu.memory_space<vmem>>
        %get3A_351 = tpu.memref_squeeze %get3A_350 : memref<1x1x4096xf32, #tpu.memory_space<vmem>> -> memref<4096xf32, #tpu.memory_space<vmem>>
        %get3A_352 = arith.index_cast %add3A_348 : i32 to index
        %get3A_353 = tpu.vector_load %get3A_351[%get3A_352] {strides = array<i32>} : memref<4096xf32, #tpu.memory_space<vmem>>, vector<16xf32>,
        %sub3A_354 = arith.subf %gather3A_344, %get3A_353 : vector<16xf32>
        %mul3A_355 = arith.mulf %sub3A_354, %sub3A_354 : vector<16xf32>
        %add3A_356 = arith.addf %scan3A_323, %mul3A_355 : vector<16xf32>
        %max3A = arith.constant 9.99999971E-10 : f32
        %max3A_357 = vector.broadcast %max3A : f32 to vector<16xf32>
        %max3A_358 = arith.maximumf %get3A_353, %max3A_357 : vector<16xf32>
        %div3A = arith.divf %gather3A_344, %max3A_358 : vector<16xf32>
        %bitcast3A = vector.bitcast %div3A : vector<16xf32> to vector<16xi32>
        %shift_right_arithmetic3A = arith.constant 23 : i32
        %shift_right_arithmetic3A_359 = vector.broadcast %shift_right_arithmetic3A : i32 to vector<16xi32>
        %shift_right_arithmetic3A_360 = arith.shrsi %bitcast3A, %shift_right_arithmetic3A_359 : vector<16xi32>
        %sub3A_361 = arith.constant 127 : i32
        %sub3A_362 = vector.broadcast %sub3A_361 : i32 to vector<16xi32>
        %sub3A_363 = arith.subi %shift_right_arithmetic3A_360, %sub3A_362 : vector<16xi32>
        %and3A_364 = arith.constant 8388607 : i32
        %and3A_365 = vector.broadcast %and3A_364 : i32 to vector<16xi32>
        %and3A_366 = arith.andi %bitcast3A, %and3A_365 : vector<16xi32>
        %or3A = arith.constant 1065353216 : i32
        %or3A_367 = vector.broadcast %or3A : i32 to vector<16xi32>
        %or3A_368 = arith.ori %and3A_366, %or3A_367 : vector<16xi32>
        %bitcast3A_369 = vector.bitcast %or3A_368 : vector<16xi32> to vector<16xf32>
        %sub3A_370 = arith.constant 1.000000e+00 : f32
        %sub3A_371 = vector.broadcast %sub3A_370 : f32 to vector<16xf32>
        %sub3A_372 = arith.subf %bitcast3A_369, %sub3A_371 : vector<16xf32>
        %add3A_373 = arith.constant 1.000000e+00 : f32
        %add3A_374 = vector.broadcast %add3A_373 : f32 to vector<16xf32>
        %add3A_375 = arith.addf %bitcast3A_369, %add3A_374 : vector<16xf32>
        %div3A_376 = arith.divf %sub3A_372, %add3A_375 : vector<16xf32>
        %mul3A_377 = arith.mulf %div3A_376, %div3A_376 : vector<16xf32>
        %mul3A_378 = arith.constant 0.222222224 : f32
        %mul3A_379 = vector.broadcast %mul3A_378 : f32 to vector<16xf32>
        %mul3A_380 = arith.mulf %mul3A_377, %mul3A_379 : vector<16xf32>
        %add3A_381 = arith.constant 0.285714298 : f32
        %add3A_382 = vector.broadcast %add3A_381 : f32 to vector<16xf32>
        %add3A_383 = arith.addf %add3A_382, %mul3A_380 : vector<16xf32>
        %mul3A_384 = arith.mulf %mul3A_377, %add3A_383 : vector<16xf32>
        %add3A_385 = arith.constant 4.000000e-01 : f32
        %add3A_386 = vector.broadcast %add3A_385 : f32 to vector<16xf32>
        %add3A_387 = arith.addf %add3A_386, %mul3A_384 : vector<16xf32>
        %mul3A_388 = arith.mulf %mul3A_377, %add3A_387 : vector<16xf32>
        %add3A_389 = arith.constant 0.666666686 : f32
        %add3A_390 = vector.broadcast %add3A_389 : f32 to vector<16xf32>
        %add3A_391 = arith.addf %add3A_390, %mul3A_388 : vector<16xf32>
        %mul3A_392 = arith.mulf %mul3A_377, %add3A_391 : vector<16xf32>
        %add3A_393 = arith.constant 2.000000e+00 : f32
        %add3A_394 = vector.broadcast %add3A_393 : f32 to vector<16xf32>
        %add3A_395 = arith.addf %add3A_394, %mul3A_392 : vector<16xf32>
        %mul3A_396 = arith.mulf %div3A_376, %add3A_395 : vector<16xf32>
        %convert_element_type3A_397 = arith.sitofp %sub3A_363 : vector<16xi32> to vector<16xf32>
        %mul3A_398 = arith.constant 0.693147182 : f32
        %mul3A_399 = vector.broadcast %mul3A_398 : f32 to vector<16xf32>
        %mul3A_400 = arith.mulf %convert_element_type3A_397, %mul3A_399 : vector<16xf32>
        %add3A_401 = arith.addf %mul3A_396, %mul3A_400 : vector<16xf32>
        %mul3A_402 = arith.mulf %gather3A_344, %add3A_401 : vector<16xf32>
        %add3A_403 = arith.addf %scan3A_324, %mul3A_402 : vector<16xf32>
        %add3A_404 = arith.constant 16 : i32
        %add3A_405 = vector.broadcast %add3A_404 : i32 to vector<16xi32>
        %add3A_406 = arith.addi %add3A_405, %iota3A : vector<16xi32>
        %mul3A_407 = arith.constant 64 : i32
        %mul3A_408 = arith.muli %scan3A_322, %mul3A_407 : i32
        %add3A_409 = vector.broadcast %mul3A_408 : i32 to vector<16xi32>
        %add3A_410 = arith.addi %add3A_409, %add3A_406 : vector<16xi32>
        %add3A_411 = arith.constant 4032 : i32
        %add3A_412 = arith.addi %add3A_411, %scan3A_322 : i32
        %mul3A_413 = arith.constant 64 : i32
        %mul3A_414 = vector.broadcast %mul3A_413 : i32 to vector<16xi32>
        %mul3A_415 = arith.muli %add3A_406, %mul3A_414 : vector<16xi32>
        %sub3A_416 = vector.broadcast %add3A_412 : i32 to vector<16xi32>
        %sub3A_417 = arith.subi %sub3A_416, %mul3A_415 : vector<16xi32>
        %select_n3A_418 = arith.select %eq3A_121, %sub3A_417, %add3A_410 : vector<16xi1>, vector<16xi32>
        %sub3A_419 = arith.constant 4095 : i32
        %sub3A_420 = vector.broadcast %sub3A_419 : i32 to vector<16xi32>
        %sub3A_421 = arith.subi %sub3A_420, %select_n3A_418 : vector<16xi32>
        %select_n3A_422 = arith.select %ge3A_123, %sub3A_421, %select_n3A_418 : vector<16xi1>, vector<16xi32>
        %gather3A_423 = arith.constant 0 : i32
        %gather3A_424 = tpu.memref_slice %arg7[%scan3A_124, %scan3A_125, %gather3A_423] : memref<2x4x4096xf32, #tpu.memory_space<vmem>> -> memref<1x1x4096xf32, #tpu.memory_space<vmem>>
        %gather3A_425 = tpu.memref_squeeze %gather3A_424 : memref<1x1x4096xf32, #tpu.memory_space<vmem>> -> memref<4096xf32, #tpu.memory_space<vmem>>
        %gather3A_426 = tpu.vector_load_idx %gather3A_425[%select_n3A_422] : memref<4096xf32, #tpu.memory_space<vmem>>[vector<16xi32>], vector<16xf32>,
        %mul3A_427 = arith.constant 64 : i32
        %mul3A_428 = arith.muli %scan3A_322, %mul3A_427 : i32
        %add3A_429 = arith.constant 16 : i32
        %add3A_430 = arith.addi %mul3A_428, %add3A_429 : i32
        %get3A_431 = arith.constant 0 : i32
        %get3A_432 = tpu.memref_slice %arg8[%scan3A_126, %scan3A_127, %get3A_431] : memref<2x4x4096xf32, #tpu.memory_space<vmem>> -> memref<1x1x4096xf32, #tpu.memory_space<vmem>>
        %get3A_433 = tpu.memref_squeeze %get3A_432 : memref<1x1x4096xf32, #tpu.memory_space<vmem>> -> memref<4096xf32, #tpu.memory_space<vmem>>
        %get3A_434 = arith.index_cast %add3A_430 : i32 to index
        %get3A_435 = tpu.vector_load %get3A_433[%get3A_434] {strides = array<i32>} : memref<4096xf32, #tpu.memory_space<vmem>>, vector<16xf32>,
        %sub3A_436 = arith.subf %gather3A_426, %get3A_435 : vector<16xf32>
        %mul3A_437 = arith.mulf %sub3A_436, %sub3A_436 : vector<16xf32>
        %add3A_438 = arith.addf %add3A_356, %mul3A_437 : vector<16xf32>
        %max3A_439 = arith.constant 9.99999971E-10 : f32
        %max3A_440 = vector.broadcast %max3A_439 : f32 to vector<16xf32>
        %max3A_441 = arith.maximumf %get3A_435, %max3A_440 : vector<16xf32>
        %div3A_442 = arith.divf %gather3A_426, %max3A_441 : vector<16xf32>
        %bitcast3A_443 = vector.bitcast %div3A_442 : vector<16xf32> to vector<16xi32>
        %shift_right_arithmetic3A_444 = arith.constant 23 : i32
        %shift_right_arithmetic3A_445 = vector.broadcast %shift_right_arithmetic3A_444 : i32 to vector<16xi32>
        %shift_right_arithmetic3A_446 = arith.shrsi %bitcast3A_443, %shift_right_arithmetic3A_445 : vector<16xi32>
        %sub3A_447 = arith.constant 127 : i32
        %sub3A_448 = vector.broadcast %sub3A_447 : i32 to vector<16xi32>
        %sub3A_449 = arith.subi %shift_right_arithmetic3A_446, %sub3A_448 : vector<16xi32>
        %and3A_450 = arith.constant 8388607 : i32
        %and3A_451 = vector.broadcast %and3A_450 : i32 to vector<16xi32>
        %and3A_452 = arith.andi %bitcast3A_443, %and3A_451 : vector<16xi32>
        %or3A_453 = arith.constant 1065353216 : i32
        %or3A_454 = vector.broadcast %or3A_453 : i32 to vector<16xi32>
        %or3A_455 = arith.ori %and3A_452, %or3A_454 : vector<16xi32>
        %bitcast3A_456 = vector.bitcast %or3A_455 : vector<16xi32> to vector<16xf32>
        %sub3A_457 = arith.constant 1.000000e+00 : f32
        %sub3A_458 = vector.broadcast %sub3A_457 : f32 to vector<16xf32>
        %sub3A_459 = arith.subf %bitcast3A_456, %sub3A_458 : vector<16xf32>
        %add3A_460 = arith.constant 1.000000e+00 : f32
        %add3A_461 = vector.broadcast %add3A_460 : f32 to vector<16xf32>
        %add3A_462 = arith.addf %bitcast3A_456, %add3A_461 : vector<16xf32>
        %div3A_463 = arith.divf %sub3A_459, %add3A_462 : vector<16xf32>
        %mul3A_464 = arith.mulf %div3A_463, %div3A_463 : vector<16xf32>
        %mul3A_465 = arith.constant 0.222222224 : f32
        %mul3A_466 = vector.broadcast %mul3A_465 : f32 to vector<16xf32>
        %mul3A_467 = arith.mulf %mul3A_464, %mul3A_466 : vector<16xf32>
        %add3A_468 = arith.constant 0.285714298 : f32
        %add3A_469 = vector.broadcast %add3A_468 : f32 to vector<16xf32>
        %add3A_470 = arith.addf %add3A_469, %mul3A_467 : vector<16xf32>
        %mul3A_471 = arith.mulf %mul3A_464, %add3A_470 : vector<16xf32>
        %add3A_472 = arith.constant 4.000000e-01 : f32
        %add3A_473 = vector.broadcast %add3A_472 : f32 to vector<16xf32>
        %add3A_474 = arith.addf %add3A_473, %mul3A_471 : vector<16xf32>
        %mul3A_475 = arith.mulf %mul3A_464, %add3A_474 : vector<16xf32>
        %add3A_476 = arith.constant 0.666666686 : f32
        %add3A_477 = vector.broadcast %add3A_476 : f32 to vector<16xf32>
        %add3A_478 = arith.addf %add3A_477, %mul3A_475 : vector<16xf32>
        %mul3A_479 = arith.mulf %mul3A_464, %add3A_478 : vector<16xf32>
        %add3A_480 = arith.constant 2.000000e+00 : f32
        %add3A_481 = vector.broadcast %add3A_480 : f32 to vector<16xf32>
        %add3A_482 = arith.addf %add3A_481, %mul3A_479 : vector<16xf32>
        %mul3A_483 = arith.mulf %div3A_463, %add3A_482 : vector<16xf32>
        %convert_element_type3A_484 = arith.sitofp %sub3A_449 : vector<16xi32> to vector<16xf32>
        %mul3A_485 = arith.constant 0.693147182 : f32
        %mul3A_486 = vector.broadcast %mul3A_485 : f32 to vector<16xf32>
        %mul3A_487 = arith.mulf %convert_element_type3A_484, %mul3A_486 : vector<16xf32>
        %add3A_488 = arith.addf %mul3A_483, %mul3A_487 : vector<16xf32>
        %mul3A_489 = arith.mulf %gather3A_426, %add3A_488 : vector<16xf32>
        %add3A_490 = arith.addf %add3A_403, %mul3A_489 : vector<16xf32>
        %add3A_491 = arith.constant 32 : i32
        %add3A_492 = vector.broadcast %add3A_491 : i32 to vector<16xi32>
        %add3A_493 = arith.addi %add3A_492, %iota3A : vector<16xi32>
        %mul3A_494 = arith.constant 64 : i32
        %mul3A_495 = arith.muli %scan3A_322, %mul3A_494 : i32
        %add3A_496 = vector.broadcast %mul3A_495 : i32 to vector<16xi32>
        %add3A_497 = arith.addi %add3A_496, %add3A_493 : vector<16xi32>
        %add3A_498 = arith.constant 4032 : i32
        %add3A_499 = arith.addi %add3A_498, %scan3A_322 : i32
        %mul3A_500 = arith.constant 64 : i32
        %mul3A_501 = vector.broadcast %mul3A_500 : i32 to vector<16xi32>
        %mul3A_502 = arith.muli %add3A_493, %mul3A_501 : vector<16xi32>
        %sub3A_503 = vector.broadcast %add3A_499 : i32 to vector<16xi32>
        %sub3A_504 = arith.subi %sub3A_503, %mul3A_502 : vector<16xi32>
        %select_n3A_505 = arith.select %eq3A_121, %sub3A_504, %add3A_497 : vector<16xi1>, vector<16xi32>
        %sub3A_506 = arith.constant 4095 : i32
        %sub3A_507 = vector.broadcast %sub3A_506 : i32 to vector<16xi32>
        %sub3A_508 = arith.subi %sub3A_507, %select_n3A_505 : vector<16xi32>
        %select_n3A_509 = arith.select %ge3A_123, %sub3A_508, %select_n3A_505 : vector<16xi1>, vector<16xi32>
        %gather3A_510 = arith.constant 0 : i32
        %gather3A_511 = tpu.memref_slice %arg7[%scan3A_124, %scan3A_125, %gather3A_510] : memref<2x4x4096xf32, #tpu.memory_space<vmem>> -> memref<1x1x4096xf32, #tpu.memory_space<vmem>>
        %gather3A_512 = tpu.memref_squeeze %gather3A_511 : memref<1x1x4096xf32, #tpu.memory_space<vmem>> -> memref<4096xf32, #tpu.memory_space<vmem>>
        %gather3A_513 = tpu.vector_load_idx %gather3A_512[%select_n3A_509] : memref<4096xf32, #tpu.memory_space<vmem>>[vector<16xi32>], vector<16xf32>,
        %mul3A_514 = arith.constant 64 : i32
        %mul3A_515 = arith.muli %scan3A_322, %mul3A_514 : i32
        %add3A_516 = arith.constant 32 : i32
        %add3A_517 = arith.addi %mul3A_515, %add3A_516 : i32
        %get3A_518 = arith.constant 0 : i32
        %get3A_519 = tpu.memref_slice %arg8[%scan3A_126, %scan3A_127, %get3A_518] : memref<2x4x4096xf32, #tpu.memory_space<vmem>> -> memref<1x1x4096xf32, #tpu.memory_space<vmem>>
        %get3A_520 = tpu.memref_squeeze %get3A_519 : memref<1x1x4096xf32, #tpu.memory_space<vmem>> -> memref<4096xf32, #tpu.memory_space<vmem>>
        %get3A_521 = arith.index_cast %add3A_517 : i32 to index
        %get3A_522 = tpu.vector_load %get3A_520[%get3A_521] {strides = array<i32>} : memref<4096xf32, #tpu.memory_space<vmem>>, vector<16xf32>,
        %sub3A_523 = arith.subf %gather3A_513, %get3A_522 : vector<16xf32>
        %mul3A_524 = arith.mulf %sub3A_523, %sub3A_523 : vector<16xf32>
        %add3A_525 = arith.addf %add3A_438, %mul3A_524 : vector<16xf32>
        %max3A_526 = arith.constant 9.99999971E-10 : f32
        %max3A_527 = vector.broadcast %max3A_526 : f32 to vector<16xf32>
        %max3A_528 = arith.maximumf %get3A_522, %max3A_527 : vector<16xf32>
        %div3A_529 = arith.divf %gather3A_513, %max3A_528 : vector<16xf32>
        %bitcast3A_530 = vector.bitcast %div3A_529 : vector<16xf32> to vector<16xi32>
        %shift_right_arithmetic3A_531 = arith.constant 23 : i32
        %shift_right_arithmetic3A_532 = vector.broadcast %shift_right_arithmetic3A_531 : i32 to vector<16xi32>
        %shift_right_arithmetic3A_533 = arith.shrsi %bitcast3A_530, %shift_right_arithmetic3A_532 : vector<16xi32>
        %sub3A_534 = arith.constant 127 : i32
        %sub3A_535 = vector.broadcast %sub3A_534 : i32 to vector<16xi32>
        %sub3A_536 = arith.subi %shift_right_arithmetic3A_533, %sub3A_535 : vector<16xi32>
        %and3A_537 = arith.constant 8388607 : i32
        %and3A_538 = vector.broadcast %and3A_537 : i32 to vector<16xi32>
        %and3A_539 = arith.andi %bitcast3A_530, %and3A_538 : vector<16xi32>
        %or3A_540 = arith.constant 1065353216 : i32
        %or3A_541 = vector.broadcast %or3A_540 : i32 to vector<16xi32>
        %or3A_542 = arith.ori %and3A_539, %or3A_541 : vector<16xi32>
        %bitcast3A_543 = vector.bitcast %or3A_542 : vector<16xi32> to vector<16xf32>
        %sub3A_544 = arith.constant 1.000000e+00 : f32
        %sub3A_545 = vector.broadcast %sub3A_544 : f32 to vector<16xf32>
        %sub3A_546 = arith.subf %bitcast3A_543, %sub3A_545 : vector<16xf32>
        %add3A_547 = arith.constant 1.000000e+00 : f32
        %add3A_548 = vector.broadcast %add3A_547 : f32 to vector<16xf32>
        %add3A_549 = arith.addf %bitcast3A_543, %add3A_548 : vector<16xf32>
        %div3A_550 = arith.divf %sub3A_546, %add3A_549 : vector<16xf32>
        %mul3A_551 = arith.mulf %div3A_550, %div3A_550 : vector<16xf32>
        %mul3A_552 = arith.constant 0.222222224 : f32
        %mul3A_553 = vector.broadcast %mul3A_552 : f32 to vector<16xf32>
        %mul3A_554 = arith.mulf %mul3A_551, %mul3A_553 : vector<16xf32>
        %add3A_555 = arith.constant 0.285714298 : f32
        %add3A_556 = vector.broadcast %add3A_555 : f32 to vector<16xf32>
        %add3A_557 = arith.addf %add3A_556, %mul3A_554 : vector<16xf32>
        %mul3A_558 = arith.mulf %mul3A_551, %add3A_557 : vector<16xf32>
        %add3A_559 = arith.constant 4.000000e-01 : f32
        %add3A_560 = vector.broadcast %add3A_559 : f32 to vector<16xf32>
        %add3A_561 = arith.addf %add3A_560, %mul3A_558 : vector<16xf32>
        %mul3A_562 = arith.mulf %mul3A_551, %add3A_561 : vector<16xf32>
        %add3A_563 = arith.constant 0.666666686 : f32
        %add3A_564 = vector.broadcast %add3A_563 : f32 to vector<16xf32>
        %add3A_565 = arith.addf %add3A_564, %mul3A_562 : vector<16xf32>
        %mul3A_566 = arith.mulf %mul3A_551, %add3A_565 : vector<16xf32>
        %add3A_567 = arith.constant 2.000000e+00 : f32
        %add3A_568 = vector.broadcast %add3A_567 : f32 to vector<16xf32>
        %add3A_569 = arith.addf %add3A_568, %mul3A_566 : vector<16xf32>
        %mul3A_570 = arith.mulf %div3A_550, %add3A_569 : vector<16xf32>
        %convert_element_type3A_571 = arith.sitofp %sub3A_536 : vector<16xi32> to vector<16xf32>
        %mul3A_572 = arith.constant 0.693147182 : f32
        %mul3A_573 = vector.broadcast %mul3A_572 : f32 to vector<16xf32>
        %mul3A_574 = arith.mulf %convert_element_type3A_571, %mul3A_573 : vector<16xf32>
        %add3A_575 = arith.addf %mul3A_570, %mul3A_574 : vector<16xf32>
        %mul3A_576 = arith.mulf %gather3A_513, %add3A_575 : vector<16xf32>
        %add3A_577 = arith.addf %add3A_490, %mul3A_576 : vector<16xf32>
        %add3A_578 = arith.constant 48 : i32
        %add3A_579 = vector.broadcast %add3A_578 : i32 to vector<16xi32>
        %add3A_580 = arith.addi %add3A_579, %iota3A : vector<16xi32>
        %mul3A_581 = arith.constant 64 : i32
        %mul3A_582 = arith.muli %scan3A_322, %mul3A_581 : i32
        %add3A_583 = vector.broadcast %mul3A_582 : i32 to vector<16xi32>
        %add3A_584 = arith.addi %add3A_583, %add3A_580 : vector<16xi32>
        %add3A_585 = arith.constant 4032 : i32
        %add3A_586 = arith.addi %add3A_585, %scan3A_322 : i32
        %mul3A_587 = arith.constant 64 : i32
        %mul3A_588 = vector.broadcast %mul3A_587 : i32 to vector<16xi32>
        %mul3A_589 = arith.muli %add3A_580, %mul3A_588 : vector<16xi32>
        %sub3A_590 = vector.broadcast %add3A_586 : i32 to vector<16xi32>
        %sub3A_591 = arith.subi %sub3A_590, %mul3A_589 : vector<16xi32>
        %select_n3A_592 = arith.select %eq3A_121, %sub3A_591, %add3A_584 : vector<16xi1>, vector<16xi32>
        %sub3A_593 = arith.constant 4095 : i32
        %sub3A_594 = vector.broadcast %sub3A_593 : i32 to vector<16xi32>
        %sub3A_595 = arith.subi %sub3A_594, %select_n3A_592 : vector<16xi32>
        %select_n3A_596 = arith.select %ge3A_123, %sub3A_595, %select_n3A_592 : vector<16xi1>, vector<16xi32>
        %gather3A_597 = arith.constant 0 : i32
        %gather3A_598 = tpu.memref_slice %arg7[%scan3A_124, %scan3A_125, %gather3A_597] : memref<2x4x4096xf32, #tpu.memory_space<vmem>> -> memref<1x1x4096xf32, #tpu.memory_space<vmem>>
        %gather3A_599 = tpu.memref_squeeze %gather3A_598 : memref<1x1x4096xf32, #tpu.memory_space<vmem>> -> memref<4096xf32, #tpu.memory_space<vmem>>
        %gather3A_600 = tpu.vector_load_idx %gather3A_599[%select_n3A_596] : memref<4096xf32, #tpu.memory_space<vmem>>[vector<16xi32>], vector<16xf32>,
        %mul3A_601 = arith.constant 64 : i32
        %mul3A_602 = arith.muli %scan3A_322, %mul3A_601 : i32
        %add3A_603 = arith.constant 48 : i32
        %add3A_604 = arith.addi %mul3A_602, %add3A_603 : i32
        %get3A_605 = arith.constant 0 : i32
        %get3A_606 = tpu.memref_slice %arg8[%scan3A_126, %scan3A_127, %get3A_605] : memref<2x4x4096xf32, #tpu.memory_space<vmem>> -> memref<1x1x4096xf32, #tpu.memory_space<vmem>>
        %get3A_607 = tpu.memref_squeeze %get3A_606 : memref<1x1x4096xf32, #tpu.memory_space<vmem>> -> memref<4096xf32, #tpu.memory_space<vmem>>
        %get3A_608 = arith.index_cast %add3A_604 : i32 to index
        %get3A_609 = tpu.vector_load %get3A_607[%get3A_608] {strides = array<i32>} : memref<4096xf32, #tpu.memory_space<vmem>>, vector<16xf32>,
        %sub3A_610 = arith.subf %gather3A_600, %get3A_609 : vector<16xf32>
        %mul3A_611 = arith.mulf %sub3A_610, %sub3A_610 : vector<16xf32>
        %add3A_612 = arith.addf %add3A_525, %mul3A_611 : vector<16xf32>
        %max3A_613 = arith.constant 9.99999971E-10 : f32
        %max3A_614 = vector.broadcast %max3A_613 : f32 to vector<16xf32>
        %max3A_615 = arith.maximumf %get3A_609, %max3A_614 : vector<16xf32>
        %div3A_616 = arith.divf %gather3A_600, %max3A_615 : vector<16xf32>
        %bitcast3A_617 = vector.bitcast %div3A_616 : vector<16xf32> to vector<16xi32>
        %shift_right_arithmetic3A_618 = arith.constant 23 : i32
        %shift_right_arithmetic3A_619 = vector.broadcast %shift_right_arithmetic3A_618 : i32 to vector<16xi32>
        %shift_right_arithmetic3A_620 = arith.shrsi %bitcast3A_617, %shift_right_arithmetic3A_619 : vector<16xi32>
        %sub3A_621 = arith.constant 127 : i32
        %sub3A_622 = vector.broadcast %sub3A_621 : i32 to vector<16xi32>
        %sub3A_623 = arith.subi %shift_right_arithmetic3A_620, %sub3A_622 : vector<16xi32>
        %and3A_624 = arith.constant 8388607 : i32
        %and3A_625 = vector.broadcast %and3A_624 : i32 to vector<16xi32>
        %and3A_626 = arith.andi %bitcast3A_617, %and3A_625 : vector<16xi32>
        %or3A_627 = arith.constant 1065353216 : i32
        %or3A_628 = vector.broadcast %or3A_627 : i32 to vector<16xi32>
        %or3A_629 = arith.ori %and3A_626, %or3A_628 : vector<16xi32>
        %bitcast3A_630 = vector.bitcast %or3A_629 : vector<16xi32> to vector<16xf32>
        %sub3A_631 = arith.constant 1.000000e+00 : f32
        %sub3A_632 = vector.broadcast %sub3A_631 : f32 to vector<16xf32>
        %sub3A_633 = arith.subf %bitcast3A_630, %sub3A_632 : vector<16xf32>
        %add3A_634 = arith.constant 1.000000e+00 : f32
        %add3A_635 = vector.broadcast %add3A_634 : f32 to vector<16xf32>
        %add3A_636 = arith.addf %bitcast3A_630, %add3A_635 : vector<16xf32>
        %div3A_637 = arith.divf %sub3A_633, %add3A_636 : vector<16xf32>
        %mul3A_638 = arith.mulf %div3A_637, %div3A_637 : vector<16xf32>
        %mul3A_639 = arith.constant 0.222222224 : f32
        %mul3A_640 = vector.broadcast %mul3A_639 : f32 to vector<16xf32>
        %mul3A_641 = arith.mulf %mul3A_638, %mul3A_640 : vector<16xf32>
        %add3A_642 = arith.constant 0.285714298 : f32
        %add3A_643 = vector.broadcast %add3A_642 : f32 to vector<16xf32>
        %add3A_644 = arith.addf %add3A_643, %mul3A_641 : vector<16xf32>
        %mul3A_645 = arith.mulf %mul3A_638, %add3A_644 : vector<16xf32>
        %add3A_646 = arith.constant 4.000000e-01 : f32
        %add3A_647 = vector.broadcast %add3A_646 : f32 to vector<16xf32>
        %add3A_648 = arith.addf %add3A_647, %mul3A_645 : vector<16xf32>
        %mul3A_649 = arith.mulf %mul3A_638, %add3A_648 : vector<16xf32>
        %add3A_650 = arith.constant 0.666666686 : f32
        %add3A_651 = vector.broadcast %add3A_650 : f32 to vector<16xf32>
        %add3A_652 = arith.addf %add3A_651, %mul3A_649 : vector<16xf32>
        %mul3A_653 = arith.mulf %mul3A_638, %add3A_652 : vector<16xf32>
        %add3A_654 = arith.constant 2.000000e+00 : f32
        %add3A_655 = vector.broadcast %add3A_654 : f32 to vector<16xf32>
        %add3A_656 = arith.addf %add3A_655, %mul3A_653 : vector<16xf32>
        %mul3A_657 = arith.mulf %div3A_637, %add3A_656 : vector<16xf32>
        %convert_element_type3A_658 = arith.sitofp %sub3A_623 : vector<16xi32> to vector<16xf32>
        %mul3A_659 = arith.constant 0.693147182 : f32
        %mul3A_660 = vector.broadcast %mul3A_659 : f32 to vector<16xf32>
        %mul3A_661 = arith.mulf %convert_element_type3A_658, %mul3A_660 : vector<16xf32>
        %add3A_662 = arith.addf %mul3A_657, %mul3A_661 : vector<16xf32>
        %mul3A_663 = arith.mulf %gather3A_600, %add3A_662 : vector<16xf32>
        %add3A_664 = arith.addf %add3A_577, %mul3A_663 : vector<16xf32>
        scf.yield %add3A_612, %add3A_664 : vector<16xf32>, vector<16xf32>
      }
      %scan3A_133 = arith.constant 64 : i32
      %iota3A_134 = tpu.iota {dimensions = array<i32: 0>} : vector<16xi32>
      %and3A_135 = arith.constant 1 : i32
      %and3A_136 = vector.broadcast %and3A_135 : i32 to vector<16xi32>
      %and3A_137 = arith.andi %get3A_117, %and3A_136 : vector<16xi32>
      %eq3A_138 = arith.constant 1 : i32
      %eq3A_139 = vector.broadcast %eq3A_138 : i32 to vector<16xi32>
      %eq3A_140 = arith.cmpi eq, %and3A_137, %eq3A_139 : vector<16xi32>
      %ge3A_141 = arith.constant 2 : i32
      %ge3A_142 = vector.broadcast %ge3A_141 : i32 to vector<16xi32>
      %ge3A_143 = arith.cmpi sge, %get3A_117, %ge3A_142 : vector<16xi32>
      %scan3A_144 = arith.constant 0 : i32
      %scan3A_145 = arith.constant 1 : i32
      %scan3A_146 = arith.constant 0 : i32
      %scan3A_147 = arith.constant 1 : i32
      %scan3A_148 = arith.constant 0 : i32
      %scan3A_149 = arith.constant 64 : i32
      %scan3A_150 = arith.addi %scan3A_148, %scan3A_149 : i32
      %scan3A_151 = arith.constant 1 : i32
      %scan3A_152:2 = scf.for %scan3A_322 = %scan3A_148 to %scan3A_150 step %scan3A_151 iter_args(%scan3A_323 = %scan3A_132#0, %scan3A_324 = %scan3A_132#1) -> (vector<16xf32>, vector<16xf32>)  : i32 {
        %add3A_325 = arith.constant 0 : i32
        %add3A_326 = vector.broadcast %add3A_325 : i32 to vector<16xi32>
        %add3A_327 = arith.addi %add3A_326, %iota3A_134 : vector<16xi32>
        %mul3A_328 = arith.constant 64 : i32
        %mul3A_329 = arith.muli %scan3A_322, %mul3A_328 : i32
        %add3A_330 = vector.broadcast %mul3A_329 : i32 to vector<16xi32>
        %add3A_331 = arith.addi %add3A_330, %add3A_327 : vector<16xi32>
        %add3A_332 = arith.constant 4032 : i32
        %add3A_333 = arith.addi %add3A_332, %scan3A_322 : i32
        %mul3A_334 = arith.constant 64 : i32
        %mul3A_335 = vector.broadcast %mul3A_334 : i32 to vector<16xi32>
        %mul3A_336 = arith.muli %add3A_327, %mul3A_335 : vector<16xi32>
        %sub3A = vector.broadcast %add3A_333 : i32 to vector<16xi32>
        %sub3A_337 = arith.subi %sub3A, %mul3A_336 : vector<16xi32>
        %select_n3A = arith.select %eq3A_140, %sub3A_337, %add3A_331 : vector<16xi1>, vector<16xi32>
        %sub3A_338 = arith.constant 4095 : i32
        %sub3A_339 = vector.broadcast %sub3A_338 : i32 to vector<16xi32>
        %sub3A_340 = arith.subi %sub3A_339, %select_n3A : vector<16xi32>
        %select_n3A_341 = arith.select %ge3A_143, %sub3A_340, %select_n3A : vector<16xi1>, vector<16xi32>
        %gather3A = arith.constant 0 : i32
        %gather3A_342 = tpu.memref_slice %arg7[%scan3A_144, %scan3A_145, %gather3A] : memref<2x4x4096xf32, #tpu.memory_space<vmem>> -> memref<1x1x4096xf32, #tpu.memory_space<vmem>>
        %gather3A_343 = tpu.memref_squeeze %gather3A_342 : memref<1x1x4096xf32, #tpu.memory_space<vmem>> -> memref<4096xf32, #tpu.memory_space<vmem>>
        %gather3A_344 = tpu.vector_load_idx %gather3A_343[%select_n3A_341] : memref<4096xf32, #tpu.memory_space<vmem>>[vector<16xi32>], vector<16xf32>,
        %mul3A_345 = arith.constant 64 : i32
        %mul3A_346 = arith.muli %scan3A_322, %mul3A_345 : i32
        %add3A_347 = arith.constant 0 : i32
        %add3A_348 = arith.addi %mul3A_346, %add3A_347 : i32
        %get3A_349 = arith.constant 0 : i32
        %get3A_350 = tpu.memref_slice %arg8[%scan3A_146, %scan3A_147, %get3A_349] : memref<2x4x4096xf32, #tpu.memory_space<vmem>> -> memref<1x1x4096xf32, #tpu.memory_space<vmem>>
        %get3A_351 = tpu.memref_squeeze %get3A_350 : memref<1x1x4096xf32, #tpu.memory_space<vmem>> -> memref<4096xf32, #tpu.memory_space<vmem>>
        %get3A_352 = arith.index_cast %add3A_348 : i32 to index
        %get3A_353 = tpu.vector_load %get3A_351[%get3A_352] {strides = array<i32>} : memref<4096xf32, #tpu.memory_space<vmem>>, vector<16xf32>,
        %sub3A_354 = arith.subf %gather3A_344, %get3A_353 : vector<16xf32>
        %mul3A_355 = arith.mulf %sub3A_354, %sub3A_354 : vector<16xf32>
        %add3A_356 = arith.addf %scan3A_323, %mul3A_355 : vector<16xf32>
        %max3A = arith.constant 9.99999971E-10 : f32
        %max3A_357 = vector.broadcast %max3A : f32 to vector<16xf32>
        %max3A_358 = arith.maximumf %get3A_353, %max3A_357 : vector<16xf32>
        %div3A = arith.divf %gather3A_344, %max3A_358 : vector<16xf32>
        %bitcast3A = vector.bitcast %div3A : vector<16xf32> to vector<16xi32>
        %shift_right_arithmetic3A = arith.constant 23 : i32
        %shift_right_arithmetic3A_359 = vector.broadcast %shift_right_arithmetic3A : i32 to vector<16xi32>
        %shift_right_arithmetic3A_360 = arith.shrsi %bitcast3A, %shift_right_arithmetic3A_359 : vector<16xi32>
        %sub3A_361 = arith.constant 127 : i32
        %sub3A_362 = vector.broadcast %sub3A_361 : i32 to vector<16xi32>
        %sub3A_363 = arith.subi %shift_right_arithmetic3A_360, %sub3A_362 : vector<16xi32>
        %and3A_364 = arith.constant 8388607 : i32
        %and3A_365 = vector.broadcast %and3A_364 : i32 to vector<16xi32>
        %and3A_366 = arith.andi %bitcast3A, %and3A_365 : vector<16xi32>
        %or3A = arith.constant 1065353216 : i32
        %or3A_367 = vector.broadcast %or3A : i32 to vector<16xi32>
        %or3A_368 = arith.ori %and3A_366, %or3A_367 : vector<16xi32>
        %bitcast3A_369 = vector.bitcast %or3A_368 : vector<16xi32> to vector<16xf32>
        %sub3A_370 = arith.constant 1.000000e+00 : f32
        %sub3A_371 = vector.broadcast %sub3A_370 : f32 to vector<16xf32>
        %sub3A_372 = arith.subf %bitcast3A_369, %sub3A_371 : vector<16xf32>
        %add3A_373 = arith.constant 1.000000e+00 : f32
        %add3A_374 = vector.broadcast %add3A_373 : f32 to vector<16xf32>
        %add3A_375 = arith.addf %bitcast3A_369, %add3A_374 : vector<16xf32>
        %div3A_376 = arith.divf %sub3A_372, %add3A_375 : vector<16xf32>
        %mul3A_377 = arith.mulf %div3A_376, %div3A_376 : vector<16xf32>
        %mul3A_378 = arith.constant 0.222222224 : f32
        %mul3A_379 = vector.broadcast %mul3A_378 : f32 to vector<16xf32>
        %mul3A_380 = arith.mulf %mul3A_377, %mul3A_379 : vector<16xf32>
        %add3A_381 = arith.constant 0.285714298 : f32
        %add3A_382 = vector.broadcast %add3A_381 : f32 to vector<16xf32>
        %add3A_383 = arith.addf %add3A_382, %mul3A_380 : vector<16xf32>
        %mul3A_384 = arith.mulf %mul3A_377, %add3A_383 : vector<16xf32>
        %add3A_385 = arith.constant 4.000000e-01 : f32
        %add3A_386 = vector.broadcast %add3A_385 : f32 to vector<16xf32>
        %add3A_387 = arith.addf %add3A_386, %mul3A_384 : vector<16xf32>
        %mul3A_388 = arith.mulf %mul3A_377, %add3A_387 : vector<16xf32>
        %add3A_389 = arith.constant 0.666666686 : f32
        %add3A_390 = vector.broadcast %add3A_389 : f32 to vector<16xf32>
        %add3A_391 = arith.addf %add3A_390, %mul3A_388 : vector<16xf32>
        %mul3A_392 = arith.mulf %mul3A_377, %add3A_391 : vector<16xf32>
        %add3A_393 = arith.constant 2.000000e+00 : f32
        %add3A_394 = vector.broadcast %add3A_393 : f32 to vector<16xf32>
        %add3A_395 = arith.addf %add3A_394, %mul3A_392 : vector<16xf32>
        %mul3A_396 = arith.mulf %div3A_376, %add3A_395 : vector<16xf32>
        %convert_element_type3A_397 = arith.sitofp %sub3A_363 : vector<16xi32> to vector<16xf32>
        %mul3A_398 = arith.constant 0.693147182 : f32
        %mul3A_399 = vector.broadcast %mul3A_398 : f32 to vector<16xf32>
        %mul3A_400 = arith.mulf %convert_element_type3A_397, %mul3A_399 : vector<16xf32>
        %add3A_401 = arith.addf %mul3A_396, %mul3A_400 : vector<16xf32>
        %mul3A_402 = arith.mulf %gather3A_344, %add3A_401 : vector<16xf32>
        %add3A_403 = arith.addf %scan3A_324, %mul3A_402 : vector<16xf32>
        %add3A_404 = arith.constant 16 : i32
        %add3A_405 = vector.broadcast %add3A_404 : i32 to vector<16xi32>
        %add3A_406 = arith.addi %add3A_405, %iota3A_134 : vector<16xi32>
        %mul3A_407 = arith.constant 64 : i32
        %mul3A_408 = arith.muli %scan3A_322, %mul3A_407 : i32
        %add3A_409 = vector.broadcast %mul3A_408 : i32 to vector<16xi32>
        %add3A_410 = arith.addi %add3A_409, %add3A_406 : vector<16xi32>
        %add3A_411 = arith.constant 4032 : i32
        %add3A_412 = arith.addi %add3A_411, %scan3A_322 : i32
        %mul3A_413 = arith.constant 64 : i32
        %mul3A_414 = vector.broadcast %mul3A_413 : i32 to vector<16xi32>
        %mul3A_415 = arith.muli %add3A_406, %mul3A_414 : vector<16xi32>
        %sub3A_416 = vector.broadcast %add3A_412 : i32 to vector<16xi32>
        %sub3A_417 = arith.subi %sub3A_416, %mul3A_415 : vector<16xi32>
        %select_n3A_418 = arith.select %eq3A_140, %sub3A_417, %add3A_410 : vector<16xi1>, vector<16xi32>
        %sub3A_419 = arith.constant 4095 : i32
        %sub3A_420 = vector.broadcast %sub3A_419 : i32 to vector<16xi32>
        %sub3A_421 = arith.subi %sub3A_420, %select_n3A_418 : vector<16xi32>
        %select_n3A_422 = arith.select %ge3A_143, %sub3A_421, %select_n3A_418 : vector<16xi1>, vector<16xi32>
        %gather3A_423 = arith.constant 0 : i32
        %gather3A_424 = tpu.memref_slice %arg7[%scan3A_144, %scan3A_145, %gather3A_423] : memref<2x4x4096xf32, #tpu.memory_space<vmem>> -> memref<1x1x4096xf32, #tpu.memory_space<vmem>>
        %gather3A_425 = tpu.memref_squeeze %gather3A_424 : memref<1x1x4096xf32, #tpu.memory_space<vmem>> -> memref<4096xf32, #tpu.memory_space<vmem>>
        %gather3A_426 = tpu.vector_load_idx %gather3A_425[%select_n3A_422] : memref<4096xf32, #tpu.memory_space<vmem>>[vector<16xi32>], vector<16xf32>,
        %mul3A_427 = arith.constant 64 : i32
        %mul3A_428 = arith.muli %scan3A_322, %mul3A_427 : i32
        %add3A_429 = arith.constant 16 : i32
        %add3A_430 = arith.addi %mul3A_428, %add3A_429 : i32
        %get3A_431 = arith.constant 0 : i32
        %get3A_432 = tpu.memref_slice %arg8[%scan3A_146, %scan3A_147, %get3A_431] : memref<2x4x4096xf32, #tpu.memory_space<vmem>> -> memref<1x1x4096xf32, #tpu.memory_space<vmem>>
        %get3A_433 = tpu.memref_squeeze %get3A_432 : memref<1x1x4096xf32, #tpu.memory_space<vmem>> -> memref<4096xf32, #tpu.memory_space<vmem>>
        %get3A_434 = arith.index_cast %add3A_430 : i32 to index
        %get3A_435 = tpu.vector_load %get3A_433[%get3A_434] {strides = array<i32>} : memref<4096xf32, #tpu.memory_space<vmem>>, vector<16xf32>,
        %sub3A_436 = arith.subf %gather3A_426, %get3A_435 : vector<16xf32>
        %mul3A_437 = arith.mulf %sub3A_436, %sub3A_436 : vector<16xf32>
        %add3A_438 = arith.addf %add3A_356, %mul3A_437 : vector<16xf32>
        %max3A_439 = arith.constant 9.99999971E-10 : f32
        %max3A_440 = vector.broadcast %max3A_439 : f32 to vector<16xf32>
        %max3A_441 = arith.maximumf %get3A_435, %max3A_440 : vector<16xf32>
        %div3A_442 = arith.divf %gather3A_426, %max3A_441 : vector<16xf32>
        %bitcast3A_443 = vector.bitcast %div3A_442 : vector<16xf32> to vector<16xi32>
        %shift_right_arithmetic3A_444 = arith.constant 23 : i32
        %shift_right_arithmetic3A_445 = vector.broadcast %shift_right_arithmetic3A_444 : i32 to vector<16xi32>
        %shift_right_arithmetic3A_446 = arith.shrsi %bitcast3A_443, %shift_right_arithmetic3A_445 : vector<16xi32>
        %sub3A_447 = arith.constant 127 : i32
        %sub3A_448 = vector.broadcast %sub3A_447 : i32 to vector<16xi32>
        %sub3A_449 = arith.subi %shift_right_arithmetic3A_446, %sub3A_448 : vector<16xi32>
        %and3A_450 = arith.constant 8388607 : i32
        %and3A_451 = vector.broadcast %and3A_450 : i32 to vector<16xi32>
        %and3A_452 = arith.andi %bitcast3A_443, %and3A_451 : vector<16xi32>
        %or3A_453 = arith.constant 1065353216 : i32
        %or3A_454 = vector.broadcast %or3A_453 : i32 to vector<16xi32>
        %or3A_455 = arith.ori %and3A_452, %or3A_454 : vector<16xi32>
        %bitcast3A_456 = vector.bitcast %or3A_455 : vector<16xi32> to vector<16xf32>
        %sub3A_457 = arith.constant 1.000000e+00 : f32
        %sub3A_458 = vector.broadcast %sub3A_457 : f32 to vector<16xf32>
        %sub3A_459 = arith.subf %bitcast3A_456, %sub3A_458 : vector<16xf32>
        %add3A_460 = arith.constant 1.000000e+00 : f32
        %add3A_461 = vector.broadcast %add3A_460 : f32 to vector<16xf32>
        %add3A_462 = arith.addf %bitcast3A_456, %add3A_461 : vector<16xf32>
        %div3A_463 = arith.divf %sub3A_459, %add3A_462 : vector<16xf32>
        %mul3A_464 = arith.mulf %div3A_463, %div3A_463 : vector<16xf32>
        %mul3A_465 = arith.constant 0.222222224 : f32
        %mul3A_466 = vector.broadcast %mul3A_465 : f32 to vector<16xf32>
        %mul3A_467 = arith.mulf %mul3A_464, %mul3A_466 : vector<16xf32>
        %add3A_468 = arith.constant 0.285714298 : f32
        %add3A_469 = vector.broadcast %add3A_468 : f32 to vector<16xf32>
        %add3A_470 = arith.addf %add3A_469, %mul3A_467 : vector<16xf32>
        %mul3A_471 = arith.mulf %mul3A_464, %add3A_470 : vector<16xf32>
        %add3A_472 = arith.constant 4.000000e-01 : f32
        %add3A_473 = vector.broadcast %add3A_472 : f32 to vector<16xf32>
        %add3A_474 = arith.addf %add3A_473, %mul3A_471 : vector<16xf32>
        %mul3A_475 = arith.mulf %mul3A_464, %add3A_474 : vector<16xf32>
        %add3A_476 = arith.constant 0.666666686 : f32
        %add3A_477 = vector.broadcast %add3A_476 : f32 to vector<16xf32>
        %add3A_478 = arith.addf %add3A_477, %mul3A_475 : vector<16xf32>
        %mul3A_479 = arith.mulf %mul3A_464, %add3A_478 : vector<16xf32>
        %add3A_480 = arith.constant 2.000000e+00 : f32
        %add3A_481 = vector.broadcast %add3A_480 : f32 to vector<16xf32>
        %add3A_482 = arith.addf %add3A_481, %mul3A_479 : vector<16xf32>
        %mul3A_483 = arith.mulf %div3A_463, %add3A_482 : vector<16xf32>
        %convert_element_type3A_484 = arith.sitofp %sub3A_449 : vector<16xi32> to vector<16xf32>
        %mul3A_485 = arith.constant 0.693147182 : f32
        %mul3A_486 = vector.broadcast %mul3A_485 : f32 to vector<16xf32>
        %mul3A_487 = arith.mulf %convert_element_type3A_484, %mul3A_486 : vector<16xf32>
        %add3A_488 = arith.addf %mul3A_483, %mul3A_487 : vector<16xf32>
        %mul3A_489 = arith.mulf %gather3A_426, %add3A_488 : vector<16xf32>
        %add3A_490 = arith.addf %add3A_403, %mul3A_489 : vector<16xf32>
        %add3A_491 = arith.constant 32 : i32
        %add3A_492 = vector.broadcast %add3A_491 : i32 to vector<16xi32>
        %add3A_493 = arith.addi %add3A_492, %iota3A_134 : vector<16xi32>
        %mul3A_494 = arith.constant 64 : i32
        %mul3A_495 = arith.muli %scan3A_322, %mul3A_494 : i32
        %add3A_496 = vector.broadcast %mul3A_495 : i32 to vector<16xi32>
        %add3A_497 = arith.addi %add3A_496, %add3A_493 : vector<16xi32>
        %add3A_498 = arith.constant 4032 : i32
        %add3A_499 = arith.addi %add3A_498, %scan3A_322 : i32
        %mul3A_500 = arith.constant 64 : i32
        %mul3A_501 = vector.broadcast %mul3A_500 : i32 to vector<16xi32>
        %mul3A_502 = arith.muli %add3A_493, %mul3A_501 : vector<16xi32>
        %sub3A_503 = vector.broadcast %add3A_499 : i32 to vector<16xi32>
        %sub3A_504 = arith.subi %sub3A_503, %mul3A_502 : vector<16xi32>
        %select_n3A_505 = arith.select %eq3A_140, %sub3A_504, %add3A_497 : vector<16xi1>, vector<16xi32>
        %sub3A_506 = arith.constant 4095 : i32
        %sub3A_507 = vector.broadcast %sub3A_506 : i32 to vector<16xi32>
        %sub3A_508 = arith.subi %sub3A_507, %select_n3A_505 : vector<16xi32>
        %select_n3A_509 = arith.select %ge3A_143, %sub3A_508, %select_n3A_505 : vector<16xi1>, vector<16xi32>
        %gather3A_510 = arith.constant 0 : i32
        %gather3A_511 = tpu.memref_slice %arg7[%scan3A_144, %scan3A_145, %gather3A_510] : memref<2x4x4096xf32, #tpu.memory_space<vmem>> -> memref<1x1x4096xf32, #tpu.memory_space<vmem>>
        %gather3A_512 = tpu.memref_squeeze %gather3A_511 : memref<1x1x4096xf32, #tpu.memory_space<vmem>> -> memref<4096xf32, #tpu.memory_space<vmem>>
        %gather3A_513 = tpu.vector_load_idx %gather3A_512[%select_n3A_509] : memref<4096xf32, #tpu.memory_space<vmem>>[vector<16xi32>], vector<16xf32>,
        %mul3A_514 = arith.constant 64 : i32
        %mul3A_515 = arith.muli %scan3A_322, %mul3A_514 : i32
        %add3A_516 = arith.constant 32 : i32
        %add3A_517 = arith.addi %mul3A_515, %add3A_516 : i32
        %get3A_518 = arith.constant 0 : i32
        %get3A_519 = tpu.memref_slice %arg8[%scan3A_146, %scan3A_147, %get3A_518] : memref<2x4x4096xf32, #tpu.memory_space<vmem>> -> memref<1x1x4096xf32, #tpu.memory_space<vmem>>
        %get3A_520 = tpu.memref_squeeze %get3A_519 : memref<1x1x4096xf32, #tpu.memory_space<vmem>> -> memref<4096xf32, #tpu.memory_space<vmem>>
        %get3A_521 = arith.index_cast %add3A_517 : i32 to index
        %get3A_522 = tpu.vector_load %get3A_520[%get3A_521] {strides = array<i32>} : memref<4096xf32, #tpu.memory_space<vmem>>, vector<16xf32>,
        %sub3A_523 = arith.subf %gather3A_513, %get3A_522 : vector<16xf32>
        %mul3A_524 = arith.mulf %sub3A_523, %sub3A_523 : vector<16xf32>
        %add3A_525 = arith.addf %add3A_438, %mul3A_524 : vector<16xf32>
        %max3A_526 = arith.constant 9.99999971E-10 : f32
        %max3A_527 = vector.broadcast %max3A_526 : f32 to vector<16xf32>
        %max3A_528 = arith.maximumf %get3A_522, %max3A_527 : vector<16xf32>
        %div3A_529 = arith.divf %gather3A_513, %max3A_528 : vector<16xf32>
        %bitcast3A_530 = vector.bitcast %div3A_529 : vector<16xf32> to vector<16xi32>
        %shift_right_arithmetic3A_531 = arith.constant 23 : i32
        %shift_right_arithmetic3A_532 = vector.broadcast %shift_right_arithmetic3A_531 : i32 to vector<16xi32>
        %shift_right_arithmetic3A_533 = arith.shrsi %bitcast3A_530, %shift_right_arithmetic3A_532 : vector<16xi32>
        %sub3A_534 = arith.constant 127 : i32
        %sub3A_535 = vector.broadcast %sub3A_534 : i32 to vector<16xi32>
        %sub3A_536 = arith.subi %shift_right_arithmetic3A_533, %sub3A_535 : vector<16xi32>
        %and3A_537 = arith.constant 8388607 : i32
        %and3A_538 = vector.broadcast %and3A_537 : i32 to vector<16xi32>
        %and3A_539 = arith.andi %bitcast3A_530, %and3A_538 : vector<16xi32>
        %or3A_540 = arith.constant 1065353216 : i32
        %or3A_541 = vector.broadcast %or3A_540 : i32 to vector<16xi32>
        %or3A_542 = arith.ori %and3A_539, %or3A_541 : vector<16xi32>
        %bitcast3A_543 = vector.bitcast %or3A_542 : vector<16xi32> to vector<16xf32>
        %sub3A_544 = arith.constant 1.000000e+00 : f32
        %sub3A_545 = vector.broadcast %sub3A_544 : f32 to vector<16xf32>
        %sub3A_546 = arith.subf %bitcast3A_543, %sub3A_545 : vector<16xf32>
        %add3A_547 = arith.constant 1.000000e+00 : f32
        %add3A_548 = vector.broadcast %add3A_547 : f32 to vector<16xf32>
        %add3A_549 = arith.addf %bitcast3A_543, %add3A_548 : vector<16xf32>
        %div3A_550 = arith.divf %sub3A_546, %add3A_549 : vector<16xf32>
        %mul3A_551 = arith.mulf %div3A_550, %div3A_550 : vector<16xf32>
        %mul3A_552 = arith.constant 0.222222224 : f32
        %mul3A_553 = vector.broadcast %mul3A_552 : f32 to vector<16xf32>
        %mul3A_554 = arith.mulf %mul3A_551, %mul3A_553 : vector<16xf32>
        %add3A_555 = arith.constant 0.285714298 : f32
        %add3A_556 = vector.broadcast %add3A_555 : f32 to vector<16xf32>
        %add3A_557 = arith.addf %add3A_556, %mul3A_554 : vector<16xf32>
        %mul3A_558 = arith.mulf %mul3A_551, %add3A_557 : vector<16xf32>
        %add3A_559 = arith.constant 4.000000e-01 : f32
        %add3A_560 = vector.broadcast %add3A_559 : f32 to vector<16xf32>
        %add3A_561 = arith.addf %add3A_560, %mul3A_558 : vector<16xf32>
        %mul3A_562 = arith.mulf %mul3A_551, %add3A_561 : vector<16xf32>
        %add3A_563 = arith.constant 0.666666686 : f32
        %add3A_564 = vector.broadcast %add3A_563 : f32 to vector<16xf32>
        %add3A_565 = arith.addf %add3A_564, %mul3A_562 : vector<16xf32>
        %mul3A_566 = arith.mulf %mul3A_551, %add3A_565 : vector<16xf32>
        %add3A_567 = arith.constant 2.000000e+00 : f32
        %add3A_568 = vector.broadcast %add3A_567 : f32 to vector<16xf32>
        %add3A_569 = arith.addf %add3A_568, %mul3A_566 : vector<16xf32>
        %mul3A_570 = arith.mulf %div3A_550, %add3A_569 : vector<16xf32>
        %convert_element_type3A_571 = arith.sitofp %sub3A_536 : vector<16xi32> to vector<16xf32>
        %mul3A_572 = arith.constant 0.693147182 : f32
        %mul3A_573 = vector.broadcast %mul3A_572 : f32 to vector<16xf32>
        %mul3A_574 = arith.mulf %convert_element_type3A_571, %mul3A_573 : vector<16xf32>
        %add3A_575 = arith.addf %mul3A_570, %mul3A_574 : vector<16xf32>
        %mul3A_576 = arith.mulf %gather3A_513, %add3A_575 : vector<16xf32>
        %add3A_577 = arith.addf %add3A_490, %mul3A_576 : vector<16xf32>
        %add3A_578 = arith.constant 48 : i32
        %add3A_579 = vector.broadcast %add3A_578 : i32 to vector<16xi32>
        %add3A_580 = arith.addi %add3A_579, %iota3A_134 : vector<16xi32>
        %mul3A_581 = arith.constant 64 : i32
        %mul3A_582 = arith.muli %scan3A_322, %mul3A_581 : i32
        %add3A_583 = vector.broadcast %mul3A_582 : i32 to vector<16xi32>
        %add3A_584 = arith.addi %add3A_583, %add3A_580 : vector<16xi32>
        %add3A_585 = arith.constant 4032 : i32
        %add3A_586 = arith.addi %add3A_585, %scan3A_322 : i32
        %mul3A_587 = arith.constant 64 : i32
        %mul3A_588 = vector.broadcast %mul3A_587 : i32 to vector<16xi32>
        %mul3A_589 = arith.muli %add3A_580, %mul3A_588 : vector<16xi32>
        %sub3A_590 = vector.broadcast %add3A_586 : i32 to vector<16xi32>
        %sub3A_591 = arith.subi %sub3A_590, %mul3A_589 : vector<16xi32>
        %select_n3A_592 = arith.select %eq3A_140, %sub3A_591, %add3A_584 : vector<16xi1>, vector<16xi32>
        %sub3A_593 = arith.constant 4095 : i32
        %sub3A_594 = vector.broadcast %sub3A_593 : i32 to vector<16xi32>
        %sub3A_595 = arith.subi %sub3A_594, %select_n3A_592 : vector<16xi32>
        %select_n3A_596 = arith.select %ge3A_143, %sub3A_595, %select_n3A_592 : vector<16xi1>, vector<16xi32>
        %gather3A_597 = arith.constant 0 : i32
        %gather3A_598 = tpu.memref_slice %arg7[%scan3A_144, %scan3A_145, %gather3A_597] : memref<2x4x4096xf32, #tpu.memory_space<vmem>> -> memref<1x1x4096xf32, #tpu.memory_space<vmem>>
        %gather3A_599 = tpu.memref_squeeze %gather3A_598 : memref<1x1x4096xf32, #tpu.memory_space<vmem>> -> memref<4096xf32, #tpu.memory_space<vmem>>
        %gather3A_600 = tpu.vector_load_idx %gather3A_599[%select_n3A_596] : memref<4096xf32, #tpu.memory_space<vmem>>[vector<16xi32>], vector<16xf32>,
        %mul3A_601 = arith.constant 64 : i32
        %mul3A_602 = arith.muli %scan3A_322, %mul3A_601 : i32
        %add3A_603 = arith.constant 48 : i32
        %add3A_604 = arith.addi %mul3A_602, %add3A_603 : i32
        %get3A_605 = arith.constant 0 : i32
        %get3A_606 = tpu.memref_slice %arg8[%scan3A_146, %scan3A_147, %get3A_605] : memref<2x4x4096xf32, #tpu.memory_space<vmem>> -> memref<1x1x4096xf32, #tpu.memory_space<vmem>>
        %get3A_607 = tpu.memref_squeeze %get3A_606 : memref<1x1x4096xf32, #tpu.memory_space<vmem>> -> memref<4096xf32, #tpu.memory_space<vmem>>
        %get3A_608 = arith.index_cast %add3A_604 : i32 to index
        %get3A_609 = tpu.vector_load %get3A_607[%get3A_608] {strides = array<i32>} : memref<4096xf32, #tpu.memory_space<vmem>>, vector<16xf32>,
        %sub3A_610 = arith.subf %gather3A_600, %get3A_609 : vector<16xf32>
        %mul3A_611 = arith.mulf %sub3A_610, %sub3A_610 : vector<16xf32>
        %add3A_612 = arith.addf %add3A_525, %mul3A_611 : vector<16xf32>
        %max3A_613 = arith.constant 9.99999971E-10 : f32
        %max3A_614 = vector.broadcast %max3A_613 : f32 to vector<16xf32>
        %max3A_615 = arith.maximumf %get3A_609, %max3A_614 : vector<16xf32>
        %div3A_616 = arith.divf %gather3A_600, %max3A_615 : vector<16xf32>
        %bitcast3A_617 = vector.bitcast %div3A_616 : vector<16xf32> to vector<16xi32>
        %shift_right_arithmetic3A_618 = arith.constant 23 : i32
        %shift_right_arithmetic3A_619 = vector.broadcast %shift_right_arithmetic3A_618 : i32 to vector<16xi32>
        %shift_right_arithmetic3A_620 = arith.shrsi %bitcast3A_617, %shift_right_arithmetic3A_619 : vector<16xi32>
        %sub3A_621 = arith.constant 127 : i32
        %sub3A_622 = vector.broadcast %sub3A_621 : i32 to vector<16xi32>
        %sub3A_623 = arith.subi %shift_right_arithmetic3A_620, %sub3A_622 : vector<16xi32>
        %and3A_624 = arith.constant 8388607 : i32
        %and3A_625 = vector.broadcast %and3A_624 : i32 to vector<16xi32>
        %and3A_626 = arith.andi %bitcast3A_617, %and3A_625 : vector<16xi32>
        %or3A_627 = arith.constant 1065353216 : i32
        %or3A_628 = vector.broadcast %or3A_627 : i32 to vector<16xi32>
        %or3A_629 = arith.ori %and3A_626, %or3A_628 : vector<16xi32>
        %bitcast3A_630 = vector.bitcast %or3A_629 : vector<16xi32> to vector<16xf32>
        %sub3A_631 = arith.constant 1.000000e+00 : f32
        %sub3A_632 = vector.broadcast %sub3A_631 : f32 to vector<16xf32>
        %sub3A_633 = arith.subf %bitcast3A_630, %sub3A_632 : vector<16xf32>
        %add3A_634 = arith.constant 1.000000e+00 : f32
        %add3A_635 = vector.broadcast %add3A_634 : f32 to vector<16xf32>
        %add3A_636 = arith.addf %bitcast3A_630, %add3A_635 : vector<16xf32>
        %div3A_637 = arith.divf %sub3A_633, %add3A_636 : vector<16xf32>
        %mul3A_638 = arith.mulf %div3A_637, %div3A_637 : vector<16xf32>
        %mul3A_639 = arith.constant 0.222222224 : f32
        %mul3A_640 = vector.broadcast %mul3A_639 : f32 to vector<16xf32>
        %mul3A_641 = arith.mulf %mul3A_638, %mul3A_640 : vector<16xf32>
        %add3A_642 = arith.constant 0.285714298 : f32
        %add3A_643 = vector.broadcast %add3A_642 : f32 to vector<16xf32>
        %add3A_644 = arith.addf %add3A_643, %mul3A_641 : vector<16xf32>
        %mul3A_645 = arith.mulf %mul3A_638, %add3A_644 : vector<16xf32>
        %add3A_646 = arith.constant 4.000000e-01 : f32
        %add3A_647 = vector.broadcast %add3A_646 : f32 to vector<16xf32>
        %add3A_648 = arith.addf %add3A_647, %mul3A_645 : vector<16xf32>
        %mul3A_649 = arith.mulf %mul3A_638, %add3A_648 : vector<16xf32>
        %add3A_650 = arith.constant 0.666666686 : f32
        %add3A_651 = vector.broadcast %add3A_650 : f32 to vector<16xf32>
        %add3A_652 = arith.addf %add3A_651, %mul3A_649 : vector<16xf32>
        %mul3A_653 = arith.mulf %mul3A_638, %add3A_652 : vector<16xf32>
        %add3A_654 = arith.constant 2.000000e+00 : f32
        %add3A_655 = vector.broadcast %add3A_654 : f32 to vector<16xf32>
        %add3A_656 = arith.addf %add3A_655, %mul3A_653 : vector<16xf32>
        %mul3A_657 = arith.mulf %div3A_637, %add3A_656 : vector<16xf32>
        %convert_element_type3A_658 = arith.sitofp %sub3A_623 : vector<16xi32> to vector<16xf32>
        %mul3A_659 = arith.constant 0.693147182 : f32
        %mul3A_660 = vector.broadcast %mul3A_659 : f32 to vector<16xf32>
        %mul3A_661 = arith.mulf %convert_element_type3A_658, %mul3A_660 : vector<16xf32>
        %add3A_662 = arith.addf %mul3A_657, %mul3A_661 : vector<16xf32>
        %mul3A_663 = arith.mulf %gather3A_600, %add3A_662 : vector<16xf32>
        %add3A_664 = arith.addf %add3A_577, %mul3A_663 : vector<16xf32>
        scf.yield %add3A_612, %add3A_664 : vector<16xf32>, vector<16xf32>
      }
      %scan3A_153 = arith.constant 64 : i32
      %iota3A_154 = tpu.iota {dimensions = array<i32: 0>} : vector<16xi32>
      %and3A_155 = arith.constant 1 : i32
      %and3A_156 = vector.broadcast %and3A_155 : i32 to vector<16xi32>
      %and3A_157 = arith.andi %get3A_117, %and3A_156 : vector<16xi32>
      %eq3A_158 = arith.constant 1 : i32
      %eq3A_159 = vector.broadcast %eq3A_158 : i32 to vector<16xi32>
      %eq3A_160 = arith.cmpi eq, %and3A_157, %eq3A_159 : vector<16xi32>
      %ge3A_161 = arith.constant 2 : i32
      %ge3A_162 = vector.broadcast %ge3A_161 : i32 to vector<16xi32>
      %ge3A_163 = arith.cmpi sge, %get3A_117, %ge3A_162 : vector<16xi32>
      %scan3A_164 = arith.constant 0 : i32
      %scan3A_165 = arith.constant 2 : i32
      %scan3A_166 = arith.constant 0 : i32
      %scan3A_167 = arith.constant 2 : i32
      %scan3A_168 = arith.constant 0 : i32
      %scan3A_169 = arith.constant 64 : i32
      %scan3A_170 = arith.addi %scan3A_168, %scan3A_169 : i32
      %scan3A_171 = arith.constant 1 : i32
      %scan3A_172:2 = scf.for %scan3A_322 = %scan3A_168 to %scan3A_170 step %scan3A_171 iter_args(%scan3A_323 = %scan3A_152#0, %scan3A_324 = %scan3A_152#1) -> (vector<16xf32>, vector<16xf32>)  : i32 {
        %add3A_325 = arith.constant 0 : i32
        %add3A_326 = vector.broadcast %add3A_325 : i32 to vector<16xi32>
        %add3A_327 = arith.addi %add3A_326, %iota3A_154 : vector<16xi32>
        %mul3A_328 = arith.constant 64 : i32
        %mul3A_329 = arith.muli %scan3A_322, %mul3A_328 : i32
        %add3A_330 = vector.broadcast %mul3A_329 : i32 to vector<16xi32>
        %add3A_331 = arith.addi %add3A_330, %add3A_327 : vector<16xi32>
        %add3A_332 = arith.constant 4032 : i32
        %add3A_333 = arith.addi %add3A_332, %scan3A_322 : i32
        %mul3A_334 = arith.constant 64 : i32
        %mul3A_335 = vector.broadcast %mul3A_334 : i32 to vector<16xi32>
        %mul3A_336 = arith.muli %add3A_327, %mul3A_335 : vector<16xi32>
        %sub3A = vector.broadcast %add3A_333 : i32 to vector<16xi32>
        %sub3A_337 = arith.subi %sub3A, %mul3A_336 : vector<16xi32>
        %select_n3A = arith.select %eq3A_160, %sub3A_337, %add3A_331 : vector<16xi1>, vector<16xi32>
        %sub3A_338 = arith.constant 4095 : i32
        %sub3A_339 = vector.broadcast %sub3A_338 : i32 to vector<16xi32>
        %sub3A_340 = arith.subi %sub3A_339, %select_n3A : vector<16xi32>
        %select_n3A_341 = arith.select %ge3A_163, %sub3A_340, %select_n3A : vector<16xi1>, vector<16xi32>
        %gather3A = arith.constant 0 : i32
        %gather3A_342 = tpu.memref_slice %arg7[%scan3A_164, %scan3A_165, %gather3A] : memref<2x4x4096xf32, #tpu.memory_space<vmem>> -> memref<1x1x4096xf32, #tpu.memory_space<vmem>>
        %gather3A_343 = tpu.memref_squeeze %gather3A_342 : memref<1x1x4096xf32, #tpu.memory_space<vmem>> -> memref<4096xf32, #tpu.memory_space<vmem>>
        %gather3A_344 = tpu.vector_load_idx %gather3A_343[%select_n3A_341] : memref<4096xf32, #tpu.memory_space<vmem>>[vector<16xi32>], vector<16xf32>,
        %mul3A_345 = arith.constant 64 : i32
        %mul3A_346 = arith.muli %scan3A_322, %mul3A_345 : i32
        %add3A_347 = arith.constant 0 : i32
        %add3A_348 = arith.addi %mul3A_346, %add3A_347 : i32
        %get3A_349 = arith.constant 0 : i32
        %get3A_350 = tpu.memref_slice %arg8[%scan3A_166, %scan3A_167, %get3A_349] : memref<2x4x4096xf32, #tpu.memory_space<vmem>> -> memref<1x1x4096xf32, #tpu.memory_space<vmem>>
        %get3A_351 = tpu.memref_squeeze %get3A_350 : memref<1x1x4096xf32, #tpu.memory_space<vmem>> -> memref<4096xf32, #tpu.memory_space<vmem>>
        %get3A_352 = arith.index_cast %add3A_348 : i32 to index
        %get3A_353 = tpu.vector_load %get3A_351[%get3A_352] {strides = array<i32>} : memref<4096xf32, #tpu.memory_space<vmem>>, vector<16xf32>,
        %sub3A_354 = arith.subf %gather3A_344, %get3A_353 : vector<16xf32>
        %mul3A_355 = arith.mulf %sub3A_354, %sub3A_354 : vector<16xf32>
        %add3A_356 = arith.addf %scan3A_323, %mul3A_355 : vector<16xf32>
        %max3A = arith.constant 9.99999971E-10 : f32
        %max3A_357 = vector.broadcast %max3A : f32 to vector<16xf32>
        %max3A_358 = arith.maximumf %get3A_353, %max3A_357 : vector<16xf32>
        %div3A = arith.divf %gather3A_344, %max3A_358 : vector<16xf32>
        %bitcast3A = vector.bitcast %div3A : vector<16xf32> to vector<16xi32>
        %shift_right_arithmetic3A = arith.constant 23 : i32
        %shift_right_arithmetic3A_359 = vector.broadcast %shift_right_arithmetic3A : i32 to vector<16xi32>
        %shift_right_arithmetic3A_360 = arith.shrsi %bitcast3A, %shift_right_arithmetic3A_359 : vector<16xi32>
        %sub3A_361 = arith.constant 127 : i32
        %sub3A_362 = vector.broadcast %sub3A_361 : i32 to vector<16xi32>
        %sub3A_363 = arith.subi %shift_right_arithmetic3A_360, %sub3A_362 : vector<16xi32>
        %and3A_364 = arith.constant 8388607 : i32
        %and3A_365 = vector.broadcast %and3A_364 : i32 to vector<16xi32>
        %and3A_366 = arith.andi %bitcast3A, %and3A_365 : vector<16xi32>
        %or3A = arith.constant 1065353216 : i32
        %or3A_367 = vector.broadcast %or3A : i32 to vector<16xi32>
        %or3A_368 = arith.ori %and3A_366, %or3A_367 : vector<16xi32>
        %bitcast3A_369 = vector.bitcast %or3A_368 : vector<16xi32> to vector<16xf32>
        %sub3A_370 = arith.constant 1.000000e+00 : f32
        %sub3A_371 = vector.broadcast %sub3A_370 : f32 to vector<16xf32>
        %sub3A_372 = arith.subf %bitcast3A_369, %sub3A_371 : vector<16xf32>
        %add3A_373 = arith.constant 1.000000e+00 : f32
        %add3A_374 = vector.broadcast %add3A_373 : f32 to vector<16xf32>
        %add3A_375 = arith.addf %bitcast3A_369, %add3A_374 : vector<16xf32>
        %div3A_376 = arith.divf %sub3A_372, %add3A_375 : vector<16xf32>
        %mul3A_377 = arith.mulf %div3A_376, %div3A_376 : vector<16xf32>
        %mul3A_378 = arith.constant 0.222222224 : f32
        %mul3A_379 = vector.broadcast %mul3A_378 : f32 to vector<16xf32>
        %mul3A_380 = arith.mulf %mul3A_377, %mul3A_379 : vector<16xf32>
        %add3A_381 = arith.constant 0.285714298 : f32
        %add3A_382 = vector.broadcast %add3A_381 : f32 to vector<16xf32>
        %add3A_383 = arith.addf %add3A_382, %mul3A_380 : vector<16xf32>
        %mul3A_384 = arith.mulf %mul3A_377, %add3A_383 : vector<16xf32>
        %add3A_385 = arith.constant 4.000000e-01 : f32
        %add3A_386 = vector.broadcast %add3A_385 : f32 to vector<16xf32>
        %add3A_387 = arith.addf %add3A_386, %mul3A_384 : vector<16xf32>
        %mul3A_388 = arith.mulf %mul3A_377, %add3A_387 : vector<16xf32>
        %add3A_389 = arith.constant 0.666666686 : f32
        %add3A_390 = vector.broadcast %add3A_389 : f32 to vector<16xf32>
        %add3A_391 = arith.addf %add3A_390, %mul3A_388 : vector<16xf32>
        %mul3A_392 = arith.mulf %mul3A_377, %add3A_391 : vector<16xf32>
        %add3A_393 = arith.constant 2.000000e+00 : f32
        %add3A_394 = vector.broadcast %add3A_393 : f32 to vector<16xf32>
        %add3A_395 = arith.addf %add3A_394, %mul3A_392 : vector<16xf32>
        %mul3A_396 = arith.mulf %div3A_376, %add3A_395 : vector<16xf32>
        %convert_element_type3A_397 = arith.sitofp %sub3A_363 : vector<16xi32> to vector<16xf32>
        %mul3A_398 = arith.constant 0.693147182 : f32
        %mul3A_399 = vector.broadcast %mul3A_398 : f32 to vector<16xf32>
        %mul3A_400 = arith.mulf %convert_element_type3A_397, %mul3A_399 : vector<16xf32>
        %add3A_401 = arith.addf %mul3A_396, %mul3A_400 : vector<16xf32>
        %mul3A_402 = arith.mulf %gather3A_344, %add3A_401 : vector<16xf32>
        %add3A_403 = arith.addf %scan3A_324, %mul3A_402 : vector<16xf32>
        %add3A_404 = arith.constant 16 : i32
        %add3A_405 = vector.broadcast %add3A_404 : i32 to vector<16xi32>
        %add3A_406 = arith.addi %add3A_405, %iota3A_154 : vector<16xi32>
        %mul3A_407 = arith.constant 64 : i32
        %mul3A_408 = arith.muli %scan3A_322, %mul3A_407 : i32
        %add3A_409 = vector.broadcast %mul3A_408 : i32 to vector<16xi32>
        %add3A_410 = arith.addi %add3A_409, %add3A_406 : vector<16xi32>
        %add3A_411 = arith.constant 4032 : i32
        %add3A_412 = arith.addi %add3A_411, %scan3A_322 : i32
        %mul3A_413 = arith.constant 64 : i32
        %mul3A_414 = vector.broadcast %mul3A_413 : i32 to vector<16xi32>
        %mul3A_415 = arith.muli %add3A_406, %mul3A_414 : vector<16xi32>
        %sub3A_416 = vector.broadcast %add3A_412 : i32 to vector<16xi32>
        %sub3A_417 = arith.subi %sub3A_416, %mul3A_415 : vector<16xi32>
        %select_n3A_418 = arith.select %eq3A_160, %sub3A_417, %add3A_410 : vector<16xi1>, vector<16xi32>
        %sub3A_419 = arith.constant 4095 : i32
        %sub3A_420 = vector.broadcast %sub3A_419 : i32 to vector<16xi32>
        %sub3A_421 = arith.subi %sub3A_420, %select_n3A_418 : vector<16xi32>
        %select_n3A_422 = arith.select %ge3A_163, %sub3A_421, %select_n3A_418 : vector<16xi1>, vector<16xi32>
        %gather3A_423 = arith.constant 0 : i32
        %gather3A_424 = tpu.memref_slice %arg7[%scan3A_164, %scan3A_165, %gather3A_423] : memref<2x4x4096xf32, #tpu.memory_space<vmem>> -> memref<1x1x4096xf32, #tpu.memory_space<vmem>>
        %gather3A_425 = tpu.memref_squeeze %gather3A_424 : memref<1x1x4096xf32, #tpu.memory_space<vmem>> -> memref<4096xf32, #tpu.memory_space<vmem>>
        %gather3A_426 = tpu.vector_load_idx %gather3A_425[%select_n3A_422] : memref<4096xf32, #tpu.memory_space<vmem>>[vector<16xi32>], vector<16xf32>,
        %mul3A_427 = arith.constant 64 : i32
        %mul3A_428 = arith.muli %scan3A_322, %mul3A_427 : i32
        %add3A_429 = arith.constant 16 : i32
        %add3A_430 = arith.addi %mul3A_428, %add3A_429 : i32
        %get3A_431 = arith.constant 0 : i32
        %get3A_432 = tpu.memref_slice %arg8[%scan3A_166, %scan3A_167, %get3A_431] : memref<2x4x4096xf32, #tpu.memory_space<vmem>> -> memref<1x1x4096xf32, #tpu.memory_space<vmem>>
        %get3A_433 = tpu.memref_squeeze %get3A_432 : memref<1x1x4096xf32, #tpu.memory_space<vmem>> -> memref<4096xf32, #tpu.memory_space<vmem>>
        %get3A_434 = arith.index_cast %add3A_430 : i32 to index
        %get3A_435 = tpu.vector_load %get3A_433[%get3A_434] {strides = array<i32>} : memref<4096xf32, #tpu.memory_space<vmem>>, vector<16xf32>,
        %sub3A_436 = arith.subf %gather3A_426, %get3A_435 : vector<16xf32>
        %mul3A_437 = arith.mulf %sub3A_436, %sub3A_436 : vector<16xf32>
        %add3A_438 = arith.addf %add3A_356, %mul3A_437 : vector<16xf32>
        %max3A_439 = arith.constant 9.99999971E-10 : f32
        %max3A_440 = vector.broadcast %max3A_439 : f32 to vector<16xf32>
        %max3A_441 = arith.maximumf %get3A_435, %max3A_440 : vector<16xf32>
        %div3A_442 = arith.divf %gather3A_426, %max3A_441 : vector<16xf32>
        %bitcast3A_443 = vector.bitcast %div3A_442 : vector<16xf32> to vector<16xi32>
        %shift_right_arithmetic3A_444 = arith.constant 23 : i32
        %shift_right_arithmetic3A_445 = vector.broadcast %shift_right_arithmetic3A_444 : i32 to vector<16xi32>
        %shift_right_arithmetic3A_446 = arith.shrsi %bitcast3A_443, %shift_right_arithmetic3A_445 : vector<16xi32>
        %sub3A_447 = arith.constant 127 : i32
        %sub3A_448 = vector.broadcast %sub3A_447 : i32 to vector<16xi32>
        %sub3A_449 = arith.subi %shift_right_arithmetic3A_446, %sub3A_448 : vector<16xi32>
        %and3A_450 = arith.constant 8388607 : i32
        %and3A_451 = vector.broadcast %and3A_450 : i32 to vector<16xi32>
        %and3A_452 = arith.andi %bitcast3A_443, %and3A_451 : vector<16xi32>
        %or3A_453 = arith.constant 1065353216 : i32
        %or3A_454 = vector.broadcast %or3A_453 : i32 to vector<16xi32>
        %or3A_455 = arith.ori %and3A_452, %or3A_454 : vector<16xi32>
        %bitcast3A_456 = vector.bitcast %or3A_455 : vector<16xi32> to vector<16xf32>
        %sub3A_457 = arith.constant 1.000000e+00 : f32
        %sub3A_458 = vector.broadcast %sub3A_457 : f32 to vector<16xf32>
        %sub3A_459 = arith.subf %bitcast3A_456, %sub3A_458 : vector<16xf32>
        %add3A_460 = arith.constant 1.000000e+00 : f32
        %add3A_461 = vector.broadcast %add3A_460 : f32 to vector<16xf32>
        %add3A_462 = arith.addf %bitcast3A_456, %add3A_461 : vector<16xf32>
        %div3A_463 = arith.divf %sub3A_459, %add3A_462 : vector<16xf32>
        %mul3A_464 = arith.mulf %div3A_463, %div3A_463 : vector<16xf32>
        %mul3A_465 = arith.constant 0.222222224 : f32
        %mul3A_466 = vector.broadcast %mul3A_465 : f32 to vector<16xf32>
        %mul3A_467 = arith.mulf %mul3A_464, %mul3A_466 : vector<16xf32>
        %add3A_468 = arith.constant 0.285714298 : f32
        %add3A_469 = vector.broadcast %add3A_468 : f32 to vector<16xf32>
        %add3A_470 = arith.addf %add3A_469, %mul3A_467 : vector<16xf32>
        %mul3A_471 = arith.mulf %mul3A_464, %add3A_470 : vector<16xf32>
        %add3A_472 = arith.constant 4.000000e-01 : f32
        %add3A_473 = vector.broadcast %add3A_472 : f32 to vector<16xf32>
        %add3A_474 = arith.addf %add3A_473, %mul3A_471 : vector<16xf32>
        %mul3A_475 = arith.mulf %mul3A_464, %add3A_474 : vector<16xf32>
        %add3A_476 = arith.constant 0.666666686 : f32
        %add3A_477 = vector.broadcast %add3A_476 : f32 to vector<16xf32>
        %add3A_478 = arith.addf %add3A_477, %mul3A_475 : vector<16xf32>
        %mul3A_479 = arith.mulf %mul3A_464, %add3A_478 : vector<16xf32>
        %add3A_480 = arith.constant 2.000000e+00 : f32
        %add3A_481 = vector.broadcast %add3A_480 : f32 to vector<16xf32>
        %add3A_482 = arith.addf %add3A_481, %mul3A_479 : vector<16xf32>
        %mul3A_483 = arith.mulf %div3A_463, %add3A_482 : vector<16xf32>
        %convert_element_type3A_484 = arith.sitofp %sub3A_449 : vector<16xi32> to vector<16xf32>
        %mul3A_485 = arith.constant 0.693147182 : f32
        %mul3A_486 = vector.broadcast %mul3A_485 : f32 to vector<16xf32>
        %mul3A_487 = arith.mulf %convert_element_type3A_484, %mul3A_486 : vector<16xf32>
        %add3A_488 = arith.addf %mul3A_483, %mul3A_487 : vector<16xf32>
        %mul3A_489 = arith.mulf %gather3A_426, %add3A_488 : vector<16xf32>
        %add3A_490 = arith.addf %add3A_403, %mul3A_489 : vector<16xf32>
        %add3A_491 = arith.constant 32 : i32
        %add3A_492 = vector.broadcast %add3A_491 : i32 to vector<16xi32>
        %add3A_493 = arith.addi %add3A_492, %iota3A_154 : vector<16xi32>
        %mul3A_494 = arith.constant 64 : i32
        %mul3A_495 = arith.muli %scan3A_322, %mul3A_494 : i32
        %add3A_496 = vector.broadcast %mul3A_495 : i32 to vector<16xi32>
        %add3A_497 = arith.addi %add3A_496, %add3A_493 : vector<16xi32>
        %add3A_498 = arith.constant 4032 : i32
        %add3A_499 = arith.addi %add3A_498, %scan3A_322 : i32
        %mul3A_500 = arith.constant 64 : i32
        %mul3A_501 = vector.broadcast %mul3A_500 : i32 to vector<16xi32>
        %mul3A_502 = arith.muli %add3A_493, %mul3A_501 : vector<16xi32>
        %sub3A_503 = vector.broadcast %add3A_499 : i32 to vector<16xi32>
        %sub3A_504 = arith.subi %sub3A_503, %mul3A_502 : vector<16xi32>
        %select_n3A_505 = arith.select %eq3A_160, %sub3A_504, %add3A_497 : vector<16xi1>, vector<16xi32>
        %sub3A_506 = arith.constant 4095 : i32
        %sub3A_507 = vector.broadcast %sub3A_506 : i32 to vector<16xi32>
        %sub3A_508 = arith.subi %sub3A_507, %select_n3A_505 : vector<16xi32>
        %select_n3A_509 = arith.select %ge3A_163, %sub3A_508, %select_n3A_505 : vector<16xi1>, vector<16xi32>
        %gather3A_510 = arith.constant 0 : i32
        %gather3A_511 = tpu.memref_slice %arg7[%scan3A_164, %scan3A_165, %gather3A_510] : memref<2x4x4096xf32, #tpu.memory_space<vmem>> -> memref<1x1x4096xf32, #tpu.memory_space<vmem>>
        %gather3A_512 = tpu.memref_squeeze %gather3A_511 : memref<1x1x4096xf32, #tpu.memory_space<vmem>> -> memref<4096xf32, #tpu.memory_space<vmem>>
        %gather3A_513 = tpu.vector_load_idx %gather3A_512[%select_n3A_509] : memref<4096xf32, #tpu.memory_space<vmem>>[vector<16xi32>], vector<16xf32>,
        %mul3A_514 = arith.constant 64 : i32
        %mul3A_515 = arith.muli %scan3A_322, %mul3A_514 : i32
        %add3A_516 = arith.constant 32 : i32
        %add3A_517 = arith.addi %mul3A_515, %add3A_516 : i32
        %get3A_518 = arith.constant 0 : i32
        %get3A_519 = tpu.memref_slice %arg8[%scan3A_166, %scan3A_167, %get3A_518] : memref<2x4x4096xf32, #tpu.memory_space<vmem>> -> memref<1x1x4096xf32, #tpu.memory_space<vmem>>
        %get3A_520 = tpu.memref_squeeze %get3A_519 : memref<1x1x4096xf32, #tpu.memory_space<vmem>> -> memref<4096xf32, #tpu.memory_space<vmem>>
        %get3A_521 = arith.index_cast %add3A_517 : i32 to index
        %get3A_522 = tpu.vector_load %get3A_520[%get3A_521] {strides = array<i32>} : memref<4096xf32, #tpu.memory_space<vmem>>, vector<16xf32>,
        %sub3A_523 = arith.subf %gather3A_513, %get3A_522 : vector<16xf32>
        %mul3A_524 = arith.mulf %sub3A_523, %sub3A_523 : vector<16xf32>
        %add3A_525 = arith.addf %add3A_438, %mul3A_524 : vector<16xf32>
        %max3A_526 = arith.constant 9.99999971E-10 : f32
        %max3A_527 = vector.broadcast %max3A_526 : f32 to vector<16xf32>
        %max3A_528 = arith.maximumf %get3A_522, %max3A_527 : vector<16xf32>
        %div3A_529 = arith.divf %gather3A_513, %max3A_528 : vector<16xf32>
        %bitcast3A_530 = vector.bitcast %div3A_529 : vector<16xf32> to vector<16xi32>
        %shift_right_arithmetic3A_531 = arith.constant 23 : i32
        %shift_right_arithmetic3A_532 = vector.broadcast %shift_right_arithmetic3A_531 : i32 to vector<16xi32>
        %shift_right_arithmetic3A_533 = arith.shrsi %bitcast3A_530, %shift_right_arithmetic3A_532 : vector<16xi32>
        %sub3A_534 = arith.constant 127 : i32
        %sub3A_535 = vector.broadcast %sub3A_534 : i32 to vector<16xi32>
        %sub3A_536 = arith.subi %shift_right_arithmetic3A_533, %sub3A_535 : vector<16xi32>
        %and3A_537 = arith.constant 8388607 : i32
        %and3A_538 = vector.broadcast %and3A_537 : i32 to vector<16xi32>
        %and3A_539 = arith.andi %bitcast3A_530, %and3A_538 : vector<16xi32>
        %or3A_540 = arith.constant 1065353216 : i32
        %or3A_541 = vector.broadcast %or3A_540 : i32 to vector<16xi32>
        %or3A_542 = arith.ori %and3A_539, %or3A_541 : vector<16xi32>
        %bitcast3A_543 = vector.bitcast %or3A_542 : vector<16xi32> to vector<16xf32>
        %sub3A_544 = arith.constant 1.000000e+00 : f32
        %sub3A_545 = vector.broadcast %sub3A_544 : f32 to vector<16xf32>
        %sub3A_546 = arith.subf %bitcast3A_543, %sub3A_545 : vector<16xf32>
        %add3A_547 = arith.constant 1.000000e+00 : f32
        %add3A_548 = vector.broadcast %add3A_547 : f32 to vector<16xf32>
        %add3A_549 = arith.addf %bitcast3A_543, %add3A_548 : vector<16xf32>
        %div3A_550 = arith.divf %sub3A_546, %add3A_549 : vector<16xf32>
        %mul3A_551 = arith.mulf %div3A_550, %div3A_550 : vector<16xf32>
        %mul3A_552 = arith.constant 0.222222224 : f32
        %mul3A_553 = vector.broadcast %mul3A_552 : f32 to vector<16xf32>
        %mul3A_554 = arith.mulf %mul3A_551, %mul3A_553 : vector<16xf32>
        %add3A_555 = arith.constant 0.285714298 : f32
        %add3A_556 = vector.broadcast %add3A_555 : f32 to vector<16xf32>
        %add3A_557 = arith.addf %add3A_556, %mul3A_554 : vector<16xf32>
        %mul3A_558 = arith.mulf %mul3A_551, %add3A_557 : vector<16xf32>
        %add3A_559 = arith.constant 4.000000e-01 : f32
        %add3A_560 = vector.broadcast %add3A_559 : f32 to vector<16xf32>
        %add3A_561 = arith.addf %add3A_560, %mul3A_558 : vector<16xf32>
        %mul3A_562 = arith.mulf %mul3A_551, %add3A_561 : vector<16xf32>
        %add3A_563 = arith.constant 0.666666686 : f32
        %add3A_564 = vector.broadcast %add3A_563 : f32 to vector<16xf32>
        %add3A_565 = arith.addf %add3A_564, %mul3A_562 : vector<16xf32>
        %mul3A_566 = arith.mulf %mul3A_551, %add3A_565 : vector<16xf32>
        %add3A_567 = arith.constant 2.000000e+00 : f32
        %add3A_568 = vector.broadcast %add3A_567 : f32 to vector<16xf32>
        %add3A_569 = arith.addf %add3A_568, %mul3A_566 : vector<16xf32>
        %mul3A_570 = arith.mulf %div3A_550, %add3A_569 : vector<16xf32>
        %convert_element_type3A_571 = arith.sitofp %sub3A_536 : vector<16xi32> to vector<16xf32>
        %mul3A_572 = arith.constant 0.693147182 : f32
        %mul3A_573 = vector.broadcast %mul3A_572 : f32 to vector<16xf32>
        %mul3A_574 = arith.mulf %convert_element_type3A_571, %mul3A_573 : vector<16xf32>
        %add3A_575 = arith.addf %mul3A_570, %mul3A_574 : vector<16xf32>
        %mul3A_576 = arith.mulf %gather3A_513, %add3A_575 : vector<16xf32>
        %add3A_577 = arith.addf %add3A_490, %mul3A_576 : vector<16xf32>
        %add3A_578 = arith.constant 48 : i32
        %add3A_579 = vector.broadcast %add3A_578 : i32 to vector<16xi32>
        %add3A_580 = arith.addi %add3A_579, %iota3A_154 : vector<16xi32>
        %mul3A_581 = arith.constant 64 : i32
        %mul3A_582 = arith.muli %scan3A_322, %mul3A_581 : i32
        %add3A_583 = vector.broadcast %mul3A_582 : i32 to vector<16xi32>
        %add3A_584 = arith.addi %add3A_583, %add3A_580 : vector<16xi32>
        %add3A_585 = arith.constant 4032 : i32
        %add3A_586 = arith.addi %add3A_585, %scan3A_322 : i32
        %mul3A_587 = arith.constant 64 : i32
        %mul3A_588 = vector.broadcast %mul3A_587 : i32 to vector<16xi32>
        %mul3A_589 = arith.muli %add3A_580, %mul3A_588 : vector<16xi32>
        %sub3A_590 = vector.broadcast %add3A_586 : i32 to vector<16xi32>
        %sub3A_591 = arith.subi %sub3A_590, %mul3A_589 : vector<16xi32>
        %select_n3A_592 = arith.select %eq3A_160, %sub3A_591, %add3A_584 : vector<16xi1>, vector<16xi32>
        %sub3A_593 = arith.constant 4095 : i32
        %sub3A_594 = vector.broadcast %sub3A_593 : i32 to vector<16xi32>
        %sub3A_595 = arith.subi %sub3A_594, %select_n3A_592 : vector<16xi32>
        %select_n3A_596 = arith.select %ge3A_163, %sub3A_595, %select_n3A_592 : vector<16xi1>, vector<16xi32>
        %gather3A_597 = arith.constant 0 : i32
        %gather3A_598 = tpu.memref_slice %arg7[%scan3A_164, %scan3A_165, %gather3A_597] : memref<2x4x4096xf32, #tpu.memory_space<vmem>> -> memref<1x1x4096xf32, #tpu.memory_space<vmem>>
        %gather3A_599 = tpu.memref_squeeze %gather3A_598 : memref<1x1x4096xf32, #tpu.memory_space<vmem>> -> memref<4096xf32, #tpu.memory_space<vmem>>
        %gather3A_600 = tpu.vector_load_idx %gather3A_599[%select_n3A_596] : memref<4096xf32, #tpu.memory_space<vmem>>[vector<16xi32>], vector<16xf32>,
        %mul3A_601 = arith.constant 64 : i32
        %mul3A_602 = arith.muli %scan3A_322, %mul3A_601 : i32
        %add3A_603 = arith.constant 48 : i32
        %add3A_604 = arith.addi %mul3A_602, %add3A_603 : i32
        %get3A_605 = arith.constant 0 : i32
        %get3A_606 = tpu.memref_slice %arg8[%scan3A_166, %scan3A_167, %get3A_605] : memref<2x4x4096xf32, #tpu.memory_space<vmem>> -> memref<1x1x4096xf32, #tpu.memory_space<vmem>>
        %get3A_607 = tpu.memref_squeeze %get3A_606 : memref<1x1x4096xf32, #tpu.memory_space<vmem>> -> memref<4096xf32, #tpu.memory_space<vmem>>
        %get3A_608 = arith.index_cast %add3A_604 : i32 to index
        %get3A_609 = tpu.vector_load %get3A_607[%get3A_608] {strides = array<i32>} : memref<4096xf32, #tpu.memory_space<vmem>>, vector<16xf32>,
        %sub3A_610 = arith.subf %gather3A_600, %get3A_609 : vector<16xf32>
        %mul3A_611 = arith.mulf %sub3A_610, %sub3A_610 : vector<16xf32>
        %add3A_612 = arith.addf %add3A_525, %mul3A_611 : vector<16xf32>
        %max3A_613 = arith.constant 9.99999971E-10 : f32
        %max3A_614 = vector.broadcast %max3A_613 : f32 to vector<16xf32>
        %max3A_615 = arith.maximumf %get3A_609, %max3A_614 : vector<16xf32>
        %div3A_616 = arith.divf %gather3A_600, %max3A_615 : vector<16xf32>
        %bitcast3A_617 = vector.bitcast %div3A_616 : vector<16xf32> to vector<16xi32>
        %shift_right_arithmetic3A_618 = arith.constant 23 : i32
        %shift_right_arithmetic3A_619 = vector.broadcast %shift_right_arithmetic3A_618 : i32 to vector<16xi32>
        %shift_right_arithmetic3A_620 = arith.shrsi %bitcast3A_617, %shift_right_arithmetic3A_619 : vector<16xi32>
        %sub3A_621 = arith.constant 127 : i32
        %sub3A_622 = vector.broadcast %sub3A_621 : i32 to vector<16xi32>
        %sub3A_623 = arith.subi %shift_right_arithmetic3A_620, %sub3A_622 : vector<16xi32>
        %and3A_624 = arith.constant 8388607 : i32
        %and3A_625 = vector.broadcast %and3A_624 : i32 to vector<16xi32>
        %and3A_626 = arith.andi %bitcast3A_617, %and3A_625 : vector<16xi32>
        %or3A_627 = arith.constant 1065353216 : i32
        %or3A_628 = vector.broadcast %or3A_627 : i32 to vector<16xi32>
        %or3A_629 = arith.ori %and3A_626, %or3A_628 : vector<16xi32>
        %bitcast3A_630 = vector.bitcast %or3A_629 : vector<16xi32> to vector<16xf32>
        %sub3A_631 = arith.constant 1.000000e+00 : f32
        %sub3A_632 = vector.broadcast %sub3A_631 : f32 to vector<16xf32>
        %sub3A_633 = arith.subf %bitcast3A_630, %sub3A_632 : vector<16xf32>
        %add3A_634 = arith.constant 1.000000e+00 : f32
        %add3A_635 = vector.broadcast %add3A_634 : f32 to vector<16xf32>
        %add3A_636 = arith.addf %bitcast3A_630, %add3A_635 : vector<16xf32>
        %div3A_637 = arith.divf %sub3A_633, %add3A_636 : vector<16xf32>
        %mul3A_638 = arith.mulf %div3A_637, %div3A_637 : vector<16xf32>
        %mul3A_639 = arith.constant 0.222222224 : f32
        %mul3A_640 = vector.broadcast %mul3A_639 : f32 to vector<16xf32>
        %mul3A_641 = arith.mulf %mul3A_638, %mul3A_640 : vector<16xf32>
        %add3A_642 = arith.constant 0.285714298 : f32
        %add3A_643 = vector.broadcast %add3A_642 : f32 to vector<16xf32>
        %add3A_644 = arith.addf %add3A_643, %mul3A_641 : vector<16xf32>
        %mul3A_645 = arith.mulf %mul3A_638, %add3A_644 : vector<16xf32>
        %add3A_646 = arith.constant 4.000000e-01 : f32
        %add3A_647 = vector.broadcast %add3A_646 : f32 to vector<16xf32>
        %add3A_648 = arith.addf %add3A_647, %mul3A_645 : vector<16xf32>
        %mul3A_649 = arith.mulf %mul3A_638, %add3A_648 : vector<16xf32>
        %add3A_650 = arith.constant 0.666666686 : f32
        %add3A_651 = vector.broadcast %add3A_650 : f32 to vector<16xf32>
        %add3A_652 = arith.addf %add3A_651, %mul3A_649 : vector<16xf32>
        %mul3A_653 = arith.mulf %mul3A_638, %add3A_652 : vector<16xf32>
        %add3A_654 = arith.constant 2.000000e+00 : f32
        %add3A_655 = vector.broadcast %add3A_654 : f32 to vector<16xf32>
        %add3A_656 = arith.addf %add3A_655, %mul3A_653 : vector<16xf32>
        %mul3A_657 = arith.mulf %div3A_637, %add3A_656 : vector<16xf32>
        %convert_element_type3A_658 = arith.sitofp %sub3A_623 : vector<16xi32> to vector<16xf32>
        %mul3A_659 = arith.constant 0.693147182 : f32
        %mul3A_660 = vector.broadcast %mul3A_659 : f32 to vector<16xf32>
        %mul3A_661 = arith.mulf %convert_element_type3A_658, %mul3A_660 : vector<16xf32>
        %add3A_662 = arith.addf %mul3A_657, %mul3A_661 : vector<16xf32>
        %mul3A_663 = arith.mulf %gather3A_600, %add3A_662 : vector<16xf32>
        %add3A_664 = arith.addf %add3A_577, %mul3A_663 : vector<16xf32>
        scf.yield %add3A_612, %add3A_664 : vector<16xf32>, vector<16xf32>
      }
      %scan3A_173 = arith.constant 64 : i32
      %iota3A_174 = tpu.iota {dimensions = array<i32: 0>} : vector<16xi32>
      %and3A_175 = arith.constant 1 : i32
      %and3A_176 = vector.broadcast %and3A_175 : i32 to vector<16xi32>
      %and3A_177 = arith.andi %get3A_117, %and3A_176 : vector<16xi32>
      %eq3A_178 = arith.constant 1 : i32
      %eq3A_179 = vector.broadcast %eq3A_178 : i32 to vector<16xi32>
      %eq3A_180 = arith.cmpi eq, %and3A_177, %eq3A_179 : vector<16xi32>
      %ge3A_181 = arith.constant 2 : i32
      %ge3A_182 = vector.broadcast %ge3A_181 : i32 to vector<16xi32>
      %ge3A_183 = arith.cmpi sge, %get3A_117, %ge3A_182 : vector<16xi32>
      %scan3A_184 = arith.constant 0 : i32
      %scan3A_185 = arith.constant 3 : i32
      %scan3A_186 = arith.constant 0 : i32
      %scan3A_187 = arith.constant 3 : i32
      %scan3A_188 = arith.constant 0 : i32
      %scan3A_189 = arith.constant 64 : i32
      %scan3A_190 = arith.addi %scan3A_188, %scan3A_189 : i32
      %scan3A_191 = arith.constant 1 : i32
      %scan3A_192:2 = scf.for %scan3A_322 = %scan3A_188 to %scan3A_190 step %scan3A_191 iter_args(%scan3A_323 = %scan3A_172#0, %scan3A_324 = %scan3A_172#1) -> (vector<16xf32>, vector<16xf32>)  : i32 {
        %add3A_325 = arith.constant 0 : i32
        %add3A_326 = vector.broadcast %add3A_325 : i32 to vector<16xi32>
        %add3A_327 = arith.addi %add3A_326, %iota3A_174 : vector<16xi32>
        %mul3A_328 = arith.constant 64 : i32
        %mul3A_329 = arith.muli %scan3A_322, %mul3A_328 : i32
        %add3A_330 = vector.broadcast %mul3A_329 : i32 to vector<16xi32>
        %add3A_331 = arith.addi %add3A_330, %add3A_327 : vector<16xi32>
        %add3A_332 = arith.constant 4032 : i32
        %add3A_333 = arith.addi %add3A_332, %scan3A_322 : i32
        %mul3A_334 = arith.constant 64 : i32
        %mul3A_335 = vector.broadcast %mul3A_334 : i32 to vector<16xi32>
        %mul3A_336 = arith.muli %add3A_327, %mul3A_335 : vector<16xi32>
        %sub3A = vector.broadcast %add3A_333 : i32 to vector<16xi32>
        %sub3A_337 = arith.subi %sub3A, %mul3A_336 : vector<16xi32>
        %select_n3A = arith.select %eq3A_180, %sub3A_337, %add3A_331 : vector<16xi1>, vector<16xi32>
        %sub3A_338 = arith.constant 4095 : i32
        %sub3A_339 = vector.broadcast %sub3A_338 : i32 to vector<16xi32>
        %sub3A_340 = arith.subi %sub3A_339, %select_n3A : vector<16xi32>
        %select_n3A_341 = arith.select %ge3A_183, %sub3A_340, %select_n3A : vector<16xi1>, vector<16xi32>
        %gather3A = arith.constant 0 : i32
        %gather3A_342 = tpu.memref_slice %arg7[%scan3A_184, %scan3A_185, %gather3A] : memref<2x4x4096xf32, #tpu.memory_space<vmem>> -> memref<1x1x4096xf32, #tpu.memory_space<vmem>>
        %gather3A_343 = tpu.memref_squeeze %gather3A_342 : memref<1x1x4096xf32, #tpu.memory_space<vmem>> -> memref<4096xf32, #tpu.memory_space<vmem>>
        %gather3A_344 = tpu.vector_load_idx %gather3A_343[%select_n3A_341] : memref<4096xf32, #tpu.memory_space<vmem>>[vector<16xi32>], vector<16xf32>,
        %mul3A_345 = arith.constant 64 : i32
        %mul3A_346 = arith.muli %scan3A_322, %mul3A_345 : i32
        %add3A_347 = arith.constant 0 : i32
        %add3A_348 = arith.addi %mul3A_346, %add3A_347 : i32
        %get3A_349 = arith.constant 0 : i32
        %get3A_350 = tpu.memref_slice %arg8[%scan3A_186, %scan3A_187, %get3A_349] : memref<2x4x4096xf32, #tpu.memory_space<vmem>> -> memref<1x1x4096xf32, #tpu.memory_space<vmem>>
        %get3A_351 = tpu.memref_squeeze %get3A_350 : memref<1x1x4096xf32, #tpu.memory_space<vmem>> -> memref<4096xf32, #tpu.memory_space<vmem>>
        %get3A_352 = arith.index_cast %add3A_348 : i32 to index
        %get3A_353 = tpu.vector_load %get3A_351[%get3A_352] {strides = array<i32>} : memref<4096xf32, #tpu.memory_space<vmem>>, vector<16xf32>,
        %sub3A_354 = arith.subf %gather3A_344, %get3A_353 : vector<16xf32>
        %mul3A_355 = arith.mulf %sub3A_354, %sub3A_354 : vector<16xf32>
        %add3A_356 = arith.addf %scan3A_323, %mul3A_355 : vector<16xf32>
        %max3A = arith.constant 9.99999971E-10 : f32
        %max3A_357 = vector.broadcast %max3A : f32 to vector<16xf32>
        %max3A_358 = arith.maximumf %get3A_353, %max3A_357 : vector<16xf32>
        %div3A = arith.divf %gather3A_344, %max3A_358 : vector<16xf32>
        %bitcast3A = vector.bitcast %div3A : vector<16xf32> to vector<16xi32>
        %shift_right_arithmetic3A = arith.constant 23 : i32
        %shift_right_arithmetic3A_359 = vector.broadcast %shift_right_arithmetic3A : i32 to vector<16xi32>
        %shift_right_arithmetic3A_360 = arith.shrsi %bitcast3A, %shift_right_arithmetic3A_359 : vector<16xi32>
        %sub3A_361 = arith.constant 127 : i32
        %sub3A_362 = vector.broadcast %sub3A_361 : i32 to vector<16xi32>
        %sub3A_363 = arith.subi %shift_right_arithmetic3A_360, %sub3A_362 : vector<16xi32>
        %and3A_364 = arith.constant 8388607 : i32
        %and3A_365 = vector.broadcast %and3A_364 : i32 to vector<16xi32>
        %and3A_366 = arith.andi %bitcast3A, %and3A_365 : vector<16xi32>
        %or3A = arith.constant 1065353216 : i32
        %or3A_367 = vector.broadcast %or3A : i32 to vector<16xi32>
        %or3A_368 = arith.ori %and3A_366, %or3A_367 : vector<16xi32>
        %bitcast3A_369 = vector.bitcast %or3A_368 : vector<16xi32> to vector<16xf32>
        %sub3A_370 = arith.constant 1.000000e+00 : f32
        %sub3A_371 = vector.broadcast %sub3A_370 : f32 to vector<16xf32>
        %sub3A_372 = arith.subf %bitcast3A_369, %sub3A_371 : vector<16xf32>
        %add3A_373 = arith.constant 1.000000e+00 : f32
        %add3A_374 = vector.broadcast %add3A_373 : f32 to vector<16xf32>
        %add3A_375 = arith.addf %bitcast3A_369, %add3A_374 : vector<16xf32>
        %div3A_376 = arith.divf %sub3A_372, %add3A_375 : vector<16xf32>
        %mul3A_377 = arith.mulf %div3A_376, %div3A_376 : vector<16xf32>
        %mul3A_378 = arith.constant 0.222222224 : f32
        %mul3A_379 = vector.broadcast %mul3A_378 : f32 to vector<16xf32>
        %mul3A_380 = arith.mulf %mul3A_377, %mul3A_379 : vector<16xf32>
        %add3A_381 = arith.constant 0.285714298 : f32
        %add3A_382 = vector.broadcast %add3A_381 : f32 to vector<16xf32>
        %add3A_383 = arith.addf %add3A_382, %mul3A_380 : vector<16xf32>
        %mul3A_384 = arith.mulf %mul3A_377, %add3A_383 : vector<16xf32>
        %add3A_385 = arith.constant 4.000000e-01 : f32
        %add3A_386 = vector.broadcast %add3A_385 : f32 to vector<16xf32>
        %add3A_387 = arith.addf %add3A_386, %mul3A_384 : vector<16xf32>
        %mul3A_388 = arith.mulf %mul3A_377, %add3A_387 : vector<16xf32>
        %add3A_389 = arith.constant 0.666666686 : f32
        %add3A_390 = vector.broadcast %add3A_389 : f32 to vector<16xf32>
        %add3A_391 = arith.addf %add3A_390, %mul3A_388 : vector<16xf32>
        %mul3A_392 = arith.mulf %mul3A_377, %add3A_391 : vector<16xf32>
        %add3A_393 = arith.constant 2.000000e+00 : f32
        %add3A_394 = vector.broadcast %add3A_393 : f32 to vector<16xf32>
        %add3A_395 = arith.addf %add3A_394, %mul3A_392 : vector<16xf32>
        %mul3A_396 = arith.mulf %div3A_376, %add3A_395 : vector<16xf32>
        %convert_element_type3A_397 = arith.sitofp %sub3A_363 : vector<16xi32> to vector<16xf32>
        %mul3A_398 = arith.constant 0.693147182 : f32
        %mul3A_399 = vector.broadcast %mul3A_398 : f32 to vector<16xf32>
        %mul3A_400 = arith.mulf %convert_element_type3A_397, %mul3A_399 : vector<16xf32>
        %add3A_401 = arith.addf %mul3A_396, %mul3A_400 : vector<16xf32>
        %mul3A_402 = arith.mulf %gather3A_344, %add3A_401 : vector<16xf32>
        %add3A_403 = arith.addf %scan3A_324, %mul3A_402 : vector<16xf32>
        %add3A_404 = arith.constant 16 : i32
        %add3A_405 = vector.broadcast %add3A_404 : i32 to vector<16xi32>
        %add3A_406 = arith.addi %add3A_405, %iota3A_174 : vector<16xi32>
        %mul3A_407 = arith.constant 64 : i32
        %mul3A_408 = arith.muli %scan3A_322, %mul3A_407 : i32
        %add3A_409 = vector.broadcast %mul3A_408 : i32 to vector<16xi32>
        %add3A_410 = arith.addi %add3A_409, %add3A_406 : vector<16xi32>
        %add3A_411 = arith.constant 4032 : i32
        %add3A_412 = arith.addi %add3A_411, %scan3A_322 : i32
        %mul3A_413 = arith.constant 64 : i32
        %mul3A_414 = vector.broadcast %mul3A_413 : i32 to vector<16xi32>
        %mul3A_415 = arith.muli %add3A_406, %mul3A_414 : vector<16xi32>
        %sub3A_416 = vector.broadcast %add3A_412 : i32 to vector<16xi32>
        %sub3A_417 = arith.subi %sub3A_416, %mul3A_415 : vector<16xi32>
        %select_n3A_418 = arith.select %eq3A_180, %sub3A_417, %add3A_410 : vector<16xi1>, vector<16xi32>
        %sub3A_419 = arith.constant 4095 : i32
        %sub3A_420 = vector.broadcast %sub3A_419 : i32 to vector<16xi32>
        %sub3A_421 = arith.subi %sub3A_420, %select_n3A_418 : vector<16xi32>
        %select_n3A_422 = arith.select %ge3A_183, %sub3A_421, %select_n3A_418 : vector<16xi1>, vector<16xi32>
        %gather3A_423 = arith.constant 0 : i32
        %gather3A_424 = tpu.memref_slice %arg7[%scan3A_184, %scan3A_185, %gather3A_423] : memref<2x4x4096xf32, #tpu.memory_space<vmem>> -> memref<1x1x4096xf32, #tpu.memory_space<vmem>>
        %gather3A_425 = tpu.memref_squeeze %gather3A_424 : memref<1x1x4096xf32, #tpu.memory_space<vmem>> -> memref<4096xf32, #tpu.memory_space<vmem>>
        %gather3A_426 = tpu.vector_load_idx %gather3A_425[%select_n3A_422] : memref<4096xf32, #tpu.memory_space<vmem>>[vector<16xi32>], vector<16xf32>,
        %mul3A_427 = arith.constant 64 : i32
        %mul3A_428 = arith.muli %scan3A_322, %mul3A_427 : i32
        %add3A_429 = arith.constant 16 : i32
        %add3A_430 = arith.addi %mul3A_428, %add3A_429 : i32
        %get3A_431 = arith.constant 0 : i32
        %get3A_432 = tpu.memref_slice %arg8[%scan3A_186, %scan3A_187, %get3A_431] : memref<2x4x4096xf32, #tpu.memory_space<vmem>> -> memref<1x1x4096xf32, #tpu.memory_space<vmem>>
        %get3A_433 = tpu.memref_squeeze %get3A_432 : memref<1x1x4096xf32, #tpu.memory_space<vmem>> -> memref<4096xf32, #tpu.memory_space<vmem>>
        %get3A_434 = arith.index_cast %add3A_430 : i32 to index
        %get3A_435 = tpu.vector_load %get3A_433[%get3A_434] {strides = array<i32>} : memref<4096xf32, #tpu.memory_space<vmem>>, vector<16xf32>,
        %sub3A_436 = arith.subf %gather3A_426, %get3A_435 : vector<16xf32>
        %mul3A_437 = arith.mulf %sub3A_436, %sub3A_436 : vector<16xf32>
        %add3A_438 = arith.addf %add3A_356, %mul3A_437 : vector<16xf32>
        %max3A_439 = arith.constant 9.99999971E-10 : f32
        %max3A_440 = vector.broadcast %max3A_439 : f32 to vector<16xf32>
        %max3A_441 = arith.maximumf %get3A_435, %max3A_440 : vector<16xf32>
        %div3A_442 = arith.divf %gather3A_426, %max3A_441 : vector<16xf32>
        %bitcast3A_443 = vector.bitcast %div3A_442 : vector<16xf32> to vector<16xi32>
        %shift_right_arithmetic3A_444 = arith.constant 23 : i32
        %shift_right_arithmetic3A_445 = vector.broadcast %shift_right_arithmetic3A_444 : i32 to vector<16xi32>
        %shift_right_arithmetic3A_446 = arith.shrsi %bitcast3A_443, %shift_right_arithmetic3A_445 : vector<16xi32>
        %sub3A_447 = arith.constant 127 : i32
        %sub3A_448 = vector.broadcast %sub3A_447 : i32 to vector<16xi32>
        %sub3A_449 = arith.subi %shift_right_arithmetic3A_446, %sub3A_448 : vector<16xi32>
        %and3A_450 = arith.constant 8388607 : i32
        %and3A_451 = vector.broadcast %and3A_450 : i32 to vector<16xi32>
        %and3A_452 = arith.andi %bitcast3A_443, %and3A_451 : vector<16xi32>
        %or3A_453 = arith.constant 1065353216 : i32
        %or3A_454 = vector.broadcast %or3A_453 : i32 to vector<16xi32>
        %or3A_455 = arith.ori %and3A_452, %or3A_454 : vector<16xi32>
        %bitcast3A_456 = vector.bitcast %or3A_455 : vector<16xi32> to vector<16xf32>
        %sub3A_457 = arith.constant 1.000000e+00 : f32
        %sub3A_458 = vector.broadcast %sub3A_457 : f32 to vector<16xf32>
        %sub3A_459 = arith.subf %bitcast3A_456, %sub3A_458 : vector<16xf32>
        %add3A_460 = arith.constant 1.000000e+00 : f32
        %add3A_461 = vector.broadcast %add3A_460 : f32 to vector<16xf32>
        %add3A_462 = arith.addf %bitcast3A_456, %add3A_461 : vector<16xf32>
        %div3A_463 = arith.divf %sub3A_459, %add3A_462 : vector<16xf32>
        %mul3A_464 = arith.mulf %div3A_463, %div3A_463 : vector<16xf32>
        %mul3A_465 = arith.constant 0.222222224 : f32
        %mul3A_466 = vector.broadcast %mul3A_465 : f32 to vector<16xf32>
        %mul3A_467 = arith.mulf %mul3A_464, %mul3A_466 : vector<16xf32>
        %add3A_468 = arith.constant 0.285714298 : f32
        %add3A_469 = vector.broadcast %add3A_468 : f32 to vector<16xf32>
        %add3A_470 = arith.addf %add3A_469, %mul3A_467 : vector<16xf32>
        %mul3A_471 = arith.mulf %mul3A_464, %add3A_470 : vector<16xf32>
        %add3A_472 = arith.constant 4.000000e-01 : f32
        %add3A_473 = vector.broadcast %add3A_472 : f32 to vector<16xf32>
        %add3A_474 = arith.addf %add3A_473, %mul3A_471 : vector<16xf32>
        %mul3A_475 = arith.mulf %mul3A_464, %add3A_474 : vector<16xf32>
        %add3A_476 = arith.constant 0.666666686 : f32
        %add3A_477 = vector.broadcast %add3A_476 : f32 to vector<16xf32>
        %add3A_478 = arith.addf %add3A_477, %mul3A_475 : vector<16xf32>
        %mul3A_479 = arith.mulf %mul3A_464, %add3A_478 : vector<16xf32>
        %add3A_480 = arith.constant 2.000000e+00 : f32
        %add3A_481 = vector.broadcast %add3A_480 : f32 to vector<16xf32>
        %add3A_482 = arith.addf %add3A_481, %mul3A_479 : vector<16xf32>
        %mul3A_483 = arith.mulf %div3A_463, %add3A_482 : vector<16xf32>
        %convert_element_type3A_484 = arith.sitofp %sub3A_449 : vector<16xi32> to vector<16xf32>
        %mul3A_485 = arith.constant 0.693147182 : f32
        %mul3A_486 = vector.broadcast %mul3A_485 : f32 to vector<16xf32>
        %mul3A_487 = arith.mulf %convert_element_type3A_484, %mul3A_486 : vector<16xf32>
        %add3A_488 = arith.addf %mul3A_483, %mul3A_487 : vector<16xf32>
        %mul3A_489 = arith.mulf %gather3A_426, %add3A_488 : vector<16xf32>
        %add3A_490 = arith.addf %add3A_403, %mul3A_489 : vector<16xf32>
        %add3A_491 = arith.constant 32 : i32
        %add3A_492 = vector.broadcast %add3A_491 : i32 to vector<16xi32>
        %add3A_493 = arith.addi %add3A_492, %iota3A_174 : vector<16xi32>
        %mul3A_494 = arith.constant 64 : i32
        %mul3A_495 = arith.muli %scan3A_322, %mul3A_494 : i32
        %add3A_496 = vector.broadcast %mul3A_495 : i32 to vector<16xi32>
        %add3A_497 = arith.addi %add3A_496, %add3A_493 : vector<16xi32>
        %add3A_498 = arith.constant 4032 : i32
        %add3A_499 = arith.addi %add3A_498, %scan3A_322 : i32
        %mul3A_500 = arith.constant 64 : i32
        %mul3A_501 = vector.broadcast %mul3A_500 : i32 to vector<16xi32>
        %mul3A_502 = arith.muli %add3A_493, %mul3A_501 : vector<16xi32>
        %sub3A_503 = vector.broadcast %add3A_499 : i32 to vector<16xi32>
        %sub3A_504 = arith.subi %sub3A_503, %mul3A_502 : vector<16xi32>
        %select_n3A_505 = arith.select %eq3A_180, %sub3A_504, %add3A_497 : vector<16xi1>, vector<16xi32>
        %sub3A_506 = arith.constant 4095 : i32
        %sub3A_507 = vector.broadcast %sub3A_506 : i32 to vector<16xi32>
        %sub3A_508 = arith.subi %sub3A_507, %select_n3A_505 : vector<16xi32>
        %select_n3A_509 = arith.select %ge3A_183, %sub3A_508, %select_n3A_505 : vector<16xi1>, vector<16xi32>
        %gather3A_510 = arith.constant 0 : i32
        %gather3A_511 = tpu.memref_slice %arg7[%scan3A_184, %scan3A_185, %gather3A_510] : memref<2x4x4096xf32, #tpu.memory_space<vmem>> -> memref<1x1x4096xf32, #tpu.memory_space<vmem>>
        %gather3A_512 = tpu.memref_squeeze %gather3A_511 : memref<1x1x4096xf32, #tpu.memory_space<vmem>> -> memref<4096xf32, #tpu.memory_space<vmem>>
        %gather3A_513 = tpu.vector_load_idx %gather3A_512[%select_n3A_509] : memref<4096xf32, #tpu.memory_space<vmem>>[vector<16xi32>], vector<16xf32>,
        %mul3A_514 = arith.constant 64 : i32
        %mul3A_515 = arith.muli %scan3A_322, %mul3A_514 : i32
        %add3A_516 = arith.constant 32 : i32
        %add3A_517 = arith.addi %mul3A_515, %add3A_516 : i32
        %get3A_518 = arith.constant 0 : i32
        %get3A_519 = tpu.memref_slice %arg8[%scan3A_186, %scan3A_187, %get3A_518] : memref<2x4x4096xf32, #tpu.memory_space<vmem>> -> memref<1x1x4096xf32, #tpu.memory_space<vmem>>
        %get3A_520 = tpu.memref_squeeze %get3A_519 : memref<1x1x4096xf32, #tpu.memory_space<vmem>> -> memref<4096xf32, #tpu.memory_space<vmem>>
        %get3A_521 = arith.index_cast %add3A_517 : i32 to index
        %get3A_522 = tpu.vector_load %get3A_520[%get3A_521] {strides = array<i32>} : memref<4096xf32, #tpu.memory_space<vmem>>, vector<16xf32>,
        %sub3A_523 = arith.subf %gather3A_513, %get3A_522 : vector<16xf32>
        %mul3A_524 = arith.mulf %sub3A_523, %sub3A_523 : vector<16xf32>
        %add3A_525 = arith.addf %add3A_438, %mul3A_524 : vector<16xf32>
        %max3A_526 = arith.constant 9.99999971E-10 : f32
        %max3A_527 = vector.broadcast %max3A_526 : f32 to vector<16xf32>
        %max3A_528 = arith.maximumf %get3A_522, %max3A_527 : vector<16xf32>
        %div3A_529 = arith.divf %gather3A_513, %max3A_528 : vector<16xf32>
        %bitcast3A_530 = vector.bitcast %div3A_529 : vector<16xf32> to vector<16xi32>
        %shift_right_arithmetic3A_531 = arith.constant 23 : i32
        %shift_right_arithmetic3A_532 = vector.broadcast %shift_right_arithmetic3A_531 : i32 to vector<16xi32>
        %shift_right_arithmetic3A_533 = arith.shrsi %bitcast3A_530, %shift_right_arithmetic3A_532 : vector<16xi32>
        %sub3A_534 = arith.constant 127 : i32
        %sub3A_535 = vector.broadcast %sub3A_534 : i32 to vector<16xi32>
        %sub3A_536 = arith.subi %shift_right_arithmetic3A_533, %sub3A_535 : vector<16xi32>
        %and3A_537 = arith.constant 8388607 : i32
        %and3A_538 = vector.broadcast %and3A_537 : i32 to vector<16xi32>
        %and3A_539 = arith.andi %bitcast3A_530, %and3A_538 : vector<16xi32>
        %or3A_540 = arith.constant 1065353216 : i32
        %or3A_541 = vector.broadcast %or3A_540 : i32 to vector<16xi32>
        %or3A_542 = arith.ori %and3A_539, %or3A_541 : vector<16xi32>
        %bitcast3A_543 = vector.bitcast %or3A_542 : vector<16xi32> to vector<16xf32>
        %sub3A_544 = arith.constant 1.000000e+00 : f32
        %sub3A_545 = vector.broadcast %sub3A_544 : f32 to vector<16xf32>
        %sub3A_546 = arith.subf %bitcast3A_543, %sub3A_545 : vector<16xf32>
        %add3A_547 = arith.constant 1.000000e+00 : f32
        %add3A_548 = vector.broadcast %add3A_547 : f32 to vector<16xf32>
        %add3A_549 = arith.addf %bitcast3A_543, %add3A_548 : vector<16xf32>
        %div3A_550 = arith.divf %sub3A_546, %add3A_549 : vector<16xf32>
        %mul3A_551 = arith.mulf %div3A_550, %div3A_550 : vector<16xf32>
        %mul3A_552 = arith.constant 0.222222224 : f32
        %mul3A_553 = vector.broadcast %mul3A_552 : f32 to vector<16xf32>
        %mul3A_554 = arith.mulf %mul3A_551, %mul3A_553 : vector<16xf32>
        %add3A_555 = arith.constant 0.285714298 : f32
        %add3A_556 = vector.broadcast %add3A_555 : f32 to vector<16xf32>
        %add3A_557 = arith.addf %add3A_556, %mul3A_554 : vector<16xf32>
        %mul3A_558 = arith.mulf %mul3A_551, %add3A_557 : vector<16xf32>
        %add3A_559 = arith.constant 4.000000e-01 : f32
        %add3A_560 = vector.broadcast %add3A_559 : f32 to vector<16xf32>
        %add3A_561 = arith.addf %add3A_560, %mul3A_558 : vector<16xf32>
        %mul3A_562 = arith.mulf %mul3A_551, %add3A_561 : vector<16xf32>
        %add3A_563 = arith.constant 0.666666686 : f32
        %add3A_564 = vector.broadcast %add3A_563 : f32 to vector<16xf32>
        %add3A_565 = arith.addf %add3A_564, %mul3A_562 : vector<16xf32>
        %mul3A_566 = arith.mulf %mul3A_551, %add3A_565 : vector<16xf32>
        %add3A_567 = arith.constant 2.000000e+00 : f32
        %add3A_568 = vector.broadcast %add3A_567 : f32 to vector<16xf32>
        %add3A_569 = arith.addf %add3A_568, %mul3A_566 : vector<16xf32>
        %mul3A_570 = arith.mulf %div3A_550, %add3A_569 : vector<16xf32>
        %convert_element_type3A_571 = arith.sitofp %sub3A_536 : vector<16xi32> to vector<16xf32>
        %mul3A_572 = arith.constant 0.693147182 : f32
        %mul3A_573 = vector.broadcast %mul3A_572 : f32 to vector<16xf32>
        %mul3A_574 = arith.mulf %convert_element_type3A_571, %mul3A_573 : vector<16xf32>
        %add3A_575 = arith.addf %mul3A_570, %mul3A_574 : vector<16xf32>
        %mul3A_576 = arith.mulf %gather3A_513, %add3A_575 : vector<16xf32>
        %add3A_577 = arith.addf %add3A_490, %mul3A_576 : vector<16xf32>
        %add3A_578 = arith.constant 48 : i32
        %add3A_579 = vector.broadcast %add3A_578 : i32 to vector<16xi32>
        %add3A_580 = arith.addi %add3A_579, %iota3A_174 : vector<16xi32>
        %mul3A_581 = arith.constant 64 : i32
        %mul3A_582 = arith.muli %scan3A_322, %mul3A_581 : i32
        %add3A_583 = vector.broadcast %mul3A_582 : i32 to vector<16xi32>
        %add3A_584 = arith.addi %add3A_583, %add3A_580 : vector<16xi32>
        %add3A_585 = arith.constant 4032 : i32
        %add3A_586 = arith.addi %add3A_585, %scan3A_322 : i32
        %mul3A_587 = arith.constant 64 : i32
        %mul3A_588 = vector.broadcast %mul3A_587 : i32 to vector<16xi32>
        %mul3A_589 = arith.muli %add3A_580, %mul3A_588 : vector<16xi32>
        %sub3A_590 = vector.broadcast %add3A_586 : i32 to vector<16xi32>
        %sub3A_591 = arith.subi %sub3A_590, %mul3A_589 : vector<16xi32>
        %select_n3A_592 = arith.select %eq3A_180, %sub3A_591, %add3A_584 : vector<16xi1>, vector<16xi32>
        %sub3A_593 = arith.constant 4095 : i32
        %sub3A_594 = vector.broadcast %sub3A_593 : i32 to vector<16xi32>
        %sub3A_595 = arith.subi %sub3A_594, %select_n3A_592 : vector<16xi32>
        %select_n3A_596 = arith.select %ge3A_183, %sub3A_595, %select_n3A_592 : vector<16xi1>, vector<16xi32>
        %gather3A_597 = arith.constant 0 : i32
        %gather3A_598 = tpu.memref_slice %arg7[%scan3A_184, %scan3A_185, %gather3A_597] : memref<2x4x4096xf32, #tpu.memory_space<vmem>> -> memref<1x1x4096xf32, #tpu.memory_space<vmem>>
        %gather3A_599 = tpu.memref_squeeze %gather3A_598 : memref<1x1x4096xf32, #tpu.memory_space<vmem>> -> memref<4096xf32, #tpu.memory_space<vmem>>
        %gather3A_600 = tpu.vector_load_idx %gather3A_599[%select_n3A_596] : memref<4096xf32, #tpu.memory_space<vmem>>[vector<16xi32>], vector<16xf32>,
        %mul3A_601 = arith.constant 64 : i32
        %mul3A_602 = arith.muli %scan3A_322, %mul3A_601 : i32
        %add3A_603 = arith.constant 48 : i32
        %add3A_604 = arith.addi %mul3A_602, %add3A_603 : i32
        %get3A_605 = arith.constant 0 : i32
        %get3A_606 = tpu.memref_slice %arg8[%scan3A_186, %scan3A_187, %get3A_605] : memref<2x4x4096xf32, #tpu.memory_space<vmem>> -> memref<1x1x4096xf32, #tpu.memory_space<vmem>>
        %get3A_607 = tpu.memref_squeeze %get3A_606 : memref<1x1x4096xf32, #tpu.memory_space<vmem>> -> memref<4096xf32, #tpu.memory_space<vmem>>
        %get3A_608 = arith.index_cast %add3A_604 : i32 to index
        %get3A_609 = tpu.vector_load %get3A_607[%get3A_608] {strides = array<i32>} : memref<4096xf32, #tpu.memory_space<vmem>>, vector<16xf32>,
        %sub3A_610 = arith.subf %gather3A_600, %get3A_609 : vector<16xf32>
        %mul3A_611 = arith.mulf %sub3A_610, %sub3A_610 : vector<16xf32>
        %add3A_612 = arith.addf %add3A_525, %mul3A_611 : vector<16xf32>
        %max3A_613 = arith.constant 9.99999971E-10 : f32
        %max3A_614 = vector.broadcast %max3A_613 : f32 to vector<16xf32>
        %max3A_615 = arith.maximumf %get3A_609, %max3A_614 : vector<16xf32>
        %div3A_616 = arith.divf %gather3A_600, %max3A_615 : vector<16xf32>
        %bitcast3A_617 = vector.bitcast %div3A_616 : vector<16xf32> to vector<16xi32>
        %shift_right_arithmetic3A_618 = arith.constant 23 : i32
        %shift_right_arithmetic3A_619 = vector.broadcast %shift_right_arithmetic3A_618 : i32 to vector<16xi32>
        %shift_right_arithmetic3A_620 = arith.shrsi %bitcast3A_617, %shift_right_arithmetic3A_619 : vector<16xi32>
        %sub3A_621 = arith.constant 127 : i32
        %sub3A_622 = vector.broadcast %sub3A_621 : i32 to vector<16xi32>
        %sub3A_623 = arith.subi %shift_right_arithmetic3A_620, %sub3A_622 : vector<16xi32>
        %and3A_624 = arith.constant 8388607 : i32
        %and3A_625 = vector.broadcast %and3A_624 : i32 to vector<16xi32>
        %and3A_626 = arith.andi %bitcast3A_617, %and3A_625 : vector<16xi32>
        %or3A_627 = arith.constant 1065353216 : i32
        %or3A_628 = vector.broadcast %or3A_627 : i32 to vector<16xi32>
        %or3A_629 = arith.ori %and3A_626, %or3A_628 : vector<16xi32>
        %bitcast3A_630 = vector.bitcast %or3A_629 : vector<16xi32> to vector<16xf32>
        %sub3A_631 = arith.constant 1.000000e+00 : f32
        %sub3A_632 = vector.broadcast %sub3A_631 : f32 to vector<16xf32>
        %sub3A_633 = arith.subf %bitcast3A_630, %sub3A_632 : vector<16xf32>
        %add3A_634 = arith.constant 1.000000e+00 : f32
        %add3A_635 = vector.broadcast %add3A_634 : f32 to vector<16xf32>
        %add3A_636 = arith.addf %bitcast3A_630, %add3A_635 : vector<16xf32>
        %div3A_637 = arith.divf %sub3A_633, %add3A_636 : vector<16xf32>
        %mul3A_638 = arith.mulf %div3A_637, %div3A_637 : vector<16xf32>
        %mul3A_639 = arith.constant 0.222222224 : f32
        %mul3A_640 = vector.broadcast %mul3A_639 : f32 to vector<16xf32>
        %mul3A_641 = arith.mulf %mul3A_638, %mul3A_640 : vector<16xf32>
        %add3A_642 = arith.constant 0.285714298 : f32
        %add3A_643 = vector.broadcast %add3A_642 : f32 to vector<16xf32>
        %add3A_644 = arith.addf %add3A_643, %mul3A_641 : vector<16xf32>
        %mul3A_645 = arith.mulf %mul3A_638, %add3A_644 : vector<16xf32>
        %add3A_646 = arith.constant 4.000000e-01 : f32
        %add3A_647 = vector.broadcast %add3A_646 : f32 to vector<16xf32>
        %add3A_648 = arith.addf %add3A_647, %mul3A_645 : vector<16xf32>
        %mul3A_649 = arith.mulf %mul3A_638, %add3A_648 : vector<16xf32>
        %add3A_650 = arith.constant 0.666666686 : f32
        %add3A_651 = vector.broadcast %add3A_650 : f32 to vector<16xf32>
        %add3A_652 = arith.addf %add3A_651, %mul3A_649 : vector<16xf32>
        %mul3A_653 = arith.mulf %mul3A_638, %add3A_652 : vector<16xf32>
        %add3A_654 = arith.constant 2.000000e+00 : f32
        %add3A_655 = vector.broadcast %add3A_654 : f32 to vector<16xf32>
        %add3A_656 = arith.addf %add3A_655, %mul3A_653 : vector<16xf32>
        %mul3A_657 = arith.mulf %div3A_637, %add3A_656 : vector<16xf32>
        %convert_element_type3A_658 = arith.sitofp %sub3A_623 : vector<16xi32> to vector<16xf32>
        %mul3A_659 = arith.constant 0.693147182 : f32
        %mul3A_660 = vector.broadcast %mul3A_659 : f32 to vector<16xf32>
        %mul3A_661 = arith.mulf %convert_element_type3A_658, %mul3A_660 : vector<16xf32>
        %add3A_662 = arith.addf %mul3A_657, %mul3A_661 : vector<16xf32>
        %mul3A_663 = arith.mulf %gather3A_600, %add3A_662 : vector<16xf32>
        %add3A_664 = arith.addf %add3A_577, %mul3A_663 : vector<16xf32>
        scf.yield %add3A_612, %add3A_664 : vector<16xf32>, vector<16xf32>
      }
      %scan3A_193 = arith.constant 64 : i32
      %add3A_194 = arith.constant 2 : i32
      %add3A_195 = arith.addi %add3A_86, %add3A_194 : i32
      %lt3A = arith.constant 12 : i32
      %lt3A_196 = arith.cmpi slt, %add3A_195, %lt3A : i32
      %convert_element_type3A = arith.extui %lt3A_196 : i1 to i32
      %cond3A = arith.constant 0 : i32
      %cond3A_197 = arith.cmpi ne, %convert_element_type3A, %cond3A : i32
      scf.if %cond3A_197 {
        %add3A_322 = arith.constant 2 : i32
        %add3A_323 = arith.addi %add3A_86, %add3A_322 : i32
        %mul3A_324 = arith.constant 4 : i32
        %mul3A_325 = arith.muli %add3A_323, %mul3A_324 : i32
        %add3A_326 = arith.addi %mul3A_4, %mul3A_325 : i32
        %dma_start3A_327 = arith.constant 0 : i32
        %dma_start3A_328 = arith.constant 0 : i32
        %dma_start3A_329 = arith.constant 0 : i32
        %dma_start3A_330 = tpu.memref_slice %arg7[%dma_start3A_327, %dma_start3A_328, %dma_start3A_329] : memref<2x4x4096xf32, #tpu.memory_space<vmem>> -> memref<1x4x4096xf32, #tpu.memory_space<vmem>>
        %dma_start3A_331 = tpu.memref_squeeze %dma_start3A_330 : memref<1x4x4096xf32, #tpu.memory_space<vmem>> -> memref<4x4096xf32, #tpu.memory_space<vmem>>
        %dma_start3A_332 = arith.constant 0 : i32
        %dma_start3A_333 = tpu.memref_slice %arg2[%add3A_326, %dma_start3A_332] : memref<1536x4096xf32, #tpu.memory_space<hbm>> -> memref<4x4096xf32, #tpu.memory_space<hbm>>
        %dma_start3A_334 = arith.constant 0 : i32
        %dma_start3A_335 = arith.constant 0 : i32
        %dma_start3A_336 = tpu.memref_slice %arg7[%dma_start3A_327, %dma_start3A_334, %dma_start3A_335] : memref<2x4x4096xf32, #tpu.memory_space<vmem>> -> memref<1x4x4096xf32, #tpu.memory_space<vmem>>
        %dma_start3A_337 = tpu.memref_squeeze %dma_start3A_336 : memref<1x4x4096xf32, #tpu.memory_space<vmem>> -> memref<4x4096xf32, #tpu.memory_space<vmem>>
        %dma_start3A_338 = arith.constant 0 : i32
        %dma_start3A_339 = tpu.memref_slice %arg2[%add3A_326, %dma_start3A_338] : memref<1536x4096xf32, #tpu.memory_space<hbm>> -> memref<4x4096xf32, #tpu.memory_space<hbm>>
        tpu.enqueue_dma source(%dma_start3A_339 : memref<4x4096xf32, #tpu.memory_space<hbm>>) target(%dma_start3A_337 : memref<4x4096xf32, #tpu.memory_space<vmem>>) target_semaphore(%arg10 : memref<!tpu.dma_semaphore, #tpu.memory_space<semaphore_mem>>)
        %dma_start3A_340 = arith.constant 0 : i32
        %dma_start3A_341 = arith.constant 0 : i32
        %dma_start3A_342 = arith.constant 0 : i32
        %dma_start3A_343 = tpu.memref_slice %arg8[%dma_start3A_340, %dma_start3A_341, %dma_start3A_342] : memref<2x4x4096xf32, #tpu.memory_space<vmem>> -> memref<1x4x4096xf32, #tpu.memory_space<vmem>>
        %dma_start3A_344 = tpu.memref_squeeze %dma_start3A_343 : memref<1x4x4096xf32, #tpu.memory_space<vmem>> -> memref<4x4096xf32, #tpu.memory_space<vmem>>
        %dma_start3A_345 = arith.constant 0 : i32
        %dma_start3A_346 = tpu.memref_slice %arg3[%add3A_326, %dma_start3A_345] : memref<1536x4096xf32, #tpu.memory_space<hbm>> -> memref<4x4096xf32, #tpu.memory_space<hbm>>
        %dma_start3A_347 = arith.constant 0 : i32
        %dma_start3A_348 = arith.constant 0 : i32
        %dma_start3A_349 = tpu.memref_slice %arg8[%dma_start3A_340, %dma_start3A_347, %dma_start3A_348] : memref<2x4x4096xf32, #tpu.memory_space<vmem>> -> memref<1x4x4096xf32, #tpu.memory_space<vmem>>
        %dma_start3A_350 = tpu.memref_squeeze %dma_start3A_349 : memref<1x4x4096xf32, #tpu.memory_space<vmem>> -> memref<4x4096xf32, #tpu.memory_space<vmem>>
        %dma_start3A_351 = arith.constant 0 : i32
        %dma_start3A_352 = tpu.memref_slice %arg3[%add3A_326, %dma_start3A_351] : memref<1536x4096xf32, #tpu.memory_space<hbm>> -> memref<4x4096xf32, #tpu.memory_space<hbm>>
        tpu.enqueue_dma source(%dma_start3A_352 : memref<4x4096xf32, #tpu.memory_space<hbm>>) target(%dma_start3A_350 : memref<4x4096xf32, #tpu.memory_space<vmem>>) target_semaphore(%arg11 : memref<!tpu.dma_semaphore, #tpu.memory_space<semaphore_mem>>)
      } else {
      }
      %mul3A_198 = arith.constant 2 : i32
      %mul3A_199 = arith.muli %mul3A_198, %scan3A_80 : i32
      %add3A_200 = arith.constant 1 : i32
      %add3A_201 = arith.addi %mul3A_199, %add3A_200 : i32
      %dma_wait3A_202 = arith.constant 1 : i32
      %dma_wait3A_203 = arith.constant 0 : i32
      %dma_wait3A_204 = arith.constant 0 : i32
      %dma_wait3A_205 = tpu.memref_slice %arg7[%dma_wait3A_202, %dma_wait3A_203, %dma_wait3A_204] : memref<2x4x4096xf32, #tpu.memory_space<vmem>> -> memref<1x4x4096xf32, #tpu.memory_space<vmem>>
      %dma_wait3A_206 = tpu.memref_squeeze %dma_wait3A_205 : memref<1x4x4096xf32, #tpu.memory_space<vmem>> -> memref<4x4096xf32, #tpu.memory_space<vmem>>
      %dma_wait3A_207 = arith.constant 0 : i32
      %dma_wait3A_208 = arith.constant 0 : i32
      %dma_wait3A_209 = tpu.memref_slice %arg2[%dma_wait3A_207, %dma_wait3A_208] : memref<1536x4096xf32, #tpu.memory_space<hbm>> -> memref<4x4096xf32, #tpu.memory_space<hbm>>
      %dma_wait3A_210 = arith.constant 0 : i32
      %dma_wait3A_211 = arith.constant 0 : i32
      %dma_wait3A_212 = tpu.memref_slice %arg7[%dma_wait3A_202, %dma_wait3A_210, %dma_wait3A_211] : memref<2x4x4096xf32, #tpu.memory_space<vmem>> -> memref<1x4x4096xf32, #tpu.memory_space<vmem>>
      %dma_wait3A_213 = tpu.memref_squeeze %dma_wait3A_212 : memref<1x4x4096xf32, #tpu.memory_space<vmem>> -> memref<4x4096xf32, #tpu.memory_space<vmem>>
      %dma_wait3A_214 = arith.constant 0 : i32
      %dma_wait3A_215 = arith.constant 0 : i32
      %dma_wait3A_216 = tpu.memref_slice %arg2[%dma_wait3A_214, %dma_wait3A_215] : memref<1536x4096xf32, #tpu.memory_space<hbm>> -> memref<4x4096xf32, #tpu.memory_space<hbm>>
      tpu.wait_dma2 semaphore(%arg10 : memref<!tpu.dma_semaphore, #tpu.memory_space<semaphore_mem>>) src(%dma_wait3A_216 : memref<4x4096xf32, #tpu.memory_space<hbm>>) dst(%dma_wait3A_213 : memref<4x4096xf32, #tpu.memory_space<vmem>>)
      %dma_wait3A_217 = arith.constant 1 : i32
      %dma_wait3A_218 = arith.constant 0 : i32
      %dma_wait3A_219 = arith.constant 0 : i32
      %dma_wait3A_220 = tpu.memref_slice %arg8[%dma_wait3A_217, %dma_wait3A_218, %dma_wait3A_219] : memref<2x4x4096xf32, #tpu.memory_space<vmem>> -> memref<1x4x4096xf32, #tpu.memory_space<vmem>>
      %dma_wait3A_221 = tpu.memref_squeeze %dma_wait3A_220 : memref<1x4x4096xf32, #tpu.memory_space<vmem>> -> memref<4x4096xf32, #tpu.memory_space<vmem>>
      %dma_wait3A_222 = arith.constant 0 : i32
      %dma_wait3A_223 = arith.constant 0 : i32
      %dma_wait3A_224 = tpu.memref_slice %arg3[%dma_wait3A_222, %dma_wait3A_223] : memref<1536x4096xf32, #tpu.memory_space<hbm>> -> memref<4x4096xf32, #tpu.memory_space<hbm>>
      %dma_wait3A_225 = arith.constant 0 : i32
      %dma_wait3A_226 = arith.constant 0 : i32
      %dma_wait3A_227 = tpu.memref_slice %arg8[%dma_wait3A_217, %dma_wait3A_225, %dma_wait3A_226] : memref<2x4x4096xf32, #tpu.memory_space<vmem>> -> memref<1x4x4096xf32, #tpu.memory_space<vmem>>
      %dma_wait3A_228 = tpu.memref_squeeze %dma_wait3A_227 : memref<1x4x4096xf32, #tpu.memory_space<vmem>> -> memref<4x4096xf32, #tpu.memory_space<vmem>>
      %dma_wait3A_229 = arith.constant 0 : i32
      %dma_wait3A_230 = arith.constant 0 : i32
      %dma_wait3A_231 = tpu.memref_slice %arg3[%dma_wait3A_229, %dma_wait3A_230] : memref<1536x4096xf32, #tpu.memory_space<hbm>> -> memref<4x4096xf32, #tpu.memory_space<hbm>>
      tpu.wait_dma2 semaphore(%arg11 : memref<!tpu.dma_semaphore, #tpu.memory_space<semaphore_mem>>) src(%dma_wait3A_231 : memref<4x4096xf32, #tpu.memory_space<hbm>>) dst(%dma_wait3A_228 : memref<4x4096xf32, #tpu.memory_space<vmem>>)
      %get3A_232 = arith.index_cast %add3A_201 : i32 to index
      %get3A_233 = arith.constant 0 : index
      %get3A_234 = tpu.vector_load %arg9[%get3A_232, %get3A_233] {strides = array<i32>} : memref<12x16xi32, #tpu.memory_space<vmem>>, vector<16xi32>,
      %iota3A_235 = tpu.iota {dimensions = array<i32: 0>} : vector<16xi32>
      %and3A_236 = arith.constant 1 : i32
      %and3A_237 = vector.broadcast %and3A_236 : i32 to vector<16xi32>
      %and3A_238 = arith.andi %get3A_234, %and3A_237 : vector<16xi32>
      %eq3A_239 = arith.constant 1 : i32
      %eq3A_240 = vector.broadcast %eq3A_239 : i32 to vector<16xi32>
      %eq3A_241 = arith.cmpi eq, %and3A_238, %eq3A_240 : vector<16xi32>
      %ge3A_242 = arith.constant 2 : i32
      %ge3A_243 = vector.broadcast %ge3A_242 : i32 to vector<16xi32>
      %ge3A_244 = arith.cmpi sge, %get3A_234, %ge3A_243 : vector<16xi32>
      %scan3A_245 = arith.constant 1 : i32
      %scan3A_246 = arith.constant 0 : i32
      %scan3A_247 = arith.constant 1 : i32
      %scan3A_248 = arith.constant 0 : i32
      %scan3A_249 = arith.constant 0 : i32
      %scan3A_250 = arith.constant 64 : i32
      %scan3A_251 = arith.addi %scan3A_249, %scan3A_250 : i32
      %scan3A_252 = arith.constant 1 : i32
      %scan3A_253:2 = scf.for %scan3A_322 = %scan3A_249 to %scan3A_251 step %scan3A_252 iter_args(%scan3A_323 = %scan3A_192#0, %scan3A_324 = %scan3A_192#1) -> (vector<16xf32>, vector<16xf32>)  : i32 {
        %add3A_325 = arith.constant 0 : i32
        %add3A_326 = vector.broadcast %add3A_325 : i32 to vector<16xi32>
        %add3A_327 = arith.addi %add3A_326, %iota3A_235 : vector<16xi32>
        %mul3A_328 = arith.constant 64 : i32
        %mul3A_329 = arith.muli %scan3A_322, %mul3A_328 : i32
        %add3A_330 = vector.broadcast %mul3A_329 : i32 to vector<16xi32>
        %add3A_331 = arith.addi %add3A_330, %add3A_327 : vector<16xi32>
        %add3A_332 = arith.constant 4032 : i32
        %add3A_333 = arith.addi %add3A_332, %scan3A_322 : i32
        %mul3A_334 = arith.constant 64 : i32
        %mul3A_335 = vector.broadcast %mul3A_334 : i32 to vector<16xi32>
        %mul3A_336 = arith.muli %add3A_327, %mul3A_335 : vector<16xi32>
        %sub3A = vector.broadcast %add3A_333 : i32 to vector<16xi32>
        %sub3A_337 = arith.subi %sub3A, %mul3A_336 : vector<16xi32>
        %select_n3A = arith.select %eq3A_241, %sub3A_337, %add3A_331 : vector<16xi1>, vector<16xi32>
        %sub3A_338 = arith.constant 4095 : i32
        %sub3A_339 = vector.broadcast %sub3A_338 : i32 to vector<16xi32>
        %sub3A_340 = arith.subi %sub3A_339, %select_n3A : vector<16xi32>
        %select_n3A_341 = arith.select %ge3A_244, %sub3A_340, %select_n3A : vector<16xi1>, vector<16xi32>
        %gather3A = arith.constant 0 : i32
        %gather3A_342 = tpu.memref_slice %arg7[%scan3A_245, %scan3A_246, %gather3A] : memref<2x4x4096xf32, #tpu.memory_space<vmem>> -> memref<1x1x4096xf32, #tpu.memory_space<vmem>>
        %gather3A_343 = tpu.memref_squeeze %gather3A_342 : memref<1x1x4096xf32, #tpu.memory_space<vmem>> -> memref<4096xf32, #tpu.memory_space<vmem>>
        %gather3A_344 = tpu.vector_load_idx %gather3A_343[%select_n3A_341] : memref<4096xf32, #tpu.memory_space<vmem>>[vector<16xi32>], vector<16xf32>,
        %mul3A_345 = arith.constant 64 : i32
        %mul3A_346 = arith.muli %scan3A_322, %mul3A_345 : i32
        %add3A_347 = arith.constant 0 : i32
        %add3A_348 = arith.addi %mul3A_346, %add3A_347 : i32
        %get3A_349 = arith.constant 0 : i32
        %get3A_350 = tpu.memref_slice %arg8[%scan3A_247, %scan3A_248, %get3A_349] : memref<2x4x4096xf32, #tpu.memory_space<vmem>> -> memref<1x1x4096xf32, #tpu.memory_space<vmem>>
        %get3A_351 = tpu.memref_squeeze %get3A_350 : memref<1x1x4096xf32, #tpu.memory_space<vmem>> -> memref<4096xf32, #tpu.memory_space<vmem>>
        %get3A_352 = arith.index_cast %add3A_348 : i32 to index
        %get3A_353 = tpu.vector_load %get3A_351[%get3A_352] {strides = array<i32>} : memref<4096xf32, #tpu.memory_space<vmem>>, vector<16xf32>,
        %sub3A_354 = arith.subf %gather3A_344, %get3A_353 : vector<16xf32>
        %mul3A_355 = arith.mulf %sub3A_354, %sub3A_354 : vector<16xf32>
        %add3A_356 = arith.addf %scan3A_323, %mul3A_355 : vector<16xf32>
        %max3A = arith.constant 9.99999971E-10 : f32
        %max3A_357 = vector.broadcast %max3A : f32 to vector<16xf32>
        %max3A_358 = arith.maximumf %get3A_353, %max3A_357 : vector<16xf32>
        %div3A = arith.divf %gather3A_344, %max3A_358 : vector<16xf32>
        %bitcast3A = vector.bitcast %div3A : vector<16xf32> to vector<16xi32>
        %shift_right_arithmetic3A = arith.constant 23 : i32
        %shift_right_arithmetic3A_359 = vector.broadcast %shift_right_arithmetic3A : i32 to vector<16xi32>
        %shift_right_arithmetic3A_360 = arith.shrsi %bitcast3A, %shift_right_arithmetic3A_359 : vector<16xi32>
        %sub3A_361 = arith.constant 127 : i32
        %sub3A_362 = vector.broadcast %sub3A_361 : i32 to vector<16xi32>
        %sub3A_363 = arith.subi %shift_right_arithmetic3A_360, %sub3A_362 : vector<16xi32>
        %and3A_364 = arith.constant 8388607 : i32
        %and3A_365 = vector.broadcast %and3A_364 : i32 to vector<16xi32>
        %and3A_366 = arith.andi %bitcast3A, %and3A_365 : vector<16xi32>
        %or3A = arith.constant 1065353216 : i32
        %or3A_367 = vector.broadcast %or3A : i32 to vector<16xi32>
        %or3A_368 = arith.ori %and3A_366, %or3A_367 : vector<16xi32>
        %bitcast3A_369 = vector.bitcast %or3A_368 : vector<16xi32> to vector<16xf32>
        %sub3A_370 = arith.constant 1.000000e+00 : f32
        %sub3A_371 = vector.broadcast %sub3A_370 : f32 to vector<16xf32>
        %sub3A_372 = arith.subf %bitcast3A_369, %sub3A_371 : vector<16xf32>
        %add3A_373 = arith.constant 1.000000e+00 : f32
        %add3A_374 = vector.broadcast %add3A_373 : f32 to vector<16xf32>
        %add3A_375 = arith.addf %bitcast3A_369, %add3A_374 : vector<16xf32>
        %div3A_376 = arith.divf %sub3A_372, %add3A_375 : vector<16xf32>
        %mul3A_377 = arith.mulf %div3A_376, %div3A_376 : vector<16xf32>
        %mul3A_378 = arith.constant 0.222222224 : f32
        %mul3A_379 = vector.broadcast %mul3A_378 : f32 to vector<16xf32>
        %mul3A_380 = arith.mulf %mul3A_377, %mul3A_379 : vector<16xf32>
        %add3A_381 = arith.constant 0.285714298 : f32
        %add3A_382 = vector.broadcast %add3A_381 : f32 to vector<16xf32>
        %add3A_383 = arith.addf %add3A_382, %mul3A_380 : vector<16xf32>
        %mul3A_384 = arith.mulf %mul3A_377, %add3A_383 : vector<16xf32>
        %add3A_385 = arith.constant 4.000000e-01 : f32
        %add3A_386 = vector.broadcast %add3A_385 : f32 to vector<16xf32>
        %add3A_387 = arith.addf %add3A_386, %mul3A_384 : vector<16xf32>
        %mul3A_388 = arith.mulf %mul3A_377, %add3A_387 : vector<16xf32>
        %add3A_389 = arith.constant 0.666666686 : f32
        %add3A_390 = vector.broadcast %add3A_389 : f32 to vector<16xf32>
        %add3A_391 = arith.addf %add3A_390, %mul3A_388 : vector<16xf32>
        %mul3A_392 = arith.mulf %mul3A_377, %add3A_391 : vector<16xf32>
        %add3A_393 = arith.constant 2.000000e+00 : f32
        %add3A_394 = vector.broadcast %add3A_393 : f32 to vector<16xf32>
        %add3A_395 = arith.addf %add3A_394, %mul3A_392 : vector<16xf32>
        %mul3A_396 = arith.mulf %div3A_376, %add3A_395 : vector<16xf32>
        %convert_element_type3A_397 = arith.sitofp %sub3A_363 : vector<16xi32> to vector<16xf32>
        %mul3A_398 = arith.constant 0.693147182 : f32
        %mul3A_399 = vector.broadcast %mul3A_398 : f32 to vector<16xf32>
        %mul3A_400 = arith.mulf %convert_element_type3A_397, %mul3A_399 : vector<16xf32>
        %add3A_401 = arith.addf %mul3A_396, %mul3A_400 : vector<16xf32>
        %mul3A_402 = arith.mulf %gather3A_344, %add3A_401 : vector<16xf32>
        %add3A_403 = arith.addf %scan3A_324, %mul3A_402 : vector<16xf32>
        %add3A_404 = arith.constant 16 : i32
        %add3A_405 = vector.broadcast %add3A_404 : i32 to vector<16xi32>
        %add3A_406 = arith.addi %add3A_405, %iota3A_235 : vector<16xi32>
        %mul3A_407 = arith.constant 64 : i32
        %mul3A_408 = arith.muli %scan3A_322, %mul3A_407 : i32
        %add3A_409 = vector.broadcast %mul3A_408 : i32 to vector<16xi32>
        %add3A_410 = arith.addi %add3A_409, %add3A_406 : vector<16xi32>
        %add3A_411 = arith.constant 4032 : i32
        %add3A_412 = arith.addi %add3A_411, %scan3A_322 : i32
        %mul3A_413 = arith.constant 64 : i32
        %mul3A_414 = vector.broadcast %mul3A_413 : i32 to vector<16xi32>
        %mul3A_415 = arith.muli %add3A_406, %mul3A_414 : vector<16xi32>
        %sub3A_416 = vector.broadcast %add3A_412 : i32 to vector<16xi32>
        %sub3A_417 = arith.subi %sub3A_416, %mul3A_415 : vector<16xi32>
        %select_n3A_418 = arith.select %eq3A_241, %sub3A_417, %add3A_410 : vector<16xi1>, vector<16xi32>
        %sub3A_419 = arith.constant 4095 : i32
        %sub3A_420 = vector.broadcast %sub3A_419 : i32 to vector<16xi32>
        %sub3A_421 = arith.subi %sub3A_420, %select_n3A_418 : vector<16xi32>
        %select_n3A_422 = arith.select %ge3A_244, %sub3A_421, %select_n3A_418 : vector<16xi1>, vector<16xi32>
        %gather3A_423 = arith.constant 0 : i32
        %gather3A_424 = tpu.memref_slice %arg7[%scan3A_245, %scan3A_246, %gather3A_423] : memref<2x4x4096xf32, #tpu.memory_space<vmem>> -> memref<1x1x4096xf32, #tpu.memory_space<vmem>>
        %gather3A_425 = tpu.memref_squeeze %gather3A_424 : memref<1x1x4096xf32, #tpu.memory_space<vmem>> -> memref<4096xf32, #tpu.memory_space<vmem>>
        %gather3A_426 = tpu.vector_load_idx %gather3A_425[%select_n3A_422] : memref<4096xf32, #tpu.memory_space<vmem>>[vector<16xi32>], vector<16xf32>,
        %mul3A_427 = arith.constant 64 : i32
        %mul3A_428 = arith.muli %scan3A_322, %mul3A_427 : i32
        %add3A_429 = arith.constant 16 : i32
        %add3A_430 = arith.addi %mul3A_428, %add3A_429 : i32
        %get3A_431 = arith.constant 0 : i32
        %get3A_432 = tpu.memref_slice %arg8[%scan3A_247, %scan3A_248, %get3A_431] : memref<2x4x4096xf32, #tpu.memory_space<vmem>> -> memref<1x1x4096xf32, #tpu.memory_space<vmem>>
        %get3A_433 = tpu.memref_squeeze %get3A_432 : memref<1x1x4096xf32, #tpu.memory_space<vmem>> -> memref<4096xf32, #tpu.memory_space<vmem>>
        %get3A_434 = arith.index_cast %add3A_430 : i32 to index
        %get3A_435 = tpu.vector_load %get3A_433[%get3A_434] {strides = array<i32>} : memref<4096xf32, #tpu.memory_space<vmem>>, vector<16xf32>,
        %sub3A_436 = arith.subf %gather3A_426, %get3A_435 : vector<16xf32>
        %mul3A_437 = arith.mulf %sub3A_436, %sub3A_436 : vector<16xf32>
        %add3A_438 = arith.addf %add3A_356, %mul3A_437 : vector<16xf32>
        %max3A_439 = arith.constant 9.99999971E-10 : f32
        %max3A_440 = vector.broadcast %max3A_439 : f32 to vector<16xf32>
        %max3A_441 = arith.maximumf %get3A_435, %max3A_440 : vector<16xf32>
        %div3A_442 = arith.divf %gather3A_426, %max3A_441 : vector<16xf32>
        %bitcast3A_443 = vector.bitcast %div3A_442 : vector<16xf32> to vector<16xi32>
        %shift_right_arithmetic3A_444 = arith.constant 23 : i32
        %shift_right_arithmetic3A_445 = vector.broadcast %shift_right_arithmetic3A_444 : i32 to vector<16xi32>
        %shift_right_arithmetic3A_446 = arith.shrsi %bitcast3A_443, %shift_right_arithmetic3A_445 : vector<16xi32>
        %sub3A_447 = arith.constant 127 : i32
        %sub3A_448 = vector.broadcast %sub3A_447 : i32 to vector<16xi32>
        %sub3A_449 = arith.subi %shift_right_arithmetic3A_446, %sub3A_448 : vector<16xi32>
        %and3A_450 = arith.constant 8388607 : i32
        %and3A_451 = vector.broadcast %and3A_450 : i32 to vector<16xi32>
        %and3A_452 = arith.andi %bitcast3A_443, %and3A_451 : vector<16xi32>
        %or3A_453 = arith.constant 1065353216 : i32
        %or3A_454 = vector.broadcast %or3A_453 : i32 to vector<16xi32>
        %or3A_455 = arith.ori %and3A_452, %or3A_454 : vector<16xi32>
        %bitcast3A_456 = vector.bitcast %or3A_455 : vector<16xi32> to vector<16xf32>
        %sub3A_457 = arith.constant 1.000000e+00 : f32
        %sub3A_458 = vector.broadcast %sub3A_457 : f32 to vector<16xf32>
        %sub3A_459 = arith.subf %bitcast3A_456, %sub3A_458 : vector<16xf32>
        %add3A_460 = arith.constant 1.000000e+00 : f32
        %add3A_461 = vector.broadcast %add3A_460 : f32 to vector<16xf32>
        %add3A_462 = arith.addf %bitcast3A_456, %add3A_461 : vector<16xf32>
        %div3A_463 = arith.divf %sub3A_459, %add3A_462 : vector<16xf32>
        %mul3A_464 = arith.mulf %div3A_463, %div3A_463 : vector<16xf32>
        %mul3A_465 = arith.constant 0.222222224 : f32
        %mul3A_466 = vector.broadcast %mul3A_465 : f32 to vector<16xf32>
        %mul3A_467 = arith.mulf %mul3A_464, %mul3A_466 : vector<16xf32>
        %add3A_468 = arith.constant 0.285714298 : f32
        %add3A_469 = vector.broadcast %add3A_468 : f32 to vector<16xf32>
        %add3A_470 = arith.addf %add3A_469, %mul3A_467 : vector<16xf32>
        %mul3A_471 = arith.mulf %mul3A_464, %add3A_470 : vector<16xf32>
        %add3A_472 = arith.constant 4.000000e-01 : f32
        %add3A_473 = vector.broadcast %add3A_472 : f32 to vector<16xf32>
        %add3A_474 = arith.addf %add3A_473, %mul3A_471 : vector<16xf32>
        %mul3A_475 = arith.mulf %mul3A_464, %add3A_474 : vector<16xf32>
        %add3A_476 = arith.constant 0.666666686 : f32
        %add3A_477 = vector.broadcast %add3A_476 : f32 to vector<16xf32>
        %add3A_478 = arith.addf %add3A_477, %mul3A_475 : vector<16xf32>
        %mul3A_479 = arith.mulf %mul3A_464, %add3A_478 : vector<16xf32>
        %add3A_480 = arith.constant 2.000000e+00 : f32
        %add3A_481 = vector.broadcast %add3A_480 : f32 to vector<16xf32>
        %add3A_482 = arith.addf %add3A_481, %mul3A_479 : vector<16xf32>
        %mul3A_483 = arith.mulf %div3A_463, %add3A_482 : vector<16xf32>
        %convert_element_type3A_484 = arith.sitofp %sub3A_449 : vector<16xi32> to vector<16xf32>
        %mul3A_485 = arith.constant 0.693147182 : f32
        %mul3A_486 = vector.broadcast %mul3A_485 : f32 to vector<16xf32>
        %mul3A_487 = arith.mulf %convert_element_type3A_484, %mul3A_486 : vector<16xf32>
        %add3A_488 = arith.addf %mul3A_483, %mul3A_487 : vector<16xf32>
        %mul3A_489 = arith.mulf %gather3A_426, %add3A_488 : vector<16xf32>
        %add3A_490 = arith.addf %add3A_403, %mul3A_489 : vector<16xf32>
        %add3A_491 = arith.constant 32 : i32
        %add3A_492 = vector.broadcast %add3A_491 : i32 to vector<16xi32>
        %add3A_493 = arith.addi %add3A_492, %iota3A_235 : vector<16xi32>
        %mul3A_494 = arith.constant 64 : i32
        %mul3A_495 = arith.muli %scan3A_322, %mul3A_494 : i32
        %add3A_496 = vector.broadcast %mul3A_495 : i32 to vector<16xi32>
        %add3A_497 = arith.addi %add3A_496, %add3A_493 : vector<16xi32>
        %add3A_498 = arith.constant 4032 : i32
        %add3A_499 = arith.addi %add3A_498, %scan3A_322 : i32
        %mul3A_500 = arith.constant 64 : i32
        %mul3A_501 = vector.broadcast %mul3A_500 : i32 to vector<16xi32>
        %mul3A_502 = arith.muli %add3A_493, %mul3A_501 : vector<16xi32>
        %sub3A_503 = vector.broadcast %add3A_499 : i32 to vector<16xi32>
        %sub3A_504 = arith.subi %sub3A_503, %mul3A_502 : vector<16xi32>
        %select_n3A_505 = arith.select %eq3A_241, %sub3A_504, %add3A_497 : vector<16xi1>, vector<16xi32>
        %sub3A_506 = arith.constant 4095 : i32
        %sub3A_507 = vector.broadcast %sub3A_506 : i32 to vector<16xi32>
        %sub3A_508 = arith.subi %sub3A_507, %select_n3A_505 : vector<16xi32>
        %select_n3A_509 = arith.select %ge3A_244, %sub3A_508, %select_n3A_505 : vector<16xi1>, vector<16xi32>
        %gather3A_510 = arith.constant 0 : i32
        %gather3A_511 = tpu.memref_slice %arg7[%scan3A_245, %scan3A_246, %gather3A_510] : memref<2x4x4096xf32, #tpu.memory_space<vmem>> -> memref<1x1x4096xf32, #tpu.memory_space<vmem>>
        %gather3A_512 = tpu.memref_squeeze %gather3A_511 : memref<1x1x4096xf32, #tpu.memory_space<vmem>> -> memref<4096xf32, #tpu.memory_space<vmem>>
        %gather3A_513 = tpu.vector_load_idx %gather3A_512[%select_n3A_509] : memref<4096xf32, #tpu.memory_space<vmem>>[vector<16xi32>], vector<16xf32>,
        %mul3A_514 = arith.constant 64 : i32
        %mul3A_515 = arith.muli %scan3A_322, %mul3A_514 : i32
        %add3A_516 = arith.constant 32 : i32
        %add3A_517 = arith.addi %mul3A_515, %add3A_516 : i32
        %get3A_518 = arith.constant 0 : i32
        %get3A_519 = tpu.memref_slice %arg8[%scan3A_247, %scan3A_248, %get3A_518] : memref<2x4x4096xf32, #tpu.memory_space<vmem>> -> memref<1x1x4096xf32, #tpu.memory_space<vmem>>
        %get3A_520 = tpu.memref_squeeze %get3A_519 : memref<1x1x4096xf32, #tpu.memory_space<vmem>> -> memref<4096xf32, #tpu.memory_space<vmem>>
        %get3A_521 = arith.index_cast %add3A_517 : i32 to index
        %get3A_522 = tpu.vector_load %get3A_520[%get3A_521] {strides = array<i32>} : memref<4096xf32, #tpu.memory_space<vmem>>, vector<16xf32>,
        %sub3A_523 = arith.subf %gather3A_513, %get3A_522 : vector<16xf32>
        %mul3A_524 = arith.mulf %sub3A_523, %sub3A_523 : vector<16xf32>
        %add3A_525 = arith.addf %add3A_438, %mul3A_524 : vector<16xf32>
        %max3A_526 = arith.constant 9.99999971E-10 : f32
        %max3A_527 = vector.broadcast %max3A_526 : f32 to vector<16xf32>
        %max3A_528 = arith.maximumf %get3A_522, %max3A_527 : vector<16xf32>
        %div3A_529 = arith.divf %gather3A_513, %max3A_528 : vector<16xf32>
        %bitcast3A_530 = vector.bitcast %div3A_529 : vector<16xf32> to vector<16xi32>
        %shift_right_arithmetic3A_531 = arith.constant 23 : i32
        %shift_right_arithmetic3A_532 = vector.broadcast %shift_right_arithmetic3A_531 : i32 to vector<16xi32>
        %shift_right_arithmetic3A_533 = arith.shrsi %bitcast3A_530, %shift_right_arithmetic3A_532 : vector<16xi32>
        %sub3A_534 = arith.constant 127 : i32
        %sub3A_535 = vector.broadcast %sub3A_534 : i32 to vector<16xi32>
        %sub3A_536 = arith.subi %shift_right_arithmetic3A_533, %sub3A_535 : vector<16xi32>
        %and3A_537 = arith.constant 8388607 : i32
        %and3A_538 = vector.broadcast %and3A_537 : i32 to vector<16xi32>
        %and3A_539 = arith.andi %bitcast3A_530, %and3A_538 : vector<16xi32>
        %or3A_540 = arith.constant 1065353216 : i32
        %or3A_541 = vector.broadcast %or3A_540 : i32 to vector<16xi32>
        %or3A_542 = arith.ori %and3A_539, %or3A_541 : vector<16xi32>
        %bitcast3A_543 = vector.bitcast %or3A_542 : vector<16xi32> to vector<16xf32>
        %sub3A_544 = arith.constant 1.000000e+00 : f32
        %sub3A_545 = vector.broadcast %sub3A_544 : f32 to vector<16xf32>
        %sub3A_546 = arith.subf %bitcast3A_543, %sub3A_545 : vector<16xf32>
        %add3A_547 = arith.constant 1.000000e+00 : f32
        %add3A_548 = vector.broadcast %add3A_547 : f32 to vector<16xf32>
        %add3A_549 = arith.addf %bitcast3A_543, %add3A_548 : vector<16xf32>
        %div3A_550 = arith.divf %sub3A_546, %add3A_549 : vector<16xf32>
        %mul3A_551 = arith.mulf %div3A_550, %div3A_550 : vector<16xf32>
        %mul3A_552 = arith.constant 0.222222224 : f32
        %mul3A_553 = vector.broadcast %mul3A_552 : f32 to vector<16xf32>
        %mul3A_554 = arith.mulf %mul3A_551, %mul3A_553 : vector<16xf32>
        %add3A_555 = arith.constant 0.285714298 : f32
        %add3A_556 = vector.broadcast %add3A_555 : f32 to vector<16xf32>
        %add3A_557 = arith.addf %add3A_556, %mul3A_554 : vector<16xf32>
        %mul3A_558 = arith.mulf %mul3A_551, %add3A_557 : vector<16xf32>
        %add3A_559 = arith.constant 4.000000e-01 : f32
        %add3A_560 = vector.broadcast %add3A_559 : f32 to vector<16xf32>
        %add3A_561 = arith.addf %add3A_560, %mul3A_558 : vector<16xf32>
        %mul3A_562 = arith.mulf %mul3A_551, %add3A_561 : vector<16xf32>
        %add3A_563 = arith.constant 0.666666686 : f32
        %add3A_564 = vector.broadcast %add3A_563 : f32 to vector<16xf32>
        %add3A_565 = arith.addf %add3A_564, %mul3A_562 : vector<16xf32>
        %mul3A_566 = arith.mulf %mul3A_551, %add3A_565 : vector<16xf32>
        %add3A_567 = arith.constant 2.000000e+00 : f32
        %add3A_568 = vector.broadcast %add3A_567 : f32 to vector<16xf32>
        %add3A_569 = arith.addf %add3A_568, %mul3A_566 : vector<16xf32>
        %mul3A_570 = arith.mulf %div3A_550, %add3A_569 : vector<16xf32>
        %convert_element_type3A_571 = arith.sitofp %sub3A_536 : vector<16xi32> to vector<16xf32>
        %mul3A_572 = arith.constant 0.693147182 : f32
        %mul3A_573 = vector.broadcast %mul3A_572 : f32 to vector<16xf32>
        %mul3A_574 = arith.mulf %convert_element_type3A_571, %mul3A_573 : vector<16xf32>
        %add3A_575 = arith.addf %mul3A_570, %mul3A_574 : vector<16xf32>
        %mul3A_576 = arith.mulf %gather3A_513, %add3A_575 : vector<16xf32>
        %add3A_577 = arith.addf %add3A_490, %mul3A_576 : vector<16xf32>
        %add3A_578 = arith.constant 48 : i32
        %add3A_579 = vector.broadcast %add3A_578 : i32 to vector<16xi32>
        %add3A_580 = arith.addi %add3A_579, %iota3A_235 : vector<16xi32>
        %mul3A_581 = arith.constant 64 : i32
        %mul3A_582 = arith.muli %scan3A_322, %mul3A_581 : i32
        %add3A_583 = vector.broadcast %mul3A_582 : i32 to vector<16xi32>
        %add3A_584 = arith.addi %add3A_583, %add3A_580 : vector<16xi32>
        %add3A_585 = arith.constant 4032 : i32
        %add3A_586 = arith.addi %add3A_585, %scan3A_322 : i32
        %mul3A_587 = arith.constant 64 : i32
        %mul3A_588 = vector.broadcast %mul3A_587 : i32 to vector<16xi32>
        %mul3A_589 = arith.muli %add3A_580, %mul3A_588 : vector<16xi32>
        %sub3A_590 = vector.broadcast %add3A_586 : i32 to vector<16xi32>
        %sub3A_591 = arith.subi %sub3A_590, %mul3A_589 : vector<16xi32>
        %select_n3A_592 = arith.select %eq3A_241, %sub3A_591, %add3A_584 : vector<16xi1>, vector<16xi32>
        %sub3A_593 = arith.constant 4095 : i32
        %sub3A_594 = vector.broadcast %sub3A_593 : i32 to vector<16xi32>
        %sub3A_595 = arith.subi %sub3A_594, %select_n3A_592 : vector<16xi32>
        %select_n3A_596 = arith.select %ge3A_244, %sub3A_595, %select_n3A_592 : vector<16xi1>, vector<16xi32>
        %gather3A_597 = arith.constant 0 : i32
        %gather3A_598 = tpu.memref_slice %arg7[%scan3A_245, %scan3A_246, %gather3A_597] : memref<2x4x4096xf32, #tpu.memory_space<vmem>> -> memref<1x1x4096xf32, #tpu.memory_space<vmem>>
        %gather3A_599 = tpu.memref_squeeze %gather3A_598 : memref<1x1x4096xf32, #tpu.memory_space<vmem>> -> memref<4096xf32, #tpu.memory_space<vmem>>
        %gather3A_600 = tpu.vector_load_idx %gather3A_599[%select_n3A_596] : memref<4096xf32, #tpu.memory_space<vmem>>[vector<16xi32>], vector<16xf32>,
        %mul3A_601 = arith.constant 64 : i32
        %mul3A_602 = arith.muli %scan3A_322, %mul3A_601 : i32
        %add3A_603 = arith.constant 48 : i32
        %add3A_604 = arith.addi %mul3A_602, %add3A_603 : i32
        %get3A_605 = arith.constant 0 : i32
        %get3A_606 = tpu.memref_slice %arg8[%scan3A_247, %scan3A_248, %get3A_605] : memref<2x4x4096xf32, #tpu.memory_space<vmem>> -> memref<1x1x4096xf32, #tpu.memory_space<vmem>>
        %get3A_607 = tpu.memref_squeeze %get3A_606 : memref<1x1x4096xf32, #tpu.memory_space<vmem>> -> memref<4096xf32, #tpu.memory_space<vmem>>
        %get3A_608 = arith.index_cast %add3A_604 : i32 to index
        %get3A_609 = tpu.vector_load %get3A_607[%get3A_608] {strides = array<i32>} : memref<4096xf32, #tpu.memory_space<vmem>>, vector<16xf32>,
        %sub3A_610 = arith.subf %gather3A_600, %get3A_609 : vector<16xf32>
        %mul3A_611 = arith.mulf %sub3A_610, %sub3A_610 : vector<16xf32>
        %add3A_612 = arith.addf %add3A_525, %mul3A_611 : vector<16xf32>
        %max3A_613 = arith.constant 9.99999971E-10 : f32
        %max3A_614 = vector.broadcast %max3A_613 : f32 to vector<16xf32>
        %max3A_615 = arith.maximumf %get3A_609, %max3A_614 : vector<16xf32>
        %div3A_616 = arith.divf %gather3A_600, %max3A_615 : vector<16xf32>
        %bitcast3A_617 = vector.bitcast %div3A_616 : vector<16xf32> to vector<16xi32>
        %shift_right_arithmetic3A_618 = arith.constant 23 : i32
        %shift_right_arithmetic3A_619 = vector.broadcast %shift_right_arithmetic3A_618 : i32 to vector<16xi32>
        %shift_right_arithmetic3A_620 = arith.shrsi %bitcast3A_617, %shift_right_arithmetic3A_619 : vector<16xi32>
        %sub3A_621 = arith.constant 127 : i32
        %sub3A_622 = vector.broadcast %sub3A_621 : i32 to vector<16xi32>
        %sub3A_623 = arith.subi %shift_right_arithmetic3A_620, %sub3A_622 : vector<16xi32>
        %and3A_624 = arith.constant 8388607 : i32
        %and3A_625 = vector.broadcast %and3A_624 : i32 to vector<16xi32>
        %and3A_626 = arith.andi %bitcast3A_617, %and3A_625 : vector<16xi32>
        %or3A_627 = arith.constant 1065353216 : i32
        %or3A_628 = vector.broadcast %or3A_627 : i32 to vector<16xi32>
        %or3A_629 = arith.ori %and3A_626, %or3A_628 : vector<16xi32>
        %bitcast3A_630 = vector.bitcast %or3A_629 : vector<16xi32> to vector<16xf32>
        %sub3A_631 = arith.constant 1.000000e+00 : f32
        %sub3A_632 = vector.broadcast %sub3A_631 : f32 to vector<16xf32>
        %sub3A_633 = arith.subf %bitcast3A_630, %sub3A_632 : vector<16xf32>
        %add3A_634 = arith.constant 1.000000e+00 : f32
        %add3A_635 = vector.broadcast %add3A_634 : f32 to vector<16xf32>
        %add3A_636 = arith.addf %bitcast3A_630, %add3A_635 : vector<16xf32>
        %div3A_637 = arith.divf %sub3A_633, %add3A_636 : vector<16xf32>
        %mul3A_638 = arith.mulf %div3A_637, %div3A_637 : vector<16xf32>
        %mul3A_639 = arith.constant 0.222222224 : f32
        %mul3A_640 = vector.broadcast %mul3A_639 : f32 to vector<16xf32>
        %mul3A_641 = arith.mulf %mul3A_638, %mul3A_640 : vector<16xf32>
        %add3A_642 = arith.constant 0.285714298 : f32
        %add3A_643 = vector.broadcast %add3A_642 : f32 to vector<16xf32>
        %add3A_644 = arith.addf %add3A_643, %mul3A_641 : vector<16xf32>
        %mul3A_645 = arith.mulf %mul3A_638, %add3A_644 : vector<16xf32>
        %add3A_646 = arith.constant 4.000000e-01 : f32
        %add3A_647 = vector.broadcast %add3A_646 : f32 to vector<16xf32>
        %add3A_648 = arith.addf %add3A_647, %mul3A_645 : vector<16xf32>
        %mul3A_649 = arith.mulf %mul3A_638, %add3A_648 : vector<16xf32>
        %add3A_650 = arith.constant 0.666666686 : f32
        %add3A_651 = vector.broadcast %add3A_650 : f32 to vector<16xf32>
        %add3A_652 = arith.addf %add3A_651, %mul3A_649 : vector<16xf32>
        %mul3A_653 = arith.mulf %mul3A_638, %add3A_652 : vector<16xf32>
        %add3A_654 = arith.constant 2.000000e+00 : f32
        %add3A_655 = vector.broadcast %add3A_654 : f32 to vector<16xf32>
        %add3A_656 = arith.addf %add3A_655, %mul3A_653 : vector<16xf32>
        %mul3A_657 = arith.mulf %div3A_637, %add3A_656 : vector<16xf32>
        %convert_element_type3A_658 = arith.sitofp %sub3A_623 : vector<16xi32> to vector<16xf32>
        %mul3A_659 = arith.constant 0.693147182 : f32
        %mul3A_660 = vector.broadcast %mul3A_659 : f32 to vector<16xf32>
        %mul3A_661 = arith.mulf %convert_element_type3A_658, %mul3A_660 : vector<16xf32>
        %add3A_662 = arith.addf %mul3A_657, %mul3A_661 : vector<16xf32>
        %mul3A_663 = arith.mulf %gather3A_600, %add3A_662 : vector<16xf32>
        %add3A_664 = arith.addf %add3A_577, %mul3A_663 : vector<16xf32>
        scf.yield %add3A_612, %add3A_664 : vector<16xf32>, vector<16xf32>
      }
      %scan3A_254 = arith.constant 64 : i32
      %iota3A_255 = tpu.iota {dimensions = array<i32: 0>} : vector<16xi32>
      %and3A_256 = arith.constant 1 : i32
      %and3A_257 = vector.broadcast %and3A_256 : i32 to vector<16xi32>
      %and3A_258 = arith.andi %get3A_234, %and3A_257 : vector<16xi32>
      %eq3A_259 = arith.constant 1 : i32
      %eq3A_260 = vector.broadcast %eq3A_259 : i32 to vector<16xi32>
      %eq3A_261 = arith.cmpi eq, %and3A_258, %eq3A_260 : vector<16xi32>
      %ge3A_262 = arith.constant 2 : i32
      %ge3A_263 = vector.broadcast %ge3A_262 : i32 to vector<16xi32>
      %ge3A_264 = arith.cmpi sge, %get3A_234, %ge3A_263 : vector<16xi32>
      %scan3A_265 = arith.constant 1 : i32
      %scan3A_266 = arith.constant 1 : i32
      %scan3A_267 = arith.constant 1 : i32
      %scan3A_268 = arith.constant 1 : i32
      %scan3A_269 = arith.constant 0 : i32
      %scan3A_270 = arith.constant 64 : i32
      %scan3A_271 = arith.addi %scan3A_269, %scan3A_270 : i32
      %scan3A_272 = arith.constant 1 : i32
      %scan3A_273:2 = scf.for %scan3A_322 = %scan3A_269 to %scan3A_271 step %scan3A_272 iter_args(%scan3A_323 = %scan3A_253#0, %scan3A_324 = %scan3A_253#1) -> (vector<16xf32>, vector<16xf32>)  : i32 {
        %add3A_325 = arith.constant 0 : i32
        %add3A_326 = vector.broadcast %add3A_325 : i32 to vector<16xi32>
        %add3A_327 = arith.addi %add3A_326, %iota3A_255 : vector<16xi32>
        %mul3A_328 = arith.constant 64 : i32
        %mul3A_329 = arith.muli %scan3A_322, %mul3A_328 : i32
        %add3A_330 = vector.broadcast %mul3A_329 : i32 to vector<16xi32>
        %add3A_331 = arith.addi %add3A_330, %add3A_327 : vector<16xi32>
        %add3A_332 = arith.constant 4032 : i32
        %add3A_333 = arith.addi %add3A_332, %scan3A_322 : i32
        %mul3A_334 = arith.constant 64 : i32
        %mul3A_335 = vector.broadcast %mul3A_334 : i32 to vector<16xi32>
        %mul3A_336 = arith.muli %add3A_327, %mul3A_335 : vector<16xi32>
        %sub3A = vector.broadcast %add3A_333 : i32 to vector<16xi32>
        %sub3A_337 = arith.subi %sub3A, %mul3A_336 : vector<16xi32>
        %select_n3A = arith.select %eq3A_261, %sub3A_337, %add3A_331 : vector<16xi1>, vector<16xi32>
        %sub3A_338 = arith.constant 4095 : i32
        %sub3A_339 = vector.broadcast %sub3A_338 : i32 to vector<16xi32>
        %sub3A_340 = arith.subi %sub3A_339, %select_n3A : vector<16xi32>
        %select_n3A_341 = arith.select %ge3A_264, %sub3A_340, %select_n3A : vector<16xi1>, vector<16xi32>
        %gather3A = arith.constant 0 : i32
        %gather3A_342 = tpu.memref_slice %arg7[%scan3A_265, %scan3A_266, %gather3A] : memref<2x4x4096xf32, #tpu.memory_space<vmem>> -> memref<1x1x4096xf32, #tpu.memory_space<vmem>>
        %gather3A_343 = tpu.memref_squeeze %gather3A_342 : memref<1x1x4096xf32, #tpu.memory_space<vmem>> -> memref<4096xf32, #tpu.memory_space<vmem>>
        %gather3A_344 = tpu.vector_load_idx %gather3A_343[%select_n3A_341] : memref<4096xf32, #tpu.memory_space<vmem>>[vector<16xi32>], vector<16xf32>,
        %mul3A_345 = arith.constant 64 : i32
        %mul3A_346 = arith.muli %scan3A_322, %mul3A_345 : i32
        %add3A_347 = arith.constant 0 : i32
        %add3A_348 = arith.addi %mul3A_346, %add3A_347 : i32
        %get3A_349 = arith.constant 0 : i32
        %get3A_350 = tpu.memref_slice %arg8[%scan3A_267, %scan3A_268, %get3A_349] : memref<2x4x4096xf32, #tpu.memory_space<vmem>> -> memref<1x1x4096xf32, #tpu.memory_space<vmem>>
        %get3A_351 = tpu.memref_squeeze %get3A_350 : memref<1x1x4096xf32, #tpu.memory_space<vmem>> -> memref<4096xf32, #tpu.memory_space<vmem>>
        %get3A_352 = arith.index_cast %add3A_348 : i32 to index
        %get3A_353 = tpu.vector_load %get3A_351[%get3A_352] {strides = array<i32>} : memref<4096xf32, #tpu.memory_space<vmem>>, vector<16xf32>,
        %sub3A_354 = arith.subf %gather3A_344, %get3A_353 : vector<16xf32>
        %mul3A_355 = arith.mulf %sub3A_354, %sub3A_354 : vector<16xf32>
        %add3A_356 = arith.addf %scan3A_323, %mul3A_355 : vector<16xf32>
        %max3A = arith.constant 9.99999971E-10 : f32
        %max3A_357 = vector.broadcast %max3A : f32 to vector<16xf32>
        %max3A_358 = arith.maximumf %get3A_353, %max3A_357 : vector<16xf32>
        %div3A = arith.divf %gather3A_344, %max3A_358 : vector<16xf32>
        %bitcast3A = vector.bitcast %div3A : vector<16xf32> to vector<16xi32>
        %shift_right_arithmetic3A = arith.constant 23 : i32
        %shift_right_arithmetic3A_359 = vector.broadcast %shift_right_arithmetic3A : i32 to vector<16xi32>
        %shift_right_arithmetic3A_360 = arith.shrsi %bitcast3A, %shift_right_arithmetic3A_359 : vector<16xi32>
        %sub3A_361 = arith.constant 127 : i32
        %sub3A_362 = vector.broadcast %sub3A_361 : i32 to vector<16xi32>
        %sub3A_363 = arith.subi %shift_right_arithmetic3A_360, %sub3A_362 : vector<16xi32>
        %and3A_364 = arith.constant 8388607 : i32
        %and3A_365 = vector.broadcast %and3A_364 : i32 to vector<16xi32>
        %and3A_366 = arith.andi %bitcast3A, %and3A_365 : vector<16xi32>
        %or3A = arith.constant 1065353216 : i32
        %or3A_367 = vector.broadcast %or3A : i32 to vector<16xi32>
        %or3A_368 = arith.ori %and3A_366, %or3A_367 : vector<16xi32>
        %bitcast3A_369 = vector.bitcast %or3A_368 : vector<16xi32> to vector<16xf32>
        %sub3A_370 = arith.constant 1.000000e+00 : f32
        %sub3A_371 = vector.broadcast %sub3A_370 : f32 to vector<16xf32>
        %sub3A_372 = arith.subf %bitcast3A_369, %sub3A_371 : vector<16xf32>
        %add3A_373 = arith.constant 1.000000e+00 : f32
        %add3A_374 = vector.broadcast %add3A_373 : f32 to vector<16xf32>
        %add3A_375 = arith.addf %bitcast3A_369, %add3A_374 : vector<16xf32>
        %div3A_376 = arith.divf %sub3A_372, %add3A_375 : vector<16xf32>
        %mul3A_377 = arith.mulf %div3A_376, %div3A_376 : vector<16xf32>
        %mul3A_378 = arith.constant 0.222222224 : f32
        %mul3A_379 = vector.broadcast %mul3A_378 : f32 to vector<16xf32>
        %mul3A_380 = arith.mulf %mul3A_377, %mul3A_379 : vector<16xf32>
        %add3A_381 = arith.constant 0.285714298 : f32
        %add3A_382 = vector.broadcast %add3A_381 : f32 to vector<16xf32>
        %add3A_383 = arith.addf %add3A_382, %mul3A_380 : vector<16xf32>
        %mul3A_384 = arith.mulf %mul3A_377, %add3A_383 : vector<16xf32>
        %add3A_385 = arith.constant 4.000000e-01 : f32
        %add3A_386 = vector.broadcast %add3A_385 : f32 to vector<16xf32>
        %add3A_387 = arith.addf %add3A_386, %mul3A_384 : vector<16xf32>
        %mul3A_388 = arith.mulf %mul3A_377, %add3A_387 : vector<16xf32>
        %add3A_389 = arith.constant 0.666666686 : f32
        %add3A_390 = vector.broadcast %add3A_389 : f32 to vector<16xf32>
        %add3A_391 = arith.addf %add3A_390, %mul3A_388 : vector<16xf32>
        %mul3A_392 = arith.mulf %mul3A_377, %add3A_391 : vector<16xf32>
        %add3A_393 = arith.constant 2.000000e+00 : f32
        %add3A_394 = vector.broadcast %add3A_393 : f32 to vector<16xf32>
        %add3A_395 = arith.addf %add3A_394, %mul3A_392 : vector<16xf32>
        %mul3A_396 = arith.mulf %div3A_376, %add3A_395 : vector<16xf32>
        %convert_element_type3A_397 = arith.sitofp %sub3A_363 : vector<16xi32> to vector<16xf32>
        %mul3A_398 = arith.constant 0.693147182 : f32
        %mul3A_399 = vector.broadcast %mul3A_398 : f32 to vector<16xf32>
        %mul3A_400 = arith.mulf %convert_element_type3A_397, %mul3A_399 : vector<16xf32>
        %add3A_401 = arith.addf %mul3A_396, %mul3A_400 : vector<16xf32>
        %mul3A_402 = arith.mulf %gather3A_344, %add3A_401 : vector<16xf32>
        %add3A_403 = arith.addf %scan3A_324, %mul3A_402 : vector<16xf32>
        %add3A_404 = arith.constant 16 : i32
        %add3A_405 = vector.broadcast %add3A_404 : i32 to vector<16xi32>
        %add3A_406 = arith.addi %add3A_405, %iota3A_255 : vector<16xi32>
        %mul3A_407 = arith.constant 64 : i32
        %mul3A_408 = arith.muli %scan3A_322, %mul3A_407 : i32
        %add3A_409 = vector.broadcast %mul3A_408 : i32 to vector<16xi32>
        %add3A_410 = arith.addi %add3A_409, %add3A_406 : vector<16xi32>
        %add3A_411 = arith.constant 4032 : i32
        %add3A_412 = arith.addi %add3A_411, %scan3A_322 : i32
        %mul3A_413 = arith.constant 64 : i32
        %mul3A_414 = vector.broadcast %mul3A_413 : i32 to vector<16xi32>
        %mul3A_415 = arith.muli %add3A_406, %mul3A_414 : vector<16xi32>
        %sub3A_416 = vector.broadcast %add3A_412 : i32 to vector<16xi32>
        %sub3A_417 = arith.subi %sub3A_416, %mul3A_415 : vector<16xi32>
        %select_n3A_418 = arith.select %eq3A_261, %sub3A_417, %add3A_410 : vector<16xi1>, vector<16xi32>
        %sub3A_419 = arith.constant 4095 : i32
        %sub3A_420 = vector.broadcast %sub3A_419 : i32 to vector<16xi32>
        %sub3A_421 = arith.subi %sub3A_420, %select_n3A_418 : vector<16xi32>
        %select_n3A_422 = arith.select %ge3A_264, %sub3A_421, %select_n3A_418 : vector<16xi1>, vector<16xi32>
        %gather3A_423 = arith.constant 0 : i32
        %gather3A_424 = tpu.memref_slice %arg7[%scan3A_265, %scan3A_266, %gather3A_423] : memref<2x4x4096xf32, #tpu.memory_space<vmem>> -> memref<1x1x4096xf32, #tpu.memory_space<vmem>>
        %gather3A_425 = tpu.memref_squeeze %gather3A_424 : memref<1x1x4096xf32, #tpu.memory_space<vmem>> -> memref<4096xf32, #tpu.memory_space<vmem>>
        %gather3A_426 = tpu.vector_load_idx %gather3A_425[%select_n3A_422] : memref<4096xf32, #tpu.memory_space<vmem>>[vector<16xi32>], vector<16xf32>,
        %mul3A_427 = arith.constant 64 : i32
        %mul3A_428 = arith.muli %scan3A_322, %mul3A_427 : i32
        %add3A_429 = arith.constant 16 : i32
        %add3A_430 = arith.addi %mul3A_428, %add3A_429 : i32
        %get3A_431 = arith.constant 0 : i32
        %get3A_432 = tpu.memref_slice %arg8[%scan3A_267, %scan3A_268, %get3A_431] : memref<2x4x4096xf32, #tpu.memory_space<vmem>> -> memref<1x1x4096xf32, #tpu.memory_space<vmem>>
        %get3A_433 = tpu.memref_squeeze %get3A_432 : memref<1x1x4096xf32, #tpu.memory_space<vmem>> -> memref<4096xf32, #tpu.memory_space<vmem>>
        %get3A_434 = arith.index_cast %add3A_430 : i32 to index
        %get3A_435 = tpu.vector_load %get3A_433[%get3A_434] {strides = array<i32>} : memref<4096xf32, #tpu.memory_space<vmem>>, vector<16xf32>,
        %sub3A_436 = arith.subf %gather3A_426, %get3A_435 : vector<16xf32>
        %mul3A_437 = arith.mulf %sub3A_436, %sub3A_436 : vector<16xf32>
        %add3A_438 = arith.addf %add3A_356, %mul3A_437 : vector<16xf32>
        %max3A_439 = arith.constant 9.99999971E-10 : f32
        %max3A_440 = vector.broadcast %max3A_439 : f32 to vector<16xf32>
        %max3A_441 = arith.maximumf %get3A_435, %max3A_440 : vector<16xf32>
        %div3A_442 = arith.divf %gather3A_426, %max3A_441 : vector<16xf32>
        %bitcast3A_443 = vector.bitcast %div3A_442 : vector<16xf32> to vector<16xi32>
        %shift_right_arithmetic3A_444 = arith.constant 23 : i32
        %shift_right_arithmetic3A_445 = vector.broadcast %shift_right_arithmetic3A_444 : i32 to vector<16xi32>
        %shift_right_arithmetic3A_446 = arith.shrsi %bitcast3A_443, %shift_right_arithmetic3A_445 : vector<16xi32>
        %sub3A_447 = arith.constant 127 : i32
        %sub3A_448 = vector.broadcast %sub3A_447 : i32 to vector<16xi32>
        %sub3A_449 = arith.subi %shift_right_arithmetic3A_446, %sub3A_448 : vector<16xi32>
        %and3A_450 = arith.constant 8388607 : i32
        %and3A_451 = vector.broadcast %and3A_450 : i32 to vector<16xi32>
        %and3A_452 = arith.andi %bitcast3A_443, %and3A_451 : vector<16xi32>
        %or3A_453 = arith.constant 1065353216 : i32
        %or3A_454 = vector.broadcast %or3A_453 : i32 to vector<16xi32>
        %or3A_455 = arith.ori %and3A_452, %or3A_454 : vector<16xi32>
        %bitcast3A_456 = vector.bitcast %or3A_455 : vector<16xi32> to vector<16xf32>
        %sub3A_457 = arith.constant 1.000000e+00 : f32
        %sub3A_458 = vector.broadcast %sub3A_457 : f32 to vector<16xf32>
        %sub3A_459 = arith.subf %bitcast3A_456, %sub3A_458 : vector<16xf32>
        %add3A_460 = arith.constant 1.000000e+00 : f32
        %add3A_461 = vector.broadcast %add3A_460 : f32 to vector<16xf32>
        %add3A_462 = arith.addf %bitcast3A_456, %add3A_461 : vector<16xf32>
        %div3A_463 = arith.divf %sub3A_459, %add3A_462 : vector<16xf32>
        %mul3A_464 = arith.mulf %div3A_463, %div3A_463 : vector<16xf32>
        %mul3A_465 = arith.constant 0.222222224 : f32
        %mul3A_466 = vector.broadcast %mul3A_465 : f32 to vector<16xf32>
        %mul3A_467 = arith.mulf %mul3A_464, %mul3A_466 : vector<16xf32>
        %add3A_468 = arith.constant 0.285714298 : f32
        %add3A_469 = vector.broadcast %add3A_468 : f32 to vector<16xf32>
        %add3A_470 = arith.addf %add3A_469, %mul3A_467 : vector<16xf32>
        %mul3A_471 = arith.mulf %mul3A_464, %add3A_470 : vector<16xf32>
        %add3A_472 = arith.constant 4.000000e-01 : f32
        %add3A_473 = vector.broadcast %add3A_472 : f32 to vector<16xf32>
        %add3A_474 = arith.addf %add3A_473, %mul3A_471 : vector<16xf32>
        %mul3A_475 = arith.mulf %mul3A_464, %add3A_474 : vector<16xf32>
        %add3A_476 = arith.constant 0.666666686 : f32
        %add3A_477 = vector.broadcast %add3A_476 : f32 to vector<16xf32>
        %add3A_478 = arith.addf %add3A_477, %mul3A_475 : vector<16xf32>
        %mul3A_479 = arith.mulf %mul3A_464, %add3A_478 : vector<16xf32>
        %add3A_480 = arith.constant 2.000000e+00 : f32
        %add3A_481 = vector.broadcast %add3A_480 : f32 to vector<16xf32>
        %add3A_482 = arith.addf %add3A_481, %mul3A_479 : vector<16xf32>
        %mul3A_483 = arith.mulf %div3A_463, %add3A_482 : vector<16xf32>
        %convert_element_type3A_484 = arith.sitofp %sub3A_449 : vector<16xi32> to vector<16xf32>
        %mul3A_485 = arith.constant 0.693147182 : f32
        %mul3A_486 = vector.broadcast %mul3A_485 : f32 to vector<16xf32>
        %mul3A_487 = arith.mulf %convert_element_type3A_484, %mul3A_486 : vector<16xf32>
        %add3A_488 = arith.addf %mul3A_483, %mul3A_487 : vector<16xf32>
        %mul3A_489 = arith.mulf %gather3A_426, %add3A_488 : vector<16xf32>
        %add3A_490 = arith.addf %add3A_403, %mul3A_489 : vector<16xf32>
        %add3A_491 = arith.constant 32 : i32
        %add3A_492 = vector.broadcast %add3A_491 : i32 to vector<16xi32>
        %add3A_493 = arith.addi %add3A_492, %iota3A_255 : vector<16xi32>
        %mul3A_494 = arith.constant 64 : i32
        %mul3A_495 = arith.muli %scan3A_322, %mul3A_494 : i32
        %add3A_496 = vector.broadcast %mul3A_495 : i32 to vector<16xi32>
        %add3A_497 = arith.addi %add3A_496, %add3A_493 : vector<16xi32>
        %add3A_498 = arith.constant 4032 : i32
        %add3A_499 = arith.addi %add3A_498, %scan3A_322 : i32
        %mul3A_500 = arith.constant 64 : i32
        %mul3A_501 = vector.broadcast %mul3A_500 : i32 to vector<16xi32>
        %mul3A_502 = arith.muli %add3A_493, %mul3A_501 : vector<16xi32>
        %sub3A_503 = vector.broadcast %add3A_499 : i32 to vector<16xi32>
        %sub3A_504 = arith.subi %sub3A_503, %mul3A_502 : vector<16xi32>
        %select_n3A_505 = arith.select %eq3A_261, %sub3A_504, %add3A_497 : vector<16xi1>, vector<16xi32>
        %sub3A_506 = arith.constant 4095 : i32
        %sub3A_507 = vector.broadcast %sub3A_506 : i32 to vector<16xi32>
        %sub3A_508 = arith.subi %sub3A_507, %select_n3A_505 : vector<16xi32>
        %select_n3A_509 = arith.select %ge3A_264, %sub3A_508, %select_n3A_505 : vector<16xi1>, vector<16xi32>
        %gather3A_510 = arith.constant 0 : i32
        %gather3A_511 = tpu.memref_slice %arg7[%scan3A_265, %scan3A_266, %gather3A_510] : memref<2x4x4096xf32, #tpu.memory_space<vmem>> -> memref<1x1x4096xf32, #tpu.memory_space<vmem>>
        %gather3A_512 = tpu.memref_squeeze %gather3A_511 : memref<1x1x4096xf32, #tpu.memory_space<vmem>> -> memref<4096xf32, #tpu.memory_space<vmem>>
        %gather3A_513 = tpu.vector_load_idx %gather3A_512[%select_n3A_509] : memref<4096xf32, #tpu.memory_space<vmem>>[vector<16xi32>], vector<16xf32>,
        %mul3A_514 = arith.constant 64 : i32
        %mul3A_515 = arith.muli %scan3A_322, %mul3A_514 : i32
        %add3A_516 = arith.constant 32 : i32
        %add3A_517 = arith.addi %mul3A_515, %add3A_516 : i32
        %get3A_518 = arith.constant 0 : i32
        %get3A_519 = tpu.memref_slice %arg8[%scan3A_267, %scan3A_268, %get3A_518] : memref<2x4x4096xf32, #tpu.memory_space<vmem>> -> memref<1x1x4096xf32, #tpu.memory_space<vmem>>
        %get3A_520 = tpu.memref_squeeze %get3A_519 : memref<1x1x4096xf32, #tpu.memory_space<vmem>> -> memref<4096xf32, #tpu.memory_space<vmem>>
        %get3A_521 = arith.index_cast %add3A_517 : i32 to index
        %get3A_522 = tpu.vector_load %get3A_520[%get3A_521] {strides = array<i32>} : memref<4096xf32, #tpu.memory_space<vmem>>, vector<16xf32>,
        %sub3A_523 = arith.subf %gather3A_513, %get3A_522 : vector<16xf32>
        %mul3A_524 = arith.mulf %sub3A_523, %sub3A_523 : vector<16xf32>
        %add3A_525 = arith.addf %add3A_438, %mul3A_524 : vector<16xf32>
        %max3A_526 = arith.constant 9.99999971E-10 : f32
        %max3A_527 = vector.broadcast %max3A_526 : f32 to vector<16xf32>
        %max3A_528 = arith.maximumf %get3A_522, %max3A_527 : vector<16xf32>
        %div3A_529 = arith.divf %gather3A_513, %max3A_528 : vector<16xf32>
        %bitcast3A_530 = vector.bitcast %div3A_529 : vector<16xf32> to vector<16xi32>
        %shift_right_arithmetic3A_531 = arith.constant 23 : i32
        %shift_right_arithmetic3A_532 = vector.broadcast %shift_right_arithmetic3A_531 : i32 to vector<16xi32>
        %shift_right_arithmetic3A_533 = arith.shrsi %bitcast3A_530, %shift_right_arithmetic3A_532 : vector<16xi32>
        %sub3A_534 = arith.constant 127 : i32
        %sub3A_535 = vector.broadcast %sub3A_534 : i32 to vector<16xi32>
        %sub3A_536 = arith.subi %shift_right_arithmetic3A_533, %sub3A_535 : vector<16xi32>
        %and3A_537 = arith.constant 8388607 : i32
        %and3A_538 = vector.broadcast %and3A_537 : i32 to vector<16xi32>
        %and3A_539 = arith.andi %bitcast3A_530, %and3A_538 : vector<16xi32>
        %or3A_540 = arith.constant 1065353216 : i32
        %or3A_541 = vector.broadcast %or3A_540 : i32 to vector<16xi32>
        %or3A_542 = arith.ori %and3A_539, %or3A_541 : vector<16xi32>
        %bitcast3A_543 = vector.bitcast %or3A_542 : vector<16xi32> to vector<16xf32>
        %sub3A_544 = arith.constant 1.000000e+00 : f32
        %sub3A_545 = vector.broadcast %sub3A_544 : f32 to vector<16xf32>
        %sub3A_546 = arith.subf %bitcast3A_543, %sub3A_545 : vector<16xf32>
        %add3A_547 = arith.constant 1.000000e+00 : f32
        %add3A_548 = vector.broadcast %add3A_547 : f32 to vector<16xf32>
        %add3A_549 = arith.addf %bitcast3A_543, %add3A_548 : vector<16xf32>
        %div3A_550 = arith.divf %sub3A_546, %add3A_549 : vector<16xf32>
        %mul3A_551 = arith.mulf %div3A_550, %div3A_550 : vector<16xf32>
        %mul3A_552 = arith.constant 0.222222224 : f32
        %mul3A_553 = vector.broadcast %mul3A_552 : f32 to vector<16xf32>
        %mul3A_554 = arith.mulf %mul3A_551, %mul3A_553 : vector<16xf32>
        %add3A_555 = arith.constant 0.285714298 : f32
        %add3A_556 = vector.broadcast %add3A_555 : f32 to vector<16xf32>
        %add3A_557 = arith.addf %add3A_556, %mul3A_554 : vector<16xf32>
        %mul3A_558 = arith.mulf %mul3A_551, %add3A_557 : vector<16xf32>
        %add3A_559 = arith.constant 4.000000e-01 : f32
        %add3A_560 = vector.broadcast %add3A_559 : f32 to vector<16xf32>
        %add3A_561 = arith.addf %add3A_560, %mul3A_558 : vector<16xf32>
        %mul3A_562 = arith.mulf %mul3A_551, %add3A_561 : vector<16xf32>
        %add3A_563 = arith.constant 0.666666686 : f32
        %add3A_564 = vector.broadcast %add3A_563 : f32 to vector<16xf32>
        %add3A_565 = arith.addf %add3A_564, %mul3A_562 : vector<16xf32>
        %mul3A_566 = arith.mulf %mul3A_551, %add3A_565 : vector<16xf32>
        %add3A_567 = arith.constant 2.000000e+00 : f32
        %add3A_568 = vector.broadcast %add3A_567 : f32 to vector<16xf32>
        %add3A_569 = arith.addf %add3A_568, %mul3A_566 : vector<16xf32>
        %mul3A_570 = arith.mulf %div3A_550, %add3A_569 : vector<16xf32>
        %convert_element_type3A_571 = arith.sitofp %sub3A_536 : vector<16xi32> to vector<16xf32>
        %mul3A_572 = arith.constant 0.693147182 : f32
        %mul3A_573 = vector.broadcast %mul3A_572 : f32 to vector<16xf32>
        %mul3A_574 = arith.mulf %convert_element_type3A_571, %mul3A_573 : vector<16xf32>
        %add3A_575 = arith.addf %mul3A_570, %mul3A_574 : vector<16xf32>
        %mul3A_576 = arith.mulf %gather3A_513, %add3A_575 : vector<16xf32>
        %add3A_577 = arith.addf %add3A_490, %mul3A_576 : vector<16xf32>
        %add3A_578 = arith.constant 48 : i32
        %add3A_579 = vector.broadcast %add3A_578 : i32 to vector<16xi32>
        %add3A_580 = arith.addi %add3A_579, %iota3A_255 : vector<16xi32>
        %mul3A_581 = arith.constant 64 : i32
        %mul3A_582 = arith.muli %scan3A_322, %mul3A_581 : i32
        %add3A_583 = vector.broadcast %mul3A_582 : i32 to vector<16xi32>
        %add3A_584 = arith.addi %add3A_583, %add3A_580 : vector<16xi32>
        %add3A_585 = arith.constant 4032 : i32
        %add3A_586 = arith.addi %add3A_585, %scan3A_322 : i32
        %mul3A_587 = arith.constant 64 : i32
        %mul3A_588 = vector.broadcast %mul3A_587 : i32 to vector<16xi32>
        %mul3A_589 = arith.muli %add3A_580, %mul3A_588 : vector<16xi32>
        %sub3A_590 = vector.broadcast %add3A_586 : i32 to vector<16xi32>
        %sub3A_591 = arith.subi %sub3A_590, %mul3A_589 : vector<16xi32>
        %select_n3A_592 = arith.select %eq3A_261, %sub3A_591, %add3A_584 : vector<16xi1>, vector<16xi32>
        %sub3A_593 = arith.constant 4095 : i32
        %sub3A_594 = vector.broadcast %sub3A_593 : i32 to vector<16xi32>
        %sub3A_595 = arith.subi %sub3A_594, %select_n3A_592 : vector<16xi32>
        %select_n3A_596 = arith.select %ge3A_264, %sub3A_595, %select_n3A_592 : vector<16xi1>, vector<16xi32>
        %gather3A_597 = arith.constant 0 : i32
        %gather3A_598 = tpu.memref_slice %arg7[%scan3A_265, %scan3A_266, %gather3A_597] : memref<2x4x4096xf32, #tpu.memory_space<vmem>> -> memref<1x1x4096xf32, #tpu.memory_space<vmem>>
        %gather3A_599 = tpu.memref_squeeze %gather3A_598 : memref<1x1x4096xf32, #tpu.memory_space<vmem>> -> memref<4096xf32, #tpu.memory_space<vmem>>
        %gather3A_600 = tpu.vector_load_idx %gather3A_599[%select_n3A_596] : memref<4096xf32, #tpu.memory_space<vmem>>[vector<16xi32>], vector<16xf32>,
        %mul3A_601 = arith.constant 64 : i32
        %mul3A_602 = arith.muli %scan3A_322, %mul3A_601 : i32
        %add3A_603 = arith.constant 48 : i32
        %add3A_604 = arith.addi %mul3A_602, %add3A_603 : i32
        %get3A_605 = arith.constant 0 : i32
        %get3A_606 = tpu.memref_slice %arg8[%scan3A_267, %scan3A_268, %get3A_605] : memref<2x4x4096xf32, #tpu.memory_space<vmem>> -> memref<1x1x4096xf32, #tpu.memory_space<vmem>>
        %get3A_607 = tpu.memref_squeeze %get3A_606 : memref<1x1x4096xf32, #tpu.memory_space<vmem>> -> memref<4096xf32, #tpu.memory_space<vmem>>
        %get3A_608 = arith.index_cast %add3A_604 : i32 to index
        %get3A_609 = tpu.vector_load %get3A_607[%get3A_608] {strides = array<i32>} : memref<4096xf32, #tpu.memory_space<vmem>>, vector<16xf32>,
        %sub3A_610 = arith.subf %gather3A_600, %get3A_609 : vector<16xf32>
        %mul3A_611 = arith.mulf %sub3A_610, %sub3A_610 : vector<16xf32>
        %add3A_612 = arith.addf %add3A_525, %mul3A_611 : vector<16xf32>
        %max3A_613 = arith.constant 9.99999971E-10 : f32
        %max3A_614 = vector.broadcast %max3A_613 : f32 to vector<16xf32>
        %max3A_615 = arith.maximumf %get3A_609, %max3A_614 : vector<16xf32>
        %div3A_616 = arith.divf %gather3A_600, %max3A_615 : vector<16xf32>
        %bitcast3A_617 = vector.bitcast %div3A_616 : vector<16xf32> to vector<16xi32>
        %shift_right_arithmetic3A_618 = arith.constant 23 : i32
        %shift_right_arithmetic3A_619 = vector.broadcast %shift_right_arithmetic3A_618 : i32 to vector<16xi32>
        %shift_right_arithmetic3A_620 = arith.shrsi %bitcast3A_617, %shift_right_arithmetic3A_619 : vector<16xi32>
        %sub3A_621 = arith.constant 127 : i32
        %sub3A_622 = vector.broadcast %sub3A_621 : i32 to vector<16xi32>
        %sub3A_623 = arith.subi %shift_right_arithmetic3A_620, %sub3A_622 : vector<16xi32>
        %and3A_624 = arith.constant 8388607 : i32
        %and3A_625 = vector.broadcast %and3A_624 : i32 to vector<16xi32>
        %and3A_626 = arith.andi %bitcast3A_617, %and3A_625 : vector<16xi32>
        %or3A_627 = arith.constant 1065353216 : i32
        %or3A_628 = vector.broadcast %or3A_627 : i32 to vector<16xi32>
        %or3A_629 = arith.ori %and3A_626, %or3A_628 : vector<16xi32>
        %bitcast3A_630 = vector.bitcast %or3A_629 : vector<16xi32> to vector<16xf32>
        %sub3A_631 = arith.constant 1.000000e+00 : f32
        %sub3A_632 = vector.broadcast %sub3A_631 : f32 to vector<16xf32>
        %sub3A_633 = arith.subf %bitcast3A_630, %sub3A_632 : vector<16xf32>
        %add3A_634 = arith.constant 1.000000e+00 : f32
        %add3A_635 = vector.broadcast %add3A_634 : f32 to vector<16xf32>
        %add3A_636 = arith.addf %bitcast3A_630, %add3A_635 : vector<16xf32>
        %div3A_637 = arith.divf %sub3A_633, %add3A_636 : vector<16xf32>
        %mul3A_638 = arith.mulf %div3A_637, %div3A_637 : vector<16xf32>
        %mul3A_639 = arith.constant 0.222222224 : f32
        %mul3A_640 = vector.broadcast %mul3A_639 : f32 to vector<16xf32>
        %mul3A_641 = arith.mulf %mul3A_638, %mul3A_640 : vector<16xf32>
        %add3A_642 = arith.constant 0.285714298 : f32
        %add3A_643 = vector.broadcast %add3A_642 : f32 to vector<16xf32>
        %add3A_644 = arith.addf %add3A_643, %mul3A_641 : vector<16xf32>
        %mul3A_645 = arith.mulf %mul3A_638, %add3A_644 : vector<16xf32>
        %add3A_646 = arith.constant 4.000000e-01 : f32
        %add3A_647 = vector.broadcast %add3A_646 : f32 to vector<16xf32>
        %add3A_648 = arith.addf %add3A_647, %mul3A_645 : vector<16xf32>
        %mul3A_649 = arith.mulf %mul3A_638, %add3A_648 : vector<16xf32>
        %add3A_650 = arith.constant 0.666666686 : f32
        %add3A_651 = vector.broadcast %add3A_650 : f32 to vector<16xf32>
        %add3A_652 = arith.addf %add3A_651, %mul3A_649 : vector<16xf32>
        %mul3A_653 = arith.mulf %mul3A_638, %add3A_652 : vector<16xf32>
        %add3A_654 = arith.constant 2.000000e+00 : f32
        %add3A_655 = vector.broadcast %add3A_654 : f32 to vector<16xf32>
        %add3A_656 = arith.addf %add3A_655, %mul3A_653 : vector<16xf32>
        %mul3A_657 = arith.mulf %div3A_637, %add3A_656 : vector<16xf32>
        %convert_element_type3A_658 = arith.sitofp %sub3A_623 : vector<16xi32> to vector<16xf32>
        %mul3A_659 = arith.constant 0.693147182 : f32
        %mul3A_660 = vector.broadcast %mul3A_659 : f32 to vector<16xf32>
        %mul3A_661 = arith.mulf %convert_element_type3A_658, %mul3A_660 : vector<16xf32>
        %add3A_662 = arith.addf %mul3A_657, %mul3A_661 : vector<16xf32>
        %mul3A_663 = arith.mulf %gather3A_600, %add3A_662 : vector<16xf32>
        %add3A_664 = arith.addf %add3A_577, %mul3A_663 : vector<16xf32>
        scf.yield %add3A_612, %add3A_664 : vector<16xf32>, vector<16xf32>
      }
      %scan3A_274 = arith.constant 64 : i32
      %iota3A_275 = tpu.iota {dimensions = array<i32: 0>} : vector<16xi32>
      %and3A_276 = arith.constant 1 : i32
      %and3A_277 = vector.broadcast %and3A_276 : i32 to vector<16xi32>
      %and3A_278 = arith.andi %get3A_234, %and3A_277 : vector<16xi32>
      %eq3A_279 = arith.constant 1 : i32
      %eq3A_280 = vector.broadcast %eq3A_279 : i32 to vector<16xi32>
      %eq3A_281 = arith.cmpi eq, %and3A_278, %eq3A_280 : vector<16xi32>
      %ge3A_282 = arith.constant 2 : i32
      %ge3A_283 = vector.broadcast %ge3A_282 : i32 to vector<16xi32>
      %ge3A_284 = arith.cmpi sge, %get3A_234, %ge3A_283 : vector<16xi32>
      %scan3A_285 = arith.constant 1 : i32
      %scan3A_286 = arith.constant 2 : i32
      %scan3A_287 = arith.constant 1 : i32
      %scan3A_288 = arith.constant 2 : i32
      %scan3A_289 = arith.constant 0 : i32
      %scan3A_290 = arith.constant 64 : i32
      %scan3A_291 = arith.addi %scan3A_289, %scan3A_290 : i32
      %scan3A_292 = arith.constant 1 : i32
      %scan3A_293:2 = scf.for %scan3A_322 = %scan3A_289 to %scan3A_291 step %scan3A_292 iter_args(%scan3A_323 = %scan3A_273#0, %scan3A_324 = %scan3A_273#1) -> (vector<16xf32>, vector<16xf32>)  : i32 {
        %add3A_325 = arith.constant 0 : i32
        %add3A_326 = vector.broadcast %add3A_325 : i32 to vector<16xi32>
        %add3A_327 = arith.addi %add3A_326, %iota3A_275 : vector<16xi32>
        %mul3A_328 = arith.constant 64 : i32
        %mul3A_329 = arith.muli %scan3A_322, %mul3A_328 : i32
        %add3A_330 = vector.broadcast %mul3A_329 : i32 to vector<16xi32>
        %add3A_331 = arith.addi %add3A_330, %add3A_327 : vector<16xi32>
        %add3A_332 = arith.constant 4032 : i32
        %add3A_333 = arith.addi %add3A_332, %scan3A_322 : i32
        %mul3A_334 = arith.constant 64 : i32
        %mul3A_335 = vector.broadcast %mul3A_334 : i32 to vector<16xi32>
        %mul3A_336 = arith.muli %add3A_327, %mul3A_335 : vector<16xi32>
        %sub3A = vector.broadcast %add3A_333 : i32 to vector<16xi32>
        %sub3A_337 = arith.subi %sub3A, %mul3A_336 : vector<16xi32>
        %select_n3A = arith.select %eq3A_281, %sub3A_337, %add3A_331 : vector<16xi1>, vector<16xi32>
        %sub3A_338 = arith.constant 4095 : i32
        %sub3A_339 = vector.broadcast %sub3A_338 : i32 to vector<16xi32>
        %sub3A_340 = arith.subi %sub3A_339, %select_n3A : vector<16xi32>
        %select_n3A_341 = arith.select %ge3A_284, %sub3A_340, %select_n3A : vector<16xi1>, vector<16xi32>
        %gather3A = arith.constant 0 : i32
        %gather3A_342 = tpu.memref_slice %arg7[%scan3A_285, %scan3A_286, %gather3A] : memref<2x4x4096xf32, #tpu.memory_space<vmem>> -> memref<1x1x4096xf32, #tpu.memory_space<vmem>>
        %gather3A_343 = tpu.memref_squeeze %gather3A_342 : memref<1x1x4096xf32, #tpu.memory_space<vmem>> -> memref<4096xf32, #tpu.memory_space<vmem>>
        %gather3A_344 = tpu.vector_load_idx %gather3A_343[%select_n3A_341] : memref<4096xf32, #tpu.memory_space<vmem>>[vector<16xi32>], vector<16xf32>,
        %mul3A_345 = arith.constant 64 : i32
        %mul3A_346 = arith.muli %scan3A_322, %mul3A_345 : i32
        %add3A_347 = arith.constant 0 : i32
        %add3A_348 = arith.addi %mul3A_346, %add3A_347 : i32
        %get3A_349 = arith.constant 0 : i32
        %get3A_350 = tpu.memref_slice %arg8[%scan3A_287, %scan3A_288, %get3A_349] : memref<2x4x4096xf32, #tpu.memory_space<vmem>> -> memref<1x1x4096xf32, #tpu.memory_space<vmem>>
        %get3A_351 = tpu.memref_squeeze %get3A_350 : memref<1x1x4096xf32, #tpu.memory_space<vmem>> -> memref<4096xf32, #tpu.memory_space<vmem>>
        %get3A_352 = arith.index_cast %add3A_348 : i32 to index
        %get3A_353 = tpu.vector_load %get3A_351[%get3A_352] {strides = array<i32>} : memref<4096xf32, #tpu.memory_space<vmem>>, vector<16xf32>,
        %sub3A_354 = arith.subf %gather3A_344, %get3A_353 : vector<16xf32>
        %mul3A_355 = arith.mulf %sub3A_354, %sub3A_354 : vector<16xf32>
        %add3A_356 = arith.addf %scan3A_323, %mul3A_355 : vector<16xf32>
        %max3A = arith.constant 9.99999971E-10 : f32
        %max3A_357 = vector.broadcast %max3A : f32 to vector<16xf32>
        %max3A_358 = arith.maximumf %get3A_353, %max3A_357 : vector<16xf32>
        %div3A = arith.divf %gather3A_344, %max3A_358 : vector<16xf32>
        %bitcast3A = vector.bitcast %div3A : vector<16xf32> to vector<16xi32>
        %shift_right_arithmetic3A = arith.constant 23 : i32
        %shift_right_arithmetic3A_359 = vector.broadcast %shift_right_arithmetic3A : i32 to vector<16xi32>
        %shift_right_arithmetic3A_360 = arith.shrsi %bitcast3A, %shift_right_arithmetic3A_359 : vector<16xi32>
        %sub3A_361 = arith.constant 127 : i32
        %sub3A_362 = vector.broadcast %sub3A_361 : i32 to vector<16xi32>
        %sub3A_363 = arith.subi %shift_right_arithmetic3A_360, %sub3A_362 : vector<16xi32>
        %and3A_364 = arith.constant 8388607 : i32
        %and3A_365 = vector.broadcast %and3A_364 : i32 to vector<16xi32>
        %and3A_366 = arith.andi %bitcast3A, %and3A_365 : vector<16xi32>
        %or3A = arith.constant 1065353216 : i32
        %or3A_367 = vector.broadcast %or3A : i32 to vector<16xi32>
        %or3A_368 = arith.ori %and3A_366, %or3A_367 : vector<16xi32>
        %bitcast3A_369 = vector.bitcast %or3A_368 : vector<16xi32> to vector<16xf32>
        %sub3A_370 = arith.constant 1.000000e+00 : f32
        %sub3A_371 = vector.broadcast %sub3A_370 : f32 to vector<16xf32>
        %sub3A_372 = arith.subf %bitcast3A_369, %sub3A_371 : vector<16xf32>
        %add3A_373 = arith.constant 1.000000e+00 : f32
        %add3A_374 = vector.broadcast %add3A_373 : f32 to vector<16xf32>
        %add3A_375 = arith.addf %bitcast3A_369, %add3A_374 : vector<16xf32>
        %div3A_376 = arith.divf %sub3A_372, %add3A_375 : vector<16xf32>
        %mul3A_377 = arith.mulf %div3A_376, %div3A_376 : vector<16xf32>
        %mul3A_378 = arith.constant 0.222222224 : f32
        %mul3A_379 = vector.broadcast %mul3A_378 : f32 to vector<16xf32>
        %mul3A_380 = arith.mulf %mul3A_377, %mul3A_379 : vector<16xf32>
        %add3A_381 = arith.constant 0.285714298 : f32
        %add3A_382 = vector.broadcast %add3A_381 : f32 to vector<16xf32>
        %add3A_383 = arith.addf %add3A_382, %mul3A_380 : vector<16xf32>
        %mul3A_384 = arith.mulf %mul3A_377, %add3A_383 : vector<16xf32>
        %add3A_385 = arith.constant 4.000000e-01 : f32
        %add3A_386 = vector.broadcast %add3A_385 : f32 to vector<16xf32>
        %add3A_387 = arith.addf %add3A_386, %mul3A_384 : vector<16xf32>
        %mul3A_388 = arith.mulf %mul3A_377, %add3A_387 : vector<16xf32>
        %add3A_389 = arith.constant 0.666666686 : f32
        %add3A_390 = vector.broadcast %add3A_389 : f32 to vector<16xf32>
        %add3A_391 = arith.addf %add3A_390, %mul3A_388 : vector<16xf32>
        %mul3A_392 = arith.mulf %mul3A_377, %add3A_391 : vector<16xf32>
        %add3A_393 = arith.constant 2.000000e+00 : f32
        %add3A_394 = vector.broadcast %add3A_393 : f32 to vector<16xf32>
        %add3A_395 = arith.addf %add3A_394, %mul3A_392 : vector<16xf32>
        %mul3A_396 = arith.mulf %div3A_376, %add3A_395 : vector<16xf32>
        %convert_element_type3A_397 = arith.sitofp %sub3A_363 : vector<16xi32> to vector<16xf32>
        %mul3A_398 = arith.constant 0.693147182 : f32
        %mul3A_399 = vector.broadcast %mul3A_398 : f32 to vector<16xf32>
        %mul3A_400 = arith.mulf %convert_element_type3A_397, %mul3A_399 : vector<16xf32>
        %add3A_401 = arith.addf %mul3A_396, %mul3A_400 : vector<16xf32>
        %mul3A_402 = arith.mulf %gather3A_344, %add3A_401 : vector<16xf32>
        %add3A_403 = arith.addf %scan3A_324, %mul3A_402 : vector<16xf32>
        %add3A_404 = arith.constant 16 : i32
        %add3A_405 = vector.broadcast %add3A_404 : i32 to vector<16xi32>
        %add3A_406 = arith.addi %add3A_405, %iota3A_275 : vector<16xi32>
        %mul3A_407 = arith.constant 64 : i32
        %mul3A_408 = arith.muli %scan3A_322, %mul3A_407 : i32
        %add3A_409 = vector.broadcast %mul3A_408 : i32 to vector<16xi32>
        %add3A_410 = arith.addi %add3A_409, %add3A_406 : vector<16xi32>
        %add3A_411 = arith.constant 4032 : i32
        %add3A_412 = arith.addi %add3A_411, %scan3A_322 : i32
        %mul3A_413 = arith.constant 64 : i32
        %mul3A_414 = vector.broadcast %mul3A_413 : i32 to vector<16xi32>
        %mul3A_415 = arith.muli %add3A_406, %mul3A_414 : vector<16xi32>
        %sub3A_416 = vector.broadcast %add3A_412 : i32 to vector<16xi32>
        %sub3A_417 = arith.subi %sub3A_416, %mul3A_415 : vector<16xi32>
        %select_n3A_418 = arith.select %eq3A_281, %sub3A_417, %add3A_410 : vector<16xi1>, vector<16xi32>
        %sub3A_419 = arith.constant 4095 : i32
        %sub3A_420 = vector.broadcast %sub3A_419 : i32 to vector<16xi32>
        %sub3A_421 = arith.subi %sub3A_420, %select_n3A_418 : vector<16xi32>
        %select_n3A_422 = arith.select %ge3A_284, %sub3A_421, %select_n3A_418 : vector<16xi1>, vector<16xi32>
        %gather3A_423 = arith.constant 0 : i32
        %gather3A_424 = tpu.memref_slice %arg7[%scan3A_285, %scan3A_286, %gather3A_423] : memref<2x4x4096xf32, #tpu.memory_space<vmem>> -> memref<1x1x4096xf32, #tpu.memory_space<vmem>>
        %gather3A_425 = tpu.memref_squeeze %gather3A_424 : memref<1x1x4096xf32, #tpu.memory_space<vmem>> -> memref<4096xf32, #tpu.memory_space<vmem>>
        %gather3A_426 = tpu.vector_load_idx %gather3A_425[%select_n3A_422] : memref<4096xf32, #tpu.memory_space<vmem>>[vector<16xi32>], vector<16xf32>,
        %mul3A_427 = arith.constant 64 : i32
        %mul3A_428 = arith.muli %scan3A_322, %mul3A_427 : i32
        %add3A_429 = arith.constant 16 : i32
        %add3A_430 = arith.addi %mul3A_428, %add3A_429 : i32
        %get3A_431 = arith.constant 0 : i32
        %get3A_432 = tpu.memref_slice %arg8[%scan3A_287, %scan3A_288, %get3A_431] : memref<2x4x4096xf32, #tpu.memory_space<vmem>> -> memref<1x1x4096xf32, #tpu.memory_space<vmem>>
        %get3A_433 = tpu.memref_squeeze %get3A_432 : memref<1x1x4096xf32, #tpu.memory_space<vmem>> -> memref<4096xf32, #tpu.memory_space<vmem>>
        %get3A_434 = arith.index_cast %add3A_430 : i32 to index
        %get3A_435 = tpu.vector_load %get3A_433[%get3A_434] {strides = array<i32>} : memref<4096xf32, #tpu.memory_space<vmem>>, vector<16xf32>,
        %sub3A_436 = arith.subf %gather3A_426, %get3A_435 : vector<16xf32>
        %mul3A_437 = arith.mulf %sub3A_436, %sub3A_436 : vector<16xf32>
        %add3A_438 = arith.addf %add3A_356, %mul3A_437 : vector<16xf32>
        %max3A_439 = arith.constant 9.99999971E-10 : f32
        %max3A_440 = vector.broadcast %max3A_439 : f32 to vector<16xf32>
        %max3A_441 = arith.maximumf %get3A_435, %max3A_440 : vector<16xf32>
        %div3A_442 = arith.divf %gather3A_426, %max3A_441 : vector<16xf32>
        %bitcast3A_443 = vector.bitcast %div3A_442 : vector<16xf32> to vector<16xi32>
        %shift_right_arithmetic3A_444 = arith.constant 23 : i32
        %shift_right_arithmetic3A_445 = vector.broadcast %shift_right_arithmetic3A_444 : i32 to vector<16xi32>
        %shift_right_arithmetic3A_446 = arith.shrsi %bitcast3A_443, %shift_right_arithmetic3A_445 : vector<16xi32>
        %sub3A_447 = arith.constant 127 : i32
        %sub3A_448 = vector.broadcast %sub3A_447 : i32 to vector<16xi32>
        %sub3A_449 = arith.subi %shift_right_arithmetic3A_446, %sub3A_448 : vector<16xi32>
        %and3A_450 = arith.constant 8388607 : i32
        %and3A_451 = vector.broadcast %and3A_450 : i32 to vector<16xi32>
        %and3A_452 = arith.andi %bitcast3A_443, %and3A_451 : vector<16xi32>
        %or3A_453 = arith.constant 1065353216 : i32
        %or3A_454 = vector.broadcast %or3A_453 : i32 to vector<16xi32>
        %or3A_455 = arith.ori %and3A_452, %or3A_454 : vector<16xi32>
        %bitcast3A_456 = vector.bitcast %or3A_455 : vector<16xi32> to vector<16xf32>
        %sub3A_457 = arith.constant 1.000000e+00 : f32
        %sub3A_458 = vector.broadcast %sub3A_457 : f32 to vector<16xf32>
        %sub3A_459 = arith.subf %bitcast3A_456, %sub3A_458 : vector<16xf32>
        %add3A_460 = arith.constant 1.000000e+00 : f32
        %add3A_461 = vector.broadcast %add3A_460 : f32 to vector<16xf32>
        %add3A_462 = arith.addf %bitcast3A_456, %add3A_461 : vector<16xf32>
        %div3A_463 = arith.divf %sub3A_459, %add3A_462 : vector<16xf32>
        %mul3A_464 = arith.mulf %div3A_463, %div3A_463 : vector<16xf32>
        %mul3A_465 = arith.constant 0.222222224 : f32
        %mul3A_466 = vector.broadcast %mul3A_465 : f32 to vector<16xf32>
        %mul3A_467 = arith.mulf %mul3A_464, %mul3A_466 : vector<16xf32>
        %add3A_468 = arith.constant 0.285714298 : f32
        %add3A_469 = vector.broadcast %add3A_468 : f32 to vector<16xf32>
        %add3A_470 = arith.addf %add3A_469, %mul3A_467 : vector<16xf32>
        %mul3A_471 = arith.mulf %mul3A_464, %add3A_470 : vector<16xf32>
        %add3A_472 = arith.constant 4.000000e-01 : f32
        %add3A_473 = vector.broadcast %add3A_472 : f32 to vector<16xf32>
        %add3A_474 = arith.addf %add3A_473, %mul3A_471 : vector<16xf32>
        %mul3A_475 = arith.mulf %mul3A_464, %add3A_474 : vector<16xf32>
        %add3A_476 = arith.constant 0.666666686 : f32
        %add3A_477 = vector.broadcast %add3A_476 : f32 to vector<16xf32>
        %add3A_478 = arith.addf %add3A_477, %mul3A_475 : vector<16xf32>
        %mul3A_479 = arith.mulf %mul3A_464, %add3A_478 : vector<16xf32>
        %add3A_480 = arith.constant 2.000000e+00 : f32
        %add3A_481 = vector.broadcast %add3A_480 : f32 to vector<16xf32>
        %add3A_482 = arith.addf %add3A_481, %mul3A_479 : vector<16xf32>
        %mul3A_483 = arith.mulf %div3A_463, %add3A_482 : vector<16xf32>
        %convert_element_type3A_484 = arith.sitofp %sub3A_449 : vector<16xi32> to vector<16xf32>
        %mul3A_485 = arith.constant 0.693147182 : f32
        %mul3A_486 = vector.broadcast %mul3A_485 : f32 to vector<16xf32>
        %mul3A_487 = arith.mulf %convert_element_type3A_484, %mul3A_486 : vector<16xf32>
        %add3A_488 = arith.addf %mul3A_483, %mul3A_487 : vector<16xf32>
        %mul3A_489 = arith.mulf %gather3A_426, %add3A_488 : vector<16xf32>
        %add3A_490 = arith.addf %add3A_403, %mul3A_489 : vector<16xf32>
        %add3A_491 = arith.constant 32 : i32
        %add3A_492 = vector.broadcast %add3A_491 : i32 to vector<16xi32>
        %add3A_493 = arith.addi %add3A_492, %iota3A_275 : vector<16xi32>
        %mul3A_494 = arith.constant 64 : i32
        %mul3A_495 = arith.muli %scan3A_322, %mul3A_494 : i32
        %add3A_496 = vector.broadcast %mul3A_495 : i32 to vector<16xi32>
        %add3A_497 = arith.addi %add3A_496, %add3A_493 : vector<16xi32>
        %add3A_498 = arith.constant 4032 : i32
        %add3A_499 = arith.addi %add3A_498, %scan3A_322 : i32
        %mul3A_500 = arith.constant 64 : i32
        %mul3A_501 = vector.broadcast %mul3A_500 : i32 to vector<16xi32>
        %mul3A_502 = arith.muli %add3A_493, %mul3A_501 : vector<16xi32>
        %sub3A_503 = vector.broadcast %add3A_499 : i32 to vector<16xi32>
        %sub3A_504 = arith.subi %sub3A_503, %mul3A_502 : vector<16xi32>
        %select_n3A_505 = arith.select %eq3A_281, %sub3A_504, %add3A_497 : vector<16xi1>, vector<16xi32>
        %sub3A_506 = arith.constant 4095 : i32
        %sub3A_507 = vector.broadcast %sub3A_506 : i32 to vector<16xi32>
        %sub3A_508 = arith.subi %sub3A_507, %select_n3A_505 : vector<16xi32>
        %select_n3A_509 = arith.select %ge3A_284, %sub3A_508, %select_n3A_505 : vector<16xi1>, vector<16xi32>
        %gather3A_510 = arith.constant 0 : i32
        %gather3A_511 = tpu.memref_slice %arg7[%scan3A_285, %scan3A_286, %gather3A_510] : memref<2x4x4096xf32, #tpu.memory_space<vmem>> -> memref<1x1x4096xf32, #tpu.memory_space<vmem>>
        %gather3A_512 = tpu.memref_squeeze %gather3A_511 : memref<1x1x4096xf32, #tpu.memory_space<vmem>> -> memref<4096xf32, #tpu.memory_space<vmem>>
        %gather3A_513 = tpu.vector_load_idx %gather3A_512[%select_n3A_509] : memref<4096xf32, #tpu.memory_space<vmem>>[vector<16xi32>], vector<16xf32>,
        %mul3A_514 = arith.constant 64 : i32
        %mul3A_515 = arith.muli %scan3A_322, %mul3A_514 : i32
        %add3A_516 = arith.constant 32 : i32
        %add3A_517 = arith.addi %mul3A_515, %add3A_516 : i32
        %get3A_518 = arith.constant 0 : i32
        %get3A_519 = tpu.memref_slice %arg8[%scan3A_287, %scan3A_288, %get3A_518] : memref<2x4x4096xf32, #tpu.memory_space<vmem>> -> memref<1x1x4096xf32, #tpu.memory_space<vmem>>
        %get3A_520 = tpu.memref_squeeze %get3A_519 : memref<1x1x4096xf32, #tpu.memory_space<vmem>> -> memref<4096xf32, #tpu.memory_space<vmem>>
        %get3A_521 = arith.index_cast %add3A_517 : i32 to index
        %get3A_522 = tpu.vector_load %get3A_520[%get3A_521] {strides = array<i32>} : memref<4096xf32, #tpu.memory_space<vmem>>, vector<16xf32>,
        %sub3A_523 = arith.subf %gather3A_513, %get3A_522 : vector<16xf32>
        %mul3A_524 = arith.mulf %sub3A_523, %sub3A_523 : vector<16xf32>
        %add3A_525 = arith.addf %add3A_438, %mul3A_524 : vector<16xf32>
        %max3A_526 = arith.constant 9.99999971E-10 : f32
        %max3A_527 = vector.broadcast %max3A_526 : f32 to vector<16xf32>
        %max3A_528 = arith.maximumf %get3A_522, %max3A_527 : vector<16xf32>
        %div3A_529 = arith.divf %gather3A_513, %max3A_528 : vector<16xf32>
        %bitcast3A_530 = vector.bitcast %div3A_529 : vector<16xf32> to vector<16xi32>
        %shift_right_arithmetic3A_531 = arith.constant 23 : i32
        %shift_right_arithmetic3A_532 = vector.broadcast %shift_right_arithmetic3A_531 : i32 to vector<16xi32>
        %shift_right_arithmetic3A_533 = arith.shrsi %bitcast3A_530, %shift_right_arithmetic3A_532 : vector<16xi32>
        %sub3A_534 = arith.constant 127 : i32
        %sub3A_535 = vector.broadcast %sub3A_534 : i32 to vector<16xi32>
        %sub3A_536 = arith.subi %shift_right_arithmetic3A_533, %sub3A_535 : vector<16xi32>
        %and3A_537 = arith.constant 8388607 : i32
        %and3A_538 = vector.broadcast %and3A_537 : i32 to vector<16xi32>
        %and3A_539 = arith.andi %bitcast3A_530, %and3A_538 : vector<16xi32>
        %or3A_540 = arith.constant 1065353216 : i32
        %or3A_541 = vector.broadcast %or3A_540 : i32 to vector<16xi32>
        %or3A_542 = arith.ori %and3A_539, %or3A_541 : vector<16xi32>
        %bitcast3A_543 = vector.bitcast %or3A_542 : vector<16xi32> to vector<16xf32>
        %sub3A_544 = arith.constant 1.000000e+00 : f32
        %sub3A_545 = vector.broadcast %sub3A_544 : f32 to vector<16xf32>
        %sub3A_546 = arith.subf %bitcast3A_543, %sub3A_545 : vector<16xf32>
        %add3A_547 = arith.constant 1.000000e+00 : f32
        %add3A_548 = vector.broadcast %add3A_547 : f32 to vector<16xf32>
        %add3A_549 = arith.addf %bitcast3A_543, %add3A_548 : vector<16xf32>
        %div3A_550 = arith.divf %sub3A_546, %add3A_549 : vector<16xf32>
        %mul3A_551 = arith.mulf %div3A_550, %div3A_550 : vector<16xf32>
        %mul3A_552 = arith.constant 0.222222224 : f32
        %mul3A_553 = vector.broadcast %mul3A_552 : f32 to vector<16xf32>
        %mul3A_554 = arith.mulf %mul3A_551, %mul3A_553 : vector<16xf32>
        %add3A_555 = arith.constant 0.285714298 : f32
        %add3A_556 = vector.broadcast %add3A_555 : f32 to vector<16xf32>
        %add3A_557 = arith.addf %add3A_556, %mul3A_554 : vector<16xf32>
        %mul3A_558 = arith.mulf %mul3A_551, %add3A_557 : vector<16xf32>
        %add3A_559 = arith.constant 4.000000e-01 : f32
        %add3A_560 = vector.broadcast %add3A_559 : f32 to vector<16xf32>
        %add3A_561 = arith.addf %add3A_560, %mul3A_558 : vector<16xf32>
        %mul3A_562 = arith.mulf %mul3A_551, %add3A_561 : vector<16xf32>
        %add3A_563 = arith.constant 0.666666686 : f32
        %add3A_564 = vector.broadcast %add3A_563 : f32 to vector<16xf32>
        %add3A_565 = arith.addf %add3A_564, %mul3A_562 : vector<16xf32>
        %mul3A_566 = arith.mulf %mul3A_551, %add3A_565 : vector<16xf32>
        %add3A_567 = arith.constant 2.000000e+00 : f32
        %add3A_568 = vector.broadcast %add3A_567 : f32 to vector<16xf32>
        %add3A_569 = arith.addf %add3A_568, %mul3A_566 : vector<16xf32>
        %mul3A_570 = arith.mulf %div3A_550, %add3A_569 : vector<16xf32>
        %convert_element_type3A_571 = arith.sitofp %sub3A_536 : vector<16xi32> to vector<16xf32>
        %mul3A_572 = arith.constant 0.693147182 : f32
        %mul3A_573 = vector.broadcast %mul3A_572 : f32 to vector<16xf32>
        %mul3A_574 = arith.mulf %convert_element_type3A_571, %mul3A_573 : vector<16xf32>
        %add3A_575 = arith.addf %mul3A_570, %mul3A_574 : vector<16xf32>
        %mul3A_576 = arith.mulf %gather3A_513, %add3A_575 : vector<16xf32>
        %add3A_577 = arith.addf %add3A_490, %mul3A_576 : vector<16xf32>
        %add3A_578 = arith.constant 48 : i32
        %add3A_579 = vector.broadcast %add3A_578 : i32 to vector<16xi32>
        %add3A_580 = arith.addi %add3A_579, %iota3A_275 : vector<16xi32>
        %mul3A_581 = arith.constant 64 : i32
        %mul3A_582 = arith.muli %scan3A_322, %mul3A_581 : i32
        %add3A_583 = vector.broadcast %mul3A_582 : i32 to vector<16xi32>
        %add3A_584 = arith.addi %add3A_583, %add3A_580 : vector<16xi32>
        %add3A_585 = arith.constant 4032 : i32
        %add3A_586 = arith.addi %add3A_585, %scan3A_322 : i32
        %mul3A_587 = arith.constant 64 : i32
        %mul3A_588 = vector.broadcast %mul3A_587 : i32 to vector<16xi32>
        %mul3A_589 = arith.muli %add3A_580, %mul3A_588 : vector<16xi32>
        %sub3A_590 = vector.broadcast %add3A_586 : i32 to vector<16xi32>
        %sub3A_591 = arith.subi %sub3A_590, %mul3A_589 : vector<16xi32>
        %select_n3A_592 = arith.select %eq3A_281, %sub3A_591, %add3A_584 : vector<16xi1>, vector<16xi32>
        %sub3A_593 = arith.constant 4095 : i32
        %sub3A_594 = vector.broadcast %sub3A_593 : i32 to vector<16xi32>
        %sub3A_595 = arith.subi %sub3A_594, %select_n3A_592 : vector<16xi32>
        %select_n3A_596 = arith.select %ge3A_284, %sub3A_595, %select_n3A_592 : vector<16xi1>, vector<16xi32>
        %gather3A_597 = arith.constant 0 : i32
        %gather3A_598 = tpu.memref_slice %arg7[%scan3A_285, %scan3A_286, %gather3A_597] : memref<2x4x4096xf32, #tpu.memory_space<vmem>> -> memref<1x1x4096xf32, #tpu.memory_space<vmem>>
        %gather3A_599 = tpu.memref_squeeze %gather3A_598 : memref<1x1x4096xf32, #tpu.memory_space<vmem>> -> memref<4096xf32, #tpu.memory_space<vmem>>
        %gather3A_600 = tpu.vector_load_idx %gather3A_599[%select_n3A_596] : memref<4096xf32, #tpu.memory_space<vmem>>[vector<16xi32>], vector<16xf32>,
        %mul3A_601 = arith.constant 64 : i32
        %mul3A_602 = arith.muli %scan3A_322, %mul3A_601 : i32
        %add3A_603 = arith.constant 48 : i32
        %add3A_604 = arith.addi %mul3A_602, %add3A_603 : i32
        %get3A_605 = arith.constant 0 : i32
        %get3A_606 = tpu.memref_slice %arg8[%scan3A_287, %scan3A_288, %get3A_605] : memref<2x4x4096xf32, #tpu.memory_space<vmem>> -> memref<1x1x4096xf32, #tpu.memory_space<vmem>>
        %get3A_607 = tpu.memref_squeeze %get3A_606 : memref<1x1x4096xf32, #tpu.memory_space<vmem>> -> memref<4096xf32, #tpu.memory_space<vmem>>
        %get3A_608 = arith.index_cast %add3A_604 : i32 to index
        %get3A_609 = tpu.vector_load %get3A_607[%get3A_608] {strides = array<i32>} : memref<4096xf32, #tpu.memory_space<vmem>>, vector<16xf32>,
        %sub3A_610 = arith.subf %gather3A_600, %get3A_609 : vector<16xf32>
        %mul3A_611 = arith.mulf %sub3A_610, %sub3A_610 : vector<16xf32>
        %add3A_612 = arith.addf %add3A_525, %mul3A_611 : vector<16xf32>
        %max3A_613 = arith.constant 9.99999971E-10 : f32
        %max3A_614 = vector.broadcast %max3A_613 : f32 to vector<16xf32>
        %max3A_615 = arith.maximumf %get3A_609, %max3A_614 : vector<16xf32>
        %div3A_616 = arith.divf %gather3A_600, %max3A_615 : vector<16xf32>
        %bitcast3A_617 = vector.bitcast %div3A_616 : vector<16xf32> to vector<16xi32>
        %shift_right_arithmetic3A_618 = arith.constant 23 : i32
        %shift_right_arithmetic3A_619 = vector.broadcast %shift_right_arithmetic3A_618 : i32 to vector<16xi32>
        %shift_right_arithmetic3A_620 = arith.shrsi %bitcast3A_617, %shift_right_arithmetic3A_619 : vector<16xi32>
        %sub3A_621 = arith.constant 127 : i32
        %sub3A_622 = vector.broadcast %sub3A_621 : i32 to vector<16xi32>
        %sub3A_623 = arith.subi %shift_right_arithmetic3A_620, %sub3A_622 : vector<16xi32>
        %and3A_624 = arith.constant 8388607 : i32
        %and3A_625 = vector.broadcast %and3A_624 : i32 to vector<16xi32>
        %and3A_626 = arith.andi %bitcast3A_617, %and3A_625 : vector<16xi32>
        %or3A_627 = arith.constant 1065353216 : i32
        %or3A_628 = vector.broadcast %or3A_627 : i32 to vector<16xi32>
        %or3A_629 = arith.ori %and3A_626, %or3A_628 : vector<16xi32>
        %bitcast3A_630 = vector.bitcast %or3A_629 : vector<16xi32> to vector<16xf32>
        %sub3A_631 = arith.constant 1.000000e+00 : f32
        %sub3A_632 = vector.broadcast %sub3A_631 : f32 to vector<16xf32>
        %sub3A_633 = arith.subf %bitcast3A_630, %sub3A_632 : vector<16xf32>
        %add3A_634 = arith.constant 1.000000e+00 : f32
        %add3A_635 = vector.broadcast %add3A_634 : f32 to vector<16xf32>
        %add3A_636 = arith.addf %bitcast3A_630, %add3A_635 : vector<16xf32>
        %div3A_637 = arith.divf %sub3A_633, %add3A_636 : vector<16xf32>
        %mul3A_638 = arith.mulf %div3A_637, %div3A_637 : vector<16xf32>
        %mul3A_639 = arith.constant 0.222222224 : f32
        %mul3A_640 = vector.broadcast %mul3A_639 : f32 to vector<16xf32>
        %mul3A_641 = arith.mulf %mul3A_638, %mul3A_640 : vector<16xf32>
        %add3A_642 = arith.constant 0.285714298 : f32
        %add3A_643 = vector.broadcast %add3A_642 : f32 to vector<16xf32>
        %add3A_644 = arith.addf %add3A_643, %mul3A_641 : vector<16xf32>
        %mul3A_645 = arith.mulf %mul3A_638, %add3A_644 : vector<16xf32>
        %add3A_646 = arith.constant 4.000000e-01 : f32
        %add3A_647 = vector.broadcast %add3A_646 : f32 to vector<16xf32>
        %add3A_648 = arith.addf %add3A_647, %mul3A_645 : vector<16xf32>
        %mul3A_649 = arith.mulf %mul3A_638, %add3A_648 : vector<16xf32>
        %add3A_650 = arith.constant 0.666666686 : f32
        %add3A_651 = vector.broadcast %add3A_650 : f32 to vector<16xf32>
        %add3A_652 = arith.addf %add3A_651, %mul3A_649 : vector<16xf32>
        %mul3A_653 = arith.mulf %mul3A_638, %add3A_652 : vector<16xf32>
        %add3A_654 = arith.constant 2.000000e+00 : f32
        %add3A_655 = vector.broadcast %add3A_654 : f32 to vector<16xf32>
        %add3A_656 = arith.addf %add3A_655, %mul3A_653 : vector<16xf32>
        %mul3A_657 = arith.mulf %div3A_637, %add3A_656 : vector<16xf32>
        %convert_element_type3A_658 = arith.sitofp %sub3A_623 : vector<16xi32> to vector<16xf32>
        %mul3A_659 = arith.constant 0.693147182 : f32
        %mul3A_660 = vector.broadcast %mul3A_659 : f32 to vector<16xf32>
        %mul3A_661 = arith.mulf %convert_element_type3A_658, %mul3A_660 : vector<16xf32>
        %add3A_662 = arith.addf %mul3A_657, %mul3A_661 : vector<16xf32>
        %mul3A_663 = arith.mulf %gather3A_600, %add3A_662 : vector<16xf32>
        %add3A_664 = arith.addf %add3A_577, %mul3A_663 : vector<16xf32>
        scf.yield %add3A_612, %add3A_664 : vector<16xf32>, vector<16xf32>
      }
      %scan3A_294 = arith.constant 64 : i32
      %iota3A_295 = tpu.iota {dimensions = array<i32: 0>} : vector<16xi32>
      %and3A_296 = arith.constant 1 : i32
      %and3A_297 = vector.broadcast %and3A_296 : i32 to vector<16xi32>
      %and3A_298 = arith.andi %get3A_234, %and3A_297 : vector<16xi32>
      %eq3A_299 = arith.constant 1 : i32
      %eq3A_300 = vector.broadcast %eq3A_299 : i32 to vector<16xi32>
      %eq3A_301 = arith.cmpi eq, %and3A_298, %eq3A_300 : vector<16xi32>
      %ge3A_302 = arith.constant 2 : i32
      %ge3A_303 = vector.broadcast %ge3A_302 : i32 to vector<16xi32>
      %ge3A_304 = arith.cmpi sge, %get3A_234, %ge3A_303 : vector<16xi32>
      %scan3A_305 = arith.constant 1 : i32
      %scan3A_306 = arith.constant 3 : i32
      %scan3A_307 = arith.constant 1 : i32
      %scan3A_308 = arith.constant 3 : i32
      %scan3A_309 = arith.constant 0 : i32
      %scan3A_310 = arith.constant 64 : i32
      %scan3A_311 = arith.addi %scan3A_309, %scan3A_310 : i32
      %scan3A_312 = arith.constant 1 : i32
      %scan3A_313:2 = scf.for %scan3A_322 = %scan3A_309 to %scan3A_311 step %scan3A_312 iter_args(%scan3A_323 = %scan3A_293#0, %scan3A_324 = %scan3A_293#1) -> (vector<16xf32>, vector<16xf32>)  : i32 {
        %add3A_325 = arith.constant 0 : i32
        %add3A_326 = vector.broadcast %add3A_325 : i32 to vector<16xi32>
        %add3A_327 = arith.addi %add3A_326, %iota3A_295 : vector<16xi32>
        %mul3A_328 = arith.constant 64 : i32
        %mul3A_329 = arith.muli %scan3A_322, %mul3A_328 : i32
        %add3A_330 = vector.broadcast %mul3A_329 : i32 to vector<16xi32>
        %add3A_331 = arith.addi %add3A_330, %add3A_327 : vector<16xi32>
        %add3A_332 = arith.constant 4032 : i32
        %add3A_333 = arith.addi %add3A_332, %scan3A_322 : i32
        %mul3A_334 = arith.constant 64 : i32
        %mul3A_335 = vector.broadcast %mul3A_334 : i32 to vector<16xi32>
        %mul3A_336 = arith.muli %add3A_327, %mul3A_335 : vector<16xi32>
        %sub3A = vector.broadcast %add3A_333 : i32 to vector<16xi32>
        %sub3A_337 = arith.subi %sub3A, %mul3A_336 : vector<16xi32>
        %select_n3A = arith.select %eq3A_301, %sub3A_337, %add3A_331 : vector<16xi1>, vector<16xi32>
        %sub3A_338 = arith.constant 4095 : i32
        %sub3A_339 = vector.broadcast %sub3A_338 : i32 to vector<16xi32>
        %sub3A_340 = arith.subi %sub3A_339, %select_n3A : vector<16xi32>
        %select_n3A_341 = arith.select %ge3A_304, %sub3A_340, %select_n3A : vector<16xi1>, vector<16xi32>
        %gather3A = arith.constant 0 : i32
        %gather3A_342 = tpu.memref_slice %arg7[%scan3A_305, %scan3A_306, %gather3A] : memref<2x4x4096xf32, #tpu.memory_space<vmem>> -> memref<1x1x4096xf32, #tpu.memory_space<vmem>>
        %gather3A_343 = tpu.memref_squeeze %gather3A_342 : memref<1x1x4096xf32, #tpu.memory_space<vmem>> -> memref<4096xf32, #tpu.memory_space<vmem>>
        %gather3A_344 = tpu.vector_load_idx %gather3A_343[%select_n3A_341] : memref<4096xf32, #tpu.memory_space<vmem>>[vector<16xi32>], vector<16xf32>,
        %mul3A_345 = arith.constant 64 : i32
        %mul3A_346 = arith.muli %scan3A_322, %mul3A_345 : i32
        %add3A_347 = arith.constant 0 : i32
        %add3A_348 = arith.addi %mul3A_346, %add3A_347 : i32
        %get3A_349 = arith.constant 0 : i32
        %get3A_350 = tpu.memref_slice %arg8[%scan3A_307, %scan3A_308, %get3A_349] : memref<2x4x4096xf32, #tpu.memory_space<vmem>> -> memref<1x1x4096xf32, #tpu.memory_space<vmem>>
        %get3A_351 = tpu.memref_squeeze %get3A_350 : memref<1x1x4096xf32, #tpu.memory_space<vmem>> -> memref<4096xf32, #tpu.memory_space<vmem>>
        %get3A_352 = arith.index_cast %add3A_348 : i32 to index
        %get3A_353 = tpu.vector_load %get3A_351[%get3A_352] {strides = array<i32>} : memref<4096xf32, #tpu.memory_space<vmem>>, vector<16xf32>,
        %sub3A_354 = arith.subf %gather3A_344, %get3A_353 : vector<16xf32>
        %mul3A_355 = arith.mulf %sub3A_354, %sub3A_354 : vector<16xf32>
        %add3A_356 = arith.addf %scan3A_323, %mul3A_355 : vector<16xf32>
        %max3A = arith.constant 9.99999971E-10 : f32
        %max3A_357 = vector.broadcast %max3A : f32 to vector<16xf32>
        %max3A_358 = arith.maximumf %get3A_353, %max3A_357 : vector<16xf32>
        %div3A = arith.divf %gather3A_344, %max3A_358 : vector<16xf32>
        %bitcast3A = vector.bitcast %div3A : vector<16xf32> to vector<16xi32>
        %shift_right_arithmetic3A = arith.constant 23 : i32
        %shift_right_arithmetic3A_359 = vector.broadcast %shift_right_arithmetic3A : i32 to vector<16xi32>
        %shift_right_arithmetic3A_360 = arith.shrsi %bitcast3A, %shift_right_arithmetic3A_359 : vector<16xi32>
        %sub3A_361 = arith.constant 127 : i32
        %sub3A_362 = vector.broadcast %sub3A_361 : i32 to vector<16xi32>
        %sub3A_363 = arith.subi %shift_right_arithmetic3A_360, %sub3A_362 : vector<16xi32>
        %and3A_364 = arith.constant 8388607 : i32
        %and3A_365 = vector.broadcast %and3A_364 : i32 to vector<16xi32>
        %and3A_366 = arith.andi %bitcast3A, %and3A_365 : vector<16xi32>
        %or3A = arith.constant 1065353216 : i32
        %or3A_367 = vector.broadcast %or3A : i32 to vector<16xi32>
        %or3A_368 = arith.ori %and3A_366, %or3A_367 : vector<16xi32>
        %bitcast3A_369 = vector.bitcast %or3A_368 : vector<16xi32> to vector<16xf32>
        %sub3A_370 = arith.constant 1.000000e+00 : f32
        %sub3A_371 = vector.broadcast %sub3A_370 : f32 to vector<16xf32>
        %sub3A_372 = arith.subf %bitcast3A_369, %sub3A_371 : vector<16xf32>
        %add3A_373 = arith.constant 1.000000e+00 : f32
        %add3A_374 = vector.broadcast %add3A_373 : f32 to vector<16xf32>
        %add3A_375 = arith.addf %bitcast3A_369, %add3A_374 : vector<16xf32>
        %div3A_376 = arith.divf %sub3A_372, %add3A_375 : vector<16xf32>
        %mul3A_377 = arith.mulf %div3A_376, %div3A_376 : vector<16xf32>
        %mul3A_378 = arith.constant 0.222222224 : f32
        %mul3A_379 = vector.broadcast %mul3A_378 : f32 to vector<16xf32>
        %mul3A_380 = arith.mulf %mul3A_377, %mul3A_379 : vector<16xf32>
        %add3A_381 = arith.constant 0.285714298 : f32
        %add3A_382 = vector.broadcast %add3A_381 : f32 to vector<16xf32>
        %add3A_383 = arith.addf %add3A_382, %mul3A_380 : vector<16xf32>
        %mul3A_384 = arith.mulf %mul3A_377, %add3A_383 : vector<16xf32>
        %add3A_385 = arith.constant 4.000000e-01 : f32
        %add3A_386 = vector.broadcast %add3A_385 : f32 to vector<16xf32>
        %add3A_387 = arith.addf %add3A_386, %mul3A_384 : vector<16xf32>
        %mul3A_388 = arith.mulf %mul3A_377, %add3A_387 : vector<16xf32>
        %add3A_389 = arith.constant 0.666666686 : f32
        %add3A_390 = vector.broadcast %add3A_389 : f32 to vector<16xf32>
        %add3A_391 = arith.addf %add3A_390, %mul3A_388 : vector<16xf32>
        %mul3A_392 = arith.mulf %mul3A_377, %add3A_391 : vector<16xf32>
        %add3A_393 = arith.constant 2.000000e+00 : f32
        %add3A_394 = vector.broadcast %add3A_393 : f32 to vector<16xf32>
        %add3A_395 = arith.addf %add3A_394, %mul3A_392 : vector<16xf32>
        %mul3A_396 = arith.mulf %div3A_376, %add3A_395 : vector<16xf32>
        %convert_element_type3A_397 = arith.sitofp %sub3A_363 : vector<16xi32> to vector<16xf32>
        %mul3A_398 = arith.constant 0.693147182 : f32
        %mul3A_399 = vector.broadcast %mul3A_398 : f32 to vector<16xf32>
        %mul3A_400 = arith.mulf %convert_element_type3A_397, %mul3A_399 : vector<16xf32>
        %add3A_401 = arith.addf %mul3A_396, %mul3A_400 : vector<16xf32>
        %mul3A_402 = arith.mulf %gather3A_344, %add3A_401 : vector<16xf32>
        %add3A_403 = arith.addf %scan3A_324, %mul3A_402 : vector<16xf32>
        %add3A_404 = arith.constant 16 : i32
        %add3A_405 = vector.broadcast %add3A_404 : i32 to vector<16xi32>
        %add3A_406 = arith.addi %add3A_405, %iota3A_295 : vector<16xi32>
        %mul3A_407 = arith.constant 64 : i32
        %mul3A_408 = arith.muli %scan3A_322, %mul3A_407 : i32
        %add3A_409 = vector.broadcast %mul3A_408 : i32 to vector<16xi32>
        %add3A_410 = arith.addi %add3A_409, %add3A_406 : vector<16xi32>
        %add3A_411 = arith.constant 4032 : i32
        %add3A_412 = arith.addi %add3A_411, %scan3A_322 : i32
        %mul3A_413 = arith.constant 64 : i32
        %mul3A_414 = vector.broadcast %mul3A_413 : i32 to vector<16xi32>
        %mul3A_415 = arith.muli %add3A_406, %mul3A_414 : vector<16xi32>
        %sub3A_416 = vector.broadcast %add3A_412 : i32 to vector<16xi32>
        %sub3A_417 = arith.subi %sub3A_416, %mul3A_415 : vector<16xi32>
        %select_n3A_418 = arith.select %eq3A_301, %sub3A_417, %add3A_410 : vector<16xi1>, vector<16xi32>
        %sub3A_419 = arith.constant 4095 : i32
        %sub3A_420 = vector.broadcast %sub3A_419 : i32 to vector<16xi32>
        %sub3A_421 = arith.subi %sub3A_420, %select_n3A_418 : vector<16xi32>
        %select_n3A_422 = arith.select %ge3A_304, %sub3A_421, %select_n3A_418 : vector<16xi1>, vector<16xi32>
        %gather3A_423 = arith.constant 0 : i32
        %gather3A_424 = tpu.memref_slice %arg7[%scan3A_305, %scan3A_306, %gather3A_423] : memref<2x4x4096xf32, #tpu.memory_space<vmem>> -> memref<1x1x4096xf32, #tpu.memory_space<vmem>>
        %gather3A_425 = tpu.memref_squeeze %gather3A_424 : memref<1x1x4096xf32, #tpu.memory_space<vmem>> -> memref<4096xf32, #tpu.memory_space<vmem>>
        %gather3A_426 = tpu.vector_load_idx %gather3A_425[%select_n3A_422] : memref<4096xf32, #tpu.memory_space<vmem>>[vector<16xi32>], vector<16xf32>,
        %mul3A_427 = arith.constant 64 : i32
        %mul3A_428 = arith.muli %scan3A_322, %mul3A_427 : i32
        %add3A_429 = arith.constant 16 : i32
        %add3A_430 = arith.addi %mul3A_428, %add3A_429 : i32
        %get3A_431 = arith.constant 0 : i32
        %get3A_432 = tpu.memref_slice %arg8[%scan3A_307, %scan3A_308, %get3A_431] : memref<2x4x4096xf32, #tpu.memory_space<vmem>> -> memref<1x1x4096xf32, #tpu.memory_space<vmem>>
        %get3A_433 = tpu.memref_squeeze %get3A_432 : memref<1x1x4096xf32, #tpu.memory_space<vmem>> -> memref<4096xf32, #tpu.memory_space<vmem>>
        %get3A_434 = arith.index_cast %add3A_430 : i32 to index
        %get3A_435 = tpu.vector_load %get3A_433[%get3A_434] {strides = array<i32>} : memref<4096xf32, #tpu.memory_space<vmem>>, vector<16xf32>,
        %sub3A_436 = arith.subf %gather3A_426, %get3A_435 : vector<16xf32>
        %mul3A_437 = arith.mulf %sub3A_436, %sub3A_436 : vector<16xf32>
        %add3A_438 = arith.addf %add3A_356, %mul3A_437 : vector<16xf32>
        %max3A_439 = arith.constant 9.99999971E-10 : f32
        %max3A_440 = vector.broadcast %max3A_439 : f32 to vector<16xf32>
        %max3A_441 = arith.maximumf %get3A_435, %max3A_440 : vector<16xf32>
        %div3A_442 = arith.divf %gather3A_426, %max3A_441 : vector<16xf32>
        %bitcast3A_443 = vector.bitcast %div3A_442 : vector<16xf32> to vector<16xi32>
        %shift_right_arithmetic3A_444 = arith.constant 23 : i32
        %shift_right_arithmetic3A_445 = vector.broadcast %shift_right_arithmetic3A_444 : i32 to vector<16xi32>
        %shift_right_arithmetic3A_446 = arith.shrsi %bitcast3A_443, %shift_right_arithmetic3A_445 : vector<16xi32>
        %sub3A_447 = arith.constant 127 : i32
        %sub3A_448 = vector.broadcast %sub3A_447 : i32 to vector<16xi32>
        %sub3A_449 = arith.subi %shift_right_arithmetic3A_446, %sub3A_448 : vector<16xi32>
        %and3A_450 = arith.constant 8388607 : i32
        %and3A_451 = vector.broadcast %and3A_450 : i32 to vector<16xi32>
        %and3A_452 = arith.andi %bitcast3A_443, %and3A_451 : vector<16xi32>
        %or3A_453 = arith.constant 1065353216 : i32
        %or3A_454 = vector.broadcast %or3A_453 : i32 to vector<16xi32>
        %or3A_455 = arith.ori %and3A_452, %or3A_454 : vector<16xi32>
        %bitcast3A_456 = vector.bitcast %or3A_455 : vector<16xi32> to vector<16xf32>
        %sub3A_457 = arith.constant 1.000000e+00 : f32
        %sub3A_458 = vector.broadcast %sub3A_457 : f32 to vector<16xf32>
        %sub3A_459 = arith.subf %bitcast3A_456, %sub3A_458 : vector<16xf32>
        %add3A_460 = arith.constant 1.000000e+00 : f32
        %add3A_461 = vector.broadcast %add3A_460 : f32 to vector<16xf32>
        %add3A_462 = arith.addf %bitcast3A_456, %add3A_461 : vector<16xf32>
        %div3A_463 = arith.divf %sub3A_459, %add3A_462 : vector<16xf32>
        %mul3A_464 = arith.mulf %div3A_463, %div3A_463 : vector<16xf32>
        %mul3A_465 = arith.constant 0.222222224 : f32
        %mul3A_466 = vector.broadcast %mul3A_465 : f32 to vector<16xf32>
        %mul3A_467 = arith.mulf %mul3A_464, %mul3A_466 : vector<16xf32>
        %add3A_468 = arith.constant 0.285714298 : f32
        %add3A_469 = vector.broadcast %add3A_468 : f32 to vector<16xf32>
        %add3A_470 = arith.addf %add3A_469, %mul3A_467 : vector<16xf32>
        %mul3A_471 = arith.mulf %mul3A_464, %add3A_470 : vector<16xf32>
        %add3A_472 = arith.constant 4.000000e-01 : f32
        %add3A_473 = vector.broadcast %add3A_472 : f32 to vector<16xf32>
        %add3A_474 = arith.addf %add3A_473, %mul3A_471 : vector<16xf32>
        %mul3A_475 = arith.mulf %mul3A_464, %add3A_474 : vector<16xf32>
        %add3A_476 = arith.constant 0.666666686 : f32
        %add3A_477 = vector.broadcast %add3A_476 : f32 to vector<16xf32>
        %add3A_478 = arith.addf %add3A_477, %mul3A_475 : vector<16xf32>
        %mul3A_479 = arith.mulf %mul3A_464, %add3A_478 : vector<16xf32>
        %add3A_480 = arith.constant 2.000000e+00 : f32
        %add3A_481 = vector.broadcast %add3A_480 : f32 to vector<16xf32>
        %add3A_482 = arith.addf %add3A_481, %mul3A_479 : vector<16xf32>
        %mul3A_483 = arith.mulf %div3A_463, %add3A_482 : vector<16xf32>
        %convert_element_type3A_484 = arith.sitofp %sub3A_449 : vector<16xi32> to vector<16xf32>
        %mul3A_485 = arith.constant 0.693147182 : f32
        %mul3A_486 = vector.broadcast %mul3A_485 : f32 to vector<16xf32>
        %mul3A_487 = arith.mulf %convert_element_type3A_484, %mul3A_486 : vector<16xf32>
        %add3A_488 = arith.addf %mul3A_483, %mul3A_487 : vector<16xf32>
        %mul3A_489 = arith.mulf %gather3A_426, %add3A_488 : vector<16xf32>
        %add3A_490 = arith.addf %add3A_403, %mul3A_489 : vector<16xf32>
        %add3A_491 = arith.constant 32 : i32
        %add3A_492 = vector.broadcast %add3A_491 : i32 to vector<16xi32>
        %add3A_493 = arith.addi %add3A_492, %iota3A_295 : vector<16xi32>
        %mul3A_494 = arith.constant 64 : i32
        %mul3A_495 = arith.muli %scan3A_322, %mul3A_494 : i32
        %add3A_496 = vector.broadcast %mul3A_495 : i32 to vector<16xi32>
        %add3A_497 = arith.addi %add3A_496, %add3A_493 : vector<16xi32>
        %add3A_498 = arith.constant 4032 : i32
        %add3A_499 = arith.addi %add3A_498, %scan3A_322 : i32
        %mul3A_500 = arith.constant 64 : i32
        %mul3A_501 = vector.broadcast %mul3A_500 : i32 to vector<16xi32>
        %mul3A_502 = arith.muli %add3A_493, %mul3A_501 : vector<16xi32>
        %sub3A_503 = vector.broadcast %add3A_499 : i32 to vector<16xi32>
        %sub3A_504 = arith.subi %sub3A_503, %mul3A_502 : vector<16xi32>
        %select_n3A_505 = arith.select %eq3A_301, %sub3A_504, %add3A_497 : vector<16xi1>, vector<16xi32>
        %sub3A_506 = arith.constant 4095 : i32
        %sub3A_507 = vector.broadcast %sub3A_506 : i32 to vector<16xi32>
        %sub3A_508 = arith.subi %sub3A_507, %select_n3A_505 : vector<16xi32>
        %select_n3A_509 = arith.select %ge3A_304, %sub3A_508, %select_n3A_505 : vector<16xi1>, vector<16xi32>
        %gather3A_510 = arith.constant 0 : i32
        %gather3A_511 = tpu.memref_slice %arg7[%scan3A_305, %scan3A_306, %gather3A_510] : memref<2x4x4096xf32, #tpu.memory_space<vmem>> -> memref<1x1x4096xf32, #tpu.memory_space<vmem>>
        %gather3A_512 = tpu.memref_squeeze %gather3A_511 : memref<1x1x4096xf32, #tpu.memory_space<vmem>> -> memref<4096xf32, #tpu.memory_space<vmem>>
        %gather3A_513 = tpu.vector_load_idx %gather3A_512[%select_n3A_509] : memref<4096xf32, #tpu.memory_space<vmem>>[vector<16xi32>], vector<16xf32>,
        %mul3A_514 = arith.constant 64 : i32
        %mul3A_515 = arith.muli %scan3A_322, %mul3A_514 : i32
        %add3A_516 = arith.constant 32 : i32
        %add3A_517 = arith.addi %mul3A_515, %add3A_516 : i32
        %get3A_518 = arith.constant 0 : i32
        %get3A_519 = tpu.memref_slice %arg8[%scan3A_307, %scan3A_308, %get3A_518] : memref<2x4x4096xf32, #tpu.memory_space<vmem>> -> memref<1x1x4096xf32, #tpu.memory_space<vmem>>
        %get3A_520 = tpu.memref_squeeze %get3A_519 : memref<1x1x4096xf32, #tpu.memory_space<vmem>> -> memref<4096xf32, #tpu.memory_space<vmem>>
        %get3A_521 = arith.index_cast %add3A_517 : i32 to index
        %get3A_522 = tpu.vector_load %get3A_520[%get3A_521] {strides = array<i32>} : memref<4096xf32, #tpu.memory_space<vmem>>, vector<16xf32>,
        %sub3A_523 = arith.subf %gather3A_513, %get3A_522 : vector<16xf32>
        %mul3A_524 = arith.mulf %sub3A_523, %sub3A_523 : vector<16xf32>
        %add3A_525 = arith.addf %add3A_438, %mul3A_524 : vector<16xf32>
        %max3A_526 = arith.constant 9.99999971E-10 : f32
        %max3A_527 = vector.broadcast %max3A_526 : f32 to vector<16xf32>
        %max3A_528 = arith.maximumf %get3A_522, %max3A_527 : vector<16xf32>
        %div3A_529 = arith.divf %gather3A_513, %max3A_528 : vector<16xf32>
        %bitcast3A_530 = vector.bitcast %div3A_529 : vector<16xf32> to vector<16xi32>
        %shift_right_arithmetic3A_531 = arith.constant 23 : i32
        %shift_right_arithmetic3A_532 = vector.broadcast %shift_right_arithmetic3A_531 : i32 to vector<16xi32>
        %shift_right_arithmetic3A_533 = arith.shrsi %bitcast3A_530, %shift_right_arithmetic3A_532 : vector<16xi32>
        %sub3A_534 = arith.constant 127 : i32
        %sub3A_535 = vector.broadcast %sub3A_534 : i32 to vector<16xi32>
        %sub3A_536 = arith.subi %shift_right_arithmetic3A_533, %sub3A_535 : vector<16xi32>
        %and3A_537 = arith.constant 8388607 : i32
        %and3A_538 = vector.broadcast %and3A_537 : i32 to vector<16xi32>
        %and3A_539 = arith.andi %bitcast3A_530, %and3A_538 : vector<16xi32>
        %or3A_540 = arith.constant 1065353216 : i32
        %or3A_541 = vector.broadcast %or3A_540 : i32 to vector<16xi32>
        %or3A_542 = arith.ori %and3A_539, %or3A_541 : vector<16xi32>
        %bitcast3A_543 = vector.bitcast %or3A_542 : vector<16xi32> to vector<16xf32>
        %sub3A_544 = arith.constant 1.000000e+00 : f32
        %sub3A_545 = vector.broadcast %sub3A_544 : f32 to vector<16xf32>
        %sub3A_546 = arith.subf %bitcast3A_543, %sub3A_545 : vector<16xf32>
        %add3A_547 = arith.constant 1.000000e+00 : f32
        %add3A_548 = vector.broadcast %add3A_547 : f32 to vector<16xf32>
        %add3A_549 = arith.addf %bitcast3A_543, %add3A_548 : vector<16xf32>
        %div3A_550 = arith.divf %sub3A_546, %add3A_549 : vector<16xf32>
        %mul3A_551 = arith.mulf %div3A_550, %div3A_550 : vector<16xf32>
        %mul3A_552 = arith.constant 0.222222224 : f32
        %mul3A_553 = vector.broadcast %mul3A_552 : f32 to vector<16xf32>
        %mul3A_554 = arith.mulf %mul3A_551, %mul3A_553 : vector<16xf32>
        %add3A_555 = arith.constant 0.285714298 : f32
        %add3A_556 = vector.broadcast %add3A_555 : f32 to vector<16xf32>
        %add3A_557 = arith.addf %add3A_556, %mul3A_554 : vector<16xf32>
        %mul3A_558 = arith.mulf %mul3A_551, %add3A_557 : vector<16xf32>
        %add3A_559 = arith.constant 4.000000e-01 : f32
        %add3A_560 = vector.broadcast %add3A_559 : f32 to vector<16xf32>
        %add3A_561 = arith.addf %add3A_560, %mul3A_558 : vector<16xf32>
        %mul3A_562 = arith.mulf %mul3A_551, %add3A_561 : vector<16xf32>
        %add3A_563 = arith.constant 0.666666686 : f32
        %add3A_564 = vector.broadcast %add3A_563 : f32 to vector<16xf32>
        %add3A_565 = arith.addf %add3A_564, %mul3A_562 : vector<16xf32>
        %mul3A_566 = arith.mulf %mul3A_551, %add3A_565 : vector<16xf32>
        %add3A_567 = arith.constant 2.000000e+00 : f32
        %add3A_568 = vector.broadcast %add3A_567 : f32 to vector<16xf32>
        %add3A_569 = arith.addf %add3A_568, %mul3A_566 : vector<16xf32>
        %mul3A_570 = arith.mulf %div3A_550, %add3A_569 : vector<16xf32>
        %convert_element_type3A_571 = arith.sitofp %sub3A_536 : vector<16xi32> to vector<16xf32>
        %mul3A_572 = arith.constant 0.693147182 : f32
        %mul3A_573 = vector.broadcast %mul3A_572 : f32 to vector<16xf32>
        %mul3A_574 = arith.mulf %convert_element_type3A_571, %mul3A_573 : vector<16xf32>
        %add3A_575 = arith.addf %mul3A_570, %mul3A_574 : vector<16xf32>
        %mul3A_576 = arith.mulf %gather3A_513, %add3A_575 : vector<16xf32>
        %add3A_577 = arith.addf %add3A_490, %mul3A_576 : vector<16xf32>
        %add3A_578 = arith.constant 48 : i32
        %add3A_579 = vector.broadcast %add3A_578 : i32 to vector<16xi32>
        %add3A_580 = arith.addi %add3A_579, %iota3A_295 : vector<16xi32>
        %mul3A_581 = arith.constant 64 : i32
        %mul3A_582 = arith.muli %scan3A_322, %mul3A_581 : i32
        %add3A_583 = vector.broadcast %mul3A_582 : i32 to vector<16xi32>
        %add3A_584 = arith.addi %add3A_583, %add3A_580 : vector<16xi32>
        %add3A_585 = arith.constant 4032 : i32
        %add3A_586 = arith.addi %add3A_585, %scan3A_322 : i32
        %mul3A_587 = arith.constant 64 : i32
        %mul3A_588 = vector.broadcast %mul3A_587 : i32 to vector<16xi32>
        %mul3A_589 = arith.muli %add3A_580, %mul3A_588 : vector<16xi32>
        %sub3A_590 = vector.broadcast %add3A_586 : i32 to vector<16xi32>
        %sub3A_591 = arith.subi %sub3A_590, %mul3A_589 : vector<16xi32>
        %select_n3A_592 = arith.select %eq3A_301, %sub3A_591, %add3A_584 : vector<16xi1>, vector<16xi32>
        %sub3A_593 = arith.constant 4095 : i32
        %sub3A_594 = vector.broadcast %sub3A_593 : i32 to vector<16xi32>
        %sub3A_595 = arith.subi %sub3A_594, %select_n3A_592 : vector<16xi32>
        %select_n3A_596 = arith.select %ge3A_304, %sub3A_595, %select_n3A_592 : vector<16xi1>, vector<16xi32>
        %gather3A_597 = arith.constant 0 : i32
        %gather3A_598 = tpu.memref_slice %arg7[%scan3A_305, %scan3A_306, %gather3A_597] : memref<2x4x4096xf32, #tpu.memory_space<vmem>> -> memref<1x1x4096xf32, #tpu.memory_space<vmem>>
        %gather3A_599 = tpu.memref_squeeze %gather3A_598 : memref<1x1x4096xf32, #tpu.memory_space<vmem>> -> memref<4096xf32, #tpu.memory_space<vmem>>
        %gather3A_600 = tpu.vector_load_idx %gather3A_599[%select_n3A_596] : memref<4096xf32, #tpu.memory_space<vmem>>[vector<16xi32>], vector<16xf32>,
        %mul3A_601 = arith.constant 64 : i32
        %mul3A_602 = arith.muli %scan3A_322, %mul3A_601 : i32
        %add3A_603 = arith.constant 48 : i32
        %add3A_604 = arith.addi %mul3A_602, %add3A_603 : i32
        %get3A_605 = arith.constant 0 : i32
        %get3A_606 = tpu.memref_slice %arg8[%scan3A_307, %scan3A_308, %get3A_605] : memref<2x4x4096xf32, #tpu.memory_space<vmem>> -> memref<1x1x4096xf32, #tpu.memory_space<vmem>>
        %get3A_607 = tpu.memref_squeeze %get3A_606 : memref<1x1x4096xf32, #tpu.memory_space<vmem>> -> memref<4096xf32, #tpu.memory_space<vmem>>
        %get3A_608 = arith.index_cast %add3A_604 : i32 to index
        %get3A_609 = tpu.vector_load %get3A_607[%get3A_608] {strides = array<i32>} : memref<4096xf32, #tpu.memory_space<vmem>>, vector<16xf32>,
        %sub3A_610 = arith.subf %gather3A_600, %get3A_609 : vector<16xf32>
        %mul3A_611 = arith.mulf %sub3A_610, %sub3A_610 : vector<16xf32>
        %add3A_612 = arith.addf %add3A_525, %mul3A_611 : vector<16xf32>
        %max3A_613 = arith.constant 9.99999971E-10 : f32
        %max3A_614 = vector.broadcast %max3A_613 : f32 to vector<16xf32>
        %max3A_615 = arith.maximumf %get3A_609, %max3A_614 : vector<16xf32>
        %div3A_616 = arith.divf %gather3A_600, %max3A_615 : vector<16xf32>
        %bitcast3A_617 = vector.bitcast %div3A_616 : vector<16xf32> to vector<16xi32>
        %shift_right_arithmetic3A_618 = arith.constant 23 : i32
        %shift_right_arithmetic3A_619 = vector.broadcast %shift_right_arithmetic3A_618 : i32 to vector<16xi32>
        %shift_right_arithmetic3A_620 = arith.shrsi %bitcast3A_617, %shift_right_arithmetic3A_619 : vector<16xi32>
        %sub3A_621 = arith.constant 127 : i32
        %sub3A_622 = vector.broadcast %sub3A_621 : i32 to vector<16xi32>
        %sub3A_623 = arith.subi %shift_right_arithmetic3A_620, %sub3A_622 : vector<16xi32>
        %and3A_624 = arith.constant 8388607 : i32
        %and3A_625 = vector.broadcast %and3A_624 : i32 to vector<16xi32>
        %and3A_626 = arith.andi %bitcast3A_617, %and3A_625 : vector<16xi32>
        %or3A_627 = arith.constant 1065353216 : i32
        %or3A_628 = vector.broadcast %or3A_627 : i32 to vector<16xi32>
        %or3A_629 = arith.ori %and3A_626, %or3A_628 : vector<16xi32>
        %bitcast3A_630 = vector.bitcast %or3A_629 : vector<16xi32> to vector<16xf32>
        %sub3A_631 = arith.constant 1.000000e+00 : f32
        %sub3A_632 = vector.broadcast %sub3A_631 : f32 to vector<16xf32>
        %sub3A_633 = arith.subf %bitcast3A_630, %sub3A_632 : vector<16xf32>
        %add3A_634 = arith.constant 1.000000e+00 : f32
        %add3A_635 = vector.broadcast %add3A_634 : f32 to vector<16xf32>
        %add3A_636 = arith.addf %bitcast3A_630, %add3A_635 : vector<16xf32>
        %div3A_637 = arith.divf %sub3A_633, %add3A_636 : vector<16xf32>
        %mul3A_638 = arith.mulf %div3A_637, %div3A_637 : vector<16xf32>
        %mul3A_639 = arith.constant 0.222222224 : f32
        %mul3A_640 = vector.broadcast %mul3A_639 : f32 to vector<16xf32>
        %mul3A_641 = arith.mulf %mul3A_638, %mul3A_640 : vector<16xf32>
        %add3A_642 = arith.constant 0.285714298 : f32
        %add3A_643 = vector.broadcast %add3A_642 : f32 to vector<16xf32>
        %add3A_644 = arith.addf %add3A_643, %mul3A_641 : vector<16xf32>
        %mul3A_645 = arith.mulf %mul3A_638, %add3A_644 : vector<16xf32>
        %add3A_646 = arith.constant 4.000000e-01 : f32
        %add3A_647 = vector.broadcast %add3A_646 : f32 to vector<16xf32>
        %add3A_648 = arith.addf %add3A_647, %mul3A_645 : vector<16xf32>
        %mul3A_649 = arith.mulf %mul3A_638, %add3A_648 : vector<16xf32>
        %add3A_650 = arith.constant 0.666666686 : f32
        %add3A_651 = vector.broadcast %add3A_650 : f32 to vector<16xf32>
        %add3A_652 = arith.addf %add3A_651, %mul3A_649 : vector<16xf32>
        %mul3A_653 = arith.mulf %mul3A_638, %add3A_652 : vector<16xf32>
        %add3A_654 = arith.constant 2.000000e+00 : f32
        %add3A_655 = vector.broadcast %add3A_654 : f32 to vector<16xf32>
        %add3A_656 = arith.addf %add3A_655, %mul3A_653 : vector<16xf32>
        %mul3A_657 = arith.mulf %div3A_637, %add3A_656 : vector<16xf32>
        %convert_element_type3A_658 = arith.sitofp %sub3A_623 : vector<16xi32> to vector<16xf32>
        %mul3A_659 = arith.constant 0.693147182 : f32
        %mul3A_660 = vector.broadcast %mul3A_659 : f32 to vector<16xf32>
        %mul3A_661 = arith.mulf %convert_element_type3A_658, %mul3A_660 : vector<16xf32>
        %add3A_662 = arith.addf %mul3A_657, %mul3A_661 : vector<16xf32>
        %mul3A_663 = arith.mulf %gather3A_600, %add3A_662 : vector<16xf32>
        %add3A_664 = arith.addf %add3A_577, %mul3A_663 : vector<16xf32>
        scf.yield %add3A_612, %add3A_664 : vector<16xf32>, vector<16xf32>
      }
      %scan3A_314 = arith.constant 64 : i32
      %add3A_315 = arith.constant 2 : i32
      %add3A_316 = arith.addi %add3A_201, %add3A_315 : i32
      %lt3A_317 = arith.constant 12 : i32
      %lt3A_318 = arith.cmpi slt, %add3A_316, %lt3A_317 : i32
      %convert_element_type3A_319 = arith.extui %lt3A_318 : i1 to i32
      %cond3A_320 = arith.constant 0 : i32
      %cond3A_321 = arith.cmpi ne, %convert_element_type3A_319, %cond3A_320 : i32
      scf.if %cond3A_321 {
        %add3A_322 = arith.constant 2 : i32
        %add3A_323 = arith.addi %add3A_201, %add3A_322 : i32
        %mul3A_324 = arith.constant 4 : i32
        %mul3A_325 = arith.muli %add3A_323, %mul3A_324 : i32
        %add3A_326 = arith.addi %mul3A_4, %mul3A_325 : i32
        %dma_start3A_327 = arith.constant 1 : i32
        %dma_start3A_328 = arith.constant 0 : i32
        %dma_start3A_329 = arith.constant 0 : i32
        %dma_start3A_330 = tpu.memref_slice %arg7[%dma_start3A_327, %dma_start3A_328, %dma_start3A_329] : memref<2x4x4096xf32, #tpu.memory_space<vmem>> -> memref<1x4x4096xf32, #tpu.memory_space<vmem>>
        %dma_start3A_331 = tpu.memref_squeeze %dma_start3A_330 : memref<1x4x4096xf32, #tpu.memory_space<vmem>> -> memref<4x4096xf32, #tpu.memory_space<vmem>>
        %dma_start3A_332 = arith.constant 0 : i32
        %dma_start3A_333 = tpu.memref_slice %arg2[%add3A_326, %dma_start3A_332] : memref<1536x4096xf32, #tpu.memory_space<hbm>> -> memref<4x4096xf32, #tpu.memory_space<hbm>>
        %dma_start3A_334 = arith.constant 0 : i32
        %dma_start3A_335 = arith.constant 0 : i32
        %dma_start3A_336 = tpu.memref_slice %arg7[%dma_start3A_327, %dma_start3A_334, %dma_start3A_335] : memref<2x4x4096xf32, #tpu.memory_space<vmem>> -> memref<1x4x4096xf32, #tpu.memory_space<vmem>>
        %dma_start3A_337 = tpu.memref_squeeze %dma_start3A_336 : memref<1x4x4096xf32, #tpu.memory_space<vmem>> -> memref<4x4096xf32, #tpu.memory_space<vmem>>
        %dma_start3A_338 = arith.constant 0 : i32
        %dma_start3A_339 = tpu.memref_slice %arg2[%add3A_326, %dma_start3A_338] : memref<1536x4096xf32, #tpu.memory_space<hbm>> -> memref<4x4096xf32, #tpu.memory_space<hbm>>
        tpu.enqueue_dma source(%dma_start3A_339 : memref<4x4096xf32, #tpu.memory_space<hbm>>) target(%dma_start3A_337 : memref<4x4096xf32, #tpu.memory_space<vmem>>) target_semaphore(%arg10 : memref<!tpu.dma_semaphore, #tpu.memory_space<semaphore_mem>>)
        %dma_start3A_340 = arith.constant 1 : i32
        %dma_start3A_341 = arith.constant 0 : i32
        %dma_start3A_342 = arith.constant 0 : i32
        %dma_start3A_343 = tpu.memref_slice %arg8[%dma_start3A_340, %dma_start3A_341, %dma_start3A_342] : memref<2x4x4096xf32, #tpu.memory_space<vmem>> -> memref<1x4x4096xf32, #tpu.memory_space<vmem>>
        %dma_start3A_344 = tpu.memref_squeeze %dma_start3A_343 : memref<1x4x4096xf32, #tpu.memory_space<vmem>> -> memref<4x4096xf32, #tpu.memory_space<vmem>>
        %dma_start3A_345 = arith.constant 0 : i32
        %dma_start3A_346 = tpu.memref_slice %arg3[%add3A_326, %dma_start3A_345] : memref<1536x4096xf32, #tpu.memory_space<hbm>> -> memref<4x4096xf32, #tpu.memory_space<hbm>>
        %dma_start3A_347 = arith.constant 0 : i32
        %dma_start3A_348 = arith.constant 0 : i32
        %dma_start3A_349 = tpu.memref_slice %arg8[%dma_start3A_340, %dma_start3A_347, %dma_start3A_348] : memref<2x4x4096xf32, #tpu.memory_space<vmem>> -> memref<1x4x4096xf32, #tpu.memory_space<vmem>>
        %dma_start3A_350 = tpu.memref_squeeze %dma_start3A_349 : memref<1x4x4096xf32, #tpu.memory_space<vmem>> -> memref<4x4096xf32, #tpu.memory_space<vmem>>
        %dma_start3A_351 = arith.constant 0 : i32
        %dma_start3A_352 = tpu.memref_slice %arg3[%add3A_326, %dma_start3A_351] : memref<1536x4096xf32, #tpu.memory_space<hbm>> -> memref<4x4096xf32, #tpu.memory_space<hbm>>
        tpu.enqueue_dma source(%dma_start3A_352 : memref<4x4096xf32, #tpu.memory_space<hbm>>) target(%dma_start3A_350 : memref<4x4096xf32, #tpu.memory_space<vmem>>) target_semaphore(%arg11 : memref<!tpu.dma_semaphore, #tpu.memory_space<semaphore_mem>>)
      } else {
      }
      scf.yield %scan3A_313#0, %scan3A_313#1 : vector<16xf32>, vector<16xf32>
    }
    %scan3A_65 = arith.constant 6 : i32
    %swap3A = arith.constant 0 : i32
    %swap3A_66 = arith.constant 0 : i32
    %swap3A_67 = arith.index_cast %swap3A : i32 to index
    %swap3A_68 = arith.index_cast %swap3A_66 : i32 to index
    %swap3A_69 = arith.constant 0 : index
    %swap3A_70 = tpu.vector_load %arg7[%swap3A_67, %swap3A_68, %swap3A_69] {strides = array<i32>} : memref<2x4x4096xf32, #tpu.memory_space<vmem>>, vector<16xf32>,
    tpu.vector_store %arg7[%swap3A_67, %swap3A_68, %swap3A_69], %scan3A_64#0 {strides = array<i32>} : memref<2x4x4096xf32, #tpu.memory_space<vmem>>, vector<16xf32>,
    %swap3A_71 = arith.constant 0 : i32
    %swap3A_72 = arith.constant 0 : i32
    %swap3A_73 = arith.index_cast %swap3A_71 : i32 to index
    %swap3A_74 = arith.index_cast %swap3A_72 : i32 to index
    %swap3A_75 = arith.constant 16 : index
    %swap3A_76 = tpu.vector_load %arg7[%swap3A_73, %swap3A_74, %swap3A_75] {strides = array<i32>} : memref<2x4x4096xf32, #tpu.memory_space<vmem>>, vector<16xf32>,
    tpu.vector_store %arg7[%swap3A_73, %swap3A_74, %swap3A_75], %scan3A_64#1 {strides = array<i32>} : memref<2x4x4096xf32, #tpu.memory_space<vmem>>, vector<16xf32>,
    %run_scoped3A = arith.constant 0 : i32
    %run_scoped3A_77 = arith.constant 0 : i32
    "tpu.region"() ({
      %run_scoped3A_80 = tpu.sem_alloc : memref<!tpu.dma_semaphore, #tpu.memory_space<semaphore_mem>>
      %dma_start3A_81 = arith.constant 0 : i32
      %dma_start3A_82 = tpu.memref_slice %arg7[%run_scoped3A, %run_scoped3A_77, %dma_start3A_81] : memref<2x4x4096xf32, #tpu.memory_space<vmem>> -> memref<1x1x16xf32, #tpu.memory_space<vmem>>
      %dma_start3A_83 = tpu.memref_squeeze %dma_start3A_82 : memref<1x1x16xf32, #tpu.memory_space<vmem>> -> memref<16xf32, #tpu.memory_space<vmem>>
      %dma_start3A_84 = arith.constant 0 : i32
      %dma_start3A_85 = tpu.memref_slice %arg5[%add3A, %dma_start3A_84] : memref<32x16xf32, #tpu.memory_space<hbm>> -> memref<1x16xf32, #tpu.memory_space<hbm>>
      %dma_start3A_86 = tpu.memref_squeeze %dma_start3A_85 : memref<1x16xf32, #tpu.memory_space<hbm>> -> memref<16xf32, #tpu.memory_space<hbm>>
      %dma_start3A_87 = arith.constant 0 : i32
      %dma_start3A_88 = tpu.memref_slice %arg5[%add3A, %dma_start3A_87] : memref<32x16xf32, #tpu.memory_space<hbm>> -> memref<1x16xf32, #tpu.memory_space<hbm>>
      %dma_start3A_89 = tpu.memref_squeeze %dma_start3A_88 : memref<1x16xf32, #tpu.memory_space<hbm>> -> memref<16xf32, #tpu.memory_space<hbm>>
      %dma_start3A_90 = arith.constant 0 : i32
      %dma_start3A_91 = tpu.memref_slice %arg7[%run_scoped3A, %run_scoped3A_77, %dma_start3A_90] : memref<2x4x4096xf32, #tpu.memory_space<vmem>> -> memref<1x1x16xf32, #tpu.memory_space<vmem>>
      %dma_start3A_92 = tpu.memref_squeeze %dma_start3A_91 : memref<1x1x16xf32, #tpu.memory_space<vmem>> -> memref<16xf32, #tpu.memory_space<vmem>>
      tpu.enqueue_dma source(%dma_start3A_92 : memref<16xf32, #tpu.memory_space<vmem>>) target(%dma_start3A_89 : memref<16xf32, #tpu.memory_space<hbm>>) target_semaphore(%run_scoped3A_80 : memref<!tpu.dma_semaphore, #tpu.memory_space<semaphore_mem>>)
      %dma_wait3A = arith.constant 0 : i32
      %dma_wait3A_93 = tpu.memref_slice %arg7[%run_scoped3A, %run_scoped3A_77, %dma_wait3A] : memref<2x4x4096xf32, #tpu.memory_space<vmem>> -> memref<1x1x16xf32, #tpu.memory_space<vmem>>
      %dma_wait3A_94 = tpu.memref_squeeze %dma_wait3A_93 : memref<1x1x16xf32, #tpu.memory_space<vmem>> -> memref<16xf32, #tpu.memory_space<vmem>>
      %dma_wait3A_95 = arith.constant 0 : i32
      %dma_wait3A_96 = tpu.memref_slice %arg5[%add3A, %dma_wait3A_95] : memref<32x16xf32, #tpu.memory_space<hbm>> -> memref<1x16xf32, #tpu.memory_space<hbm>>
      %dma_wait3A_97 = tpu.memref_squeeze %dma_wait3A_96 : memref<1x16xf32, #tpu.memory_space<hbm>> -> memref<16xf32, #tpu.memory_space<hbm>>
      %dma_wait3A_98 = arith.constant 0 : i32
      %dma_wait3A_99 = tpu.memref_slice %arg5[%add3A, %dma_wait3A_98] : memref<32x16xf32, #tpu.memory_space<hbm>> -> memref<1x16xf32, #tpu.memory_space<hbm>>
      %dma_wait3A_100 = tpu.memref_squeeze %dma_wait3A_99 : memref<1x16xf32, #tpu.memory_space<hbm>> -> memref<16xf32, #tpu.memory_space<hbm>>
      %dma_wait3A_101 = arith.constant 0 : i32
      %dma_wait3A_102 = tpu.memref_slice %arg7[%run_scoped3A, %run_scoped3A_77, %dma_wait3A_101] : memref<2x4x4096xf32, #tpu.memory_space<vmem>> -> memref<1x1x16xf32, #tpu.memory_space<vmem>>
      %dma_wait3A_103 = tpu.memref_squeeze %dma_wait3A_102 : memref<1x1x16xf32, #tpu.memory_space<vmem>> -> memref<16xf32, #tpu.memory_space<vmem>>
      tpu.wait_dma2 semaphore(%run_scoped3A_80 : memref<!tpu.dma_semaphore, #tpu.memory_space<semaphore_mem>>) src(%dma_wait3A_103 : memref<16xf32, #tpu.memory_space<vmem>>) dst(%dma_wait3A_100 : memref<16xf32, #tpu.memory_space<hbm>>)
      tpu.yield
    }) : () -> ()
    %run_scoped3A_78 = arith.constant 0 : i32
    %run_scoped3A_79 = arith.constant 0 : i32
    "tpu.region"() ({
      %run_scoped3A_80 = tpu.sem_alloc : memref<!tpu.dma_semaphore, #tpu.memory_space<semaphore_mem>>
      %dma_start3A_81 = arith.constant 16 : i32
      %dma_start3A_82 = tpu.memref_slice %arg7[%run_scoped3A_78, %run_scoped3A_79, %dma_start3A_81] : memref<2x4x4096xf32, #tpu.memory_space<vmem>> -> memref<1x1x16xf32, #tpu.memory_space<vmem>>
      %dma_start3A_83 = tpu.memref_squeeze %dma_start3A_82 : memref<1x1x16xf32, #tpu.memory_space<vmem>> -> memref<16xf32, #tpu.memory_space<vmem>>
      %dma_start3A_84 = arith.constant 0 : i32
      %dma_start3A_85 = tpu.memref_slice %arg6[%add3A, %dma_start3A_84] : memref<32x16xf32, #tpu.memory_space<hbm>> -> memref<1x16xf32, #tpu.memory_space<hbm>>
      %dma_start3A_86 = tpu.memref_squeeze %dma_start3A_85 : memref<1x16xf32, #tpu.memory_space<hbm>> -> memref<16xf32, #tpu.memory_space<hbm>>
      %dma_start3A_87 = arith.constant 0 : i32
      %dma_start3A_88 = tpu.memref_slice %arg6[%add3A, %dma_start3A_87] : memref<32x16xf32, #tpu.memory_space<hbm>> -> memref<1x16xf32, #tpu.memory_space<hbm>>
      %dma_start3A_89 = tpu.memref_squeeze %dma_start3A_88 : memref<1x16xf32, #tpu.memory_space<hbm>> -> memref<16xf32, #tpu.memory_space<hbm>>
      %dma_start3A_90 = arith.constant 16 : i32
      %dma_start3A_91 = tpu.memref_slice %arg7[%run_scoped3A_78, %run_scoped3A_79, %dma_start3A_90] : memref<2x4x4096xf32, #tpu.memory_space<vmem>> -> memref<1x1x16xf32, #tpu.memory_space<vmem>>
      %dma_start3A_92 = tpu.memref_squeeze %dma_start3A_91 : memref<1x1x16xf32, #tpu.memory_space<vmem>> -> memref<16xf32, #tpu.memory_space<vmem>>
      tpu.enqueue_dma source(%dma_start3A_92 : memref<16xf32, #tpu.memory_space<vmem>>) target(%dma_start3A_89 : memref<16xf32, #tpu.memory_space<hbm>>) target_semaphore(%run_scoped3A_80 : memref<!tpu.dma_semaphore, #tpu.memory_space<semaphore_mem>>)
      %dma_wait3A = arith.constant 16 : i32
      %dma_wait3A_93 = tpu.memref_slice %arg7[%run_scoped3A_78, %run_scoped3A_79, %dma_wait3A] : memref<2x4x4096xf32, #tpu.memory_space<vmem>> -> memref<1x1x16xf32, #tpu.memory_space<vmem>>
      %dma_wait3A_94 = tpu.memref_squeeze %dma_wait3A_93 : memref<1x1x16xf32, #tpu.memory_space<vmem>> -> memref<16xf32, #tpu.memory_space<vmem>>
      %dma_wait3A_95 = arith.constant 0 : i32
      %dma_wait3A_96 = tpu.memref_slice %arg6[%add3A, %dma_wait3A_95] : memref<32x16xf32, #tpu.memory_space<hbm>> -> memref<1x16xf32, #tpu.memory_space<hbm>>
      %dma_wait3A_97 = tpu.memref_squeeze %dma_wait3A_96 : memref<1x16xf32, #tpu.memory_space<hbm>> -> memref<16xf32, #tpu.memory_space<hbm>>
      %dma_wait3A_98 = arith.constant 0 : i32
      %dma_wait3A_99 = tpu.memref_slice %arg6[%add3A, %dma_wait3A_98] : memref<32x16xf32, #tpu.memory_space<hbm>> -> memref<1x16xf32, #tpu.memory_space<hbm>>
      %dma_wait3A_100 = tpu.memref_squeeze %dma_wait3A_99 : memref<1x16xf32, #tpu.memory_space<hbm>> -> memref<16xf32, #tpu.memory_space<hbm>>
      %dma_wait3A_101 = arith.constant 16 : i32
      %dma_wait3A_102 = tpu.memref_slice %arg7[%run_scoped3A_78, %run_scoped3A_79, %dma_wait3A_101] : memref<2x4x4096xf32, #tpu.memory_space<vmem>> -> memref<1x1x16xf32, #tpu.memory_space<vmem>>
      %dma_wait3A_103 = tpu.memref_squeeze %dma_wait3A_102 : memref<1x1x16xf32, #tpu.memory_space<vmem>> -> memref<16xf32, #tpu.memory_space<vmem>>
      tpu.wait_dma2 semaphore(%run_scoped3A_80 : memref<!tpu.dma_semaphore, #tpu.memory_space<semaphore_mem>>) src(%dma_wait3A_103 : memref<16xf32, #tpu.memory_space<vmem>>) dst(%dma_wait3A_100 : memref<16xf32, #tpu.memory_space<hbm>>)
      tpu.yield
    }) : () -> ()
    return
  }
}

module attributes {stable_mosaic.version = 14 : i64} {
  func.func @_tc_body(%arg0: i32, %arg1: memref<48xi32, #tpu.memory_space<smem>>, %arg2: memref<2x96x64x64xf32, #tpu.memory_space<vmem>>, %arg3: memref<2x96x64x64xf32, #tpu.memory_space<vmem>>, %arg4: memref<1x2x2xf32, #tpu.memory_space<smem>>) attributes {dimension_semantics = [#tpu.dimension_semantics<arbitrary>], iteration_bounds = array<i64: 24>, scalar_prefetch = 1 : i64, scratch_operands = 0 : i64, tpu.core_type = #tpu.core_type<tc>, window_params = [{transform_indices = @transform_0, window_bounds = array<i64: 2, 96, 64, 64>}, {transform_indices = @transform_1, window_bounds = array<i64: 2, 96, 64, 64>}, {transform_indices = @transform_2, window_bounds = array<i64: 1, 2, 2>}]} {
    %iota3A = tpu.iota {dimensions = array<i32: 2>} : vector<96x64x64xi32>
    %sub3A = arith.constant 63 : i32
    %sub3A_0 = vector.broadcast %sub3A : i32 to vector<96x64x64xi32>
    %sub3A_1 = arith.subi %sub3A_0, %iota3A : vector<96x64x64xi32>
    %get3A = arith.constant 0 : index
    %get3A_2 = arith.constant 0 : index
    %get3A_3 = arith.constant 0 : index
    %get3A_4 = arith.constant 0 : index
    %get3A_5 = vector.load %arg2[%get3A, %get3A_2, %get3A_3, %get3A_4] : memref<2x96x64x64xf32, #tpu.memory_space<vmem>>, vector<1x96x64x64xf32>
    %get3A_6 = vector.shape_cast %get3A_5 : vector<1x96x64x64xf32> to vector<96x64x64xf32>
    %get3A_7 = arith.constant 0 : index
    %get3A_8 = arith.constant 0 : index
    %get3A_9 = arith.constant 0 : index
    %get3A_10 = arith.constant 0 : index
    %get3A_11 = vector.load %arg3[%get3A_7, %get3A_8, %get3A_9, %get3A_10] : memref<2x96x64x64xf32, #tpu.memory_space<vmem>>, vector<1x96x64x64xf32>
    %get3A_12 = vector.shape_cast %get3A_11 : vector<1x96x64x64xf32> to vector<96x64x64xf32>
    %mul3A = arith.constant 2 : i32
    %mul3A_13 = arith.muli %arg0, %mul3A : i32
    %add3A = arith.constant 0 : i32
    %add3A_14 = arith.addi %mul3A_13, %add3A : i32
    %get3A_15 = arith.index_cast %add3A_14 : i32 to index
    %get3A_16 = memref.load %arg1[%get3A_15] : memref<48xi32, #tpu.memory_space<smem>>
    %eq3A = arith.constant 0 : i32
    %eq3A_17 = arith.cmpi eq, %get3A_16, %eq3A : i32
    %select_n3A = arith.select %eq3A_17, %iota3A, %sub3A_1 : vector<96x64x64xi32>
    %eq3A_18 = arith.constant 2 : i32
    %eq3A_19 = arith.cmpi eq, %get3A_16, %eq3A_18 : i32
    %select_n3A_20 = arith.select %eq3A_19, %sub3A_1, %iota3A : vector<96x64x64xi32>
    %transpose3A = tpu.transpose %get3A_6, [0, 2, 1] : vector<96x64x64xf32> -> vector<96x64x64xf32>
    %eq3A_21 = arith.constant 1 : i32
    %eq3A_22 = arith.cmpi eq, %get3A_16, %eq3A_21 : i32
    %eq3A_23 = arith.constant 2 : i32
    %eq3A_24 = arith.cmpi eq, %get3A_16, %eq3A_23 : i32
    %or3A = arith.ori %eq3A_22, %eq3A_24 : i1
    %select_n3A_25 = arith.select %or3A, %transpose3A, %get3A_6 : vector<96x64x64xf32>
    %lt3A = arith.constant 0 : i32
    %lt3A_26 = vector.broadcast %lt3A : i32 to vector<96x64x64xi32>
    %lt3A_27 = arith.cmpi slt, %select_n3A, %lt3A_26 : vector<96x64x64xi32>
    %add3A_28 = arith.constant 64 : i32
    %add3A_29 = vector.broadcast %add3A_28 : i32 to vector<96x64x64xi32>
    %add3A_30 = arith.addi %select_n3A, %add3A_29 : vector<96x64x64xi32>
    %select_n3A_31 = arith.select %lt3A_27, %add3A_30, %select_n3A : vector<96x64x64xi1>, vector<96x64x64xi32>
    %reshape3A = vector.shape_cast %select_n3A_31 : vector<96x64x64xi32> to vector<96x64x64x1xi32>
    %gather3A = vector.shape_cast %reshape3A : vector<96x64x64x1xi32> to vector<96x64x64xi32>
    %gather3A_32 = tpu.dynamic_gather %select_n3A_25[%gather3A] in [2] : vector<96x64x64xf32>, vector<96x64x64xi32> -> vector<96x64x64xf32>
    %transpose3A_33 = tpu.transpose %gather3A_32, [0, 2, 1] : vector<96x64x64xf32> -> vector<96x64x64xf32>
    %le3A = arith.constant 1 : i32
    %le3A_34 = arith.cmpi sle, %get3A_16, %le3A : i32
    %select_n3A_35 = arith.select %le3A_34, %gather3A_32, %transpose3A_33 : vector<96x64x64xf32>
    %lt3A_36 = arith.constant 0 : i32
    %lt3A_37 = vector.broadcast %lt3A_36 : i32 to vector<96x64x64xi32>
    %lt3A_38 = arith.cmpi slt, %select_n3A_20, %lt3A_37 : vector<96x64x64xi32>
    %add3A_39 = arith.constant 64 : i32
    %add3A_40 = vector.broadcast %add3A_39 : i32 to vector<96x64x64xi32>
    %add3A_41 = arith.addi %select_n3A_20, %add3A_40 : vector<96x64x64xi32>
    %select_n3A_42 = arith.select %lt3A_38, %add3A_41, %select_n3A_20 : vector<96x64x64xi1>, vector<96x64x64xi32>
    %reshape3A_43 = vector.shape_cast %select_n3A_42 : vector<96x64x64xi32> to vector<96x64x64x1xi32>
    %gather3A_44 = vector.shape_cast %reshape3A_43 : vector<96x64x64x1xi32> to vector<96x64x64xi32>
    %gather3A_45 = tpu.dynamic_gather %get3A_12[%gather3A_44] in [2] : vector<96x64x64xf32>, vector<96x64x64xi32> -> vector<96x64x64xf32>
    %sub3A_46 = arith.subf %select_n3A_35, %gather3A_45 : vector<96x64x64xf32>
    %mul3A_47 = arith.mulf %sub3A_46, %sub3A_46 : vector<96x64x64xf32>
    %reduce_sum3A = vector.shape_cast %mul3A_47 : vector<96x64x64xf32> to vector<1x96x64x64xf32>
    %reduce_sum3A_48 = arith.constant dense<0.000000e+00> : vector<1xf32>
    %reduce_sum3A_49 = vector.multi_reduction <add>, %reduce_sum3A, %reduce_sum3A_48 [1, 2, 3] : vector<1x96x64x64xf32> to vector<1xf32>
    %reduce_sum3A_50 = vector.shape_cast %reduce_sum3A_49 : vector<1xf32> to vector<1x1x1x1xf32>
    %reduce_sum3A_51 = vector.extract %reduce_sum3A_50[0, 0, 0, 0] : f32 from vector<1x1x1x1xf32>
    %swap3A = arith.constant 0 : index
    %swap3A_52 = arith.constant 0 : index
    %swap3A_53 = arith.constant 0 : index
    %swap3A_54 = memref.load %arg4[%swap3A, %swap3A_52, %swap3A_53] : memref<1x2x2xf32, #tpu.memory_space<smem>>
    memref.store %reduce_sum3A_51, %arg4[%swap3A, %swap3A_52, %swap3A_53] : memref<1x2x2xf32, #tpu.memory_space<smem>>
    %max3A = arith.constant 9.99999971E-10 : f32
    %max3A_55 = vector.broadcast %max3A : f32 to vector<96x64x64xf32>
    %max3A_56 = arith.maximumf %gather3A_45, %max3A_55 : vector<96x64x64xf32>
    %div3A = arith.divf %select_n3A_35, %max3A_56 : vector<96x64x64xf32>
    %log3A = math.log %div3A : vector<96x64x64xf32>
    %mul3A_57 = arith.mulf %select_n3A_35, %log3A : vector<96x64x64xf32>
    %reduce_sum3A_58 = vector.shape_cast %mul3A_57 : vector<96x64x64xf32> to vector<1x96x64x64xf32>
    %reduce_sum3A_59 = arith.constant dense<0.000000e+00> : vector<1xf32>
    %reduce_sum3A_60 = vector.multi_reduction <add>, %reduce_sum3A_58, %reduce_sum3A_59 [1, 2, 3] : vector<1x96x64x64xf32> to vector<1xf32>
    %reduce_sum3A_61 = vector.shape_cast %reduce_sum3A_60 : vector<1xf32> to vector<1x1x1x1xf32>
    %reduce_sum3A_62 = vector.extract %reduce_sum3A_61[0, 0, 0, 0] : f32 from vector<1x1x1x1xf32>
    %swap3A_63 = arith.constant 0 : index
    %swap3A_64 = arith.constant 0 : index
    %swap3A_65 = arith.constant 1 : index
    %swap3A_66 = memref.load %arg4[%swap3A_63, %swap3A_64, %swap3A_65] : memref<1x2x2xf32, #tpu.memory_space<smem>>
    memref.store %reduce_sum3A_62, %arg4[%swap3A_63, %swap3A_64, %swap3A_65] : memref<1x2x2xf32, #tpu.memory_space<smem>>
    %get3A_67 = arith.constant 1 : index
    %get3A_68 = arith.constant 0 : index
    %get3A_69 = arith.constant 0 : index
    %get3A_70 = arith.constant 0 : index
    %get3A_71 = vector.load %arg2[%get3A_67, %get3A_68, %get3A_69, %get3A_70] : memref<2x96x64x64xf32, #tpu.memory_space<vmem>>, vector<1x96x64x64xf32>
    %get3A_72 = vector.shape_cast %get3A_71 : vector<1x96x64x64xf32> to vector<96x64x64xf32>
    %get3A_73 = arith.constant 1 : index
    %get3A_74 = arith.constant 0 : index
    %get3A_75 = arith.constant 0 : index
    %get3A_76 = arith.constant 0 : index
    %get3A_77 = vector.load %arg3[%get3A_73, %get3A_74, %get3A_75, %get3A_76] : memref<2x96x64x64xf32, #tpu.memory_space<vmem>>, vector<1x96x64x64xf32>
    %get3A_78 = vector.shape_cast %get3A_77 : vector<1x96x64x64xf32> to vector<96x64x64xf32>
    %mul3A_79 = arith.constant 2 : i32
    %mul3A_80 = arith.muli %arg0, %mul3A_79 : i32
    %add3A_81 = arith.constant 1 : i32
    %add3A_82 = arith.addi %mul3A_80, %add3A_81 : i32
    %get3A_83 = arith.index_cast %add3A_82 : i32 to index
    %get3A_84 = memref.load %arg1[%get3A_83] : memref<48xi32, #tpu.memory_space<smem>>
    %eq3A_85 = arith.constant 0 : i32
    %eq3A_86 = arith.cmpi eq, %get3A_84, %eq3A_85 : i32
    %select_n3A_87 = arith.select %eq3A_86, %iota3A, %sub3A_1 : vector<96x64x64xi32>
    %eq3A_88 = arith.constant 2 : i32
    %eq3A_89 = arith.cmpi eq, %get3A_84, %eq3A_88 : i32
    %select_n3A_90 = arith.select %eq3A_89, %sub3A_1, %iota3A : vector<96x64x64xi32>
    %transpose3A_91 = tpu.transpose %get3A_72, [0, 2, 1] : vector<96x64x64xf32> -> vector<96x64x64xf32>
    %eq3A_92 = arith.constant 1 : i32
    %eq3A_93 = arith.cmpi eq, %get3A_84, %eq3A_92 : i32
    %eq3A_94 = arith.constant 2 : i32
    %eq3A_95 = arith.cmpi eq, %get3A_84, %eq3A_94 : i32
    %or3A_96 = arith.ori %eq3A_93, %eq3A_95 : i1
    %select_n3A_97 = arith.select %or3A_96, %transpose3A_91, %get3A_72 : vector<96x64x64xf32>
    %lt3A_98 = arith.constant 0 : i32
    %lt3A_99 = vector.broadcast %lt3A_98 : i32 to vector<96x64x64xi32>
    %lt3A_100 = arith.cmpi slt, %select_n3A_87, %lt3A_99 : vector<96x64x64xi32>
    %add3A_101 = arith.constant 64 : i32
    %add3A_102 = vector.broadcast %add3A_101 : i32 to vector<96x64x64xi32>
    %add3A_103 = arith.addi %select_n3A_87, %add3A_102 : vector<96x64x64xi32>
    %select_n3A_104 = arith.select %lt3A_100, %add3A_103, %select_n3A_87 : vector<96x64x64xi1>, vector<96x64x64xi32>
    %reshape3A_105 = vector.shape_cast %select_n3A_104 : vector<96x64x64xi32> to vector<96x64x64x1xi32>
    %gather3A_106 = vector.shape_cast %reshape3A_105 : vector<96x64x64x1xi32> to vector<96x64x64xi32>
    %gather3A_107 = tpu.dynamic_gather %select_n3A_97[%gather3A_106] in [2] : vector<96x64x64xf32>, vector<96x64x64xi32> -> vector<96x64x64xf32>
    %transpose3A_108 = tpu.transpose %gather3A_107, [0, 2, 1] : vector<96x64x64xf32> -> vector<96x64x64xf32>
    %le3A_109 = arith.constant 1 : i32
    %le3A_110 = arith.cmpi sle, %get3A_84, %le3A_109 : i32
    %select_n3A_111 = arith.select %le3A_110, %gather3A_107, %transpose3A_108 : vector<96x64x64xf32>
    %lt3A_112 = arith.constant 0 : i32
    %lt3A_113 = vector.broadcast %lt3A_112 : i32 to vector<96x64x64xi32>
    %lt3A_114 = arith.cmpi slt, %select_n3A_90, %lt3A_113 : vector<96x64x64xi32>
    %add3A_115 = arith.constant 64 : i32
    %add3A_116 = vector.broadcast %add3A_115 : i32 to vector<96x64x64xi32>
    %add3A_117 = arith.addi %select_n3A_90, %add3A_116 : vector<96x64x64xi32>
    %select_n3A_118 = arith.select %lt3A_114, %add3A_117, %select_n3A_90 : vector<96x64x64xi1>, vector<96x64x64xi32>
    %reshape3A_119 = vector.shape_cast %select_n3A_118 : vector<96x64x64xi32> to vector<96x64x64x1xi32>
    %gather3A_120 = vector.shape_cast %reshape3A_119 : vector<96x64x64x1xi32> to vector<96x64x64xi32>
    %gather3A_121 = tpu.dynamic_gather %get3A_78[%gather3A_120] in [2] : vector<96x64x64xf32>, vector<96x64x64xi32> -> vector<96x64x64xf32>
    %sub3A_122 = arith.subf %select_n3A_111, %gather3A_121 : vector<96x64x64xf32>
    %mul3A_123 = arith.mulf %sub3A_122, %sub3A_122 : vector<96x64x64xf32>
    %reduce_sum3A_124 = vector.shape_cast %mul3A_123 : vector<96x64x64xf32> to vector<1x96x64x64xf32>
    %reduce_sum3A_125 = arith.constant dense<0.000000e+00> : vector<1xf32>
    %reduce_sum3A_126 = vector.multi_reduction <add>, %reduce_sum3A_124, %reduce_sum3A_125 [1, 2, 3] : vector<1x96x64x64xf32> to vector<1xf32>
    %reduce_sum3A_127 = vector.shape_cast %reduce_sum3A_126 : vector<1xf32> to vector<1x1x1x1xf32>
    %reduce_sum3A_128 = vector.extract %reduce_sum3A_127[0, 0, 0, 0] : f32 from vector<1x1x1x1xf32>
    %swap3A_129 = arith.constant 0 : index
    %swap3A_130 = arith.constant 1 : index
    %swap3A_131 = arith.constant 0 : index
    %swap3A_132 = memref.load %arg4[%swap3A_129, %swap3A_130, %swap3A_131] : memref<1x2x2xf32, #tpu.memory_space<smem>>
    memref.store %reduce_sum3A_128, %arg4[%swap3A_129, %swap3A_130, %swap3A_131] : memref<1x2x2xf32, #tpu.memory_space<smem>>
    %max3A_133 = arith.constant 9.99999971E-10 : f32
    %max3A_134 = vector.broadcast %max3A_133 : f32 to vector<96x64x64xf32>
    %max3A_135 = arith.maximumf %gather3A_121, %max3A_134 : vector<96x64x64xf32>
    %div3A_136 = arith.divf %select_n3A_111, %max3A_135 : vector<96x64x64xf32>
    %log3A_137 = math.log %div3A_136 : vector<96x64x64xf32>
    %mul3A_138 = arith.mulf %select_n3A_111, %log3A_137 : vector<96x64x64xf32>
    %reduce_sum3A_139 = vector.shape_cast %mul3A_138 : vector<96x64x64xf32> to vector<1x96x64x64xf32>
    %reduce_sum3A_140 = arith.constant dense<0.000000e+00> : vector<1xf32>
    %reduce_sum3A_141 = vector.multi_reduction <add>, %reduce_sum3A_139, %reduce_sum3A_140 [1, 2, 3] : vector<1x96x64x64xf32> to vector<1xf32>
    %reduce_sum3A_142 = vector.shape_cast %reduce_sum3A_141 : vector<1xf32> to vector<1x1x1x1xf32>
    %reduce_sum3A_143 = vector.extract %reduce_sum3A_142[0, 0, 0, 0] : f32 from vector<1x1x1x1xf32>
    %swap3A_144 = arith.constant 0 : index
    %swap3A_145 = arith.constant 1 : index
    %swap3A_146 = arith.constant 1 : index
    %swap3A_147 = memref.load %arg4[%swap3A_144, %swap3A_145, %swap3A_146] : memref<1x2x2xf32, #tpu.memory_space<smem>>
    memref.store %reduce_sum3A_143, %arg4[%swap3A_144, %swap3A_145, %swap3A_146] : memref<1x2x2xf32, #tpu.memory_space<smem>>
    return
  }
  func.func @transform_0(%arg0: i32, %arg1: memref<48xi32, #tpu.memory_space<smem>>) -> (i32, i32, i32, i32) {
    %c0_i32 = arith.constant 0 : i32
    %c0_i32_0 = arith.constant 0 : i32
    %c0_i32_1 = arith.constant 0 : i32
    %c0_i32_2 = arith.constant 0 : i32
    return %arg0, %c0_i32, %c0_i32_0, %c0_i32_1 : i32, i32, i32, i32
  }
  func.func @transform_1(%arg0: i32, %arg1: memref<48xi32, #tpu.memory_space<smem>>) -> (i32, i32, i32, i32) {
    %c0_i32 = arith.constant 0 : i32
    %c0_i32_0 = arith.constant 0 : i32
    %c0_i32_1 = arith.constant 0 : i32
    %c0_i32_2 = arith.constant 0 : i32
    return %arg0, %c0_i32, %c0_i32_0, %c0_i32_1 : i32, i32, i32, i32
  }
  func.func @transform_2(%arg0: i32, %arg1: memref<48xi32, #tpu.memory_space<smem>>) -> (i32, i32, i32) {
    %c0_i32 = arith.constant 0 : i32
    %c0_i32_0 = arith.constant 0 : i32
    %c0_i32_1 = arith.constant 0 : i32
    return %arg0, %c0_i32, %c0_i32_0 : i32, i32, i32
  }
}

</mosaic_0001>

<sc_bundles>
// kernel: kernel.4.cloned.1.call-start
scs
__scs_entry_jumppad:
0x0: {  	(pc) =	sbr.rel $0x88, $3  }
0x1: {  	(tag) =	ssettag $0x0;
	lr =	simm.s32 $0x1  }
0x2: {  	[smem:$0x3F9E] =	sst lr;
	_ =	strace $0xD0000000  }
0x3: {  	_ = 	snop  }
0x4: {  	_ = 	snop  }
0x5: {  	_ = 	snop  }
0x6: {  	_ = 	snop  }
0x7: {  	_ = 	snop  }
__scs_overlays_trampoline_lowered:
0x8: {  	[smem:$0x3FAD] =	sst s0  }
0x9: {  	[smem:$0x3FAE] =	sst s1  }
0xa: {  	[smem:$0x3FAF] =	sst s2  }
0xb: {  	[smem:$0x3FB0] =	sst s3  }
0xc: {  	[smem:$0x3FB1] =	sst s4  }
0xd: {  	[smem:$0x3FB2] =	sst s5  }
0xe: {  	[smem:$0x3FB3] =	sst s6  }
0xf: {  	[smem:$0x3FB4] =	sst s7  }
0x10: {  	[smem:$0x3FB5] =	sst s8  }
0x11: {  	[smem:$0x3FB6] =	sst s9;
	s0 =	simm.s32 @!p0 $0x0  }
0x12: {  	s1 =	sld [smem:$0x3F9C];
	s0 =	simm.s32 @p0 $0x1  }
0x13: {  	[smem:$0x3FB7] =	sst s0;
	s0 =	simm.s32 @!p1 $0x0  }
0x14: {  	s2 =	sld [smem:$0x3F9B];
	s0 =	simm.s32 @p1 $0x1  }
0x15: {  	[smem:$0x3FB8] =	sst s0;
	s0 =	simm.s32 @!p2 $0x0  }
0x16: {  	s3 =	sld [smem:$0x3FDB];
	s0 =	simm.s32 @p2 $0x1  }
0x17: {  	s4 =	simm.s32 $0x1BF5;
	[smem:$0x3FBA] =	sst s0  }
0x18: {  	s0 =	sld [smem:$0x3F9D];
	_ =	swait.ge [sflag:s4], $0x0  }
0x19: {  	s7 =	sld [smem:$0x3F9E]  }
0x1a: {  	s8 =	sadd.s32 $0xFFFFE003, lr  }
0x1b: {  	s9 =	sadd.s32 $0xFFFFFEF7, lr;
	s5 =	simm.s32 $0xFFFFFFFF;
	p2 =	slt.u32 s8, $0xFFFFF086  }
0x1c: {  	p1 =	slt.u32 s9, $0xF7A;
	s5 =	simm.s32 @!p2 $0x0  }
0x1d: {  	s5 =	simm.s32 @p1 $0x1;
	p0 =	seq.s32 s7, s2  }
0x1e: {  	s7 =	smul.u32 @!p0 $0xF7A, s2;
	p2 =	seq.s32 @!p0 s5, $0x0  }
0x1f: {  	s9 =	smul.u32 $0xF7A, s1;
	s8 =	simm.s32 @!p0 $0x1BF5;
	p2 =	por !p2, p0  }
0x20: {  	[sflag:s8] =	ssyncset.s32 @!p0 $0xFFFFF086;
	s6 =	sadd.s32 @!p0 s3, s7;
	s7 =	simm.s32 @!p0 $0x108  }
0x21: {  	s3 =	sadd.s32 s3, s9;
	s6 =	sadd.s32 @!p0 $0x88, s6;
	s7 =	simm.s32 @p2 $0x1082  }
0x22: {  	[simem:s7], [sflag:s8] =	dma.local @!p0 [hbm:s6], $0xF7A  }
0x23: {  	s9 =	sor.u32 $0xD0000000, s2;
	s6 =	simm.s32 $0x108;
	_ =	swait.ge @!p0 [sflag:s8], $0x0  }
0x24: {  	s3 =	sadd.s32 $0x88, s3;
	s6 =	simm.s32 @!p1 $0x1082;
	[sflag:s4] =	ssyncset.s32 $0xFFFFF086  }
0x25: {  	[simem:s6], [sflag:s4] =	dma.local [hbm:s3], $0xF7A  }
0x26: {  	[smem:$0x3F9E] =	sst s1;
	(tag) =	ssettag s2;
	_ =	strace s9  }
0x27: {  	s1 =	sld [smem:$0x3FAE]  }
0x28: {  	s2 =	sld [smem:$0x3FAF]  }
0x29: {  	s4 =	sld [smem:$0x3FB1]  }
0x2a: {  	p0 =	seq.s32 s5, $0x0;
	s5 =	sld [smem:$0x3FB2]  }
0x2b: {  	s6 =	sld [smem:$0x3FB3]  }
0x2c: {  	s7 =	sld [smem:$0x3FB4]  }
0x2d: {  	s3 =	simm.s32 $0x108;
	s8 =	sld [smem:$0x3FB5]  }
0x2e: {  	s3 =	simm.s32 @!p0 $0x1082;
	s9 =	sld [smem:$0x3FB6]  }
0x2f: {  	lr =	sadd.s32 s0, s3;
	s0 =	sld [smem:$0x3FAD]  }
0x30: {  	s3 =	sld [smem:$0x3FB0]  }
0x31: {  	[smem:$0x3FB9] =	sst s10  }
0x32: {  	s10 =	sld [smem:$0x3FB7];
	_ =	sdelay $0x3  }
0x33: {  	p0 =	seq.s32 s10, $0x1;
	s10 =	sld [smem:$0x3FB9];
	_ =	sdelay $0x3  }
0x34: {  	[smem:$0x3FB9] =	sst s10  }
0x35: {  	s10 =	sld [smem:$0x3FB8];
	_ =	sdelay $0x3  }
0x36: {  	p1 =	seq.s32 s10, $0x1;
	s10 =	sld [smem:$0x3FB9];
	_ =	sdelay $0x3  }
0x37: {  	[smem:$0x3FB9] =	sst s10  }
0x38: {  	s10 =	sld [smem:$0x3FBA]  }
0x39: {  	_ = 	snop;
	(pc) =	sbr.ind lr, $3  }
0x3a: {  	_ = 	snop  }
0x3b: {  	_ = 	snop  }
0x3c: {  	p2 =	seq.s32 s10, $0x1;
	s10 =	sld [smem:$0x3FB9]  }
0x3d: {  	_ =	shalt  }
0x3e: {  	_ =	shalt  }
0x3f: {  	_ =	shalt  }
0x40: {  	_ =	shalt  }
0x41: {  	_ =	shalt  }
0x42: {  	_ =	shalt  }
0x43: {  	_ =	shalt  }
0x44: {  	_ =	shalt  }
0x45: {  	_ =	shalt  }
0x46: {  	_ =	shalt  }
0x47: {  	_ =	shalt  }
0x48: {  	_ =	shalt  }
0x49: {  	_ =	shalt  }
0x4a: {  	_ =	shalt  }
0x4b: {  	_ =	shalt  }
0x4c: {  	_ =	shalt  }
0x4d: {  	_ =	shalt  }
0x4e: {  	_ =	shalt  }
0x4f: {  	_ =	shalt  }
0x50: {  	_ =	shalt  }
0x51: {  	_ =	shalt  }
0x52: {  	_ =	shalt  }
0x53: {  	_ =	shalt  }
0x54: {  	_ =	shalt  }
0x55: {  	_ =	shalt  }
0x56: {  	_ =	shalt  }
0x57: {  	_ =	shalt  }
0x58: {  	_ =	shalt  }
0x59: {  	_ =	shalt  }
0x5a: {  	_ =	shalt  }
0x5b: {  	_ =	shalt  }
0x5c: {  	_ =	shalt  }
0x5d: {  	_ =	shalt  }
0x5e: {  	_ =	shalt  }
0x5f: {  	_ =	shalt  }
0x60: {  	_ =	shalt  }
0x61: {  	_ =	shalt  }
0x62: {  	_ =	shalt  }
0x63: {  	_ =	shalt  }
0x64: {  	_ =	shalt  }
0x65: {  	_ =	shalt  }
0x66: {  	_ =	shalt  }
0x67: {  	_ =	shalt  }
0x68: {  	_ =	shalt  }
0x69: {  	_ =	shalt  }
0x6a: {  	_ =	shalt  }
0x6b: {  	_ =	shalt  }
0x6c: {  	_ =	shalt  }
0x6d: {  	_ =	shalt  }
0x6e: {  	_ =	shalt  }
0x6f: {  	_ =	shalt  }
0x70: {  	_ =	shalt  }
0x71: {  	_ =	shalt  }
0x72: {  	_ =	shalt  }
0x73: {  	_ =	shalt  }
0x74: {  	_ =	shalt  }
0x75: {  	_ =	shalt  }
0x76: {  	_ =	shalt  }
0x77: {  	_ =	shalt  }
0x78: {  	_ =	shalt  }
0x79: {  	_ =	shalt  }
0x7a: {  	_ =	shalt  }
0x7b: {  	_ =	shalt  }
0x7c: {  	_ =	shalt  }
0x7d: {  	_ =	shalt  }
0x7e: {  	_ =	shalt  }
0x7f: {  	_ =	shalt  }
0x80: {  	_ =	shalt  }
0x81: {  	_ =	shalt  }
0x82: {  	_ =	shalt  }
0x83: {  	_ =	shalt  }
0x84: {  	_ =	shalt  }
0x85: {  	_ =	shalt  }
0x86: {  	_ =	shalt  }
0x87: {  	_ =	shalt  }
.Lfunc_end0:
.L_simem_size_0:
called_computation_lowered:
.L_overlay_start_0:
0x88: {  	s2 =	sld [smem:$0x3FD9]  }
0x89: {  	s3 =	sld [smem:$0x3FFE];
	_ =	sdelay $0x1  }
0x8a: {  	s1 =	srdreg.scid  }
0x8b: {  	s0 =	sand.u32 $0x1, s1  }
0x8c: {  	s16 =	sshll.u32 s0, $0xA;
	s2 =	sadd.s32 s3, s2  }
0x8d: {  	s2 =	sadd.s32 s2, s16  }
0x8e: {  	[smem:$0x3FC5] =	sst s2  }
0x8f: {  	_ = 	snop  }
0x90: {  	(tm) =	ssettm $0x1  }
0x91: {  	s17 =	sld [smem:$0x3FFB];
	_ =	sdelay $0x3  }
0x92: {  	_ =	strace s17  }
0x93: {  	s2 =	sld [smem:$0x3FFC];
	_ =	sdelay $0x3  }
0x94: {  	_ =	strace s2  }
0x95: {  	s2 =	sld [smem:$0x3FFD];
	_ =	sdelay $0x3  }
0x96: {  	_ =	strace s2  }
0x97: {  	_ =	strace $0x8FFFFFFF  }
0x98: {  	s18 =	sld [smem:$0x3FDB];
	_ =	sdelay $0x1  }
0x99: {  	s19 =	simm.s32 $_scs_section_size  }
0x9a: {  	s4 =	simm.s32 $_size__tile_overlayer_lowered;
	s5 =	simm.s32 $_tile_overlayer_lowered  }
0x9b: {  	s22 =	simm.s32 $0x1BFF;
	s21 =	sshll.u32 s5, $0x1;
	s2 =	sadd.s32 s19, s18  }
0x9c: {  	s6 =	simm.s32 $0x0;
	s20 =	sshll.u32 s4, $0x1;
	s4 =	sadd.s32 s21, s2  }
0x9d: {  	[timem:s6], [sflag:s22] =	dma.local [hbm:s4], s20  }
0x9e: {  	_ =	swait.ge [sflag:s22], s20  }
0x9f: {  	s3 =	ssub.s32 $0x0, s20;
	[sflag:s22] =	ssyncset.done $0x0  }
0xa0: {  	[sflag:s22] =	ssyncadd.s32 s3;
	_ =	sdelay $0x1  }
0xa1: {  	s23 =	simm.s32 $0x1B8B  }
0xa2: {  	_ =	swait.ge [sflag:s23], $0x1  }
0xa3: {  	[sflag:s23] =	ssyncset.done $0x0  }
0xa4: {  	s25 =	simm.s32 $0x1B8E;
	s24 =	sld [smem:$0x3FFE];
	[sflag:s23] =	ssyncadd.s32 $0xFFFFFFFF  }
0xa5: {  	s26 =	simm.s32 $execute0_lowered;
	[smem:$0x3FD2] =	sst s25  }
0xa6: {  	s4 =	sshll.u32 s26, $0x1;
	_ =	strace $0x80000046;
	[dreg:$0x1] =	wrdreg $0xFFFFFFFF  }
0xa7: {  	s28 =	simm.s32 $_size_execute0_lowered;
	s2 =	sadd.s32 s2, s4;
	[dreg:$0x0] =	wrdreg $0x0  }
0xa8: {  	s4 =	sshll.u32 s28, $0x1;
	[dreg:$0x2] =	wrdreg s2  }
0xa9: {  	[dreg:$0x3] =	wrdreg s4  }
0xaa: {  	[dreg:$0x4] =	wrdreg $0xC0  }
0xab: {  	_ =	task [dreg:s6], $0x5FFFF  }
0xac: {  	[dreg:$0x1] =	wrdreg $0xFFFFFFFF  }
0xad: {  	[dreg:$0x0] =	wrdreg $0x60  }
0xae: {  	[dreg:$0x2] =	wrdreg s24  }
0xaf: {  	[dreg:$0x3] =	wrdreg $0x9  }
0xb0: {  	_ =	task.clear_ibuf [dreg:s6], $0x4FFFF;
	_ =	strace $0x90000046  }
0xb1: {  	s29 =	simm.s32 $0x9;
	_ =	strace $0x80000048  }
0xb2: {  	_ =	swait.ge [sflag:s29], $0x1  }
0xb3: {  	[sflag:s29] =	ssyncadd.s32 $0xFFFFFFFF  }
0xb4: {  	_ =	strace $0x90000048  }
0xb5: {  	_ =	sfence  }
0xb6: {  	s30 =	sld [smem:$0x0];
	_ =	sdelay $0x2  }
0xb7: {  	s31 =	sshll.u32 s1, $0xD;
	s1 =	sshrl.u32 s1, $0x2  }
0xb8: {  	s3 =	sand.u32 $0x4000, s31;
	s1 =	sadd.s32 s1, s30  }
0xb9: {  	s0 =	sor.u32 s3, s0;
	s1 =	sshll.u32 s1, $0x11  }
0xba: {  	s0 =	sor.u32 s1, s0  }
0xbb: {  	s0 =	sadd.s32 $0x8F2B, s0  }
0xbc: {  	[sflag:s0] =	ssyncadd.remote.s32 $0x1  }
0xbd: {  	_ =	sfence.sel $0xFFFF  }
0xbe: {  	[dreg:$0x0] =	wrdreg $0xFFFFFFFF;
	(pc) =	sbr.abs _section_cstart, $3  }
0xbf: {  	[dreg:$0x1] =	wrdreg $0xFFFFFFFF  }
0xc0: {  	_ =	task.clear_ibuf [dreg:s6], $0x2FFFF;
	_ =	strace $0x9FFFFFFF  }
0xc1: {  	(tm) =	ssettm $0x7FFFFFFF  }
tec
execute0_lowered:
.L_overlay_start_1:
0x0: {  	(tag) =	ssettag $0x1  }
0x1: {  	s2 =	rddreg [dreg:$0x0];
	s3 =	simm.s32 $0x0;
	s0 =	srdreg.scid  }
0x2: {  	s1 =	stileid.u32;
	s16 =	simm.s32 $0x3;
	s18 =	simm.s32 $0x4000  }
0x3: {  	s19 =	simm.s32 $0xC000;
	s20 =	simm.s32 $0x1;
	s21 =	simm.s32 $0x2  }
0x4: {  	s22 =	simm.s32 $0x1000;
	s23 =	simm.s32 $0x2000;
	s24 =	simm.s32 $0x3000  }
0x5: {  	s25 =	simm.s32 $0x5000;
	s26 =	simm.s32 $0x6000;
	s28 =	simm.s32 $0x7000  }
0x6: {  	s30 =	simm.s32 $0x0;
	s0 =	sand.u32 $0x1, s0;
	s1 =	sshll.u32 s1, $0x1  }
0x7: {  	[smem:$0x7FF] =	sst s3;
	s4 =	sadd.s32 $0xC0000, s2;
	s1 =	sor.u32 s0, s1  }
0x8: {  	_ =	strace $0x80000047;
	s0 =	ssub.s32 $0x2, s0;
	s5 =	smul.u32 $0x18, s1  }
0x9: {  	s6 =	sshll.u32 s1, $0x1;
	s7 =	sshrl.u32 s0, $0x1;
	s8 =	smul.u32 $0x6000, s1  }
0xa: {  	s1 =	smul.u32 $0x30000, s1;
	s13 =	sadd.s32 s6, s2;
	s0 =	ssub.s32 s0, s7  }
.Ltmp0:
0xb: {  	s5 =	sadd.s32 s5, s2;
	s29 =	sor.u32 $0x800, s8;
	(pc) =	sbr.rel .LBB2_1-.Ltmp0, $4  }
0xc: {  	v0 =	vlaneseq.u32;
	s31 =	sadd.s32 s2, s8;
	s10 =	sor.u32 $0x8000, s1;
	s11 =	sor.u32 $0xC000, s1  }
0xd: {  	v1 =	vmul.u32 $0xFFFFFFC0, v0;
	s7 =	sadd.s32 s4, s8;
	s12 =	sadd.s32 $0x180600, s13;
	s13 =	sadd.s32 $0x180400, s13  }
0xe: {  	v2 =	vor.u32 $0x10, v0;
	v4 =	vor.u32 $0x20, v0;
	v6 =	vor.u32 $0x30, v0;
	s14 =	smax.u32 s0, $0x1;
	s5 =	sadd.s32 $0x180000, s5;
	[dreg:$0x3] =	wrdreg s31  }
0xf: {  	v3 =	vadd.s32 $0xFFFFFC00, v1;
	v5 =	vadd.s32 $0xFFFFF800, v1;
	v7 =	vadd.s32 $0xFFFFF400, v1;
	s8 =	sadd.s32 s2, s29;
	s9 =	sadd.s32 s4, s29;
	[dreg:$0x2] =	wrdreg s5  }
.LBB2_20:
0x10: {  	[tilespmem:$0x0] =	vst v19  }
0x11: {  	[tilespmem:$0x10] =	vst v16  }
0x12: {  	[hbm4b:s12+s3] =	stream.linear.scatter [tilespmem:s3], [sflag:$0x3], $0x10, $0x38;
	[tilespmem:$0x100C0] =	vst v63  }
0x13: {  	s30 =	sadd.s32 $0x1, s30;
	_ =	swait.ge [sflag:s16], $0x10  }
0x14: {  	p0 =	sne.s32 s30, s14;
	[sflag:s16] =	ssyncset.done $0x0  }
.Ltmp1:
0x15: {  	s0 =	simm.s32 $0x10;
	[sflag:s16] =	ssyncadd.s32 $0xFFFFFFF0;
	(pc) =	sbr.rel @!p0 .LBB2_21-.Ltmp1, $4  }
0x16: {  	[hbm4b:s13+s3] =	stream.linear.scatter [tilespmem:s0], [sflag:$0x3], $0x10, $0x38;
	[tilespmem:$0x100C0] =	vst v63  }
0x17: {  	_ =	swait.ge [sflag:s16], $0x10  }
0x18: {  	[sflag:s16] =	ssyncset.done $0x0  }
0x19: {  	[sflag:s16] =	ssyncadd.s32 $0xFFFFFFF0  }
.LBB2_1:
0x1a: {  	s0 =	rddreg [dreg:$0x2];
	s1 =	simm.s32 $0x10000  }
0x1b: {  	[tilespmem:s1], [sflag:$0x3] =	stream.linear.gather [hbm4b:s0+s3], $0xC0, $0x38;
	[tilespmem:$0x100C0] =	vst v63  }
0x1c: {  	_ =	swait.ge [sflag:s16], $0xC0  }
0x1d: {  	[sflag:s16] =	ssyncset.done $0x0  }
0x1e: {  	s17 =	rddreg [dreg:$0x3];
	[sflag:s16] =	ssyncadd.s32 $0xFFFFFF40  }
0x1f: {  	[tilespmem:s3], [sflag:$0x1] =	stream.linear.gather [hbm4b:s17+s3], $0x4000, $0x38;
	[tilespmem:$0x100C0] =	vst v63  }
0x20: {  	s29 =	simm.s32 $0x8000  }
0x21: {  	[tilespmem:s29], [sflag:$0x2] =	stream.linear.gather [hbm4b:s7+s3], $0x4000, $0x38;
	[tilespmem:$0x100C0] =	vst v63  }
0x22: {  	_ = 	snop  }
0x23: {  	[tilespmem:s18], [sflag:$0x1] =	stream.linear.gather [hbm4b:s8+s3], $0x4000, $0x38;
	[tilespmem:$0x100C0] =	vst v63  }
0x24: {  	s31 =	simm.s32 $0x0  }
0x25: {  	v16 =	vimm.f32 $0.0e+00;
	v19 =	vimm.f32 $0.0e+00;
	[tilespmem:s19], [sflag:$0x2] =	stream.linear.gather [hbm4b:s9+s3], $0x4000, $0x38;
	[tilespmem:$0x100C0] =	vst v63  }
.LBB2_2:
0x26: {  	_ =	swait.ge [sflag:s20], $0x4000  }
0x27: {  	[sflag:s20] =	ssyncset.done $0x0  }
0x28: {  	[sflag:s20] =	ssyncadd.s32 $0xFFFFC000  }
0x29: {  	_ =	swait.ge [sflag:s21], $0x4000  }
0x2a: {  	s0 =	sshll.u32 s31, $0x5;
	[sflag:s21] =	ssyncset.done $0x0  }
0x2b: {  	s1 =	sand.u32 $0x3FFFFFE0, s0;
	[sflag:s21] =	ssyncadd.s32 $0xFFFFC000  }
0x2c: {  	s17 =	simm.s32 $0x8020;
	v8 =	vld [tilespmem:s1+$0x10000]  }
0x2d: {  	v18 =	vld [tilespmem:s17+$0x10]  }
0x2e: {  	v29 =	vld [tilespmem:s17+$0x0];
	_ =	sdelay $0x1  }
0x2f: {  	s5 =	simm.s32 $0xFC0;
	s0 =	simm.s32 $0x0;
	v32 =	vld [tilespmem:s17+$0xFFFFFFF0]  }
0x30: {  	v10 =	vadd.s32 s5, v1;
	v11 =	vor.u32 s0, v4;
	v12 =	vor.u32 s0, v0;
	v34 =	vld [tilespmem:s17+$0xFFFFFFE0]  }
0x31: {  	v14 =	vor.u32 s0, v2;
	v9 =	vand.u32 $0x1, v8;
	vm0 =	vgt.s32 v8, $0x1  }
0x32: {  	v8 =	vadd.s32 s5, v5;
	v13 =	vmax.f32 v18, $9.999999710e-10;
	v15 =	vmax.f32 v29, $9.999999710e-10  }
0x33: {  	vm1 =	veq.s32 v9, $0x0;
	v9 =	vadd.s32 s5, v3;
	(erf) = vrcp.f32 v13  }
0x34: {  	v10 =	vsel vm1, v12, v10;
	v12 =	vmax.f32 v32, $9.999999710e-10;
	(erf) = vrcp.f32 v15  }
0x35: {  	v13 =	vsub.s32 $0xFFF, v10;
	(erf) = vrcp.f32 v12;
	v12 =	vmax.f32 v34, $9.999999710e-10  }
0x36: {  	v9 =	vsel vm1, v14, v9;
	(erf) = vrcp.f32 v12;
	v15 =	vsel vm0, v13, v10  }
0x37: {  	v8 =	vsel vm1, v11, v8;
	v11 =	vxor.u32 $0xFFF, v9  }
0x38: {  	v14 =	vsel vm0, v11, v9;
	_ =	sdelay $0x1  }
0x39: {  	v10 =	vadd.s32 s5, v7;
	v12 =	vor.u32 s0, v6;
	v13 =	vsub.s32 $0xFFF, v8  }
0x3a: {  	v9 =	vsel vm1, v12, v10;
	v13 =	vsel vm0, v13, v8;
	v26 =	vld.idx.msk [tilespmem:v15+s0+$0x0], $0xffff  }
0x3b: {  	v8 =	vsub.s32 $0xFFF, v9;
	v11 =	vpop (erf)  }
0x3c: {  	v12 =	vsel vm0, v8, v9;
	v25 =	vld.idx.msk [tilespmem:v14+s0+$0x0], $0xffff;
	v10 =	vpop (erf)  }
0x3d: {  	v9 =	vpop (erf)  }
0x3e: {  	v8 =	vpop (erf)  }
0x3f: {  	v24 =	vld.idx.msk [tilespmem:v13+s0+$0x0], $0xffff;
	v38 =	vmul.f32 v8, v26;
	_ =	sdelay $0x1  }
0x40: {  	v22 =	vld.idx.msk [tilespmem:v12+s0+$0x0], $0xffff;
	v39 =	vmul.f32 v9, v25;
	v17 =	vand.u32 $0x7FFFFF, v38  }
0x41: {  	v30 =	vor.u32 $0x3F800000, v17  }
0x42: {  	v20 =	vand.u32 $0x7FFFFF, v39;
	v17 =	vadd.f32 $1.000000000e+00, v30  }
0x43: {  	v42 =	vmul.f32 v10, v24;
	v31 =	vor.u32 $0x3F800000, v20  }
0x44: {  	s15 =	simm.s32 $0x40;
	v21 =	vadd.f32 $1.000000000e+00, v31;
	(erf) = vrcp.f32 v17  }
0x45: {  	v27 =	vor.u32 s15, v6;
	v20 =	vand.u32 $0x7FFFFF, v42;
	v46 =	vmul.f32 v11, v22  }
0x46: {  	v28 =	vor.u32 s15, v4;
	v33 =	vor.u32 $0x3F800000, v20;
	(erf) = vrcp.f32 v21  }
0x47: {  	s29 =	simm.s32 $0xFC1;
	v36 =	vor.u32 s15, v2;
	s17 =	simm.s32 $0x8060;
	v23 =	vadd.f32 $1.000000000e+00, v33;
	v20 =	vand.u32 $0x7FFFFF, v46  }
0x48: {  	v8 =	vadd.s32 s29, v7;
	v9 =	vadd.s32 s29, v5;
	v17 =	vld [tilespmem:s17+$0x10];
	v37 =	vor.u32 $0x3F800000, v20  }
0x49: {  	v32 =	vsub.f32 v25, v32;
	v20 =	vld [tilespmem:s17+$0x0];
	v35 =	vadd.f32 $1.000000000e+00, v37;
	(erf) = vrcp.f32 v23  }
0x4a: {  	v10 =	vadd.s32 s29, v3;
	v27 =	vsel vm1, v27, v8;
	v28 =	vsel vm1, v28, v9;
	v21 =	vld [tilespmem:s17+$0xFFFFFFF0]  }
0x4b: {  	v11 =	vadd.s32 s29, v1;
	v23 =	vor.u32 s15, v0;
	(erf) = vrcp.f32 v35  }
0x4c: {  	v40 =	vsel vm1, v36, v10;
	v30 =	vadd.f32 $-1.000000000e+00, v30;
	v41 =	vsel vm1, v23, v11  }
0x4d: {  	v29 =	vsub.f32 v24, v29;
	v43 =	vxor.u32 $0xFFF, v40;
	v23 =	vld [tilespmem:s17+$0xFFFFFFE0];
	v44 =	vsub.s32 $0xFFF, v41;
	v58 =	vpop (erf)  }
0x4e: {  	v56 =	vmax.f32 v17, $9.999999710e-10;
	v36 =	vmul.f32 v58, v30;
	v30 =	vadd.f32 $-1.000000000e+00, v31  }
0x4f: {  	v57 =	vmax.f32 v20, $9.999999710e-10;
	v45 =	vmax.f32 v21, $9.999999710e-10;
	(erf) = vrcp.f32 v56;
	v59 =	vpop (erf)  }
0x50: {  	(erf) = vrcp.f32 v57;
	v31 =	vadd.f32 $-1.000000000e+00, v33;
	v33 =	vmul.f32 v59, v30  }
0x51: {  	v35 =	vsel vm0, v43, v40;
	v41 =	vsel vm0, v44, v41;
	(erf) = vrcp.f32 v45  }
0x52: {  	v60 =	vmax.f32 v23, $9.999999710e-10;
	v43 =	vmul.f32 v36, v36;
	v30 =	vpop (erf);
	v44 =	vmul.f32 v33, v33  }
0x53: {  	(erf) = vrcp.f32 v60;
	v31 =	vmul.f32 v30, v31;
	v30 =	vadd.f32 $-1.000000000e+00, v37  }
0x54: {  	v54 =	vsub.s32 $0xFFF, v28;
	v61 =	vmul.f32 $2.222222240e-01, v43;
	v62 =	vpop (erf);
	v48 =	vmul.f32 $2.222222240e-01, v44  }
0x55: {  	v55 =	vsub.s32 $0xFFF, v27;
	v45 =	vmul.f32 v31, v31;
	v30 =	vmul.f32 v62, v30  }
0x56: {  	v32 =	vmul.f32 v32, v32;
	v27 =	vsel vm0, v55, v27;
	v47 =	vadd.f32 $2.857142980e-01, v61  }
0x57: {  	v48 =	vadd.f32 $2.857142980e-01, v48;
	v63 =	vmul.f32 $2.222222240e-01, v45;
	v40 =	vmul.f32 v30, v30  }
0x58: {  	v28 =	vsel vm0, v54, v28;
	v54 =	vshra.s32 v42, $0x17;
	v47 =	vmul.f32 v47, v43  }
0x59: {  	v51 =	vmul.f32 v48, v44;
	v49 =	vadd.f32 $2.857142980e-01, v63;
	v50 =	vmul.f32 $2.222222240e-01, v40  }
0x5a: {  	v46 =	vshra.s32 v46, $0x17;
	v37 =	vsub.f32 v26, v34;
	v47 =	vadd.f32 $4.000000060e-01, v47  }
0x5b: {  	v34 =	vpop (erf);
	v53 =	vadd.f32 $4.000000060e-01, v51;
	v49 =	vmul.f32 v49, v45;
	v52 =	vadd.f32 $2.857142980e-01, v50  }
0x5c: {  	v48 =	vshra.s32 v39, $0x17;
	v39 =	vpop (erf);
	v47 =	vmul.f32 v47, v43;
	v50 =	vshra.s32 v38, $0x17  }
0x5d: {  	v42 =	vpop (erf);
	v53 =	vmul.f32 v53, v44;
	v51 =	vadd.f32 $4.000000060e-01, v49;
	v38 =	vmul.f32 v52, v40  }
0x5e: {  	s5 =	simm.s32 $0xFC2;
	v49 =	vadd.s32 $0xFFFFFF81, v46;
	v46 =	vpop (erf);
	v52 =	vadd.f32 $6.666666860e-01, v47;
	v47 =	vadd.s32 $0xFFFFFF81, v54  }
.LBB2_3:
0x5f: {  	p0 =	sne.s32 s5, $0xFFF;
	v48 =	vadd.s32 $0xFFFFFF81, v48;
	v51 =	vmul.f32 v51, v45;
	v38 =	vadd.f32 $4.000000060e-01, v38  }
0x60: {  	v50 =	vadd.s32 $0xFFFFFF81, v50;
	v43 =	vmul.f32 v52, v43;
	v52 =	vadd.f32 $6.666666860e-01, v53  }
0x61: {  	v49 =	vcvt.s32.f32 v49;
	v51 =	vadd.f32 $6.666666860e-01, v51;
	v38 =	vmul.f32 v38, v40  }
0x62: {  	v50 =	vcvt.s32.f32 v50;
	v43 =	vadd.f32 $2.000000000e+00, v43;
	v44 =	vmul.f32 v52, v44  }
0x63: {  	v48 =	vcvt.s32.f32 v48;
	v45 =	vmul.f32 v51, v45;
	v38 =	vadd.f32 $6.666666860e-01, v38  }
0x64: {  	v36 =	vmul.f32 v43, v36;
	v43 =	vmul.f32 $6.931471820e-01, v50;
	v44 =	vadd.f32 $2.000000000e+00, v44  }
0x65: {  	v47 =	vcvt.s32.f32 v47;
	v45 =	vadd.f32 $2.000000000e+00, v45;
	v38 =	vmul.f32 v38, v40  }
0x66: {  	v40 =	vmul.f32 $6.931471820e-01, v48;
	v36 =	vadd.f32 v36, v43;
	v33 =	vmul.f32 v44, v33  }
0x67: {  	v43 =	vmul.f32 $6.931471820e-01, v47;
	v41 =	vld.idx.msk [tilespmem:v41+s0+$0x0], $0xffff;
	v31 =	vmul.f32 v45, v31;
	v38 =	vadd.f32 $2.000000000e+00, v38  }
0x68: {  	v37 =	vmul.f32 v37, v37;
	v26 =	vmul.f32 v36, v26;
	v33 =	vadd.f32 v33, v40  }
0x69: {  	v36 =	vmul.f32 $6.931471820e-01, v49;
	v35 =	vld.idx.msk [tilespmem:v35+s0+$0x0], $0xffff;
	v31 =	vadd.f32 v31, v43;
	v30 =	vmul.f32 v38, v30  }
0x6a: {  	v19 =	vadd.f32 v37, v19;
	v16 =	vadd.f32 v26, v16;
	v25 =	vmul.f32 v33, v25  }
0x6b: {  	v29 =	vmul.f32 v29, v29;
	v33 =	vsub.f32 v22, v18;
	v28 =	vld.idx.msk [tilespmem:v28+s0+$0x0], $0xffff;
	v30 =	vadd.f32 v30, v36  }
0x6c: {  	v19 =	vadd.f32 v32, v19;
	v18 =	vmovc v17;
	v24 =	vmul.f32 v31, v24;
	v16 =	vadd.f32 v25, v16  }
0x6d: {  	v38 =	vmul.f32 v46, v41;
	v26 =	vmov v41;
	v17 =	vld.idx.msk [tilespmem:v27+s0+$0x0], $0xffff;
	v27 =	vmul.f32 v33, v33  }
0x6e: {  	v19 =	vadd.f32 v29, v19;
	v22 =	vmul.f32 v30, v22;
	v16 =	vadd.f32 v24, v16  }
0x6f: {  	v29 =	vadd.s32 s5, v7;
	v46 =	vmul.f32 v42, v35;
	v25 =	vmov v35  }
0x70: {  	v31 =	vand.u32 $0x7FFFFF, v38;
	v19 =	vadd.f32 v27, v19;
	v16 =	vadd.f32 v22, v16  }
0x71: {  	v27 =	vadd.s32 s5, v5;
	v30 =	vor.u32 $0x3F800000, v31;
	v47 =	vmul.f32 v39, v28;
	v24 =	vmovc v28  }
0x72: {  	v28 =	vadd.s32 s5, v3;
	v31 =	vadd.f32 $1.000000000e+00, v30;
	v35 =	vand.u32 $0x7FFFFF, v46  }
0x73: {  	v32 =	vor.u32 $0x3F800000, v35;
	v33 =	vand.u32 $0x7FFFFF, v47;
	v42 =	vmul.f32 v34, v17;
	v22 =	vmovc v17  }
0x74: {  	v34 =	vadd.f32 $1.000000000e+00, v32;
	v33 =	vor.u32 $0x3F800000, v33;
	(erf) = vrcp.f32 v31  }
0x75: {  	s15 =	sadd.s32 $0x40, s15;
	s17 =	sadd.s32 $0x40, s17;
	v31 =	vadd.s32 s5, v1;
	v35 =	vadd.f32 $1.000000000e+00, v33;
	v36 =	vand.u32 $0x7FFFFF, v42  }
0x76: {  	v37 =	vor.u32 s15, v6;
	v39 =	vor.u32 $0x3F800000, v36;
	v17 =	vld [tilespmem:s17+$0x10];
	(erf) = vrcp.f32 v34  }
0x77: {  	v34 =	vor.u32 s15, v4;
	v36 =	vadd.f32 $1.000000000e+00, v39;
	v40 =	vld [tilespmem:s17+$0x0];
	(erf) = vrcp.f32 v35  }
0x78: {  	v29 =	vsel vm1, v37, v29;
	v41 =	vor.u32 s15, v2;
	v35 =	vor.u32 s15, v0;
	v48 =	vld [tilespmem:s17+$0xFFFFFFF0]  }
0x79: {  	v37 =	vsel vm1, v41, v28;
	v28 =	vsel vm1, v34, v27;
	(erf) = vrcp.f32 v36  }
0x7a: {  	v27 =	vsub.s32 $0xFFF, v29;
	v34 =	vsel vm1, v35, v31;
	v31 =	vsub.s32 $0xFFF, v28  }
0x7b: {  	v35 =	vxor.u32 $0xFFF, v37;
	v27 =	vsel vm0, v27, v29;
	v41 =	vsub.s32 $0xFFF, v34;
	v49 =	vld [tilespmem:s17+$0xFFFFFFE0]  }
0x7c: {  	v30 =	vadd.f32 $-1.000000000e+00, v30;
	v28 =	vsel vm0, v31, v28;
	v43 =	vmax.f32 v17, $9.999999710e-10  }
0x7d: {  	v36 =	vmax.f32 v40, $9.999999710e-10;
	v44 =	vmax.f32 v48, $9.999999710e-10;
	(erf) = vrcp.f32 v43;
	v29 =	vpop (erf)  }
0x7e: {  	v45 =	vadd.f32 $-1.000000000e+00, v32;
	(erf) = vrcp.f32 v36;
	v36 =	vmul.f32 v29, v30  }
0x7f: {  	v35 =	vsel vm0, v35, v37;
	v30 =	vadd.f32 $-1.000000000e+00, v33;
	(erf) = vrcp.f32 v44;
	v31 =	vpop (erf)  }
0x80: {  	v32 =	vmax.f32 v49, $9.999999710e-10;
	v43 =	vmul.f32 v36, v36;
	v33 =	vmul.f32 v31, v45;
	v29 =	vpop (erf)  }
0x81: {  	(erf) = vrcp.f32 v32;
	v31 =	vmul.f32 v29, v30;
	v30 =	vadd.f32 $-1.000000000e+00, v39  }
0x82: {  	v41 =	vsel vm0, v41, v34;
	v32 =	vmul.f32 $2.222222240e-01, v43;
	v44 =	vmul.f32 v33, v33;
	v34 =	vpop (erf)  }
0x83: {  	v29 =	vsub.f32 v24, v20;
	v20 =	vmovc v40;
	v45 =	vmul.f32 v31, v31;
	v30 =	vmul.f32 v34, v30  }
0x84: {  	v51 =	vsub.f32 v25, v21;
	v21 =	vmovc v48;
	v32 =	vadd.f32 $2.857142980e-01, v32;
	v50 =	vmul.f32 $2.222222240e-01, v44  }
0x85: {  	v37 =	vsub.f32 v26, v23;
	v23 =	vmovc v49;
	v48 =	vmul.f32 $2.222222240e-01, v45;
	v40 =	vmul.f32 v30, v30  }
0x86: {  	v34 =	vpop (erf);
	v49 =	vmul.f32 v32, v43;
	v32 =	vmul.f32 v51, v51;
	v50 =	vadd.f32 $2.857142980e-01, v50  }
0x87: {  	v52 =	vshra.s32 v42, $0x17;
	v39 =	vpop (erf);
	v51 =	vadd.f32 $2.857142980e-01, v48;
	v53 =	vmul.f32 $2.222222240e-01, v40  }
.Ltmp2:
0x88: {  	v47 =	vshra.s32 v47, $0x17;
	v42 =	vpop (erf);
	v49 =	vadd.f32 $4.000000060e-01, v49;
	v54 =	vmul.f32 v50, v44;
	(pc) =	sbr.rel @p0 .LBB2_3-.Ltmp2, $4  }
0x89: {  	v48 =	vshra.s32 v46, $0x17;
	v51 =	vmul.f32 v51, v45;
	v53 =	vadd.f32 $2.857142980e-01, v53  }
0x8a: {  	v50 =	vshra.s32 v38, $0x17;
	v46 =	vpop (erf);
	v55 =	vmul.f32 v49, v43;
	v54 =	vadd.f32 $4.000000060e-01, v54  }
0x8b: {  	v49 =	vadd.s32 $0xFFFFFF81, v52;
	v51 =	vadd.f32 $4.000000060e-01, v51;
	v38 =	vmul.f32 v53, v40  }
0x8c: {  	v47 =	vadd.s32 $0xFFFFFF81, v47;
	s5 =	sadd.s32 $0x1, s5;
	v52 =	vadd.f32 $6.666666860e-01, v55;
	v53 =	vmul.f32 v54, v44  }
0x8d: {  	_ =	sdelay $0x3  }
0x8e: {  	v54 =	vadd.f32 $4.000000060e-01, v38;
	v38 =	vld.idx.msk [tilespmem:v41+s0+$0x0], $0xffff  }
0x8f: {  	v63 =	vadd.s32 $0xFFFFFF81, v48;
	v56 =	vmul.f32 v51, v45;
	v35 =	vld.idx.msk [tilespmem:v35+s0+$0x0], $0xffff  }
0x90: {  	v50 =	vadd.s32 $0xFFFFFF81, v50;
	v49 =	vcvt.s32.f32 v49;
	v28 =	vld.idx.msk [tilespmem:v28+s0+$0x0], $0xffff;
	v37 =	vmul.f32 v37, v37  }
0x91: {  	v27 =	vld.idx.msk [tilespmem:v27+s0+$0x0], $0xffff;
	v43 =	vmul.f32 v52, v43;
	v57 =	vadd.f32 $6.666666860e-01, v53;
	v50 =	vcvt.s32.f32 v50  }
0x92: {  	v41 =	vcvt.s32.f32 v63;
	v58 =	vmul.f32 v54, v40;
	v48 =	vadd.f32 $6.666666860e-01, v56  }
0x93: {  	v43 =	vadd.f32 $2.000000000e+00, v43;
	v44 =	vmul.f32 v57, v44;
	v61 =	vmul.f32 $6.931471820e-01, v50  }
0x94: {  	v59 =	vmul.f32 v48, v45;
	v60 =	vadd.f32 $6.666666860e-01, v58;
	v46 =	vmul.f32 v46, v38  }
0x95: {  	v36 =	vmul.f32 v43, v36;
	v44 =	vadd.f32 $2.000000000e+00, v44;
	v42 =	vmul.f32 v42, v35  }
0x96: {  	v39 =	vmul.f32 v39, v28;
	v34 =	vmul.f32 v34, v27;
	v45 =	vadd.f32 $2.000000000e+00, v59  }
0x97: {  	v59 =	vmul.f32 v60, v40;
	v62 =	vand.u32 $0x7FFFFF, v46;
	v56 =	vand.u32 $0x7FFFFF, v42  }
0x98: {  	v57 =	vand.u32 $0x7FFFFF, v39;
	v36 =	vadd.f32 v36, v61;
	v50 =	vor.u32 $0x3F800000, v62  }
0x99: {  	v33 =	vmul.f32 v44, v33;
	v52 =	vor.u32 $0x3F800000, v56;
	v63 =	vadd.f32 $1.000000000e+00, v50  }
0x9a: {  	v61 =	vand.u32 $0x7FFFFF, v34;
	v53 =	vor.u32 $0x3F800000, v57;
	v58 =	vadd.f32 $1.000000000e+00, v52  }
0x9b: {  	v44 =	vor.u32 $0x3F800000, v61;
	v60 =	vadd.f32 $1.000000000e+00, v53;
	(erf) = vrcp.f32 v63  }
0x9c: {  	v47 =	vcvt.s32.f32 v47;
	v63 =	vadd.f32 $1.000000000e+00, v44;
	(erf) = vrcp.f32 v58  }
0x9d: {  	v29 =	vmul.f32 v29, v29;
	v19 =	vadd.f32 v37, v19;
	(erf) = vrcp.f32 v60  }
0x9e: {  	v18 =	vsub.f32 v22, v18;
	v41 =	vmul.f32 $6.931471820e-01, v41;
	(erf) = vrcp.f32 v63  }
0x9f: {  	v19 =	vadd.f32 v32, v19;
	v31 =	vmul.f32 v45, v31;
	v40 =	vadd.f32 $2.000000000e+00, v59  }
0xa0: {  	v62 =	vmul.f32 $6.931471820e-01, v47;
	v26 =	vmul.f32 v36, v26;
	v33 =	vadd.f32 v33, v41  }
0xa1: {  	v43 =	vmul.f32 $6.931471820e-01, v49;
	v19 =	vadd.f32 v29, v19;
	v30 =	vmul.f32 v40, v30  }
0xa2: {  	v31 =	vadd.f32 v31, v62;
	v16 =	vadd.f32 v26, v16;
	v25 =	vmul.f32 v33, v25  }
0xa3: {  	v18 =	vmul.f32 v18, v18;
	v26 =	vadd.f32 $-1.000000000e+00, v50;
	v30 =	vadd.f32 v30, v43  }
0xa4: {  	v24 =	vmul.f32 v31, v24;
	v16 =	vadd.f32 v25, v16;
	v25 =	vadd.f32 $-1.000000000e+00, v52;
	v45 =	vpop (erf)  }
0xa5: {  	v31 =	vadd.f32 $-1.000000000e+00, v53;
	v22 =	vmul.f32 v30, v22;
	v26 =	vmul.f32 v45, v26;
	v47 =	vpop (erf)  }
0xa6: {  	v16 =	vadd.f32 v24, v16;
	v24 =	vadd.f32 $-1.000000000e+00, v44;
	v48 =	vpop (erf);
	v32 =	vmul.f32 v47, v25  }
0xa7: {  	v29 =	vmul.f32 v26, v26;
	v31 =	vmul.f32 v48, v31;
	v30 =	vpop (erf)  }
0xa8: {  	v18 =	vadd.f32 v18, v19;
	v19 =	vmul.f32 v32, v32;
	v30 =	vmul.f32 v30, v24  }
0xa9: {  	v25 =	vmul.f32 $2.222222240e-01, v29;
	v33 =	vmul.f32 v31, v31  }
0xaa: {  	v49 =	vadd.f32 v22, v16;
	v22 =	vmul.f32 $2.222222240e-01, v19  }
0xab: {  	v50 =	vmul.f32 v30, v30;
	v16 =	vadd.f32 $2.857142980e-01, v25;
	v24 =	vmul.f32 $2.222222240e-01, v33  }
0xac: {  	v20 =	vsub.f32 v28, v20;
	v22 =	vadd.f32 $2.857142980e-01, v22  }
0xad: {  	v25 =	vmul.f32 $2.222222240e-01, v50;
	v16 =	vmul.f32 v16, v29;
	v24 =	vadd.f32 $2.857142980e-01, v24  }
0xae: {  	v21 =	vsub.f32 v35, v21;
	v23 =	vsub.f32 v38, v23;
	v22 =	vmul.f32 v22, v19  }
0xaf: {  	v25 =	vadd.f32 $2.857142980e-01, v25;
	v16 =	vadd.f32 $4.000000060e-01, v16;
	v24 =	vmul.f32 v24, v33  }
0xb0: {  	s29 =	simm.s32 $0x9030;
	v21 =	vmul.f32 v21, v21;
	v42 =	vshra.s32 v42, $0x17;
	v52 =	vadd.f32 $4.000000060e-01, v22  }
0xb1: {  	v25 =	vmul.f32 v25, v50;
	v51 =	vmul.f32 v16, v29;
	v24 =	vadd.f32 $4.000000060e-01, v24;
	v16 =	vld [tilespmem:s29+$0x0]  }
0xb2: {  	v42 =	vadd.s32 $0xFFFFFF81, v42;
	v53 =	vshra.s32 v46, $0x17;
	v22 =	vld [tilespmem:s29+$0xFFFFFFF0];
	v41 =	vmul.f32 v52, v19  }
0xb3: {  	v55 =	vadd.f32 $4.000000060e-01, v25;
	v40 =	vadd.f32 $6.666666860e-01, v51;
	v54 =	vmul.f32 v24, v33;
	v24 =	vld [tilespmem:s29+$0xFFFFFFE0]  }
0xb4: {  	v39 =	vshra.s32 v39, $0x17;
	v42 =	vcvt.s32.f32 v42;
	v56 =	vadd.s32 $0xFFFFFF81, v53;
	v25 =	vld [tilespmem:s29+$0xFFFFFFD0]  }
0xb5: {  	v41 =	vadd.f32 $6.666666860e-01, v41;
	v58 =	vmul.f32 v55, v50;
	v29 =	vmul.f32 v40, v29  }
0xb6: {  	v57 =	vadd.f32 $6.666666860e-01, v54;
	v40 =	vcvt.s32.f32 v56;
	v59 =	vmax.f32 v16, $9.999999710e-10  }
0xb7: {  	v60 =	vmax.f32 v22, $9.999999710e-10;
	v29 =	vadd.f32 $2.000000000e+00, v29;
	(erf) = vrcp.f32 v59  }
0xb8: {  	v19 =	vmul.f32 v41, v19;
	v61 =	vmax.f32 v24, $9.999999710e-10;
	(erf) = vrcp.f32 v60  }
0xb9: {  	v62 =	vmax.f32 v25, $9.999999710e-10;
	(erf) = vrcp.f32 v61;
	v26 =	vmul.f32 v29, v26  }
0xba: {  	v19 =	vadd.f32 $2.000000000e+00, v19;
	v29 =	vmul.f32 $6.931471820e-01, v40;
	(erf) = vrcp.f32 v62  }
0xbb: {  	v39 =	vadd.s32 $0xFFFFFF81, v39;
	v63 =	vadd.f32 $6.666666860e-01, v58;
	v33 =	vmul.f32 v57, v33  }
0xbc: {  	v32 =	vmul.f32 v19, v32;
	v26 =	vadd.f32 v26, v29;
	v29 =	vmul.f32 $6.931471820e-01, v42  }
0xbd: {  	v17 =	vsub.f32 v27, v17;
	v39 =	vcvt.s32.f32 v39;
	v37 =	vmul.f32 v63, v50  }
0xbe: {  	v34 =	vshra.s32 v34, $0x17;
	v33 =	vadd.f32 $2.000000000e+00, v33;
	v29 =	vadd.f32 v32, v29  }
0xbf: {  	v23 =	vmul.f32 v23, v23;
	v43 =	vmul.f32 $6.931471820e-01, v39;
	v37 =	vadd.f32 $2.000000000e+00, v37;
	v19 =	vld.idx.msk [tilespmem:v15+s22+$0x0], $0xffff  }
0xc0: {  	v34 =	vadd.s32 $0xFFFFFF81, v34;
	v31 =	vmul.f32 v33, v31;
	v26 =	vmul.f32 v26, v38;
	v44 =	vpop (erf)  }
0xc1: {  	v23 =	vadd.f32 v23, v18;
	v15 =	vcvt.s32.f32 v34;
	v30 =	vmul.f32 v37, v30;
	v45 =	vpop (erf)  }
0xc2: {  	v18 =	vld.idx.msk [tilespmem:v14+s22+$0x0], $0xffff;
	v31 =	vadd.f32 v31, v43;
	v14 =	vadd.f32 v26, v49;
	v26 =	vmul.f32 v29, v35;
	v29 =	vpop (erf)  }
0xc3: {  	v34 =	vmul.f32 $6.931471820e-01, v15;
	v15 =	vld.idx.msk [tilespmem:v13+s22+$0x0], $0xffff;
	v13 =	vmul.f32 v20, v20;
	v20 =	vadd.f32 v21, v23;
	v21 =	vpop (erf)  }
0xc4: {  	v23 =	vadd.f32 v26, v14;
	v26 =	vmul.f32 v31, v28;
	v14 =	vld.idx.msk [tilespmem:v12+s22+$0x0], $0xffff;
	v31 =	vmul.f32 v21, v19  }
0xc5: {  	v17 =	vmul.f32 v17, v17  }
0xc6: {  	v13 =	vadd.f32 v13, v20;
	v12 =	vadd.f32 v30, v34;
	v20 =	vand.u32 $0x7FFFFF, v31  }
0xc7: {  	v30 =	vmul.f32 v29, v18;
	v21 =	vadd.f32 v26, v23;
	v23 =	vor.u32 $0x3F800000, v20  }
0xc8: {  	v33 =	vmul.f32 v45, v15;
	v20 =	vadd.f32 v17, v13;
	v13 =	vadd.f32 $1.000000000e+00, v23  }
0xc9: {  	v12 =	vmul.f32 v12, v27;
	v46 =	vmul.f32 v44, v14;
	v17 =	vand.u32 $0x7FFFFF, v30  }
0xca: {  	s15 =	simm.s32 $0x9070;
	v26 =	vor.u32 $0x3F800000, v17;
	v17 =	vand.u32 $0x7FFFFF, v33;
	(erf) = vrcp.f32 v13  }
0xcb: {  	s0 =	simm.s32 $0x40;
	v27 =	vadd.f32 $1.000000000e+00, v26;
	v29 =	vor.u32 $0x3F800000, v17;
	v17 =	vld [tilespmem:s15+$0x0]  }
0xcc: {  	v50 =	vor.u32 s0, v2;
	v21 =	vadd.f32 v12, v21;
	v12 =	vand.u32 $0x7FFFFF, v46  }
0xcd: {  	v13 =	vadd.f32 $1.000000000e+00, v29;
	(erf) = vrcp.f32 v27;
	v27 =	vor.u32 s0, v4  }
0xce: {  	v36 =	vsel vm1, v50, v10;
	v47 =	vor.u32 $0x3F800000, v12;
	v12 =	vld [tilespmem:s15+$0xFFFFFFF0];
	v10 =	vsel vm1, v27, v9  }
0xcf: {  	v48 =	vadd.f32 $1.000000000e+00, v47;
	(erf) = vrcp.f32 v13;
	v27 =	vsub.s32 $0xFFF, v10  }
0xd0: {  	v28 =	vor.u32 s0, v6;
	v10 =	vsel vm0, v27, v10;
	v27 =	vmax.f32 v17, $9.999999710e-10  }
0xd1: {  	v28 =	vsel vm1, v28, v8;
	v13 =	vld [tilespmem:s15+$0xFFFFFFE0];
	(erf) = vrcp.f32 v48  }
0xd2: {  	v49 =	vor.u32 s0, v0;
	v23 =	vadd.f32 $-1.000000000e+00, v23;
	v9 =	vsub.s32 $0xFFF, v28  }
0xd3: {  	v8 =	vld [tilespmem:s15+$0xFFFFFFD0];
	v9 =	vsel vm0, v9, v28;
	v28 =	vmax.f32 v12, $9.999999710e-10;
	(erf) = vrcp.f32 v27;
	v27 =	vpop (erf)  }
0xd4: {  	(erf) = vrcp.f32 v28;
	v28 =	vmul.f32 v27, v23;
	v23 =	vadd.f32 $-1.000000000e+00, v26  }
0xd5: {  	v51 =	vxor.u32 $0xFFF, v36;
	v11 =	vsel vm1, v49, v11  }
0xd6: {  	v35 =	vsub.s32 $0xFFF, v11;
	v52 =	vmax.f32 v13, $9.999999710e-10;
	v34 =	vmul.f32 v28, v28  }
0xd7: {  	v32 =	vsel vm0, v35, v11;
	v29 =	vadd.f32 $-1.000000000e+00, v29;
	(erf) = vrcp.f32 v52;
	v26 =	vpop (erf)  }
0xd8: {  	v53 =	vmax.f32 v8, $9.999999710e-10;
	v26 =	vmul.f32 v26, v23;
	v23 =	vpop (erf);
	v54 =	vmul.f32 $2.222222240e-01, v34  }
0xd9: {  	v27 =	vsel vm0, v51, v36;
	v23 =	vmul.f32 v23, v29;
	v29 =	vadd.f32 $-1.000000000e+00, v47  }
0xda: {  	(erf) = vrcp.f32 v53;
	v36 =	vmul.f32 v26, v26;
	v55 =	vpop (erf);
	v56 =	vadd.f32 $2.857142980e-01, v54  }
0xdb: {  	v11 =	vsub.f32 v15, v22;
	v37 =	vmul.f32 v23, v23;
	v22 =	vmul.f32 v55, v29  }
0xdc: {  	v24 =	vsub.f32 v18, v24;
	v57 =	vmul.f32 $2.222222240e-01, v36;
	v39 =	vmul.f32 v56, v34  }
0xdd: {  	v29 =	vsub.f32 v19, v25;
	v25 =	vmul.f32 $2.222222240e-01, v37;
	v35 =	vmul.f32 v22, v22  }
0xde: {  	v24 =	vmul.f32 v24, v24;
	v40 =	vadd.f32 $2.857142980e-01, v57  }
0xdf: {  	v39 =	vadd.f32 $4.000000060e-01, v39;
	v58 =	vadd.f32 $2.857142980e-01, v25;
	v59 =	vmul.f32 $2.222222240e-01, v35  }
0xe0: {  	v61 =	vshra.s32 v33, $0x17;
	v38 =	vshra.s32 v46, $0x17;
	v60 =	vmul.f32 v40, v36  }
0xe1: {  	v39 =	vmul.f32 v39, v34;
	v25 =	vpop (erf);
	v41 =	vmul.f32 v58, v37;
	v62 =	vadd.f32 $2.857142980e-01, v59  }
0xe2: {  	v42 =	vshra.s32 v31, $0x17;
	v40 =	vshra.s32 v30, $0x17;
	v63 =	vadd.f32 $4.000000060e-01, v60;
	v30 =	vpop (erf)  }
0xe3: {  	v44 =	vadd.f32 $6.666666860e-01, v39;
	v33 =	vpop (erf);
	v31 =	vadd.f32 $4.000000060e-01, v41;
	v43 =	vmul.f32 v62, v35  }
0xe4: {  	s5 =	simm.s32 $0xFC2;
	v45 =	vmul.f32 v63, v36;
	v39 =	vadd.s32 $0xFFFFFF81, v61;
	v41 =	vadd.s32 $0xFFFFFF81, v38;
	v38 =	vpop (erf)  }
.LBB2_5:
0xe5: {  	p0 =	sne.s32 s5, $0xFFF;
	v40 =	vadd.s32 $0xFFFFFF81, v40;
	v31 =	vmul.f32 v31, v37;
	v43 =	vadd.f32 $4.000000060e-01, v43  }
0xe6: {  	v42 =	vadd.s32 $0xFFFFFF81, v42;
	v34 =	vmul.f32 v44, v34;
	v44 =	vadd.f32 $6.666666860e-01, v45  }
0xe7: {  	v41 =	vcvt.s32.f32 v41;
	v31 =	vadd.f32 $6.666666860e-01, v31;
	v43 =	vmul.f32 v43, v35  }
0xe8: {  	v42 =	vcvt.s32.f32 v42;
	v34 =	vadd.f32 $2.000000000e+00, v34;
	v36 =	vmul.f32 v44, v36  }
0xe9: {  	v40 =	vcvt.s32.f32 v40;
	v31 =	vmul.f32 v31, v37;
	v37 =	vadd.f32 $6.666666860e-01, v43  }
0xea: {  	v28 =	vmul.f32 v34, v28;
	v34 =	vmul.f32 $6.931471820e-01, v42;
	v36 =	vadd.f32 $2.000000000e+00, v36  }
0xeb: {  	v39 =	vcvt.s32.f32 v39;
	v31 =	vadd.f32 $2.000000000e+00, v31;
	v35 =	vmul.f32 v37, v35  }
0xec: {  	v28 =	vadd.f32 v28, v34;
	v26 =	vmul.f32 v36, v26;
	v34 =	vmul.f32 $6.931471820e-01, v40  }
0xed: {  	v32 =	vld.idx.msk [tilespmem:v32+s22+$0x0], $0xffff;
	v23 =	vmul.f32 v31, v23;
	v31 =	vmul.f32 $6.931471820e-01, v39;
	v35 =	vadd.f32 $2.000000000e+00, v35  }
0xee: {  	v29 =	vmul.f32 v29, v29;
	v19 =	vmul.f32 v28, v19;
	v26 =	vadd.f32 v26, v34  }
0xef: {  	v28 =	vmul.f32 $6.931471820e-01, v41;
	v27 =	vld.idx.msk [tilespmem:v27+s22+$0x0], $0xffff;
	v23 =	vadd.f32 v23, v31;
	v22 =	vmul.f32 v35, v22  }
0xf0: {  	v20 =	vadd.f32 v29, v20;
	v29 =	vadd.f32 v19, v21;
	v18 =	vmul.f32 v26, v18  }
0xf1: {  	v11 =	vmul.f32 v11, v11;
	v21 =	vsub.f32 v14, v16;
	v10 =	vld.idx.msk [tilespmem:v10+s22+$0x0], $0xffff;
	v22 =	vadd.f32 v22, v28  }
0xf2: {  	v20 =	vadd.f32 v24, v20;
	v16 =	vmovc v17;
	v15 =	vmul.f32 v23, v15;
	v24 =	vadd.f32 v18, v29  }
0xf3: {  	v31 =	vmul.f32 v38, v32;
	v17 =	vmul.f32 v21, v21;
	v19 =	vmov v32;
	v9 =	vld.idx.msk [tilespmem:v9+s22+$0x0], $0xffff  }
0xf4: {  	v11 =	vadd.f32 v11, v20;
	v14 =	vmul.f32 v22, v14;
	v24 =	vadd.f32 v15, v24  }
0xf5: {  	v22 =	vadd.s32 s5, v7;
	v38 =	vmul.f32 v33, v27;
	v18 =	vmov v27  }
0xf6: {  	v23 =	vand.u32 $0x7FFFFF, v31;
	v20 =	vadd.f32 v17, v11;
	v21 =	vadd.f32 v14, v24  }
0xf7: {  	v11 =	vadd.s32 s5, v5;
	v23 =	vor.u32 $0x3F800000, v23;
	v39 =	vmul.f32 v30, v10;
	v15 =	vmovc v10  }
0xf8: {  	v10 =	vadd.s32 s5, v3;
	v17 =	vadd.f32 $1.000000000e+00, v23;
	v27 =	vand.u32 $0x7FFFFF, v38  }
0xf9: {  	v24 =	vor.u32 $0x3F800000, v27;
	v26 =	vand.u32 $0x7FFFFF, v39;
	v33 =	vmul.f32 v25, v9;
	v14 =	vmovc v9  }
0xfa: {  	v9 =	vadd.f32 $1.000000000e+00, v24;
	v25 =	vor.u32 $0x3F800000, v26;
	(erf) = vrcp.f32 v17  }
0xfb: {  	s0 =	sadd.s32 $0x40, s0;
	s15 =	sadd.s32 $0x40, s15;
	v26 =	vadd.s32 s5, v1;
	v27 =	vadd.f32 $1.000000000e+00, v25;
	v28 =	vand.u32 $0x7FFFFF, v33  }
0xfc: {  	v29 =	vor.u32 s0, v6;
	v30 =	vor.u32 $0x3F800000, v28;
	v17 =	vld [tilespmem:s15+$0x0];
	(erf) = vrcp.f32 v9  }
0xfd: {  	v9 =	vor.u32 s0, v4;
	v28 =	vadd.f32 $1.000000000e+00, v30;
	v35 =	vld [tilespmem:s15+$0xFFFFFFF0];
	(erf) = vrcp.f32 v27  }
0xfe: {  	v32 =	vor.u32 s0, v2;
	v22 =	vsel vm1, v29, v22;
	v27 =	vor.u32 s0, v0;
	v40 =	vld [tilespmem:s15+$0xFFFFFFE0]  }
0xff: {  	v29 =	vsel vm1, v32, v10;
	v10 =	vsel vm1, v9, v11;
	(erf) = vrcp.f32 v28  }
0x100: {  	v9 =	vsub.s32 $0xFFF, v22;
	v11 =	vsel vm1, v27, v26;
	v26 =	vsub.s32 $0xFFF, v10  }
0x101: {  	v27 =	vxor.u32 $0xFFF, v29;
	v9 =	vsel vm0, v9, v22;
	v32 =	vsub.s32 $0xFFF, v11;
	v41 =	vld [tilespmem:s15+$0xFFFFFFD0]  }
0x102: {  	v23 =	vadd.f32 $-1.000000000e+00, v23;
	v10 =	vsel vm0, v26, v10;
	v34 =	vmax.f32 v17, $9.999999710e-10  }
0x103: {  	v28 =	vmax.f32 v35, $9.999999710e-10;
	v26 =	vmax.f32 v40, $9.999999710e-10;
	(erf) = vrcp.f32 v34;
	v22 =	vpop (erf)  }
0x104: {  	v36 =	vadd.f32 $-1.000000000e+00, v24;
	(erf) = vrcp.f32 v28;
	v28 =	vmul.f32 v22, v23  }
0x105: {  	v27 =	vsel vm0, v27, v29;
	v23 =	vadd.f32 $-1.000000000e+00, v25;
	(erf) = vrcp.f32 v26;
	v24 =	vpop (erf)  }
0x106: {  	v29 =	vmax.f32 v41, $9.999999710e-10;
	v34 =	vmul.f32 v28, v28;
	v26 =	vmul.f32 v24, v36;
	v22 =	vpop (erf)  }
0x107: {  	(erf) = vrcp.f32 v29;
	v23 =	vmul.f32 v22, v23;
	v22 =	vadd.f32 $-1.000000000e+00, v30  }
0x108: {  	v32 =	vsel vm0, v32, v11;
	v24 =	vmul.f32 $2.222222240e-01, v34;
	v36 =	vmul.f32 v26, v26;
	v25 =	vpop (erf)  }
0x109: {  	v11 =	vsub.f32 v15, v12;
	v12 =	vmovc v35;
	v37 =	vmul.f32 v23, v23;
	v22 =	vmul.f32 v25, v22  }
0x10a: {  	v43 =	vsub.f32 v18, v13;
	v13 =	vmovc v40;
	v24 =	vadd.f32 $2.857142980e-01, v24;
	v42 =	vmul.f32 $2.222222240e-01, v36  }
0x10b: {  	v29 =	vsub.f32 v19, v8;
	v8 =	vmovc v41;
	v40 =	vmul.f32 $2.222222240e-01, v37;
	v35 =	vmul.f32 v22, v22  }
0x10c: {  	v25 =	vpop (erf);
	v41 =	vmul.f32 v24, v34;
	v24 =	vmul.f32 v43, v43;
	v42 =	vadd.f32 $2.857142980e-01, v42  }
0x10d: {  	v44 =	vshra.s32 v33, $0x17;
	v30 =	vpop (erf);
	v43 =	vadd.f32 $2.857142980e-01, v40;
	v45 =	vmul.f32 $2.222222240e-01, v35  }
.Ltmp3:
0x10e: {  	v39 =	vshra.s32 v39, $0x17;
	v33 =	vpop (erf);
	v41 =	vadd.f32 $4.000000060e-01, v41;
	v46 =	vmul.f32 v42, v36;
	(pc) =	sbr.rel @p0 .LBB2_5-.Ltmp3, $4  }
0x10f: {  	v40 =	vshra.s32 v38, $0x17;
	v43 =	vmul.f32 v43, v37;
	v45 =	vadd.f32 $2.857142980e-01, v45  }
0x110: {  	v42 =	vshra.s32 v31, $0x17;
	v38 =	vpop (erf);
	v47 =	vmul.f32 v41, v34;
	v46 =	vadd.f32 $4.000000060e-01, v46  }
0x111: {  	v41 =	vadd.s32 $0xFFFFFF81, v44;
	v31 =	vadd.f32 $4.000000060e-01, v43;
	v43 =	vmul.f32 v45, v35  }
0x112: {  	s5 =	sadd.s32 $0x1, s5;
	v39 =	vadd.s32 $0xFFFFFF81, v39;
	v44 =	vadd.f32 $6.666666860e-01, v47;
	v45 =	vmul.f32 v46, v36  }
0x113: {  	_ =	sdelay $0x2  }
0x114: {  	v40 =	vadd.s32 $0xFFFFFF81, v40  }
0x115: {  	v46 =	vmul.f32 v31, v37;
	v43 =	vadd.f32 $4.000000060e-01, v43;
	v31 =	vld.idx.msk [tilespmem:v32+s22+$0x0], $0xffff;
	v41 =	vcvt.s32.f32 v41  }
0x116: {  	v61 =	vadd.s32 $0xFFFFFF81, v42;
	v49 =	vcvt.s32.f32 v39;
	v29 =	vmul.f32 v29, v29  }
0x117: {  	v27 =	vld.idx.msk [tilespmem:v27+s22+$0x0], $0xffff;
	v16 =	vsub.f32 v14, v16;
	v11 =	vmul.f32 v11, v11;
	v34 =	vmul.f32 v44, v34  }
0x118: {  	v10 =	vld.idx.msk [tilespmem:v10+s22+$0x0], $0xffff;
	v62 =	vadd.f32 $6.666666860e-01, v45;
	v32 =	vcvt.s32.f32 v61;
	v40 =	vcvt.s32.f32 v40  }
0x119: {  	v63 =	vadd.f32 $6.666666860e-01, v46;
	v43 =	vmul.f32 v43, v35;
	v59 =	vmul.f32 $6.931471820e-01, v49  }
0x11a: {  	v9 =	vld.idx.msk [tilespmem:v9+s22+$0x0], $0xffff;
	v20 =	vadd.f32 v29, v20;
	v16 =	vmul.f32 v16, v16;
	v48 =	vmul.f32 v38, v31  }
0x11b: {  	v34 =	vadd.f32 $2.000000000e+00, v34;
	v36 =	vmul.f32 v62, v36;
	v32 =	vmul.f32 $6.931471820e-01, v32  }
0x11c: {  	v46 =	vmul.f32 v63, v37;
	v33 =	vmul.f32 v33, v27;
	v50 =	vand.u32 $0x7FFFFF, v48  }
0x11d: {  	v47 =	vadd.f32 $6.666666860e-01, v43;
	v30 =	vmul.f32 v30, v10;
	v39 =	vor.u32 $0x3F800000, v50  }
0x11e: {  	v36 =	vadd.f32 $2.000000000e+00, v36;
	v53 =	vand.u32 $0x7FFFFF, v33;
	v52 =	vadd.f32 $1.000000000e+00, v39  }
0x11f: {  	v25 =	vmul.f32 v25, v9;
	v54 =	vand.u32 $0x7FFFFF, v30;
	v42 =	vor.u32 $0x3F800000, v53  }
0x120: {  	v43 =	vor.u32 $0x3F800000, v54;
	v55 =	vadd.f32 $1.000000000e+00, v42;
	(erf) = vrcp.f32 v52  }
0x121: {  	v28 =	vmul.f32 v34, v28;
	v57 =	vand.u32 $0x7FFFFF, v25;
	v56 =	vadd.f32 $1.000000000e+00, v43  }
0x122: {  	v26 =	vmul.f32 v36, v26;
	v36 =	vor.u32 $0x3F800000, v57;
	(erf) = vrcp.f32 v55  }
0x123: {  	v20 =	vadd.f32 v24, v20;
	v58 =	vadd.f32 $1.000000000e+00, v36;
	(erf) = vrcp.f32 v56  }
0x124: {  	v40 =	vmul.f32 $6.931471820e-01, v40;
	v13 =	vsub.f32 v27, v13;
	v28 =	vadd.f32 v28, v32  }
0x125: {  	v37 =	vadd.f32 $2.000000000e+00, v46;
	v51 =	vmul.f32 v47, v35;
	(erf) = vrcp.f32 v58  }
0x126: {  	v8 =	vsub.f32 v31, v8;
	v19 =	vmul.f32 v28, v19;
	v26 =	vadd.f32 v26, v40  }
0x127: {  	v60 =	vmul.f32 v13, v13;
	v23 =	vmul.f32 v37, v23;
	v35 =	vadd.f32 $2.000000000e+00, v51  }
0x128: {  	v19 =	vadd.f32 v19, v21;
	v18 =	vmul.f32 v26, v18;
	v21 =	vadd.f32 $-1.000000000e+00, v39  }
0x129: {  	v28 =	vmul.f32 $6.931471820e-01, v41;
	v23 =	vadd.f32 v23, v59;
	v22 =	vmul.f32 v35, v22;
	v24 =	vpop (erf)  }
0x12a: {  	v18 =	vadd.f32 v18, v19;
	v19 =	vmul.f32 v24, v21;
	v21 =	vadd.f32 $-1.000000000e+00, v42  }
0x12b: {  	v22 =	vadd.f32 v22, v28;
	v15 =	vmul.f32 v23, v15;
	v23 =	vadd.f32 $-1.000000000e+00, v43;
	v24 =	vpop (erf)  }
0x12c: {  	v11 =	vadd.f32 v11, v20;
	v20 =	vmul.f32 v19, v19;
	v21 =	vmul.f32 v24, v21;
	v24 =	vpop (erf)  }
0x12d: {  	v14 =	vmul.f32 v22, v14;
	v22 =	vmul.f32 v24, v23;
	v23 =	vadd.f32 $-1.000000000e+00, v36  }
0x12e: {  	v15 =	vadd.f32 v15, v18;
	v26 =	vpop (erf);
	v18 =	vmul.f32 $2.222222240e-01, v20;
	v24 =	vmul.f32 v21, v21  }
0x12f: {  	v11 =	vadd.f32 v16, v11;
	v16 =	vmul.f32 v22, v22;
	v23 =	vmul.f32 v26, v23  }
0x130: {  	v26 =	vadd.f32 v14, v15;
	v14 =	vadd.f32 $2.857142980e-01, v18;
	v15 =	vmul.f32 $2.222222240e-01, v24  }
0x131: {  	v18 =	vsub.f32 v10, v12;
	v12 =	vmul.f32 $2.222222240e-01, v16;
	v28 =	vmul.f32 v23, v23  }
0x132: {  	v61 =	vshra.s32 v48, $0x17;
	v14 =	vmul.f32 v14, v20;
	v15 =	vadd.f32 $2.857142980e-01, v15  }
0x133: {  	v8 =	vmul.f32 v8, v8;
	v12 =	vadd.f32 $2.857142980e-01, v12;
	v29 =	vmul.f32 $2.222222240e-01, v28  }
0x134: {  	v13 =	vadd.f32 $4.000000060e-01, v14;
	v14 =	vmul.f32 v15, v24;
	v15 =	vshra.s32 v25, $0x17  }
0x135: {  	v12 =	vmul.f32 v12, v16;
	v25 =	vadd.f32 $2.857142980e-01, v29;
	v29 =	vshra.s32 v30, $0x17  }
0x136: {  	v30 =	vshra.s32 v33, $0x17;
	v13 =	vmul.f32 v13, v20;
	v14 =	vadd.f32 $4.000000060e-01, v14  }
0x137: {  	v15 =	vadd.s32 $0xFFFFFF81, v15;
	v12 =	vadd.f32 $4.000000060e-01, v12;
	v25 =	vmul.f32 v25, v28  }
0x138: {  	v29 =	vadd.s32 $0xFFFFFF81, v29;
	v13 =	vadd.f32 $6.666666860e-01, v13;
	v14 =	vmul.f32 v14, v24  }
0x139: {  	v30 =	vadd.s32 $0xFFFFFF81, v30;
	v12 =	vmul.f32 v12, v16;
	v25 =	vadd.f32 $4.000000060e-01, v25  }
0x13a: {  	v13 =	vmul.f32 v13, v20;
	v14 =	vadd.f32 $6.666666860e-01, v14;
	v20 =	vadd.s32 $0xFFFFFF81, v61  }
0x13b: {  	v12 =	vadd.f32 $6.666666860e-01, v12;
	v25 =	vmul.f32 v25, v28;
	v20 =	vcvt.s32.f32 v20  }
0x13c: {  	s17 =	simm.s32 $0x0;
	v13 =	vadd.f32 $2.000000000e+00, v13;
	v14 =	vmul.f32 v14, v24;
	v24 =	vcvt.s32.f32 v30  }
0x13d: {  	v30 =	vor.u32 s17, v2;
	v12 =	vmul.f32 v12, v16;
	v16 =	vadd.f32 $6.666666860e-01, v25  }
0x13e: {  	s0 =	simm.s32 $0xA030;
	v13 =	vmul.f32 v13, v19;
	v19 =	vmul.f32 $6.931471820e-01, v20;
	v14 =	vadd.f32 $2.000000000e+00, v14  }
0x13f: {  	v20 =	vcvt.s32.f32 v29;
	v12 =	vadd.f32 $2.000000000e+00, v12;
	v25 =	vmul.f32 v16, v28;
	v16 =	vld [tilespmem:s0+$0x0]  }
0x140: {  	v29 =	vld [tilespmem:s0+$0xFFFFFFF0];
	v14 =	vmul.f32 v14, v21;
	v21 =	vmul.f32 $6.931471820e-01, v24;
	v13 =	vadd.f32 v13, v19  }
0x141: {  	v32 =	vld [tilespmem:s0+$0xFFFFFFE0];
	v19 =	vmul.f32 $6.931471820e-01, v20;
	v20 =	vcvt.s32.f32 v15;
	v15 =	vor.u32 s17, v0  }
0x142: {  	s5 =	simm.s32 $0xFC0;
	v34 =	vld [tilespmem:s0+$0xFFFFFFD0];
	v12 =	vmul.f32 v12, v22;
	v22 =	vadd.f32 $2.000000000e+00, v25;
	v25 =	vor.u32 s17, v4  }
0x143: {  	v24 =	vmul.f32 v13, v31;
	v21 =	vadd.f32 v14, v21;
	v13 =	vadd.s32 s5, v3  }
0x144: {  	v14 =	vadd.s32 s5, v1;
	v19 =	vadd.f32 v12, v19;
	v28 =	vmax.f32 v16, $9.999999710e-10  }
0x145: {  	v12 =	vadd.s32 s5, v5;
	v31 =	vmax.f32 v29, $9.999999710e-10;
	(erf) = vrcp.f32 v28  }
0x146: {  	v14 =	vsel vm1, v15, v14;
	v15 =	vmax.f32 v32, $9.999999710e-10;
	(erf) = vrcp.f32 v31  }
0x147: {  	v28 =	vsub.s32 $0xFFF, v14;
	(erf) = vrcp.f32 v15;
	v15 =	vmax.f32 v34, $9.999999710e-10  }
0x148: {  	v13 =	vsel vm1, v30, v13;
	(erf) = vrcp.f32 v15;
	v15 =	vsel vm0, v28, v14  }
0x149: {  	v20 =	vmul.f32 $6.931471820e-01, v20;
	v12 =	vsel vm1, v25, v12;
	v14 =	vxor.u32 $0xFFF, v13  }
0x14a: {  	v25 =	vor.u32 s17, v6;
	v28 =	vadd.s32 s5, v7;
	v14 =	vsel vm0, v14, v13  }
0x14b: {  	v22 =	vmul.f32 v22, v23;
	v30 =	vsub.s32 $0xFFF, v12;
	v23 =	vsel vm1, v25, v28  }
0x14c: {  	v8 =	vadd.f32 v8, v11;
	v13 =	vsel vm0, v30, v12;
	v11 =	vsub.s32 $0xFFF, v23  }
0x14d: {  	v25 =	vadd.f32 v24, v26;
	v12 =	vsel vm0, v11, v23;
	v11 =	vmul.f32 v18, v18;
	v24 =	vld.idx.msk [tilespmem:v15+s23+$0x0], $0xffff  }
0x14e: {  	v21 =	vmul.f32 v21, v27;
	v18 =	vadd.f32 v22, v20;
	v20 =	vpop (erf)  }
0x14f: {  	v8 =	vadd.f32 v60, v8;
	v10 =	vmul.f32 v19, v10;
	v23 =	vld.idx.msk [tilespmem:v14+s23+$0x0], $0xffff;
	v19 =	vpop (erf)  }
0x150: {  	v21 =	vadd.f32 v21, v25;
	v27 =	vpop (erf)  }
0x151: {  	v17 =	vsub.f32 v9, v17;
	v8 =	vadd.f32 v11, v8;
	v11 =	vpop (erf)  }
0x152: {  	v10 =	vadd.f32 v10, v21;
	v9 =	vmul.f32 v18, v9;
	v22 =	vld.idx.msk [tilespmem:v13+s23+$0x0], $0xffff;
	v38 =	vmul.f32 v11, v24  }
0x153: {  	v17 =	vmul.f32 v17, v17  }
0x154: {  	v26 =	vadd.f32 v9, v10;
	v18 =	vld.idx.msk [tilespmem:v12+s23+$0x0], $0xffff;
	v39 =	vmul.f32 v27, v23;
	v10 =	vand.u32 $0x7FFFFF, v38  }
0x155: {  	v30 =	vor.u32 $0x3F800000, v10  }
0x156: {  	v25 =	vadd.f32 v17, v8;
	v17 =	vand.u32 $0x7FFFFF, v39;
	v11 =	vadd.f32 $1.000000000e+00, v30  }
0x157: {  	v42 =	vmul.f32 v19, v22;
	v31 =	vor.u32 $0x3F800000, v17  }
0x158: {  	s0 =	simm.s32 $0x40;
	v19 =	vadd.f32 $1.000000000e+00, v31;
	(erf) = vrcp.f32 v11  }
0x159: {  	v47 =	vor.u32 s0, v0;
	v46 =	vmul.f32 v20, v18;
	v17 =	vand.u32 $0x7FFFFF, v42  }
0x15a: {  	s29 =	simm.s32 $0xFC1;
	v48 =	vor.u32 s0, v2;
	v62 =	vor.u32 $0x3F800000, v17;
	(erf) = vrcp.f32 v19  }
0x15b: {  	v8 =	vadd.s32 s29, v7;
	v21 =	vand.u32 $0x7FFFFF, v46;
	v20 =	vadd.f32 $1.000000000e+00, v62  }
0x15c: {  	s15 =	simm.s32 $0xA070;
	v9 =	vadd.s32 s29, v5;
	v37 =	vsub.f32 v24, v34;
	v63 =	vor.u32 $0x3F800000, v21  }
0x15d: {  	v27 =	vor.u32 s0, v6;
	v17 =	vld [tilespmem:s15+$0x0];
	v28 =	vadd.f32 $1.000000000e+00, v63;
	(erf) = vrcp.f32 v20  }
0x15e: {  	v29 =	vsub.f32 v22, v29;
	v32 =	vsub.f32 v23, v32;
	v27 =	vsel vm1, v27, v8;
	v19 =	vld [tilespmem:s15+$0xFFFFFFF0]  }
0x15f: {  	v10 =	vadd.s32 s29, v3;
	v52 =	vsub.s32 $0xFFF, v27;
	v20 =	vld [tilespmem:s15+$0xFFFFFFE0];
	(erf) = vrcp.f32 v28  }
0x160: {  	v32 =	vmul.f32 v32, v32;
	v30 =	vadd.f32 $-1.000000000e+00, v30;
	v21 =	vor.u32 s0, v4  }
0x161: {  	v49 =	vsel vm1, v48, v10;
	v27 =	vsel vm0, v52, v27;
	v50 =	vsel vm1, v21, v9;
	v21 =	vld [tilespmem:s15+$0xFFFFFFD0];
	v58 =	vpop (erf)  }
0x162: {  	v55 =	vmax.f32 v17, $9.999999710e-10;
	v36 =	vmul.f32 v58, v30;
	v30 =	vadd.f32 $-1.000000000e+00, v31  }
0x163: {  	v54 =	vxor.u32 $0xFFF, v49;
	(erf) = vrcp.f32 v55;
	v57 =	vmax.f32 v19, $9.999999710e-10;
	v59 =	vpop (erf)  }
0x164: {  	v56 =	vmax.f32 v20, $9.999999710e-10;
	(erf) = vrcp.f32 v57;
	v33 =	vmul.f32 v59, v30  }
0x165: {  	v11 =	vadd.s32 s29, v1;
	(erf) = vrcp.f32 v56;
	v31 =	vadd.f32 $-1.000000000e+00, v62  }
0x166: {  	v60 =	vmax.f32 v21, $9.999999710e-10;
	v43 =	vmul.f32 v36, v36;
	v30 =	vpop (erf);
	v44 =	vmul.f32 v33, v33  }
0x167: {  	(erf) = vrcp.f32 v60;
	v31 =	vmul.f32 v30, v31;
	v30 =	vadd.f32 $-1.000000000e+00, v63  }
0x168: {  	v35 =	vsel vm0, v54, v49;
	v61 =	vmul.f32 $2.222222240e-01, v43;
	v62 =	vpop (erf);
	v48 =	vmul.f32 $2.222222240e-01, v44  }
0x169: {  	v51 =	vsel vm1, v47, v11;
	v45 =	vmul.f32 v31, v31;
	v30 =	vmul.f32 v62, v30  }
0x16a: {  	v53 =	vsub.s32 $0xFFF, v51;
	v28 =	vsub.s32 $0xFFF, v50;
	v47 =	vadd.f32 $2.857142980e-01, v61  }
0x16b: {  	v48 =	vadd.f32 $2.857142980e-01, v48;
	v63 =	vmul.f32 $2.222222240e-01, v45;
	v40 =	vmul.f32 v30, v30  }
0x16c: {  	v41 =	vsel vm0, v53, v51;
	v28 =	vsel vm0, v28, v50;
	v47 =	vmul.f32 v47, v43  }
0x16d: {  	v51 =	vmul.f32 v48, v44;
	v49 =	vadd.f32 $2.857142980e-01, v63;
	v50 =	vmul.f32 $2.222222240e-01, v40  }
0x16e: {  	v46 =	vshra.s32 v46, $0x17;
	v54 =	vshra.s32 v42, $0x17;
	v47 =	vadd.f32 $4.000000060e-01, v47  }
0x16f: {  	v34 =	vpop (erf);
	v53 =	vadd.f32 $4.000000060e-01, v51;
	v49 =	vmul.f32 v49, v45;
	v52 =	vadd.f32 $2.857142980e-01, v50  }
0x170: {  	v48 =	vshra.s32 v39, $0x17;
	v39 =	vpop (erf);
	v47 =	vmul.f32 v47, v43;
	v50 =	vshra.s32 v38, $0x17  }
0x171: {  	v42 =	vpop (erf);
	v53 =	vmul.f32 v53, v44;
	v51 =	vadd.f32 $4.000000060e-01, v49;
	v38 =	vmul.f32 v52, v40  }
0x172: {  	s5 =	simm.s32 $0xFC2;
	v49 =	vadd.s32 $0xFFFFFF81, v46;
	v46 =	vpop (erf);
	v52 =	vadd.f32 $6.666666860e-01, v47;
	v47 =	vadd.s32 $0xFFFFFF81, v54  }
.LBB2_7:
0x173: {  	p0 =	sne.s32 s5, $0xFFF;
	v48 =	vadd.s32 $0xFFFFFF81, v48;
	v51 =	vmul.f32 v51, v45;
	v38 =	vadd.f32 $4.000000060e-01, v38  }
0x174: {  	v50 =	vadd.s32 $0xFFFFFF81, v50;
	v43 =	vmul.f32 v52, v43;
	v52 =	vadd.f32 $6.666666860e-01, v53  }
0x175: {  	v49 =	vcvt.s32.f32 v49;
	v51 =	vadd.f32 $6.666666860e-01, v51;
	v38 =	vmul.f32 v38, v40  }
0x176: {  	v50 =	vcvt.s32.f32 v50;
	v43 =	vadd.f32 $2.000000000e+00, v43;
	v44 =	vmul.f32 v52, v44  }
0x177: {  	v48 =	vcvt.s32.f32 v48;
	v45 =	vmul.f32 v51, v45;
	v38 =	vadd.f32 $6.666666860e-01, v38  }
0x178: {  	v36 =	vmul.f32 v43, v36;
	v43 =	vmul.f32 $6.931471820e-01, v50;
	v44 =	vadd.f32 $2.000000000e+00, v44  }
0x179: {  	v47 =	vcvt.s32.f32 v47;
	v45 =	vadd.f32 $2.000000000e+00, v45;
	v38 =	vmul.f32 v38, v40  }
0x17a: {  	v40 =	vmul.f32 $6.931471820e-01, v48;
	v36 =	vadd.f32 v36, v43;
	v33 =	vmul.f32 v44, v33  }
0x17b: {  	v43 =	vmul.f32 $6.931471820e-01, v47;
	v41 =	vld.idx.msk [tilespmem:v41+s23+$0x0], $0xffff;
	v31 =	vmul.f32 v45, v31;
	v38 =	vadd.f32 $2.000000000e+00, v38  }
0x17c: {  	v37 =	vmul.f32 v37, v37;
	v24 =	vmul.f32 v36, v24;
	v33 =	vadd.f32 v33, v40  }
0x17d: {  	v36 =	vmul.f32 $6.931471820e-01, v49;
	v35 =	vld.idx.msk [tilespmem:v35+s23+$0x0], $0xffff;
	v31 =	vadd.f32 v31, v43;
	v30 =	vmul.f32 v38, v30  }
0x17e: {  	v25 =	vadd.f32 v37, v25;
	v37 =	vadd.f32 v24, v26;
	v23 =	vmul.f32 v33, v23  }
0x17f: {  	v26 =	vmul.f32 v29, v29;
	v29 =	vsub.f32 v18, v16;
	v28 =	vld.idx.msk [tilespmem:v28+s23+$0x0], $0xffff;
	v30 =	vadd.f32 v30, v36  }
0x180: {  	v25 =	vadd.f32 v32, v25;
	v16 =	vmovc v17;
	v22 =	vmul.f32 v31, v22;
	v32 =	vadd.f32 v23, v37  }
0x181: {  	v38 =	vmul.f32 v46, v41;
	v24 =	vmov v41;
	v17 =	vld.idx.msk [tilespmem:v27+s23+$0x0], $0xffff;
	v27 =	vmul.f32 v29, v29  }
0x182: {  	v25 =	vadd.f32 v26, v25;
	v18 =	vmul.f32 v30, v18;
	v31 =	vadd.f32 v22, v32  }
0x183: {  	v29 =	vadd.s32 s5, v7;
	v46 =	vmul.f32 v42, v35;
	v23 =	vmov v35  }
0x184: {  	v30 =	vand.u32 $0x7FFFFF, v38;
	v25 =	vadd.f32 v27, v25;
	v26 =	vadd.f32 v18, v31  }
0x185: {  	v27 =	vadd.s32 s5, v5;
	v30 =	vor.u32 $0x3F800000, v30;
	v47 =	vmul.f32 v39, v28;
	v22 =	vmovc v28  }
0x186: {  	v28 =	vadd.s32 s5, v3;
	v31 =	vadd.f32 $1.000000000e+00, v30;
	v35 =	vand.u32 $0x7FFFFF, v46  }
0x187: {  	v32 =	vor.u32 $0x3F800000, v35;
	v33 =	vand.u32 $0x7FFFFF, v47;
	v42 =	vmul.f32 v34, v17;
	v18 =	vmovc v17  }
0x188: {  	v34 =	vadd.f32 $1.000000000e+00, v32;
	v33 =	vor.u32 $0x3F800000, v33;
	(erf) = vrcp.f32 v31  }
0x189: {  	s0 =	sadd.s32 $0x40, s0;
	s15 =	sadd.s32 $0x40, s15;
	v31 =	vadd.s32 s5, v1;
	v35 =	vadd.f32 $1.000000000e+00, v33;
	v36 =	vand.u32 $0x7FFFFF, v42  }
0x18a: {  	v37 =	vor.u32 s0, v6;
	v39 =	vor.u32 $0x3F800000, v36;
	v17 =	vld [tilespmem:s15+$0x0];
	(erf) = vrcp.f32 v34  }
0x18b: {  	v34 =	vor.u32 s0, v4;
	v36 =	vadd.f32 $1.000000000e+00, v39;
	v40 =	vld [tilespmem:s15+$0xFFFFFFF0];
	(erf) = vrcp.f32 v35  }
0x18c: {  	v41 =	vor.u32 s0, v2;
	v29 =	vsel vm1, v37, v29;
	v35 =	vor.u32 s0, v0;
	v48 =	vld [tilespmem:s15+$0xFFFFFFE0]  }
0x18d: {  	v37 =	vsel vm1, v41, v28;
	v28 =	vsel vm1, v34, v27;
	(erf) = vrcp.f32 v36  }
0x18e: {  	v27 =	vsub.s32 $0xFFF, v29;
	v34 =	vsel vm1, v35, v31;
	v31 =	vsub.s32 $0xFFF, v28  }
0x18f: {  	v35 =	vxor.u32 $0xFFF, v37;
	v27 =	vsel vm0, v27, v29;
	v41 =	vsub.s32 $0xFFF, v34;
	v49 =	vld [tilespmem:s15+$0xFFFFFFD0]  }
0x190: {  	v30 =	vadd.f32 $-1.000000000e+00, v30;
	v28 =	vsel vm0, v31, v28;
	v43 =	vmax.f32 v17, $9.999999710e-10  }
0x191: {  	v36 =	vmax.f32 v40, $9.999999710e-10;
	v44 =	vmax.f32 v48, $9.999999710e-10;
	(erf) = vrcp.f32 v43;
	v29 =	vpop (erf)  }
0x192: {  	v45 =	vadd.f32 $-1.000000000e+00, v32;
	(erf) = vrcp.f32 v36;
	v36 =	vmul.f32 v29, v30  }
0x193: {  	v35 =	vsel vm0, v35, v37;
	v30 =	vadd.f32 $-1.000000000e+00, v33;
	(erf) = vrcp.f32 v44;
	v31 =	vpop (erf)  }
0x194: {  	v32 =	vmax.f32 v49, $9.999999710e-10;
	v43 =	vmul.f32 v36, v36;
	v33 =	vmul.f32 v31, v45;
	v29 =	vpop (erf)  }
0x195: {  	(erf) = vrcp.f32 v32;
	v31 =	vmul.f32 v29, v30;
	v30 =	vadd.f32 $-1.000000000e+00, v39  }
0x196: {  	v41 =	vsel vm0, v41, v34;
	v32 =	vmul.f32 $2.222222240e-01, v43;
	v44 =	vmul.f32 v33, v33;
	v34 =	vpop (erf)  }
0x197: {  	v29 =	vsub.f32 v22, v19;
	v19 =	vmovc v40;
	v45 =	vmul.f32 v31, v31;
	v30 =	vmul.f32 v34, v30  }
0x198: {  	v51 =	vsub.f32 v23, v20;
	v20 =	vmovc v48;
	v32 =	vadd.f32 $2.857142980e-01, v32;
	v50 =	vmul.f32 $2.222222240e-01, v44  }
0x199: {  	v37 =	vsub.f32 v24, v21;
	v21 =	vmovc v49;
	v48 =	vmul.f32 $2.222222240e-01, v45;
	v40 =	vmul.f32 v30, v30  }
0x19a: {  	v34 =	vpop (erf);
	v49 =	vmul.f32 v32, v43;
	v32 =	vmul.f32 v51, v51;
	v50 =	vadd.f32 $2.857142980e-01, v50  }
0x19b: {  	v52 =	vshra.s32 v42, $0x17;
	v39 =	vpop (erf);
	v51 =	vadd.f32 $2.857142980e-01, v48;
	v53 =	vmul.f32 $2.222222240e-01, v40  }
.Ltmp4:
0x19c: {  	v47 =	vshra.s32 v47, $0x17;
	v42 =	vpop (erf);
	v49 =	vadd.f32 $4.000000060e-01, v49;
	v54 =	vmul.f32 v50, v44;
	(pc) =	sbr.rel @p0 .LBB2_7-.Ltmp4, $4  }
0x19d: {  	v48 =	vshra.s32 v46, $0x17;
	v51 =	vmul.f32 v51, v45;
	v53 =	vadd.f32 $2.857142980e-01, v53  }
0x19e: {  	v50 =	vshra.s32 v38, $0x17;
	v46 =	vpop (erf);
	v55 =	vmul.f32 v49, v43;
	v54 =	vadd.f32 $4.000000060e-01, v54  }
0x19f: {  	v49 =	vadd.s32 $0xFFFFFF81, v52;
	v51 =	vadd.f32 $4.000000060e-01, v51;
	v38 =	vmul.f32 v53, v40  }
0x1a0: {  	v47 =	vadd.s32 $0xFFFFFF81, v47;
	s5 =	sadd.s32 $0x1, s5;
	v52 =	vadd.f32 $6.666666860e-01, v55;
	v53 =	vmul.f32 v54, v44  }
0x1a1: {  	_ =	sdelay $0x3  }
0x1a2: {  	v54 =	vadd.f32 $4.000000060e-01, v38;
	v38 =	vld.idx.msk [tilespmem:v41+s23+$0x0], $0xffff;
	v58 =	vmul.f32 v51, v45  }
0x1a3: {  	v57 =	vadd.s32 $0xFFFFFF81, v48;
	v49 =	vcvt.s32.f32 v49;
	v47 =	vcvt.s32.f32 v47  }
0x1a4: {  	v50 =	vadd.s32 $0xFFFFFF81, v50;
	v35 =	vld.idx.msk [tilespmem:v35+s23+$0x0], $0xffff;
	v37 =	vmul.f32 v37, v37;
	v29 =	vmul.f32 v29, v29  }
0x1a5: {  	v28 =	vld.idx.msk [tilespmem:v28+s23+$0x0], $0xffff;
	v43 =	vmul.f32 v52, v43;
	v59 =	vadd.f32 $6.666666860e-01, v53;
	v50 =	vcvt.s32.f32 v50  }
0x1a6: {  	v27 =	vld.idx.msk [tilespmem:v27+s23+$0x0], $0xffff;
	v41 =	vcvt.s32.f32 v57;
	v60 =	vmul.f32 v54, v40;
	v48 =	vadd.f32 $6.666666860e-01, v58  }
0x1a7: {  	v43 =	vadd.f32 $2.000000000e+00, v43;
	v44 =	vmul.f32 v59, v44;
	v46 =	vmul.f32 v46, v38  }
0x1a8: {  	v63 =	vmul.f32 $6.931471820e-01, v50;
	v61 =	vmul.f32 v48, v45  }
0x1a9: {  	v62 =	vadd.f32 $6.666666860e-01, v60;
	v36 =	vmul.f32 v43, v36;
	v55 =	vand.u32 $0x7FFFFF, v46  }
0x1aa: {  	v44 =	vadd.f32 $2.000000000e+00, v44;
	v42 =	vmul.f32 v42, v35;
	v50 =	vor.u32 $0x3F800000, v55  }
0x1ab: {  	v39 =	vmul.f32 v39, v28;
	v34 =	vmul.f32 v34, v27;
	v56 =	vadd.f32 $1.000000000e+00, v50  }
0x1ac: {  	v45 =	vadd.f32 $2.000000000e+00, v61;
	v60 =	vmul.f32 v62, v40;
	v57 =	vand.u32 $0x7FFFFF, v42  }
0x1ad: {  	v58 =	vand.u32 $0x7FFFFF, v39;
	v52 =	vor.u32 $0x3F800000, v57;
	(erf) = vrcp.f32 v56  }
0x1ae: {  	v62 =	vand.u32 $0x7FFFFF, v34;
	v53 =	vor.u32 $0x3F800000, v58;
	v59 =	vadd.f32 $1.000000000e+00, v52  }
0x1af: {  	v33 =	vmul.f32 v44, v33;
	v44 =	vor.u32 $0x3F800000, v62;
	v61 =	vadd.f32 $1.000000000e+00, v53  }
0x1b0: {  	v49 =	vmul.f32 $6.931471820e-01, v49;
	v48 =	vadd.f32 $1.000000000e+00, v44;
	(erf) = vrcp.f32 v59  }
0x1b1: {  	v25 =	vadd.f32 v37, v25;
	v36 =	vadd.f32 v36, v63;
	(erf) = vrcp.f32 v61  }
0x1b2: {  	v16 =	vsub.f32 v18, v16;
	v41 =	vmul.f32 $6.931471820e-01, v41;
	(erf) = vrcp.f32 v48  }
0x1b3: {  	v25 =	vadd.f32 v32, v25;
	v40 =	vadd.f32 $2.000000000e+00, v60;
	v24 =	vmul.f32 v36, v24  }
0x1b4: {  	v63 =	vmul.f32 $6.931471820e-01, v47;
	v31 =	vmul.f32 v45, v31;
	v33 =	vadd.f32 v33, v41  }
0x1b5: {  	v30 =	vmul.f32 v40, v30;
	v24 =	vadd.f32 v24, v26;
	v26 =	vadd.f32 $-1.000000000e+00, v50  }
0x1b6: {  	v16 =	vmul.f32 v16, v16;
	v31 =	vadd.f32 v31, v63;
	v23 =	vmul.f32 v33, v23;
	v51 =	vpop (erf)  }
0x1b7: {  	v25 =	vadd.f32 v29, v25;
	v30 =	vadd.f32 v30, v49;
	v26 =	vmul.f32 v51, v26  }
0x1b8: {  	v22 =	vmul.f32 v31, v22;
	v23 =	vadd.f32 v23, v24;
	v24 =	vadd.f32 $-1.000000000e+00, v52  }
0x1b9: {  	v31 =	vadd.f32 $-1.000000000e+00, v53;
	v18 =	vmul.f32 v30, v18;
	v54 =	vpop (erf);
	v29 =	vmul.f32 v26, v26  }
0x1ba: {  	v22 =	vadd.f32 v22, v23;
	v23 =	vadd.f32 $-1.000000000e+00, v44;
	v55 =	vpop (erf);
	v32 =	vmul.f32 v54, v24  }
0x1bb: {  	v25 =	vadd.f32 v16, v25;
	v33 =	vmul.f32 v55, v31;
	v16 =	vpop (erf);
	v24 =	vmul.f32 $2.222222240e-01, v29  }
0x1bc: {  	v22 =	vadd.f32 v18, v22;
	v30 =	vmul.f32 v32, v32;
	v18 =	vmul.f32 v16, v23  }
0x1bd: {  	v20 =	vsub.f32 v35, v20;
	v56 =	vmul.f32 v33, v33;
	v16 =	vadd.f32 $2.857142980e-01, v24  }
0x1be: {  	v57 =	vsub.f32 v28, v19;
	v19 =	vmul.f32 $2.222222240e-01, v30;
	v58 =	vmul.f32 v18, v18  }
0x1bf: {  	v23 =	vmul.f32 $2.222222240e-01, v56;
	v16 =	vmul.f32 v16, v29  }
0x1c0: {  	v21 =	vsub.f32 v38, v21;
	v20 =	vmul.f32 v20, v20;
	v19 =	vadd.f32 $2.857142980e-01, v19  }
0x1c1: {  	v24 =	vmul.f32 $2.222222240e-01, v58;
	v23 =	vadd.f32 $2.857142980e-01, v23;
	v16 =	vadd.f32 $4.000000060e-01, v16  }
0x1c2: {  	v34 =	vshra.s32 v34, $0x17;
	v39 =	vshra.s32 v39, $0x17;
	v19 =	vmul.f32 v19, v30  }
0x1c3: {  	s0 =	simm.s32 $0xB030;
	v24 =	vadd.f32 $2.857142980e-01, v24;
	v23 =	vmul.f32 v23, v56;
	v31 =	vmul.f32 v16, v29  }
0x1c4: {  	v42 =	vshra.s32 v42, $0x17;
	v61 =	vshra.s32 v46, $0x17;
	v19 =	vadd.f32 $4.000000060e-01, v19;
	v16 =	vld [tilespmem:s0+$0x0]  }
0x1c5: {  	v60 =	vmul.f32 v24, v58;
	v59 =	vadd.f32 $4.000000060e-01, v23;
	v23 =	vld [tilespmem:s0+$0xFFFFFFF0];
	v31 =	vadd.f32 $6.666666860e-01, v31  }
0x1c6: {  	v21 =	vmul.f32 v21, v21;
	v42 =	vadd.s32 $0xFFFFFF81, v42;
	v44 =	vadd.s32 $0xFFFFFF81, v61;
	v24 =	vld [tilespmem:s0+$0xFFFFFFE0]  }
0x1c7: {  	v19 =	vmul.f32 v19, v30;
	v43 =	vadd.f32 $4.000000060e-01, v60;
	v29 =	vmul.f32 v31, v29;
	v31 =	vld [tilespmem:s0+$0xFFFFFFD0]  }
0x1c8: {  	v39 =	vadd.s32 $0xFFFFFF81, v39;
	v44 =	vcvt.s32.f32 v44;
	v41 =	vmul.f32 v59, v56  }
0x1c9: {  	v19 =	vadd.f32 $6.666666860e-01, v19;
	v43 =	vmul.f32 v43, v58;
	v62 =	vmax.f32 v16, $9.999999710e-10  }
0x1ca: {  	v63 =	vmax.f32 v23, $9.999999710e-10;
	v29 =	vadd.f32 $2.000000000e+00, v29;
	(erf) = vrcp.f32 v62  }
0x1cb: {  	v19 =	vmul.f32 v19, v30;
	v30 =	vmax.f32 v24, $9.999999710e-10;
	(erf) = vrcp.f32 v63  }
0x1cc: {  	(erf) = vrcp.f32 v30;
	v26 =	vmul.f32 v29, v26;
	v30 =	vmax.f32 v31, $9.999999710e-10  }
0x1cd: {  	v41 =	vadd.f32 $6.666666860e-01, v41;
	v29 =	vmul.f32 $6.931471820e-01, v44;
	(erf) = vrcp.f32 v30  }
0x1ce: {  	v42 =	vcvt.s32.f32 v42;
	v19 =	vadd.f32 $2.000000000e+00, v19;
	v30 =	vadd.f32 $6.666666860e-01, v43  }
0x1cf: {  	v39 =	vcvt.s32.f32 v39;
	v36 =	vmul.f32 v41, v56;
	v26 =	vadd.f32 v26, v29  }
0x1d0: {  	v34 =	vadd.s32 $0xFFFFFF81, v34;
	v32 =	vmul.f32 v19, v32;
	v30 =	vmul.f32 v30, v58  }
0x1d1: {  	v36 =	vadd.f32 $2.000000000e+00, v36;
	v29 =	vmul.f32 $6.931471820e-01, v42;
	v26 =	vmul.f32 v26, v38  }
0x1d2: {  	v21 =	vadd.f32 v21, v25;
	v19 =	vld.idx.msk [tilespmem:v15+s24+$0x0], $0xffff;
	v15 =	vcvt.s32.f32 v34;
	v30 =	vadd.f32 $2.000000000e+00, v30  }
0x1d3: {  	v47 =	vmul.f32 $6.931471820e-01, v39;
	v33 =	vmul.f32 v36, v33;
	v29 =	vadd.f32 v32, v29;
	v48 =	vpop (erf)  }
0x1d4: {  	v17 =	vsub.f32 v27, v17;
	v34 =	vmul.f32 $6.931471820e-01, v15;
	v30 =	vmul.f32 v30, v18;
	v25 =	vpop (erf);
	v18 =	vld.idx.msk [tilespmem:v14+s24+$0x0], $0xffff  }
0x1d5: {  	v15 =	vld.idx.msk [tilespmem:v13+s24+$0x0], $0xffff;
	v33 =	vadd.f32 v33, v47;
	v14 =	vadd.f32 v26, v22;
	v22 =	vmul.f32 v29, v35;
	v26 =	vpop (erf)  }
0x1d6: {  	v17 =	vmul.f32 v17, v17;
	v20 =	vadd.f32 v20, v21;
	v13 =	vmul.f32 v57, v57;
	v21 =	vpop (erf)  }
0x1d7: {  	s0 =	simm.s32 $0x40;
	v28 =	vmul.f32 v33, v28;
	v22 =	vadd.f32 v22, v14;
	v14 =	vld.idx.msk [tilespmem:v12+s24+$0x0], $0xffff;
	v49 =	vmul.f32 v21, v19  }
0x1d8: {  	v53 =	vor.u32 s0, v0;
	v13 =	vadd.f32 v13, v20;
	v12 =	vadd.f32 v30, v34  }
0x1d9: {  	v21 =	vadd.f32 v28, v22;
	v50 =	vmul.f32 v26, v18;
	v20 =	vand.u32 $0x7FFFFF, v49  }
0x1da: {  	v12 =	vmul.f32 v12, v27;
	v28 =	vmul.f32 v25, v15;
	v22 =	vor.u32 $0x3F800000, v20  }
0x1db: {  	v20 =	vadd.f32 v17, v13;
	v17 =	vand.u32 $0x7FFFFF, v50;
	v13 =	vadd.f32 $1.000000000e+00, v22  }
0x1dc: {  	v51 =	vmul.f32 v48, v14;
	v25 =	vor.u32 $0x3F800000, v17;
	v17 =	vand.u32 $0x7FFFFF, v28  }
0x1dd: {  	s15 =	simm.s32 $0xB070;
	v26 =	vadd.f32 $1.000000000e+00, v25;
	v27 =	vor.u32 $0x3F800000, v17;
	(erf) = vrcp.f32 v13  }
0x1de: {  	v21 =	vadd.f32 v12, v21;
	v12 =	vld [tilespmem:s15+$0x0];
	v17 =	vadd.f32 $1.000000000e+00, v27;
	v13 =	vand.u32 $0x7FFFFF, v51  }
0x1df: {  	v54 =	vor.u32 s0, v2;
	v52 =	vor.u32 $0x3F800000, v13;
	(erf) = vrcp.f32 v26  }
0x1e0: {  	v26 =	vor.u32 s0, v4;
	v30 =	vadd.f32 $1.000000000e+00, v52;
	(erf) = vrcp.f32 v17  }
0x1e1: {  	v11 =	vsel vm1, v53, v11;
	v36 =	vsel vm1, v54, v10;
	v13 =	vld [tilespmem:s15+$0xFFFFFFF0];
	v10 =	vsel vm1, v26, v9  }
0x1e2: {  	v29 =	vor.u32 s0, v6;
	v17 =	vld [tilespmem:s15+$0xFFFFFFE0];
	v26 =	vsub.s32 $0xFFF, v10;
	(erf) = vrcp.f32 v30  }
0x1e3: {  	v29 =	vsel vm1, v29, v8;
	v8 =	vld [tilespmem:s15+$0xFFFFFFD0];
	v10 =	vsel vm0, v26, v10;
	v26 =	vmax.f32 v12, $9.999999710e-10  }
0x1e4: {  	v55 =	vxor.u32 $0xFFF, v36;
	v34 =	vsub.s32 $0xFFF, v11  }
0x1e5: {  	v22 =	vadd.f32 $-1.000000000e+00, v22;
	v25 =	vadd.f32 $-1.000000000e+00, v25;
	v9 =	vsub.s32 $0xFFF, v29  }
0x1e6: {  	v9 =	vsel vm0, v9, v29;
	(erf) = vrcp.f32 v26;
	v30 =	vmax.f32 v13, $9.999999710e-10;
	v26 =	vpop (erf)  }
0x1e7: {  	v29 =	vmax.f32 v17, $9.999999710e-10;
	(erf) = vrcp.f32 v30;
	v30 =	vmul.f32 v26, v22  }
0x1e8: {  	v56 =	vmax.f32 v8, $9.999999710e-10;
	(erf) = vrcp.f32 v29;
	v26 =	vadd.f32 $-1.000000000e+00, v27;
	v27 =	vpop (erf)  }
0x1e9: {  	v22 =	vsel vm0, v55, v36;
	v29 =	vmul.f32 v27, v25;
	v25 =	vpop (erf);
	v36 =	vmul.f32 v30, v30  }
0x1ea: {  	(erf) = vrcp.f32 v56;
	v26 =	vmul.f32 v25, v26;
	v25 =	vadd.f32 $-1.000000000e+00, v52  }
0x1eb: {  	v34 =	vsel vm0, v34, v11;
	v38 =	vmul.f32 v29, v29;
	v57 =	vpop (erf);
	v27 =	vmul.f32 $2.222222240e-01, v36  }
0x1ec: {  	v11 =	vsub.f32 v15, v23;
	v39 =	vmul.f32 v26, v26;
	v25 =	vmul.f32 v57, v25  }
0x1ed: {  	v24 =	vsub.f32 v18, v24;
	v58 =	vmul.f32 $2.222222240e-01, v38;
	v23 =	vadd.f32 $2.857142980e-01, v27  }
0x1ee: {  	v32 =	vsub.f32 v19, v31;
	v31 =	vmul.f32 $2.222222240e-01, v39;
	v37 =	vmul.f32 v25, v25  }
0x1ef: {  	v27 =	vmul.f32 v24, v24;
	v24 =	vadd.f32 $2.857142980e-01, v58;
	v23 =	vmul.f32 v23, v36  }
0x1f0: {  	v61 =	vshra.s32 v28, $0x17;
	v31 =	vadd.f32 $2.857142980e-01, v31;
	v59 =	vmul.f32 $2.222222240e-01, v37  }
0x1f1: {  	v42 =	vshra.s32 v49, $0x17;
	v60 =	vmul.f32 v24, v38;
	v23 =	vadd.f32 $4.000000060e-01, v23  }
0x1f2: {  	v40 =	vshra.s32 v51, $0x17;
	v28 =	vpop (erf);
	v31 =	vmul.f32 v31, v39;
	v41 =	vadd.f32 $2.857142980e-01, v59  }
0x1f3: {  	v33 =	vpop (erf);
	v24 =	vshra.s32 v50, $0x17;
	v63 =	vadd.f32 $4.000000060e-01, v60;
	v62 =	vmul.f32 v23, v36  }
0x1f4: {  	v35 =	vpop (erf);
	v31 =	vadd.f32 $4.000000060e-01, v31;
	v23 =	vadd.s32 $0xFFFFFF81, v40;
	v43 =	vmul.f32 v41, v37  }
0x1f5: {  	s5 =	simm.s32 $0xFC2;
	v40 =	vpop (erf);
	v41 =	vadd.s32 $0xFFFFFF81, v61;
	v45 =	vmul.f32 v63, v38;
	v44 =	vadd.f32 $6.666666860e-01, v62  }
.LBB2_9:
0x1f6: {  	p0 =	sne.s32 s5, $0xFFF;
	v24 =	vadd.s32 $0xFFFFFF81, v24;
	v31 =	vmul.f32 v31, v39;
	v43 =	vadd.f32 $4.000000060e-01, v43  }
0x1f7: {  	v42 =	vadd.s32 $0xFFFFFF81, v42;
	v36 =	vmul.f32 v44, v36;
	v44 =	vadd.f32 $6.666666860e-01, v45  }
0x1f8: {  	v23 =	vcvt.s32.f32 v23;
	v31 =	vadd.f32 $6.666666860e-01, v31;
	v43 =	vmul.f32 v43, v37  }
0x1f9: {  	v42 =	vcvt.s32.f32 v42;
	v36 =	vadd.f32 $2.000000000e+00, v36;
	v38 =	vmul.f32 v44, v38  }
0x1fa: {  	v24 =	vcvt.s32.f32 v24;
	v31 =	vmul.f32 v31, v39;
	v39 =	vadd.f32 $6.666666860e-01, v43  }
0x1fb: {  	v30 =	vmul.f32 v36, v30;
	v36 =	vmul.f32 $6.931471820e-01, v42;
	v38 =	vadd.f32 $2.000000000e+00, v38  }
0x1fc: {  	v41 =	vcvt.s32.f32 v41;
	v31 =	vadd.f32 $2.000000000e+00, v31;
	v37 =	vmul.f32 v39, v37  }
0x1fd: {  	v24 =	vmul.f32 $6.931471820e-01, v24;
	v30 =	vadd.f32 v30, v36;
	v29 =	vmul.f32 v38, v29  }
0x1fe: {  	v34 =	vld.idx.msk [tilespmem:v34+s24+$0x0], $0xffff;
	v26 =	vmul.f32 v31, v26;
	v31 =	vmul.f32 $6.931471820e-01, v41;
	v36 =	vadd.f32 $2.000000000e+00, v37  }
0x1ff: {  	v32 =	vmul.f32 v32, v32;
	v19 =	vmul.f32 v30, v19;
	v24 =	vadd.f32 v29, v24  }
0x200: {  	v23 =	vmul.f32 $6.931471820e-01, v23;
	v22 =	vld.idx.msk [tilespmem:v22+s24+$0x0], $0xffff;
	v26 =	vadd.f32 v26, v31;
	v25 =	vmul.f32 v36, v25  }
0x201: {  	v20 =	vadd.f32 v32, v20;
	v29 =	vadd.f32 v19, v21;
	v18 =	vmul.f32 v24, v18  }
0x202: {  	v11 =	vmul.f32 v11, v11;
	v21 =	vsub.f32 v14, v16;
	v10 =	vld.idx.msk [tilespmem:v10+s24+$0x0], $0xffff;
	v24 =	vadd.f32 v25, v23  }
0x203: {  	v20 =	vadd.f32 v27, v20;
	v16 =	vmovc v12;
	v15 =	vmul.f32 v26, v15;
	v25 =	vadd.f32 v18, v29  }
0x204: {  	v23 =	vmul.f32 v40, v34;
	v12 =	vmul.f32 v21, v21;
	v19 =	vmov v34;
	v9 =	vld.idx.msk [tilespmem:v9+s24+$0x0], $0xffff  }
0x205: {  	v11 =	vadd.f32 v11, v20;
	v14 =	vmul.f32 v24, v14;
	v25 =	vadd.f32 v15, v25  }
0x206: {  	v24 =	vadd.s32 s5, v7;
	v31 =	vmul.f32 v35, v22;
	v18 =	vmov v22  }
0x207: {  	v22 =	vand.u32 $0x7FFFFF, v23;
	v20 =	vadd.f32 v12, v11;
	v21 =	vadd.f32 v14, v25  }
0x208: {  	v11 =	vadd.s32 s5, v5;
	v22 =	vor.u32 $0x3F800000, v22;
	v40 =	vmul.f32 v33, v10;
	v15 =	vmovc v10  }
0x209: {  	v10 =	vadd.s32 s5, v3;
	v12 =	vadd.f32 $1.000000000e+00, v22;
	v27 =	vand.u32 $0x7FFFFF, v31  }
0x20a: {  	v25 =	vor.u32 $0x3F800000, v27;
	v26 =	vand.u32 $0x7FFFFF, v40;
	v35 =	vmul.f32 v28, v9;
	v14 =	vmovc v9  }
0x20b: {  	v9 =	vadd.f32 $1.000000000e+00, v25;
	v26 =	vor.u32 $0x3F800000, v26;
	(erf) = vrcp.f32 v12  }
0x20c: {  	s0 =	sadd.s32 $0x40, s0;
	s15 =	sadd.s32 $0x40, s15;
	v27 =	vadd.s32 s5, v1;
	v28 =	vadd.f32 $1.000000000e+00, v26;
	v29 =	vand.u32 $0x7FFFFF, v35  }
0x20d: {  	v30 =	vor.u32 s0, v6;
	v32 =	vor.u32 $0x3F800000, v29;
	v12 =	vld [tilespmem:s15+$0x0];
	(erf) = vrcp.f32 v9  }
0x20e: {  	v9 =	vor.u32 s0, v4;
	v29 =	vadd.f32 $1.000000000e+00, v32;
	v33 =	vld [tilespmem:s15+$0xFFFFFFF0];
	(erf) = vrcp.f32 v28  }
0x20f: {  	v34 =	vor.u32 s0, v2;
	v24 =	vsel vm1, v30, v24;
	v28 =	vor.u32 s0, v0;
	v37 =	vld [tilespmem:s15+$0xFFFFFFE0]  }
0x210: {  	v34 =	vsel vm1, v34, v10;
	v10 =	vsel vm1, v9, v11;
	(erf) = vrcp.f32 v29  }
0x211: {  	v9 =	vsub.s32 $0xFFF, v24;
	v11 =	vsel vm1, v28, v27;
	v27 =	vsub.s32 $0xFFF, v10  }
0x212: {  	v9 =	vsel vm0, v9, v24;
	v28 =	vsub.s32 $0xFFF, v11;
	v29 =	vxor.u32 $0xFFF, v34;
	v41 =	vld [tilespmem:s15+$0xFFFFFFD0]  }
0x213: {  	v22 =	vadd.f32 $-1.000000000e+00, v22;
	v10 =	vsel vm0, v27, v10;
	v36 =	vmax.f32 v12, $9.999999710e-10  }
0x214: {  	v30 =	vmax.f32 v33, $9.999999710e-10;
	v27 =	vmax.f32 v37, $9.999999710e-10;
	(erf) = vrcp.f32 v36;
	v24 =	vpop (erf)  }
0x215: {  	v38 =	vadd.f32 $-1.000000000e+00, v25;
	(erf) = vrcp.f32 v30;
	v30 =	vmul.f32 v24, v22  }
0x216: {  	v39 =	vadd.f32 $-1.000000000e+00, v26;
	v22 =	vsel vm0, v29, v34;
	(erf) = vrcp.f32 v27;
	v26 =	vpop (erf)  }
0x217: {  	v27 =	vmax.f32 v41, $9.999999710e-10;
	v36 =	vmul.f32 v30, v30;
	v29 =	vmul.f32 v26, v38;
	v24 =	vpop (erf)  }
0x218: {  	(erf) = vrcp.f32 v27;
	v26 =	vmul.f32 v24, v39;
	v24 =	vadd.f32 $-1.000000000e+00, v32  }
0x219: {  	v34 =	vsel vm0, v28, v11;
	v27 =	vmul.f32 $2.222222240e-01, v36;
	v38 =	vmul.f32 v29, v29;
	v25 =	vpop (erf)  }
0x21a: {  	v11 =	vsub.f32 v15, v13;
	v13 =	vmovc v33;
	v39 =	vmul.f32 v26, v26;
	v25 =	vmul.f32 v25, v24  }
0x21b: {  	v24 =	vadd.f32 $2.857142980e-01, v27;
	v27 =	vsub.f32 v18, v17;
	v43 =	vmul.f32 $2.222222240e-01, v38;
	v17 =	vmovc v37  }
0x21c: {  	v32 =	vsub.f32 v19, v8;
	v8 =	vmovc v41;
	v42 =	vmul.f32 $2.222222240e-01, v39;
	v37 =	vmul.f32 v25, v25  }
0x21d: {  	v28 =	vpop (erf);
	v24 =	vmul.f32 v24, v36;
	v27 =	vmul.f32 v27, v27;
	v41 =	vadd.f32 $2.857142980e-01, v43  }
0x21e: {  	v43 =	vshra.s32 v35, $0x17;
	v33 =	vpop (erf);
	v42 =	vadd.f32 $2.857142980e-01, v42;
	v44 =	vmul.f32 $2.222222240e-01, v37  }
.Ltmp5:
0x21f: {  	v46 =	vshra.s32 v40, $0x17;
	v35 =	vpop (erf);
	v45 =	vadd.f32 $4.000000060e-01, v24;
	v41 =	vmul.f32 v41, v38;
	(pc) =	sbr.rel @p0 .LBB2_9-.Ltmp5, $4  }
0x220: {  	v24 =	vshra.s32 v31, $0x17;
	v31 =	vmul.f32 v42, v39;
	v44 =	vadd.f32 $2.857142980e-01, v44  }
0x221: {  	v42 =	vshra.s32 v23, $0x17;
	v40 =	vpop (erf);
	v45 =	vmul.f32 v45, v36;
	v41 =	vadd.f32 $4.000000060e-01, v41  }
0x222: {  	v23 =	vadd.s32 $0xFFFFFF81, v43;
	v31 =	vadd.f32 $4.000000060e-01, v31;
	v43 =	vmul.f32 v44, v37  }
0x223: {  	s5 =	sadd.s32 $0x1, s5;
	v44 =	vadd.f32 $6.666666860e-01, v45;
	v45 =	vmul.f32 v41, v38;
	v41 =	vadd.s32 $0xFFFFFF81, v46  }
0x224: {  	_ =	sdelay $0x2  }
0x225: {  	v46 =	vadd.s32 $0xFFFFFF81, v24;
	v24 =	vmul.f32 v31, v39  }
0x226: {  	v43 =	vadd.f32 $4.000000060e-01, v43;
	v31 =	vld.idx.msk [tilespmem:v34+s24+$0x0], $0xffff;
	v61 =	vcvt.s32.f32 v23;
	v48 =	vcvt.s32.f32 v41  }
0x227: {  	v58 =	vadd.s32 $0xFFFFFF81, v42;
	v23 =	vld.idx.msk [tilespmem:v10+s24+$0x0], $0xffff;
	v32 =	vmul.f32 v32, v32;
	v36 =	vmul.f32 v44, v36  }
0x228: {  	v59 =	vadd.f32 $6.666666860e-01, v45;
	v10 =	vcvt.s32.f32 v46;
	v60 =	vadd.f32 $6.666666860e-01, v24;
	v24 =	vld.idx.msk [tilespmem:v22+s24+$0x0], $0xffff  }
0x229: {  	v34 =	vcvt.s32.f32 v58;
	v43 =	vmul.f32 v43, v37;
	v22 =	vadd.f32 $2.000000000e+00, v36  }
0x22a: {  	v62 =	vmul.f32 v59, v38;
	v10 =	vmul.f32 $6.931471820e-01, v10  }
0x22b: {  	v30 =	vmul.f32 v22, v30;
	v40 =	vmul.f32 v40, v31;
	v22 =	vld.idx.msk [tilespmem:v9+s24+$0x0], $0xffff  }
0x22c: {  	v63 =	vmul.f32 v60, v39;
	v44 =	vadd.f32 $6.666666860e-01, v43;
	v9 =	vmul.f32 $6.931471820e-01, v34  }
0x22d: {  	v46 =	vadd.f32 $2.000000000e+00, v62;
	v35 =	vmul.f32 v35, v24;
	v49 =	vand.u32 $0x7FFFFF, v40  }
0x22e: {  	v33 =	vmul.f32 v33, v23;
	v50 =	vmul.f32 v44, v37;
	v51 =	vor.u32 $0x3F800000, v49  }
0x22f: {  	v9 =	vadd.f32 v30, v9;
	v30 =	vadd.f32 $1.000000000e+00, v51;
	v52 =	vand.u32 $0x7FFFFF, v35  }
0x230: {  	v53 =	vand.u32 $0x7FFFFF, v33;
	v41 =	vor.u32 $0x3F800000, v52;
	v28 =	vmul.f32 v28, v22  }
0x231: {  	v42 =	vor.u32 $0x3F800000, v53;
	v54 =	vadd.f32 $1.000000000e+00, v41;
	(erf) = vrcp.f32 v30  }
0x232: {  	v47 =	vadd.f32 $2.000000000e+00, v63;
	v30 =	vadd.f32 $1.000000000e+00, v42;
	v55 =	vand.u32 $0x7FFFFF, v28  }
0x233: {  	v37 =	vadd.f32 $2.000000000e+00, v50;
	v34 =	vor.u32 $0x3F800000, v55;
	(erf) = vrcp.f32 v54  }
0x234: {  	v29 =	vmul.f32 v46, v29;
	v56 =	vadd.f32 $1.000000000e+00, v34;
	(erf) = vrcp.f32 v30  }
0x235: {  	v16 =	vsub.f32 v14, v16;
	v26 =	vmul.f32 v47, v26;
	v25 =	vmul.f32 v37, v25  }
0x236: {  	v20 =	vadd.f32 v32, v20;
	v30 =	vmul.f32 $6.931471820e-01, v48;
	(erf) = vrcp.f32 v56  }
0x237: {  	v11 =	vmul.f32 v11, v11;
	v9 =	vmul.f32 v9, v19;
	v10 =	vadd.f32 v29, v10  }
0x238: {  	v20 =	vadd.f32 v27, v20;
	v19 =	vadd.f32 v26, v30;
	v26 =	vmul.f32 $6.931471820e-01, v61  }
0x239: {  	v9 =	vadd.f32 v9, v21;
	v10 =	vmul.f32 v10, v18;
	v18 =	vadd.f32 $-1.000000000e+00, v51  }
0x23a: {  	v16 =	vmul.f32 v16, v16;
	v8 =	vsub.f32 v31, v8;
	v21 =	vadd.f32 v25, v26;
	v25 =	vpop (erf)  }
0x23b: {  	v9 =	vadd.f32 v10, v9;
	v10 =	vmul.f32 v25, v18;
	v18 =	vadd.f32 $-1.000000000e+00, v41  }
0x23c: {  	v11 =	vadd.f32 v11, v20;
	v15 =	vmul.f32 v19, v15;
	v19 =	vadd.f32 $-1.000000000e+00, v42;
	v25 =	vpop (erf)  }
0x23d: {  	v17 =	vsub.f32 v24, v17;
	v20 =	vmul.f32 v10, v10;
	v18 =	vmul.f32 v25, v18;
	v25 =	vpop (erf)  }
0x23e: {  	v14 =	vmul.f32 v21, v14;
	v21 =	vadd.f32 $-1.000000000e+00, v34;
	v19 =	vmul.f32 v25, v19  }
0x23f: {  	v9 =	vadd.f32 v15, v9;
	v15 =	vmul.f32 $2.222222240e-01, v20;
	v25 =	vmul.f32 v18, v18;
	v26 =	vpop (erf)  }
0x240: {  	v16 =	vadd.f32 v16, v11;
	v11 =	vmul.f32 v19, v19;
	v21 =	vmul.f32 v26, v21  }
0x241: {  	v14 =	vadd.f32 v14, v9;
	v9 =	vadd.f32 $2.857142980e-01, v15;
	v15 =	vmul.f32 $2.222222240e-01, v25  }
0x242: {  	s0 =	sshll.u32 s31, $0xF;
	p0 =	seq.s32 s31, $0x5;
	v58 =	vshra.s32 v40, $0x17;
	v26 =	vmul.f32 $2.222222240e-01, v11;
	v27 =	vmul.f32 v21, v21  }
0x243: {  	s5 =	sadd.s32 @!p0 s0, s10;
	v29 =	vsub.f32 v23, v13;
	v9 =	vmul.f32 v9, v20;
	v13 =	vadd.f32 $2.857142980e-01, v15  }
0x244: {  	s5 =	sshrl.u32 @!p0 s5, $0x3;
	v15 =	vmul.f32 v17, v17;
	v17 =	vadd.f32 $2.857142980e-01, v26;
	v26 =	vmul.f32 $2.222222240e-01, v27  }
0x245: {  	s17 =	simm.s32 @!p0 $0x0;
	s15 =	sadd.s32 @!p0 s2, s5;
	v57 =	vshra.s32 v35, $0x17;
	v9 =	vadd.f32 $4.000000060e-01, v9;
	v13 =	vmul.f32 v13, v25  }
0x246: {  	[tilespmem:s17], [sflag:$0x1] =	stream.linear.gather @!p0 [hbm4b:s15+s17], $0x4000, $0x38;
	v32 =	vadd.s32 $0xFFFFFF81, v57;
	v17 =	vmul.f32 v17, v11;
	v26 =	vadd.f32 $2.857142980e-01, v26;
	[tilespmem:$0x100C0] =	vst v63  }
0x247: {  	s5 =	sadd.s32 @!p0 s4, s5;
	s15 =	simm.s32 @!p0 $0x8000;
	v28 =	vshra.s32 v28, $0x17;
	v9 =	vmul.f32 v9, v20;
	v13 =	vadd.f32 $4.000000060e-01, v13  }
0x248: {  	[tilespmem:s15], [sflag:$0x2] =	stream.linear.gather @!p0 [hbm4b:s5+s17], $0x4000, $0x38;
	v28 =	vadd.s32 $0xFFFFFF81, v28;
	v17 =	vadd.f32 $4.000000060e-01, v17;
	v26 =	vmul.f32 v26, v27;
	[tilespmem:$0x100C0] =	vst v63  }
0x249: {  	v59 =	vcvt.s32.f32 v28;
	_ =	swait.ge [sflag:s20], $0x4000;
	v9 =	vadd.f32 $6.666666860e-01, v9;
	v13 =	vmul.f32 v13, v25  }
0x24a: {  	v28 =	vcvt.s32.f32 v32;
	[sflag:s20] =	ssyncset.done $0x0;
	v17 =	vmul.f32 v17, v11;
	v26 =	vadd.f32 $4.000000060e-01, v26  }
0x24b: {  	v30 =	vshra.s32 v33, $0x17;
	[sflag:s20] =	ssyncadd.s32 $0xFFFFC000;
	v9 =	vmul.f32 v9, v20;
	v13 =	vadd.f32 $6.666666860e-01, v13  }
0x24c: {  	v33 =	vadd.s32 $0xFFFFFF81, v58;
	_ =	swait.ge [sflag:s21], $0x4000;
	v17 =	vadd.f32 $6.666666860e-01, v17;
	v20 =	vmul.f32 v26, v27  }
0x24d: {  	[sflag:s21] =	ssyncset.done $0x0;
	v26 =	vcvt.s32.f32 v33;
	v9 =	vadd.f32 $2.000000000e+00, v9;
	v13 =	vmul.f32 v13, v25  }
0x24e: {  	[sflag:s21] =	ssyncadd.s32 $0xFFFFC000;
	v25 =	vadd.s32 $0xFFFFFF81, v30;
	v11 =	vmul.f32 v17, v11;
	v17 =	vadd.f32 $6.666666860e-01, v20  }
0x24f: {  	v20 =	vld [tilespmem:s1+$0x10010];
	v9 =	vmul.f32 v9, v10;
	v10 =	vadd.f32 $2.000000000e+00, v13;
	v13 =	vmul.f32 $6.931471820e-01, v26  }
0x250: {  	s15 =	simm.s32 $0x0;
	v8 =	vmul.f32 v8, v8;
	v25 =	vcvt.s32.f32 v25;
	v11 =	vadd.f32 $2.000000000e+00, v11  }
0x251: {  	s17 =	simm.s32 $0xFC0;
	v10 =	vmul.f32 v10, v18;
	v9 =	vadd.f32 v9, v13;
	v18 =	vmul.f32 $6.931471820e-01, v28;
	v13 =	vld [tilespmem:s15+$0xC030]  }
0x252: {  	v60 =	vadd.s32 s17, v1;
	v11 =	vmul.f32 v11, v19;
	v19 =	vmul.f32 $6.931471820e-01, v25;
	v25 =	vld [tilespmem:s15+$0xC020]  }
0x253: {  	v26 =	vld [tilespmem:s15+$0xC010];
	v17 =	vmul.f32 v17, v27;
	v27 =	vmul.f32 v9, v31;
	v18 =	vadd.f32 v10, v18  }
0x254: {  	s6 =	simm.s32 $0x0;
	v28 =	vld [tilespmem:s15+$0xC000];
	v9 =	vand.u32 $0x1, v20;
	vm0 =	vgt.s32 v20, $0x1;
	v10 =	vadd.s32 s17, v5  }
0x255: {  	v20 =	vor.u32 s6, v0;
	v30 =	vadd.f32 v11, v19;
	vm1 =	veq.s32 v9, $0x0  }
0x256: {  	v9 =	vor.u32 s6, v4;
	v11 =	vor.u32 s6, v2;
	v31 =	vmax.f32 v13, $9.999999710e-10  }
0x257: {  	v19 =	vadd.s32 s17, v3;
	v61 =	vmax.f32 v25, $9.999999710e-10;
	(erf) = vrcp.f32 v31  }
0x258: {  	v20 =	vsel vm1, v20, v60;
	v31 =	vmax.f32 v26, $9.999999710e-10;
	(erf) = vrcp.f32 v61  }
0x259: {  	v32 =	vsub.s32 $0xFFF, v20;
	(erf) = vrcp.f32 v31;
	v31 =	vmax.f32 v28, $9.999999710e-10  }
0x25a: {  	v19 =	vsel vm1, v11, v19;
	v11 =	vsel vm0, v32, v20;
	(erf) = vrcp.f32 v31  }
0x25b: {  	v16 =	vadd.f32 v8, v16;
	v9 =	vsel vm1, v9, v10;
	v18 =	vmul.f32 v18, v24  }
0x25c: {  	v10 =	vxor.u32 $0xFFF, v19;
	v20 =	vor.u32 s6, v6;
	v31 =	vadd.s32 s17, v7  }
0x25d: {  	v62 =	vsub.s32 $0xFFF, v9;
	v10 =	vsel vm0, v10, v19;
	v19 =	vsel vm1, v20, v31  }
0x25e: {  	v17 =	vadd.f32 $2.000000000e+00, v17;
	v9 =	vsel vm0, v62, v9;
	v8 =	vsub.s32 $0xFFF, v19  }
0x25f: {  	v15 =	vadd.f32 v15, v16;
	v14 =	vadd.f32 v27, v14;
	v8 =	vsel vm0, v8, v19;
	v19 =	vld.idx.msk [tilespmem:v11+s18+$0x0], $0xffff  }
0x260: {  	v17 =	vmul.f32 v17, v21;
	v20 =	vmul.f32 $6.931471820e-01, v59;
	v27 =	vpop (erf)  }
0x261: {  	v21 =	vmul.f32 v29, v29;
	v14 =	vadd.f32 v18, v14;
	v18 =	vpop (erf)  }
0x262: {  	v12 =	vsub.f32 v22, v12;
	v16 =	vmul.f32 v30, v23;
	v24 =	vadd.f32 v17, v20;
	v20 =	vld.idx.msk [tilespmem:v10+s18+$0x0], $0xffff;
	v23 =	vpop (erf)  }
0x263: {  	v21 =	vadd.f32 v21, v15;
	v17 =	vld.idx.msk [tilespmem:v9+s18+$0x0], $0xffff;
	v15 =	vpop (erf)  }
0x264: {  	v12 =	vmul.f32 v12, v12;
	v35 =	vmul.f32 v15, v19;
	_ =	sdelay $0x1  }
0x265: {  	v21 =	vadd.f32 v12, v21;
	v14 =	vadd.f32 v16, v14;
	v15 =	vld.idx.msk [tilespmem:v8+s18+$0x0], $0xffff;
	v12 =	vand.u32 $0x7FFFFF, v35  }
0x266: {  	v16 =	vmul.f32 v24, v22;
	v36 =	vmul.f32 v23, v20;
	v29 =	vor.u32 $0x3F800000, v12  }
0x267: {  	s29 =	simm.s32 $0xFC1;
	v33 =	vmul.f32 v18, v17;
	v12 =	vadd.f32 $1.000000000e+00, v29  }
0x268: {  	v31 =	vadd.s32 s29, v5;
	v22 =	vadd.f32 v16, v14;
	v14 =	vand.u32 $0x7FFFFF, v36  }
0x269: {  	s1 =	simm.s32 $0x40;
	s17 =	simm.s32 $0x40;
	v30 =	vor.u32 $0x3F800000, v14;
	v14 =	vand.u32 $0x7FFFFF, v33;
	(erf) = vrcp.f32 v12  }
0x26a: {  	v24 =	vor.u32 s17, v6;
	v63 =	vmul.f32 v27, v15;
	v27 =	vor.u32 $0x3F800000, v14;
	v14 =	vld [tilespmem:s1+$0xC030]  }
0x26b: {  	v18 =	vor.u32 s17, v4;
	v23 =	vadd.s32 s29, v7;
	v16 =	vadd.f32 $1.000000000e+00, v30  }
0x26c: {  	v23 =	vsel vm1, v24, v23;
	v43 =	vadd.f32 $1.000000000e+00, v27;
	v12 =	vand.u32 $0x7FFFFF, v63  }
0x26d: {  	v24 =	vsel vm1, v18, v31;
	(erf) = vrcp.f32 v16;
	v45 =	vor.u32 $0x3F800000, v12  }
0x26e: {  	v31 =	vsub.s32 $0xFFF, v24;
	(erf) = vrcp.f32 v43;
	v47 =	vadd.f32 $1.000000000e+00, v45  }
0x26f: {  	v24 =	vsel vm0, v31, v24;
	v12 =	vld [tilespmem:s1+$0xC020];
	v31 =	vmax.f32 v14, $9.999999710e-10  }
0x270: {  	v46 =	vadd.s32 s29, v3;
	v49 =	vadd.s32 s29, v1;
	v16 =	vld [tilespmem:s1+$0xC010];
	(erf) = vrcp.f32 v47  }
0x271: {  	v44 =	vor.u32 s17, v2;
	v48 =	vor.u32 s17, v0;
	v29 =	vadd.f32 $-1.000000000e+00, v29  }
0x272: {  	v34 =	vsel vm1, v44, v46;
	v50 =	vsel vm1, v48, v49;
	v18 =	vld [tilespmem:s1+$0xC000];
	(erf) = vrcp.f32 v31;
	v31 =	vpop (erf)  }
0x273: {  	v52 =	vsub.s32 $0xFFF, v50;
	v32 =	vmul.f32 v31, v29;
	v29 =	vadd.f32 $-1.000000000e+00, v30  }
0x274: {  	v53 =	vxor.u32 $0xFFF, v34;
	v37 =	vsel vm0, v52, v50;
	v55 =	vmax.f32 v12, $9.999999710e-10  }
0x275: {  	v25 =	vsub.f32 v17, v25;
	v54 =	vmax.f32 v16, $9.999999710e-10;
	(erf) = vrcp.f32 v55  }
0x276: {  	v26 =	vsub.f32 v20, v26;
	v27 =	vadd.f32 $-1.000000000e+00, v27;
	(erf) = vrcp.f32 v54;
	v31 =	vpop (erf)  }
0x277: {  	v56 =	vmax.f32 v18, $9.999999710e-10;
	v40 =	vmul.f32 v32, v32;
	v31 =	vmul.f32 v31, v29;
	v29 =	vpop (erf)  }
0x278: {  	(erf) = vrcp.f32 v56;
	v29 =	vmul.f32 v29, v27;
	v27 =	vadd.f32 $-1.000000000e+00, v45  }
0x279: {  	v51 =	vsub.s32 $0xFFF, v23;
	v57 =	vmul.f32 $2.222222240e-01, v40;
	v38 =	vmul.f32 v31, v31;
	v58 =	vpop (erf)  }
0x27a: {  	v23 =	vsel vm0, v51, v23;
	v39 =	vmul.f32 v29, v29;
	v27 =	vmul.f32 v58, v27  }
0x27b: {  	v35 =	vshra.s32 v35, $0x17;
	v59 =	vadd.f32 $2.857142980e-01, v57;
	v60 =	vmul.f32 $2.222222240e-01, v38  }
0x27c: {  	v49 =	vshra.s32 v63, $0x17;
	v61 =	vmul.f32 $2.222222240e-01, v39;
	v41 =	vmul.f32 v27, v27  }
0x27d: {  	v30 =	vsel vm0, v53, v34;
	v43 =	vmul.f32 v59, v40;
	v44 =	vadd.f32 $2.857142980e-01, v60  }
0x27e: {  	v34 =	vsub.f32 v19, v28;
	v45 =	vadd.f32 $2.857142980e-01, v61;
	v62 =	vmul.f32 $2.222222240e-01, v41  }
0x27f: {  	v28 =	vmul.f32 v26, v26;
	v26 =	vpop (erf);
	v63 =	vadd.f32 $4.000000060e-01, v43;
	v47 =	vmul.f32 v44, v38  }
0x280: {  	v43 =	vshra.s32 v33, $0x17;
	v33 =	vpop (erf);
	v45 =	vmul.f32 v45, v39;
	v50 =	vadd.f32 $2.857142980e-01, v62  }
0x281: {  	v44 =	vshra.s32 v36, $0x17;
	v36 =	vpop (erf);
	v46 =	vmul.f32 v63, v40;
	v47 =	vadd.f32 $4.000000060e-01, v47  }
0x282: {  	s5 =	simm.s32 $0x200;
	v42 =	vpop (erf);
	v48 =	vadd.f32 $4.000000060e-01, v45;
	v45 =	vadd.s32 $0xFFFFFF81, v49;
	v49 =	vmul.f32 v50, v41  }
.LBB2_11:
0x283: {  	p1 =	sne.s32 s5, $0x3F00;
	v46 =	vadd.f32 $6.666666860e-01, v46;
	v47 =	vmul.f32 v47, v38;
	v43 =	vadd.s32 $0xFFFFFF81, v43  }
0x284: {  	v44 =	vadd.s32 $0xFFFFFF81, v44;
	v48 =	vmul.f32 v48, v39;
	v49 =	vadd.f32 $4.000000060e-01, v49  }
0x285: {  	v35 =	vadd.s32 $0xFFFFFF81, v35;
	v40 =	vmul.f32 v46, v40;
	v46 =	vadd.f32 $6.666666860e-01, v47  }
0x286: {  	v45 =	vcvt.s32.f32 v45;
	v47 =	vadd.f32 $6.666666860e-01, v48;
	v48 =	vmul.f32 v49, v41  }
0x287: {  	v35 =	vcvt.s32.f32 v35;
	v40 =	vadd.f32 $2.000000000e+00, v40;
	v38 =	vmul.f32 v46, v38  }
0x288: {  	v44 =	vcvt.s32.f32 v44;
	v39 =	vmul.f32 v47, v39;
	v46 =	vadd.f32 $6.666666860e-01, v48  }
0x289: {  	v35 =	vmul.f32 $6.931471820e-01, v35;
	v32 =	vmul.f32 v40, v32;
	v38 =	vadd.f32 $2.000000000e+00, v38  }
0x28a: {  	v40 =	vcvt.s32.f32 v43;
	v39 =	vadd.f32 $2.000000000e+00, v39;
	v41 =	vmul.f32 v46, v41  }
0x28b: {  	v32 =	vadd.f32 v32, v35;
	v31 =	vmul.f32 v38, v31;
	v35 =	vmul.f32 $6.931471820e-01, v44  }
0x28c: {  	v38 =	vmul.f32 $6.931471820e-01, v40;
	v37 =	vld.idx.msk [tilespmem:v37+s18+$0x0], $0xffff;
	v29 =	vmul.f32 v39, v29;
	v39 =	vadd.f32 $2.000000000e+00, v41  }
0x28d: {  	v34 =	vmul.f32 v34, v34;
	v19 =	vmul.f32 v32, v19;
	v31 =	vadd.f32 v31, v35  }
0x28e: {  	v32 =	vmul.f32 $6.931471820e-01, v45;
	v30 =	vld.idx.msk [tilespmem:v30+s18+$0x0], $0xffff;
	v29 =	vadd.f32 v29, v38;
	v27 =	vmul.f32 v39, v27  }
0x28f: {  	v21 =	vadd.f32 v34, v21;
	v34 =	vadd.f32 v19, v22;
	v20 =	vmul.f32 v31, v20  }
0x290: {  	v22 =	vmul.f32 v25, v25;
	v25 =	vsub.f32 v15, v13;
	v24 =	vld.idx.msk [tilespmem:v24+s18+$0x0], $0xffff;
	v27 =	vadd.f32 v27, v32  }
0x291: {  	v21 =	vadd.f32 v28, v21;
	v13 =	vmovc v14;
	v17 =	vmul.f32 v29, v17;
	v28 =	vadd.f32 v20, v34  }
0x292: {  	v35 =	vmul.f32 v42, v37;
	v19 =	vmov v37;
	v14 =	vld.idx.msk [tilespmem:v23+s18+$0x0], $0xffff;
	v23 =	vmul.f32 v25, v25  }
0x293: {  	s17 =	sadd.s32 $0x40, s17;
	v21 =	vadd.f32 v22, v21;
	v15 =	vmul.f32 v27, v15;
	v28 =	vadd.f32 v17, v28  }
0x294: {  	v25 =	vor.u32 s17, v6;
	v42 =	vmul.f32 v36, v30;
	v20 =	vmov v30  }
0x295: {  	s29 =	sadd.s32 $0x1, s29;
	v27 =	vand.u32 $0x7FFFFF, v35;
	v21 =	vadd.f32 v23, v21;
	v22 =	vadd.f32 v15, v28  }
0x296: {  	v23 =	vadd.s32 s29, v7;
	v27 =	vor.u32 $0x3F800000, v27;
	v43 =	vmul.f32 v33, v24;
	v17 =	vmovc v24  }
0x297: {  	v24 =	vor.u32 s17, v4;
	v28 =	vadd.f32 $1.000000000e+00, v27;
	v31 =	vand.u32 $0x7FFFFF, v42  }
0x298: {  	v29 =	vor.u32 $0x3F800000, v31;
	v30 =	vand.u32 $0x7FFFFF, v43;
	v36 =	vmul.f32 v26, v14;
	v15 =	vmovc v14  }
0x299: {  	v26 =	vadd.f32 $1.000000000e+00, v29;
	v31 =	vor.u32 $0x3F800000, v30;
	(erf) = vrcp.f32 v28  }
0x29a: {  	s6 =	sshra.s32 s5, $0x2;
	v28 =	vadd.s32 s29, v5;
	v30 =	vadd.f32 $1.000000000e+00, v31;
	v32 =	vand.u32 $0x7FFFFF, v36  }
0x29b: {  	v33 =	vor.u32 s17, v2;
	v34 =	vor.u32 $0x3F800000, v32;
	v14 =	vld [tilespmem:s6+$0xC030];
	(erf) = vrcp.f32 v26  }
0x29c: {  	v26 =	vadd.s32 s29, v3;
	v32 =	vadd.f32 $1.000000000e+00, v34;
	v41 =	vld [tilespmem:s6+$0xC020];
	(erf) = vrcp.f32 v30  }
0x29d: {  	v37 =	vadd.s32 s29, v1;
	v23 =	vsel vm1, v25, v23;
	v30 =	vor.u32 s17, v0;
	v44 =	vld [tilespmem:s6+$0xC010]  }
0x29e: {  	v24 =	vsel vm1, v24, v28;
	v25 =	vsel vm1, v33, v26;
	(erf) = vrcp.f32 v32  }
0x29f: {  	v28 =	vsub.s32 $0xFFF, v24;
	v26 =	vsel vm1, v30, v37;
	v30 =	vsub.s32 $0xFFF, v23  }
0x2a0: {  	v37 =	vxor.u32 $0xFFF, v25;
	v33 =	vsub.s32 $0xFFF, v26;
	v23 =	vsel vm0, v30, v23;
	v45 =	vld [tilespmem:s6+$0xC000]  }
0x2a1: {  	v27 =	vadd.f32 $-1.000000000e+00, v27;
	v24 =	vsel vm0, v28, v24;
	v32 =	vmax.f32 v14, $9.999999710e-10  }
0x2a2: {  	v30 =	vmax.f32 v41, $9.999999710e-10;
	v38 =	vmax.f32 v44, $9.999999710e-10;
	(erf) = vrcp.f32 v32;
	v28 =	vpop (erf)  }
0x2a3: {  	v39 =	vadd.f32 $-1.000000000e+00, v29;
	(erf) = vrcp.f32 v30;
	v32 =	vmul.f32 v28, v27  }
0x2a4: {  	v30 =	vsel vm0, v37, v25;
	v25 =	vadd.f32 $-1.000000000e+00, v31;
	(erf) = vrcp.f32 v38;
	v28 =	vpop (erf)  }
0x2a5: {  	v29 =	vmax.f32 v45, $9.999999710e-10;
	v40 =	vmul.f32 v32, v32;
	v31 =	vmul.f32 v28, v39;
	v27 =	vpop (erf)  }
0x2a6: {  	(erf) = vrcp.f32 v29;
	v29 =	vmul.f32 v27, v25;
	v27 =	vadd.f32 $-1.000000000e+00, v34  }
0x2a7: {  	v37 =	vsel vm0, v33, v26;
	v26 =	vmul.f32 $2.222222240e-01, v40;
	v38 =	vmul.f32 v31, v31;
	v28 =	vpop (erf)  }
0x2a8: {  	v25 =	vsub.f32 v17, v12;
	v12 =	vmovc v41;
	v39 =	vmul.f32 v29, v29;
	v27 =	vmul.f32 v28, v27  }
0x2a9: {  	v47 =	vsub.f32 v20, v16;
	v16 =	vmovc v44;
	v28 =	vadd.f32 $2.857142980e-01, v26;
	v46 =	vmul.f32 $2.222222240e-01, v38  }
0x2aa: {  	v34 =	vsub.f32 v19, v18;
	v18 =	vmovc v45;
	v44 =	vmul.f32 $2.222222240e-01, v39;
	v41 =	vmul.f32 v27, v27  }
0x2ab: {  	v26 =	vpop (erf);
	v45 =	vmul.f32 v28, v40;
	v28 =	vmul.f32 v47, v47;
	v46 =	vadd.f32 $2.857142980e-01, v46  }
.Ltmp6:
0x2ac: {  	v49 =	vshra.s32 v36, $0x17;
	v33 =	vpop (erf);
	v47 =	vadd.f32 $2.857142980e-01, v44;
	v48 =	vmul.f32 $2.222222240e-01, v41;
	(pc) =	sbr.rel @p1 .LBB2_11-.Ltmp6, $4  }
0x2ad: {  	v43 =	vshra.s32 v43, $0x17;
	v36 =	vpop (erf);
	v45 =	vadd.f32 $4.000000060e-01, v45;
	v50 =	vmul.f32 v46, v38  }
0x2ae: {  	v44 =	vshra.s32 v42, $0x17;
	v51 =	vmul.f32 v47, v39;
	v52 =	vadd.f32 $2.857142980e-01, v48  }
0x2af: {  	v35 =	vshra.s32 v35, $0x17;
	v42 =	vpop (erf);
	v46 =	vmul.f32 v45, v40;
	v47 =	vadd.f32 $4.000000060e-01, v50  }
0x2b0: {  	s5 =	sadd.s32 $0x100, s5;
	v45 =	vadd.s32 $0xFFFFFF81, v49;
	v48 =	vadd.f32 $4.000000060e-01, v51;
	v49 =	vmul.f32 v52, v41  }
0x2b1: {  	_ =	sdelay $0x2  }
0x2b2: {  	v46 =	vadd.f32 $6.666666860e-01, v46;
	v47 =	vmul.f32 v47, v38  }
0x2b3: {  	v44 =	vadd.s32 $0xFFFFFF81, v44;
	v50 =	vadd.s32 $0xFFFFFF81, v35;
	v35 =	vld.idx.msk [tilespmem:v37+s18+$0x0], $0xffff;
	v45 =	vcvt.s32.f32 v45  }
0x2b4: {  	v30 =	vld.idx.msk [tilespmem:v30+s18+$0x0], $0xffff;
	v43 =	vadd.s32 $0xFFFFFF81, v43;
	v34 =	vmul.f32 v34, v34;
	v48 =	vmul.f32 v48, v39  }
0x2b5: {  	v24 =	vld.idx.msk [tilespmem:v24+s18+$0x0], $0xffff;
	v49 =	vadd.f32 $4.000000060e-01, v49;
	v63 =	vcvt.s32.f32 v50;
	v52 =	vcvt.s32.f32 v44  }
0x2b6: {  	v23 =	vld.idx.msk [tilespmem:v23+s18+$0x0], $0xffff;
	v43 =	vcvt.s32.f32 v43;
	v40 =	vmul.f32 v46, v40;
	v60 =	vadd.f32 $6.666666860e-01, v47  }
0x2b7: {  	v61 =	vadd.f32 $6.666666860e-01, v48;
	v62 =	vmul.f32 v49, v41;
	v55 =	vmul.f32 $6.931471820e-01, v63  }
0x2b8: {  	v43 =	vmul.f32 $6.931471820e-01, v43;
	v37 =	vmul.f32 v60, v38  }
0x2b9: {  	v40 =	vadd.f32 $2.000000000e+00, v40;
	v53 =	vmul.f32 v61, v39;
	v42 =	vmul.f32 v42, v35  }
0x2ba: {  	v54 =	vadd.f32 $6.666666860e-01, v62;
	v36 =	vmul.f32 v36, v30;
	v33 =	vmul.f32 v33, v24  }
0x2bb: {  	v26 =	vmul.f32 v26, v23;
	v32 =	vmul.f32 v40, v32;
	v56 =	vand.u32 $0x7FFFFF, v42  }
0x2bc: {  	v37 =	vadd.f32 $2.000000000e+00, v37;
	v40 =	vmul.f32 v54, v41;
	v41 =	vor.u32 $0x3F800000, v56  }
0x2bd: {  	v61 =	vmul.f32 $6.931471820e-01, v52;
	v39 =	vadd.f32 $2.000000000e+00, v53;
	v57 =	vadd.f32 $1.000000000e+00, v41  }
0x2be: {  	v58 =	vand.u32 $0x7FFFFF, v36;
	v59 =	vand.u32 $0x7FFFFF, v33;
	v63 =	vand.u32 $0x7FFFFF, v26  }
0x2bf: {  	v32 =	vadd.f32 v32, v55;
	v44 =	vor.u32 $0x3F800000, v58;
	(erf) = vrcp.f32 v57  }
0x2c0: {  	v31 =	vmul.f32 v37, v31;
	v46 =	vor.u32 $0x3F800000, v59;
	v60 =	vadd.f32 $1.000000000e+00, v44  }
0x2c1: {  	v51 =	vor.u32 $0x3F800000, v63;
	v62 =	vadd.f32 $1.000000000e+00, v46;
	v29 =	vmul.f32 v39, v29  }
0x2c2: {  	v52 =	vadd.f32 $1.000000000e+00, v51;
	v31 =	vadd.f32 v31, v61;
	(erf) = vrcp.f32 v60  }
0x2c3: {  	v53 =	vadd.f32 $2.000000000e+00, v40;
	v19 =	vmul.f32 v32, v19;
	(erf) = vrcp.f32 v62  }
0x2c4: {  	v13 =	vsub.f32 v15, v13;
	v20 =	vmul.f32 v31, v20;
	(erf) = vrcp.f32 v52  }
0x2c5: {  	v21 =	vadd.f32 v34, v21;
	v54 =	vmul.f32 $6.931471820e-01, v45;
	v27 =	vmul.f32 v53, v27  }
0x2c6: {  	v29 =	vadd.f32 v29, v43;
	v19 =	vadd.f32 v19, v22  }
0x2c7: {  	v22 =	vadd.f32 v27, v54;
	v27 =	vadd.f32 $-1.000000000e+00, v41  }
0x2c8: {  	v25 =	vmul.f32 v25, v25;
	v21 =	vadd.f32 v28, v21;
	v19 =	vadd.f32 v20, v19;
	v20 =	vpop (erf)  }
0x2c9: {  	v17 =	vmul.f32 v29, v17;
	v20 =	vmul.f32 v20, v27  }
0x2ca: {  	v13 =	vmul.f32 v13, v13;
	v21 =	vadd.f32 v25, v21;
	v27 =	vadd.f32 $-1.000000000e+00, v44  }
0x2cb: {  	v25 =	vadd.f32 $-1.000000000e+00, v46;
	v17 =	vadd.f32 v17, v19;
	v28 =	vpop (erf);
	v19 =	vmul.f32 v20, v20  }
0x2cc: {  	v15 =	vmul.f32 v22, v15;
	v22 =	vadd.f32 $-1.000000000e+00, v51;
	v27 =	vmul.f32 v28, v27;
	v28 =	vpop (erf)  }
0x2cd: {  	v13 =	vadd.f32 v13, v21;
	v25 =	vmul.f32 v28, v25;
	v29 =	vpop (erf);
	v21 =	vmul.f32 $2.222222240e-01, v19  }
0x2ce: {  	v28 =	vmul.f32 v27, v27;
	v29 =	vmul.f32 v29, v22  }
0x2cf: {  	v31 =	vsub.f32 v24, v12;
	v15 =	vadd.f32 v15, v17;
	v17 =	vmul.f32 v25, v25  }
0x2d0: {  	v12 =	vadd.f32 $2.857142980e-01, v21;
	v21 =	vmul.f32 $2.222222240e-01, v28;
	v55 =	vmul.f32 v29, v29  }
0x2d1: {  	v16 =	vsub.f32 v30, v16;
	v18 =	vsub.f32 v35, v18;
	v22 =	vmul.f32 $2.222222240e-01, v17  }
0x2d2: {  	v12 =	vmul.f32 v12, v19;
	v21 =	vadd.f32 $2.857142980e-01, v21;
	v56 =	vmul.f32 $2.222222240e-01, v55  }
0x2d3: {  	v33 =	vshra.s32 v33, $0x17;
	v36 =	vshra.s32 v36, $0x17;
	v22 =	vadd.f32 $2.857142980e-01, v22  }
0x2d4: {  	v12 =	vadd.f32 $4.000000060e-01, v12;
	v21 =	vmul.f32 v21, v28;
	v34 =	vadd.f32 $2.857142980e-01, v56  }
0x2d5: {  	v18 =	vmul.f32 v18, v18;
	v57 =	vshra.s32 v42, $0x17;
	v22 =	vmul.f32 v22, v17  }
0x2d6: {  	v12 =	vmul.f32 v12, v19;
	v21 =	vadd.f32 $4.000000060e-01, v21;
	v34 =	vmul.f32 v34, v55  }
0x2d7: {  	v36 =	vadd.s32 $0xFFFFFF81, v36;
	v37 =	vadd.s32 $0xFFFFFF81, v57;
	v22 =	vadd.f32 $4.000000060e-01, v22  }
0x2d8: {  	v58 =	vadd.f32 $6.666666860e-01, v12;
	v21 =	vmul.f32 v21, v28;
	v34 =	vadd.f32 $4.000000060e-01, v34  }
0x2d9: {  	v33 =	vadd.s32 $0xFFFFFF81, v33;
	v37 =	vcvt.s32.f32 v37;
	v12 =	vld [tilespmem:s15+$0xD030];
	v22 =	vmul.f32 v22, v17  }
0x2da: {  	v19 =	vmul.f32 v58, v19;
	v59 =	vadd.f32 $6.666666860e-01, v21;
	v21 =	vld [tilespmem:s15+$0xD020];
	v34 =	vmul.f32 v34, v55  }
0x2db: {  	v36 =	vcvt.s32.f32 v36;
	v33 =	vcvt.s32.f32 v33;
	v60 =	vadd.f32 $6.666666860e-01, v22;
	v22 =	vld [tilespmem:s15+$0xD010]  }
0x2dc: {  	v37 =	vmul.f32 $6.931471820e-01, v37;
	v19 =	vadd.f32 $2.000000000e+00, v19;
	v34 =	vadd.f32 $6.666666860e-01, v34  }
0x2dd: {  	v26 =	vshra.s32 v26, $0x17;
	v61 =	vld [tilespmem:s15+$0xD000];
	v28 =	vmul.f32 v59, v28;
	v17 =	vmul.f32 v60, v17  }
0x2de: {  	v19 =	vmul.f32 v19, v20;
	v20 =	vmax.f32 v12, $9.999999710e-10;
	v32 =	vmul.f32 v34, v55  }
0x2df: {  	v62 =	vmax.f32 v21, $9.999999710e-10;
	(erf) = vrcp.f32 v20;
	v20 =	vadd.f32 $2.000000000e+00, v28  }
0x2e0: {  	v17 =	vadd.f32 $2.000000000e+00, v17;
	v28 =	vmax.f32 v22, $9.999999710e-10;
	(erf) = vrcp.f32 v62  }
0x2e1: {  	v19 =	vadd.f32 v19, v37;
	(erf) = vrcp.f32 v28;
	v20 =	vmul.f32 v20, v27  }
0x2e2: {  	v28 =	vmax.f32 v61, $9.999999710e-10;
	v27 =	vmul.f32 $6.931471820e-01, v36;
	v17 =	vmul.f32 v17, v25  }
0x2e3: {  	v25 =	vmul.f32 $6.931471820e-01, v33;
	(erf) = vrcp.f32 v28;
	v28 =	vadd.f32 $2.000000000e+00, v32  }
0x2e4: {  	v26 =	vadd.s32 $0xFFFFFF81, v26;
	v19 =	vmul.f32 v19, v35;
	v20 =	vadd.f32 v20, v27  }
0x2e5: {  	v26 =	vcvt.s32.f32 v26;
	v17 =	vadd.f32 v17, v25;
	v25 =	vmul.f32 v28, v29  }
0x2e6: {  	v13 =	vadd.f32 v18, v13;
	v18 =	vadd.f32 v19, v15;
	v19 =	vmul.f32 v20, v30  }
0x2e7: {  	v26 =	vmul.f32 $6.931471820e-01, v26  }
0x2e8: {  	v16 =	vmul.f32 v16, v16;
	v15 =	vld.idx.msk [tilespmem:v11+s25+$0x0], $0xffff  }
0x2e9: {  	v14 =	vsub.f32 v23, v14;
	v20 =	vadd.f32 v25, v26;
	v25 =	vpop (erf)  }
0x2ea: {  	v13 =	vadd.f32 v16, v13;
	v16 =	vld.idx.msk [tilespmem:v10+s25+$0x0], $0xffff;
	v18 =	vadd.f32 v19, v18;
	v19 =	vpop (erf)  }
0x2eb: {  	s17 =	simm.s32 $0xFC1;
	s15 =	simm.s32 $0x40;
	v17 =	vmul.f32 v17, v24;
	v24 =	vmul.f32 v14, v14;
	v14 =	vld.idx.msk [tilespmem:v9+s25+$0x0], $0xffff;
	v26 =	vpop (erf)  }
0x2ec: {  	v51 =	vadd.s32 s17, v1;
	v50 =	vor.u32 s15, v0;
	v11 =	vmul.f32 v31, v31;
	v10 =	vpop (erf)  }
0x2ed: {  	v27 =	vadd.s32 s17, v5;
	v29 =	vor.u32 s15, v2;
	v28 =	vmul.f32 v10, v15;
	v10 =	vld.idx.msk [tilespmem:v8+s25+$0x0], $0xffff  }
0x2ee: {  	v9 =	vadd.f32 v11, v13;
	v13 =	vmul.f32 v20, v23;
	v20 =	vadd.s32 s17, v7  }
0x2ef: {  	v11 =	vadd.f32 v17, v18;
	v63 =	vmul.f32 v26, v16;
	v8 =	vand.u32 $0x7FFFFF, v28  }
0x2f0: {  	v17 =	vadd.f32 v24, v9;
	v31 =	vmul.f32 v19, v14;
	v23 =	vor.u32 $0x3F800000, v8  }
0x2f1: {  	v19 =	vor.u32 s15, v4;
	v9 =	vand.u32 $0x7FFFFF, v63;
	v8 =	vadd.f32 $1.000000000e+00, v23  }
0x2f2: {  	v24 =	vor.u32 $0x3F800000, v9;
	v9 =	vand.u32 $0x7FFFFF, v31;
	v48 =	vmul.f32 v25, v10  }
0x2f3: {  	v26 =	vor.u32 $0x3F800000, v9;
	v25 =	vadd.f32 $1.000000000e+00, v24;
	(erf) = vrcp.f32 v8  }
0x2f4: {  	v18 =	vadd.f32 v13, v11;
	v13 =	vld [tilespmem:s1+$0xD030];
	v9 =	vadd.f32 $1.000000000e+00, v26;
	v8 =	vand.u32 $0x7FFFFF, v48  }
0x2f5: {  	v11 =	vor.u32 s15, v6;
	(erf) = vrcp.f32 v25;
	v30 =	vor.u32 $0x3F800000, v8  }
0x2f6: {  	v20 =	vsel vm1, v11, v20;
	(erf) = vrcp.f32 v9;
	v49 =	vadd.f32 $1.000000000e+00, v30  }
0x2f7: {  	v27 =	vsel vm1, v19, v27;
	v19 =	vsub.s32 $0xFFF, v20;
	v25 =	vadd.s32 s17, v3;
	v8 =	vld [tilespmem:s1+$0xD020]  }
0x2f8: {  	v9 =	vld [tilespmem:s1+$0xD010];
	v25 =	vsel vm1, v29, v25;
	v29 =	vsub.s32 $0xFFF, v27;
	(erf) = vrcp.f32 v49  }
0x2f9: {  	v19 =	vsel vm0, v19, v20;
	v20 =	vsel vm0, v29, v27;
	v27 =	vmax.f32 v13, $9.999999710e-10  }
0x2fa: {  	v52 =	vsel vm1, v50, v51;
	v11 =	vld [tilespmem:s1+$0xD000]  }
0x2fb: {  	v34 =	vsub.s32 $0xFFF, v52;
	v23 =	vadd.f32 $-1.000000000e+00, v23;
	v24 =	vadd.f32 $-1.000000000e+00, v24  }
0x2fc: {  	v53 =	vxor.u32 $0xFFF, v25;
	(erf) = vrcp.f32 v27;
	v29 =	vmax.f32 v8, $9.999999710e-10;
	v27 =	vpop (erf)  }
0x2fd: {  	v54 =	vmax.f32 v9, $9.999999710e-10;
	(erf) = vrcp.f32 v29;
	v29 =	vmul.f32 v27, v23  }
0x2fe: {  	(erf) = vrcp.f32 v54;
	v23 =	vsel vm0, v53, v25;
	v25 =	vadd.f32 $-1.000000000e+00, v26;
	v26 =	vpop (erf)  }
0x2ff: {  	v55 =	vmax.f32 v11, $9.999999710e-10;
	v27 =	vmul.f32 v26, v24;
	v24 =	vpop (erf);
	v35 =	vmul.f32 v29, v29  }
0x300: {  	(erf) = vrcp.f32 v55;
	v25 =	vmul.f32 v24, v25;
	v24 =	vadd.f32 $-1.000000000e+00, v30  }
0x301: {  	v22 =	vsub.f32 v16, v22;
	v36 =	vmul.f32 v27, v27;
	v26 =	vmul.f32 $2.222222240e-01, v35;
	v30 =	vpop (erf)  }
0x302: {  	v32 =	vsel vm0, v34, v52;
	v37 =	vmul.f32 v25, v25;
	v24 =	vmul.f32 v30, v24  }
0x303: {  	v21 =	vsub.f32 v14, v21;
	v56 =	vmul.f32 $2.222222240e-01, v36;
	v26 =	vadd.f32 $2.857142980e-01, v26  }
0x304: {  	v39 =	vshra.s32 v31, $0x17;
	v57 =	vmul.f32 $2.222222240e-01, v37;
	v34 =	vmul.f32 v24, v24  }
0x305: {  	v28 =	vshra.s32 v28, $0x17;
	v40 =	vadd.f32 $2.857142980e-01, v56;
	v58 =	vmul.f32 v26, v35  }
0x306: {  	v30 =	vsub.f32 v15, v61;
	v38 =	vadd.f32 $2.857142980e-01, v57;
	v60 =	vmul.f32 $2.222222240e-01, v34  }
0x307: {  	v26 =	vmul.f32 v22, v22;
	v22 =	vpop (erf);
	v61 =	vmul.f32 v40, v36;
	v41 =	vadd.f32 $4.000000060e-01, v58  }
0x308: {  	v31 =	vpop (erf);
	v40 =	vshra.s32 v63, $0x17;
	v62 =	vmul.f32 v38, v37;
	v63 =	vadd.f32 $2.857142980e-01, v60  }
0x309: {  	v59 =	vshra.s32 v48, $0x17;
	v33 =	vpop (erf);
	v43 =	vadd.f32 $4.000000060e-01, v61;
	v42 =	vmul.f32 v41, v35  }
0x30a: {  	s1 =	simm.s32 $0x200;
	v38 =	vpop (erf);
	v44 =	vadd.f32 $4.000000060e-01, v62;
	v41 =	vadd.s32 $0xFFFFFF81, v59;
	v45 =	vmul.f32 v63, v34  }
.LBB2_13:
0x30b: {  	p1 =	sne.s32 s1, $0x3F00;
	v42 =	vadd.f32 $6.666666860e-01, v42;
	v43 =	vmul.f32 v43, v36;
	v39 =	vadd.s32 $0xFFFFFF81, v39  }
0x30c: {  	v40 =	vadd.s32 $0xFFFFFF81, v40;
	v44 =	vmul.f32 v44, v37;
	v45 =	vadd.f32 $4.000000060e-01, v45  }
0x30d: {  	v28 =	vadd.s32 $0xFFFFFF81, v28;
	v35 =	vmul.f32 v42, v35;
	v42 =	vadd.f32 $6.666666860e-01, v43  }
0x30e: {  	v41 =	vcvt.s32.f32 v41;
	v43 =	vadd.f32 $6.666666860e-01, v44;
	v44 =	vmul.f32 v45, v34  }
0x30f: {  	v28 =	vcvt.s32.f32 v28;
	v35 =	vadd.f32 $2.000000000e+00, v35;
	v36 =	vmul.f32 v42, v36  }
0x310: {  	v40 =	vcvt.s32.f32 v40;
	v37 =	vmul.f32 v43, v37;
	v42 =	vadd.f32 $6.666666860e-01, v44  }
0x311: {  	v28 =	vmul.f32 $6.931471820e-01, v28;
	v29 =	vmul.f32 v35, v29;
	v35 =	vadd.f32 $2.000000000e+00, v36  }
0x312: {  	v36 =	vadd.f32 $2.000000000e+00, v37;
	v37 =	vcvt.s32.f32 v39;
	v34 =	vmul.f32 v42, v34  }
0x313: {  	v28 =	vadd.f32 v29, v28;
	v27 =	vmul.f32 v35, v27;
	v29 =	vmul.f32 $6.931471820e-01, v40  }
0x314: {  	v32 =	vld.idx.msk [tilespmem:v32+s25+$0x0], $0xffff;
	v25 =	vmul.f32 v36, v25;
	v35 =	vmul.f32 $6.931471820e-01, v37;
	v34 =	vadd.f32 $2.000000000e+00, v34  }
0x315: {  	v30 =	vmul.f32 v30, v30;
	v15 =	vmul.f32 v28, v15;
	v27 =	vadd.f32 v27, v29  }
0x316: {  	v28 =	vmul.f32 $6.931471820e-01, v41;
	v23 =	vld.idx.msk [tilespmem:v23+s25+$0x0], $0xffff;
	v25 =	vadd.f32 v25, v35;
	v24 =	vmul.f32 v34, v24  }
0x317: {  	v17 =	vadd.f32 v30, v17;
	v29 =	vadd.f32 v15, v18;
	v16 =	vmul.f32 v27, v16  }
0x318: {  	v18 =	vmul.f32 v21, v21;
	v21 =	vsub.f32 v10, v12;
	v20 =	vld.idx.msk [tilespmem:v20+s25+$0x0], $0xffff;
	v24 =	vadd.f32 v24, v28  }
0x319: {  	v17 =	vadd.f32 v26, v17;
	v12 =	vmovc v13;
	v14 =	vmul.f32 v25, v14;
	v26 =	vadd.f32 v16, v29  }
0x31a: {  	v28 =	vmul.f32 v38, v32;
	v15 =	vmov v32;
	v13 =	vld.idx.msk [tilespmem:v19+s25+$0x0], $0xffff;
	v19 =	vmul.f32 v21, v21  }
0x31b: {  	s15 =	sadd.s32 $0x40, s15;
	v17 =	vadd.f32 v18, v17;
	v10 =	vmul.f32 v24, v10;
	v25 =	vadd.f32 v14, v26  }
0x31c: {  	v21 =	vor.u32 s15, v6;
	v38 =	vmul.f32 v33, v23;
	v16 =	vmov v23  }
0x31d: {  	s17 =	sadd.s32 $0x1, s17;
	v23 =	vand.u32 $0x7FFFFF, v28;
	v17 =	vadd.f32 v19, v17;
	v18 =	vadd.f32 v10, v25  }
0x31e: {  	v19 =	vadd.s32 s17, v7;
	v23 =	vor.u32 $0x3F800000, v23;
	v39 =	vmul.f32 v31, v20;
	v14 =	vmovc v20  }
0x31f: {  	v20 =	vor.u32 s15, v4;
	v24 =	vadd.f32 $1.000000000e+00, v23;
	v27 =	vand.u32 $0x7FFFFF, v38  }
0x320: {  	v25 =	vor.u32 $0x3F800000, v27;
	v26 =	vand.u32 $0x7FFFFF, v39;
	v33 =	vmul.f32 v22, v13;
	v10 =	vmovc v13  }
0x321: {  	v22 =	vadd.f32 $1.000000000e+00, v25;
	v26 =	vor.u32 $0x3F800000, v26;
	(erf) = vrcp.f32 v24  }
0x322: {  	s5 =	sshra.s32 s1, $0x2;
	v24 =	vadd.s32 s17, v5;
	v27 =	vadd.f32 $1.000000000e+00, v26;
	v29 =	vand.u32 $0x7FFFFF, v33  }
0x323: {  	v30 =	vor.u32 s15, v2;
	v31 =	vor.u32 $0x3F800000, v29;
	v13 =	vld [tilespmem:s5+$0xD030];
	(erf) = vrcp.f32 v22  }
0x324: {  	v22 =	vadd.s32 s17, v3;
	v29 =	vadd.f32 $1.000000000e+00, v31;
	v34 =	vld [tilespmem:s5+$0xD020];
	(erf) = vrcp.f32 v27  }
0x325: {  	v32 =	vadd.s32 s17, v1;
	v19 =	vsel vm1, v21, v19;
	v27 =	vor.u32 s15, v0;
	v40 =	vld [tilespmem:s5+$0xD010]  }
0x326: {  	v20 =	vsel vm1, v20, v24;
	v21 =	vsel vm1, v30, v22;
	(erf) = vrcp.f32 v29  }
0x327: {  	v24 =	vsub.s32 $0xFFF, v20;
	v22 =	vsel vm1, v27, v32;
	v27 =	vsub.s32 $0xFFF, v19  }
0x328: {  	v32 =	vxor.u32 $0xFFF, v21;
	v30 =	vsub.s32 $0xFFF, v22;
	v19 =	vsel vm0, v27, v19;
	v41 =	vld [tilespmem:s5+$0xD000]  }
0x329: {  	v23 =	vadd.f32 $-1.000000000e+00, v23;
	v20 =	vsel vm0, v24, v20;
	v35 =	vmax.f32 v13, $9.999999710e-10  }
0x32a: {  	v29 =	vmax.f32 v34, $9.999999710e-10;
	v27 =	vmax.f32 v40, $9.999999710e-10;
	(erf) = vrcp.f32 v35;
	v24 =	vpop (erf)  }
0x32b: {  	v36 =	vadd.f32 $-1.000000000e+00, v25;
	(erf) = vrcp.f32 v29;
	v29 =	vmul.f32 v24, v23  }
0x32c: {  	v23 =	vsel vm0, v32, v21;
	v21 =	vadd.f32 $-1.000000000e+00, v26;
	(erf) = vrcp.f32 v27;
	v25 =	vpop (erf)  }
0x32d: {  	v37 =	vmax.f32 v41, $9.999999710e-10;
	v35 =	vmul.f32 v29, v29;
	v27 =	vmul.f32 v25, v36;
	v24 =	vpop (erf)  }
0x32e: {  	(erf) = vrcp.f32 v37;
	v25 =	vmul.f32 v24, v21;
	v24 =	vadd.f32 $-1.000000000e+00, v31  }
0x32f: {  	v32 =	vsel vm0, v30, v22;
	v22 =	vmul.f32 $2.222222240e-01, v35;
	v36 =	vmul.f32 v27, v27;
	v26 =	vpop (erf)  }
0x330: {  	v21 =	vsub.f32 v14, v8;
	v8 =	vmovc v34;
	v37 =	vmul.f32 v25, v25;
	v24 =	vmul.f32 v26, v24  }
0x331: {  	v43 =	vsub.f32 v16, v9;
	v9 =	vmovc v40;
	v26 =	vadd.f32 $2.857142980e-01, v22;
	v42 =	vmul.f32 $2.222222240e-01, v36  }
0x332: {  	v30 =	vsub.f32 v15, v11;
	v11 =	vmovc v41;
	v40 =	vmul.f32 $2.222222240e-01, v37;
	v34 =	vmul.f32 v24, v24  }
0x333: {  	v22 =	vpop (erf);
	v41 =	vmul.f32 v26, v35;
	v26 =	vmul.f32 v43, v43;
	v42 =	vadd.f32 $2.857142980e-01, v42  }
.Ltmp7:
0x334: {  	v45 =	vshra.s32 v33, $0x17;
	v31 =	vpop (erf);
	v43 =	vadd.f32 $2.857142980e-01, v40;
	v44 =	vmul.f32 $2.222222240e-01, v34;
	(pc) =	sbr.rel @p1 .LBB2_13-.Ltmp7, $4  }
0x335: {  	v39 =	vshra.s32 v39, $0x17;
	v33 =	vpop (erf);
	v41 =	vadd.f32 $4.000000060e-01, v41;
	v46 =	vmul.f32 v42, v36  }
0x336: {  	v40 =	vshra.s32 v38, $0x17;
	v47 =	vmul.f32 v43, v37;
	v48 =	vadd.f32 $2.857142980e-01, v44  }
0x337: {  	v28 =	vshra.s32 v28, $0x17;
	v38 =	vpop (erf);
	v42 =	vmul.f32 v41, v35;
	v43 =	vadd.f32 $4.000000060e-01, v46  }
0x338: {  	s1 =	sadd.s32 $0x100, s1;
	v41 =	vadd.s32 $0xFFFFFF81, v45;
	v44 =	vadd.f32 $4.000000060e-01, v47;
	v45 =	vmul.f32 v48, v34  }
0x339: {  	_ =	sdelay $0x2  }
0x33a: {  	v42 =	vadd.f32 $6.666666860e-01, v42;
	v43 =	vmul.f32 v43, v36  }
0x33b: {  	v40 =	vadd.s32 $0xFFFFFF81, v40;
	v32 =	vld.idx.msk [tilespmem:v32+s25+$0x0], $0xffff;
	v46 =	vadd.s32 $0xFFFFFF81, v28;
	v41 =	vcvt.s32.f32 v41  }
0x33c: {  	v28 =	vld.idx.msk [tilespmem:v23+s25+$0x0], $0xffff;
	v39 =	vadd.s32 $0xFFFFFF81, v39;
	v30 =	vmul.f32 v30, v30;
	v44 =	vmul.f32 v44, v37  }
0x33d: {  	v20 =	vld.idx.msk [tilespmem:v20+s25+$0x0], $0xffff;
	v45 =	vadd.f32 $4.000000060e-01, v45;
	v40 =	vcvt.s32.f32 v40;
	v35 =	vmul.f32 v42, v35  }
0x33e: {  	v48 =	vcvt.s32.f32 v46;
	v54 =	vcvt.s32.f32 v39;
	v61 =	vadd.f32 $6.666666860e-01, v43  }
0x33f: {  	v63 =	vmul.f32 v45, v34;
	v40 =	vmul.f32 $6.931471820e-01, v40;
	v23 =	vadd.f32 $2.000000000e+00, v35  }
0x340: {  	v12 =	vsub.f32 v10, v12;
	v49 =	vmul.f32 v61, v36;
	v38 =	vmul.f32 v38, v32  }
0x341: {  	v62 =	vadd.f32 $6.666666860e-01, v44;
	v33 =	vmul.f32 v33, v28;
	v29 =	vmul.f32 v23, v29;
	v23 =	vld.idx.msk [tilespmem:v19+s25+$0x0], $0xffff  }
0x342: {  	v31 =	vmul.f32 v31, v20;
	v19 =	vmul.f32 $6.931471820e-01, v48;
	v55 =	vand.u32 $0x7FFFFF, v38  }
0x343: {  	v50 =	vmul.f32 v62, v37;
	v57 =	vand.u32 $0x7FFFFF, v33;
	v39 =	vor.u32 $0x3F800000, v55  }
0x344: {  	v58 =	vand.u32 $0x7FFFFF, v31;
	v19 =	vadd.f32 v29, v19;
	v29 =	vadd.f32 $1.000000000e+00, v39  }
0x345: {  	v51 =	vadd.f32 $6.666666860e-01, v63;
	v42 =	vor.u32 $0x3F800000, v57;
	v43 =	vor.u32 $0x3F800000, v58  }
0x346: {  	v59 =	vadd.f32 $1.000000000e+00, v42;
	v22 =	vmul.f32 v22, v23;
	(erf) = vrcp.f32 v29  }
0x347: {  	v52 =	vadd.f32 $2.000000000e+00, v49;
	v56 =	vmul.f32 v51, v34;
	v29 =	vadd.f32 $1.000000000e+00, v43  }
0x348: {  	v53 =	vadd.f32 $2.000000000e+00, v50;
	(erf) = vrcp.f32 v59;
	v60 =	vand.u32 $0x7FFFFF, v22  }
0x349: {  	v34 =	vadd.f32 $2.000000000e+00, v56;
	(erf) = vrcp.f32 v29;
	v35 =	vor.u32 $0x3F800000, v60  }
0x34a: {  	v27 =	vmul.f32 v52, v27;
	v25 =	vmul.f32 v53, v25;
	v61 =	vadd.f32 $1.000000000e+00, v35  }
0x34b: {  	v17 =	vadd.f32 v30, v17;
	v24 =	vmul.f32 v34, v24;
	v29 =	vmul.f32 $6.931471820e-01, v54  }
0x34c: {  	v15 =	vmul.f32 v19, v15;
	v19 =	vadd.f32 v27, v40;
	(erf) = vrcp.f32 v61  }
0x34d: {  	v12 =	vmul.f32 v12, v12;
	v27 =	vmul.f32 $6.931471820e-01, v41;
	v25 =	vadd.f32 v25, v29  }
0x34e: {  	v15 =	vadd.f32 v15, v18;
	v16 =	vmul.f32 v19, v16;
	v18 =	vadd.f32 $-1.000000000e+00, v39  }
0x34f: {  	v17 =	vadd.f32 v26, v17;
	v19 =	vmul.f32 v21, v21;
	v21 =	vadd.f32 v24, v27;
	v24 =	vpop (erf)  }
0x350: {  	s5 =	simm.s32 $0xFC0;
	v15 =	vadd.f32 v16, v15;
	v16 =	vmul.f32 v24, v18;
	v18 =	vadd.f32 $-1.000000000e+00, v42  }
0x351: {  	v44 =	vadd.s32 s5, v1;
	v14 =	vmul.f32 v25, v14;
	v24 =	vadd.f32 $-1.000000000e+00, v43;
	v25 =	vpop (erf)  }
0x352: {  	v17 =	vadd.f32 v19, v17;
	v19 =	vmul.f32 v16, v16;
	v18 =	vmul.f32 v25, v18;
	v25 =	vpop (erf)  }
0x353: {  	v9 =	vsub.f32 v28, v9;
	v10 =	vmul.f32 v21, v10;
	v21 =	vmul.f32 v25, v24  }
0x354: {  	v14 =	vadd.f32 v14, v15;
	v24 =	vadd.f32 $-1.000000000e+00, v35;
	v15 =	vmul.f32 $2.222222240e-01, v19  }
0x355: {  	v17 =	vadd.f32 v12, v17;
	v25 =	vmul.f32 v18, v18;
	v26 =	vpop (erf);
	v12 =	vmul.f32 v21, v21  }
0x356: {  	v14 =	vadd.f32 v10, v14;
	v24 =	vmul.f32 v26, v24;
	v10 =	vadd.f32 $2.857142980e-01, v15  }
0x357: {  	v27 =	vsub.f32 v20, v8;
	v15 =	vmul.f32 $2.222222240e-01, v25;
	v8 =	vmul.f32 $2.222222240e-01, v12  }
0x358: {  	v11 =	vsub.f32 v32, v11;
	v26 =	vmul.f32 v24, v24;
	v10 =	vmul.f32 v10, v19  }
0x359: {  	v30 =	vmul.f32 v9, v9;
	v15 =	vadd.f32 $2.857142980e-01, v15;
	v8 =	vadd.f32 $2.857142980e-01, v8  }
0x35a: {  	v62 =	vshra.s32 v38, $0x17;
	v29 =	vmul.f32 $2.222222240e-01, v26;
	v9 =	vadd.f32 $4.000000060e-01, v10  }
0x35b: {  	v10 =	vmul.f32 v15, v25;
	v15 =	vshra.s32 v22, $0x17;
	v8 =	vmul.f32 v8, v12  }
0x35c: {  	v15 =	vadd.s32 $0xFFFFFF81, v15;
	v22 =	vadd.f32 $2.857142980e-01, v29;
	v29 =	vshra.s32 v31, $0x17  }
0x35d: {  	v9 =	vmul.f32 v9, v19;
	v10 =	vadd.f32 $4.000000060e-01, v10;
	v31 =	vshra.s32 v33, $0x17  }
0x35e: {  	v15 =	vcvt.s32.f32 v15;
	v8 =	vadd.f32 $4.000000060e-01, v8;
	v22 =	vmul.f32 v22, v26  }
0x35f: {  	v29 =	vadd.s32 $0xFFFFFF81, v29;
	v9 =	vadd.f32 $6.666666860e-01, v9;
	v10 =	vmul.f32 v10, v25  }
0x360: {  	v31 =	vadd.s32 $0xFFFFFF81, v31;
	v8 =	vmul.f32 v8, v12;
	v22 =	vadd.f32 $4.000000060e-01, v22  }
0x361: {  	v15 =	vmul.f32 $6.931471820e-01, v15;
	v9 =	vmul.f32 v9, v19;
	v10 =	vadd.f32 $6.666666860e-01, v10  }
0x362: {  	v19 =	vadd.s32 $0xFFFFFF81, v62;
	v8 =	vadd.f32 $6.666666860e-01, v8;
	v22 =	vmul.f32 v22, v26  }
0x363: {  	v19 =	vcvt.s32.f32 v19;
	v9 =	vadd.f32 $2.000000000e+00, v9;
	v10 =	vmul.f32 v10, v25  }
0x364: {  	v25 =	vcvt.s32.f32 v31;
	v8 =	vmul.f32 v8, v12;
	v12 =	vadd.f32 $6.666666860e-01, v22  }
0x365: {  	s15 =	simm.s32 $0x0;
	s1 =	simm.s32 $0x0;
	v9 =	vmul.f32 v9, v16;
	v16 =	vmul.f32 $6.931471820e-01, v19;
	v10 =	vadd.f32 $2.000000000e+00, v10  }
0x366: {  	v19 =	vcvt.s32.f32 v29;
	v29 =	vor.u32 s1, v0;
	v22 =	vmul.f32 v12, v26;
	v12 =	vld [tilespmem:s15+$0xE030]  }
0x367: {  	v8 =	vadd.f32 $2.000000000e+00, v8;
	v10 =	vmul.f32 v10, v18;
	v18 =	vmul.f32 $6.931471820e-01, v25;
	v25 =	vld [tilespmem:s15+$0xE020]  }
0x368: {  	v29 =	vsel vm1, v29, v44;
	v9 =	vadd.f32 v9, v16;
	v16 =	vmul.f32 $6.931471820e-01, v19;
	v26 =	vld [tilespmem:s15+$0xE010]  }
0x369: {  	v63 =	vld [tilespmem:s15+$0xE000];
	v8 =	vmul.f32 v8, v21;
	v21 =	vmul.f32 v11, v11;
	v11 =	vadd.s32 s5, v3  }
0x36a: {  	v19 =	vadd.f32 $2.000000000e+00, v22;
	v22 =	vmul.f32 v9, v32;
	v18 =	vadd.f32 v10, v18  }
0x36b: {  	v9 =	vadd.s32 s5, v5;
	v10 =	vor.u32 s1, v2;
	v31 =	vmax.f32 v12, $9.999999710e-10  }
0x36c: {  	v32 =	vsub.s32 $0xFFF, v29;
	v45 =	vmax.f32 v25, $9.999999710e-10;
	(erf) = vrcp.f32 v31  }
0x36d: {  	v16 =	vadd.f32 v8, v16;
	v31 =	vmax.f32 v26, $9.999999710e-10;
	(erf) = vrcp.f32 v45  }
0x36e: {  	v8 =	vor.u32 s1, v4;
	(erf) = vrcp.f32 v31;
	v31 =	vmax.f32 v63, $9.999999710e-10  }
0x36f: {  	v10 =	vsel vm1, v10, v11;
	v11 =	vsel vm0, v32, v29;
	(erf) = vrcp.f32 v31  }
0x370: {  	v29 =	vor.u32 s1, v6;
	v8 =	vsel vm1, v8, v9;
	v9 =	vxor.u32 $0xFFF, v10  }
0x371: {  	v24 =	vmul.f32 v19, v24;
	v18 =	vmul.f32 v18, v28;
	v31 =	vadd.s32 s5, v7  }
0x372: {  	v46 =	vsub.s32 $0xFFF, v8;
	v10 =	vsel vm0, v9, v10;
	v19 =	vsel vm1, v29, v31  }
0x373: {  	v9 =	vsel vm0, v46, v8;
	v8 =	vsub.s32 $0xFFF, v19  }
0x374: {  	v14 =	vadd.f32 v22, v14;
	v15 =	vadd.f32 v24, v15;
	v8 =	vsel vm0, v8, v19;
	v19 =	vld.idx.msk [tilespmem:v11+s26+$0x0], $0xffff  }
0x375: {  	v17 =	vadd.f32 v21, v17;
	v24 =	vpop (erf)  }
0x376: {  	v16 =	vmul.f32 v16, v20;
	v14 =	vadd.f32 v18, v14;
	v18 =	vpop (erf)  }
0x377: {  	v13 =	vsub.f32 v23, v13;
	v21 =	vmul.f32 v27, v27;
	v22 =	vadd.f32 v30, v17;
	v20 =	vld.idx.msk [tilespmem:v10+s26+$0x0], $0xffff;
	v27 =	vpop (erf)  }
0x378: {  	v14 =	vadd.f32 v16, v14;
	v16 =	vmul.f32 v15, v23;
	v17 =	vld.idx.msk [tilespmem:v9+s26+$0x0], $0xffff;
	v15 =	vpop (erf)  }
0x379: {  	v13 =	vmul.f32 v13, v13;
	v21 =	vadd.f32 v21, v22;
	v35 =	vmul.f32 v15, v19;
	_ =	sdelay $0x1  }
0x37a: {  	v21 =	vadd.f32 v13, v21;
	v15 =	vld.idx.msk [tilespmem:v8+s26+$0x0], $0xffff;
	v13 =	vand.u32 $0x7FFFFF, v35  }
0x37b: {  	v36 =	vmul.f32 v27, v20;
	v28 =	vor.u32 $0x3F800000, v13  }
0x37c: {  	s29 =	simm.s32 $0xFC1;
	v42 =	vmul.f32 v18, v17;
	v13 =	vadd.f32 $1.000000000e+00, v28  }
0x37d: {  	v51 =	vadd.s32 s29, v1;
	v22 =	vadd.f32 v16, v14;
	v14 =	vand.u32 $0x7FFFFF, v36  }
0x37e: {  	s1 =	simm.s32 $0x40;
	v29 =	vor.u32 $0x3F800000, v14;
	v14 =	vand.u32 $0x7FFFFF, v42;
	(erf) = vrcp.f32 v13  }
0x37f: {  	s17 =	simm.s32 $0x40;
	v16 =	vadd.f32 $1.000000000e+00, v29;
	v31 =	vor.u32 $0x3F800000, v14;
	v43 =	vmul.f32 v24, v15;
	v13 =	vld [tilespmem:s1+$0xE030]  }
0x380: {  	v18 =	vor.u32 s17, v4;
	v30 =	vadd.f32 $1.000000000e+00, v31;
	v24 =	vadd.s32 s29, v5  }
0x381: {  	v24 =	vsel vm1, v18, v24;
	v14 =	vand.u32 $0x7FFFFF, v43;
	(erf) = vrcp.f32 v16  }
0x382: {  	v48 =	vor.u32 $0x3F800000, v14;
	(erf) = vrcp.f32 v30;
	v30 =	vor.u32 s17, v0  }
0x383: {  	v50 =	vadd.f32 $1.000000000e+00, v48;
	v52 =	vsel vm1, v30, v51;
	v30 =	vsub.s32 $0xFFF, v24  }
0x384: {  	v14 =	vld [tilespmem:s1+$0xE020];
	v24 =	vsel vm0, v30, v24;
	v30 =	vmax.f32 v13, $9.999999710e-10  }
0x385: {  	v47 =	vor.u32 s17, v2;
	v49 =	vadd.s32 s29, v3;
	v16 =	vld [tilespmem:s1+$0xE010];
	(erf) = vrcp.f32 v50  }
0x386: {  	v23 =	vor.u32 s17, v6;
	v26 =	vsub.f32 v20, v26;
	v28 =	vadd.f32 $-1.000000000e+00, v28  }
0x387: {  	v25 =	vsub.f32 v17, v25;
	v34 =	vsub.f32 v19, v63;
	v18 =	vld [tilespmem:s1+$0xE000];
	(erf) = vrcp.f32 v30;
	v30 =	vpop (erf)  }
0x388: {  	v27 =	vadd.s32 s29, v7;
	v32 =	vmul.f32 v30, v28;
	v28 =	vadd.f32 $-1.000000000e+00, v29  }
0x389: {  	v23 =	vsel vm1, v23, v27;
	v27 =	vsel vm1, v47, v49;
	v57 =	vmax.f32 v14, $9.999999710e-10  }
0x38a: {  	v55 =	vxor.u32 $0xFFF, v27;
	v56 =	vmax.f32 v16, $9.999999710e-10;
	(erf) = vrcp.f32 v57  }
0x38b: {  	(erf) = vrcp.f32 v56;
	v30 =	vsel vm0, v55, v27;
	v27 =	vadd.f32 $-1.000000000e+00, v31;
	v29 =	vpop (erf)  }
0x38c: {  	v58 =	vmax.f32 v18, $9.999999710e-10;
	v40 =	vmul.f32 v32, v32;
	v31 =	vmul.f32 v29, v28;
	v28 =	vpop (erf)  }
0x38d: {  	(erf) = vrcp.f32 v58;
	v29 =	vmul.f32 v28, v27;
	v27 =	vadd.f32 $-1.000000000e+00, v48  }
0x38e: {  	v53 =	vsub.s32 $0xFFF, v23;
	v38 =	vmul.f32 v31, v31;
	v28 =	vmul.f32 $2.222222240e-01, v40;
	v59 =	vpop (erf)  }
0x38f: {  	v23 =	vsel vm0, v53, v23;
	v39 =	vmul.f32 v29, v29;
	v27 =	vmul.f32 v59, v27  }
0x390: {  	v35 =	vshra.s32 v35, $0x17;
	v60 =	vmul.f32 $2.222222240e-01, v38;
	v28 =	vadd.f32 $2.857142980e-01, v28  }
0x391: {  	v49 =	vshra.s32 v43, $0x17;
	v61 =	vmul.f32 $2.222222240e-01, v39;
	v41 =	vmul.f32 v27, v27  }
0x392: {  	v43 =	vshra.s32 v42, $0x17;
	v44 =	vadd.f32 $2.857142980e-01, v60;
	v62 =	vmul.f32 v28, v40  }
0x393: {  	v54 =	vsub.s32 $0xFFF, v52;
	v63 =	vadd.f32 $2.857142980e-01, v61;
	v47 =	vmul.f32 $2.222222240e-01, v41  }
0x394: {  	v28 =	vmul.f32 v26, v26;
	v26 =	vpop (erf);
	v48 =	vmul.f32 v44, v38;
	v45 =	vadd.f32 $4.000000060e-01, v62  }
0x395: {  	v37 =	vsel vm0, v54, v52;
	v33 =	vpop (erf);
	v50 =	vmul.f32 v63, v39;
	v51 =	vadd.f32 $2.857142980e-01, v47  }
0x396: {  	v44 =	vshra.s32 v36, $0x17;
	v36 =	vpop (erf);
	v46 =	vmul.f32 v45, v40;
	v47 =	vadd.f32 $4.000000060e-01, v48  }
0x397: {  	s5 =	simm.s32 $0x200;
	v42 =	vpop (erf);
	v45 =	vadd.s32 $0xFFFFFF81, v49;
	v48 =	vadd.f32 $4.000000060e-01, v50;
	v49 =	vmul.f32 v51, v41  }
.LBB2_15:
0x398: {  	p1 =	sne.s32 s5, $0x3F00;
	v46 =	vadd.f32 $6.666666860e-01, v46;
	v47 =	vmul.f32 v47, v38;
	v43 =	vadd.s32 $0xFFFFFF81, v43  }
0x399: {  	v44 =	vadd.s32 $0xFFFFFF81, v44;
	v48 =	vmul.f32 v48, v39;
	v49 =	vadd.f32 $4.000000060e-01, v49  }
0x39a: {  	v35 =	vadd.s32 $0xFFFFFF81, v35;
	v40 =	vmul.f32 v46, v40;
	v46 =	vadd.f32 $6.666666860e-01, v47  }
0x39b: {  	v45 =	vcvt.s32.f32 v45;
	v47 =	vadd.f32 $6.666666860e-01, v48;
	v48 =	vmul.f32 v49, v41  }
0x39c: {  	v35 =	vcvt.s32.f32 v35;
	v40 =	vadd.f32 $2.000000000e+00, v40;
	v38 =	vmul.f32 v46, v38  }
0x39d: {  	v44 =	vcvt.s32.f32 v44;
	v39 =	vmul.f32 v47, v39;
	v46 =	vadd.f32 $6.666666860e-01, v48  }
0x39e: {  	v35 =	vmul.f32 $6.931471820e-01, v35;
	v32 =	vmul.f32 v40, v32;
	v38 =	vadd.f32 $2.000000000e+00, v38  }
0x39f: {  	v40 =	vcvt.s32.f32 v43;
	v39 =	vadd.f32 $2.000000000e+00, v39;
	v41 =	vmul.f32 v46, v41  }
0x3a0: {  	v32 =	vadd.f32 v32, v35;
	v31 =	vmul.f32 v38, v31;
	v35 =	vmul.f32 $6.931471820e-01, v44  }
0x3a1: {  	v38 =	vmul.f32 $6.931471820e-01, v40;
	v37 =	vld.idx.msk [tilespmem:v37+s26+$0x0], $0xffff;
	v29 =	vmul.f32 v39, v29;
	v39 =	vadd.f32 $2.000000000e+00, v41  }
0x3a2: {  	v34 =	vmul.f32 v34, v34;
	v19 =	vmul.f32 v32, v19;
	v31 =	vadd.f32 v31, v35  }
0x3a3: {  	v32 =	vmul.f32 $6.931471820e-01, v45;
	v30 =	vld.idx.msk [tilespmem:v30+s26+$0x0], $0xffff;
	v29 =	vadd.f32 v29, v38;
	v27 =	vmul.f32 v39, v27  }
0x3a4: {  	v21 =	vadd.f32 v34, v21;
	v34 =	vadd.f32 v19, v22;
	v20 =	vmul.f32 v31, v20  }
0x3a5: {  	v22 =	vmul.f32 v25, v25;
	v25 =	vsub.f32 v15, v12;
	v24 =	vld.idx.msk [tilespmem:v24+s26+$0x0], $0xffff;
	v27 =	vadd.f32 v27, v32  }
0x3a6: {  	v21 =	vadd.f32 v28, v21;
	v12 =	vmovc v13;
	v17 =	vmul.f32 v29, v17;
	v28 =	vadd.f32 v20, v34  }
0x3a7: {  	v35 =	vmul.f32 v42, v37;
	v19 =	vmov v37;
	v13 =	vld.idx.msk [tilespmem:v23+s26+$0x0], $0xffff;
	v23 =	vmul.f32 v25, v25  }
0x3a8: {  	s17 =	sadd.s32 $0x40, s17;
	v21 =	vadd.f32 v22, v21;
	v15 =	vmul.f32 v27, v15;
	v28 =	vadd.f32 v17, v28  }
0x3a9: {  	v25 =	vor.u32 s17, v6;
	v42 =	vmul.f32 v36, v30;
	v20 =	vmov v30  }
0x3aa: {  	s29 =	sadd.s32 $0x1, s29;
	v27 =	vand.u32 $0x7FFFFF, v35;
	v21 =	vadd.f32 v23, v21;
	v22 =	vadd.f32 v15, v28  }
0x3ab: {  	v23 =	vadd.s32 s29, v7;
	v27 =	vor.u32 $0x3F800000, v27;
	v43 =	vmul.f32 v33, v24;
	v17 =	vmovc v24  }
0x3ac: {  	v24 =	vor.u32 s17, v4;
	v28 =	vadd.f32 $1.000000000e+00, v27;
	v31 =	vand.u32 $0x7FFFFF, v42  }
0x3ad: {  	v29 =	vor.u32 $0x3F800000, v31;
	v30 =	vand.u32 $0x7FFFFF, v43;
	v36 =	vmul.f32 v26, v13;
	v15 =	vmovc v13  }
0x3ae: {  	v26 =	vadd.f32 $1.000000000e+00, v29;
	v31 =	vor.u32 $0x3F800000, v30;
	(erf) = vrcp.f32 v28  }
0x3af: {  	s6 =	sshra.s32 s5, $0x2;
	v28 =	vadd.s32 s29, v5;
	v30 =	vadd.f32 $1.000000000e+00, v31;
	v32 =	vand.u32 $0x7FFFFF, v36  }
0x3b0: {  	v33 =	vor.u32 s17, v2;
	v34 =	vor.u32 $0x3F800000, v32;
	v13 =	vld [tilespmem:s6+$0xE030];
	(erf) = vrcp.f32 v26  }
0x3b1: {  	v26 =	vadd.s32 s29, v3;
	v32 =	vadd.f32 $1.000000000e+00, v34;
	v41 =	vld [tilespmem:s6+$0xE020];
	(erf) = vrcp.f32 v30  }
0x3b2: {  	v37 =	vadd.s32 s29, v1;
	v23 =	vsel vm1, v25, v23;
	v30 =	vor.u32 s17, v0;
	v44 =	vld [tilespmem:s6+$0xE010]  }
0x3b3: {  	v24 =	vsel vm1, v24, v28;
	v25 =	vsel vm1, v33, v26;
	(erf) = vrcp.f32 v32  }
0x3b4: {  	v28 =	vsub.s32 $0xFFF, v24;
	v26 =	vsel vm1, v30, v37;
	v30 =	vsub.s32 $0xFFF, v23  }
0x3b5: {  	v37 =	vxor.u32 $0xFFF, v25;
	v33 =	vsub.s32 $0xFFF, v26;
	v23 =	vsel vm0, v30, v23;
	v45 =	vld [tilespmem:s6+$0xE000]  }
0x3b6: {  	v27 =	vadd.f32 $-1.000000000e+00, v27;
	v24 =	vsel vm0, v28, v24;
	v32 =	vmax.f32 v13, $9.999999710e-10  }
0x3b7: {  	v30 =	vmax.f32 v41, $9.999999710e-10;
	v38 =	vmax.f32 v44, $9.999999710e-10;
	(erf) = vrcp.f32 v32;
	v28 =	vpop (erf)  }
0x3b8: {  	v39 =	vadd.f32 $-1.000000000e+00, v29;
	(erf) = vrcp.f32 v30;
	v32 =	vmul.f32 v28, v27  }
0x3b9: {  	v30 =	vsel vm0, v37, v25;
	v25 =	vadd.f32 $-1.000000000e+00, v31;
	(erf) = vrcp.f32 v38;
	v28 =	vpop (erf)  }
0x3ba: {  	v29 =	vmax.f32 v45, $9.999999710e-10;
	v40 =	vmul.f32 v32, v32;
	v31 =	vmul.f32 v28, v39;
	v27 =	vpop (erf)  }
0x3bb: {  	(erf) = vrcp.f32 v29;
	v29 =	vmul.f32 v27, v25;
	v27 =	vadd.f32 $-1.000000000e+00, v34  }
0x3bc: {  	v37 =	vsel vm0, v33, v26;
	v26 =	vmul.f32 $2.222222240e-01, v40;
	v38 =	vmul.f32 v31, v31;
	v28 =	vpop (erf)  }
0x3bd: {  	v25 =	vsub.f32 v17, v14;
	v14 =	vmovc v41;
	v39 =	vmul.f32 v29, v29;
	v27 =	vmul.f32 v28, v27  }
0x3be: {  	v47 =	vsub.f32 v20, v16;
	v16 =	vmovc v44;
	v28 =	vadd.f32 $2.857142980e-01, v26;
	v46 =	vmul.f32 $2.222222240e-01, v38  }
0x3bf: {  	v34 =	vsub.f32 v19, v18;
	v18 =	vmovc v45;
	v44 =	vmul.f32 $2.222222240e-01, v39;
	v41 =	vmul.f32 v27, v27  }
0x3c0: {  	v26 =	vpop (erf);
	v45 =	vmul.f32 v28, v40;
	v28 =	vmul.f32 v47, v47;
	v46 =	vadd.f32 $2.857142980e-01, v46  }
.Ltmp8:
0x3c1: {  	v49 =	vshra.s32 v36, $0x17;
	v33 =	vpop (erf);
	v47 =	vadd.f32 $2.857142980e-01, v44;
	v48 =	vmul.f32 $2.222222240e-01, v41;
	(pc) =	sbr.rel @p1 .LBB2_15-.Ltmp8, $4  }
0x3c2: {  	v43 =	vshra.s32 v43, $0x17;
	v36 =	vpop (erf);
	v45 =	vadd.f32 $4.000000060e-01, v45;
	v50 =	vmul.f32 v46, v38  }
0x3c3: {  	v44 =	vshra.s32 v42, $0x17;
	v51 =	vmul.f32 v47, v39;
	v52 =	vadd.f32 $2.857142980e-01, v48  }
0x3c4: {  	v35 =	vshra.s32 v35, $0x17;
	v42 =	vpop (erf);
	v46 =	vmul.f32 v45, v40;
	v47 =	vadd.f32 $4.000000060e-01, v50  }
0x3c5: {  	s5 =	sadd.s32 $0x100, s5;
	v45 =	vadd.s32 $0xFFFFFF81, v49;
	v48 =	vadd.f32 $4.000000060e-01, v51;
	v49 =	vmul.f32 v52, v41  }
0x3c6: {  	_ =	sdelay $0x2  }
0x3c7: {  	v46 =	vadd.f32 $6.666666860e-01, v46;
	v47 =	vmul.f32 v47, v38  }
0x3c8: {  	v44 =	vadd.s32 $0xFFFFFF81, v44;
	v50 =	vadd.s32 $0xFFFFFF81, v35;
	v35 =	vld.idx.msk [tilespmem:v37+s26+$0x0], $0xffff;
	v45 =	vcvt.s32.f32 v45  }
0x3c9: {  	v30 =	vld.idx.msk [tilespmem:v30+s26+$0x0], $0xffff;
	v43 =	vadd.s32 $0xFFFFFF81, v43;
	v34 =	vmul.f32 v34, v34;
	v48 =	vmul.f32 v48, v39  }
0x3ca: {  	v24 =	vld.idx.msk [tilespmem:v24+s26+$0x0], $0xffff;
	v49 =	vadd.f32 $4.000000060e-01, v49;
	v61 =	vcvt.s32.f32 v50;
	v62 =	vcvt.s32.f32 v44  }
0x3cb: {  	v23 =	vld.idx.msk [tilespmem:v23+s26+$0x0], $0xffff;
	v43 =	vcvt.s32.f32 v43;
	v40 =	vmul.f32 v46, v40;
	v58 =	vadd.f32 $6.666666860e-01, v47  }
0x3cc: {  	v59 =	vadd.f32 $6.666666860e-01, v48;
	v60 =	vmul.f32 v49, v41;
	v50 =	vmul.f32 $6.931471820e-01, v61  }
0x3cd: {  	v21 =	vadd.f32 v34, v21;
	v56 =	vmul.f32 $6.931471820e-01, v62;
	v37 =	vmul.f32 v58, v38  }
0x3ce: {  	v40 =	vadd.f32 $2.000000000e+00, v40;
	v63 =	vmul.f32 v59, v39;
	v42 =	vmul.f32 v42, v35  }
0x3cf: {  	v49 =	vadd.f32 $6.666666860e-01, v60;
	v36 =	vmul.f32 v36, v30;
	v33 =	vmul.f32 v33, v24  }
0x3d0: {  	v26 =	vmul.f32 v26, v23;
	v32 =	vmul.f32 v40, v32;
	v51 =	vand.u32 $0x7FFFFF, v42  }
0x3d1: {  	v37 =	vadd.f32 $2.000000000e+00, v37;
	v40 =	vmul.f32 v49, v41;
	v41 =	vor.u32 $0x3F800000, v51  }
0x3d2: {  	v43 =	vmul.f32 $6.931471820e-01, v43;
	v39 =	vadd.f32 $2.000000000e+00, v63;
	v52 =	vadd.f32 $1.000000000e+00, v41  }
0x3d3: {  	v53 =	vand.u32 $0x7FFFFF, v36;
	v54 =	vand.u32 $0x7FFFFF, v33;
	v58 =	vand.u32 $0x7FFFFF, v26  }
0x3d4: {  	v32 =	vadd.f32 v32, v50;
	v44 =	vor.u32 $0x3F800000, v53;
	(erf) = vrcp.f32 v52  }
0x3d5: {  	v31 =	vmul.f32 v37, v31;
	v46 =	vor.u32 $0x3F800000, v54;
	v55 =	vadd.f32 $1.000000000e+00, v44  }
0x3d6: {  	v59 =	vor.u32 $0x3F800000, v58;
	v57 =	vadd.f32 $1.000000000e+00, v46;
	v29 =	vmul.f32 v39, v29  }
0x3d7: {  	v60 =	vadd.f32 $1.000000000e+00, v59;
	v31 =	vadd.f32 v31, v56;
	(erf) = vrcp.f32 v55  }
0x3d8: {  	v61 =	vadd.f32 $2.000000000e+00, v40;
	v19 =	vmul.f32 v32, v19;
	(erf) = vrcp.f32 v57  }
0x3d9: {  	v20 =	vmul.f32 v31, v20;
	(erf) = vrcp.f32 v60  }
0x3da: {  	v62 =	vmul.f32 $6.931471820e-01, v45;
	v21 =	vadd.f32 v28, v21;
	v27 =	vmul.f32 v61, v27  }
0x3db: {  	v29 =	vadd.f32 v29, v43;
	v19 =	vadd.f32 v19, v22  }
0x3dc: {  	v25 =	vmul.f32 v25, v25;
	v22 =	vadd.f32 v27, v62;
	v27 =	vadd.f32 $-1.000000000e+00, v41  }
0x3dd: {  	v12 =	vsub.f32 v15, v12;
	v19 =	vadd.f32 v20, v19;
	v20 =	vpop (erf)  }
0x3de: {  	v21 =	vadd.f32 v25, v21;
	v17 =	vmul.f32 v29, v17;
	v20 =	vmul.f32 v20, v27  }
0x3df: {  	v12 =	vmul.f32 v12, v12;
	v27 =	vadd.f32 $-1.000000000e+00, v44  }
0x3e0: {  	v25 =	vadd.f32 $-1.000000000e+00, v46;
	v17 =	vadd.f32 v17, v19;
	v28 =	vpop (erf);
	v19 =	vmul.f32 v20, v20  }
0x3e1: {  	v15 =	vmul.f32 v22, v15;
	v22 =	vadd.f32 $-1.000000000e+00, v59;
	v27 =	vmul.f32 v28, v27;
	v28 =	vpop (erf)  }
0x3e2: {  	v25 =	vmul.f32 v28, v25;
	v28 =	vadd.f32 v12, v21;
	v21 =	vpop (erf);
	v12 =	vmul.f32 $2.222222240e-01, v19  }
0x3e3: {  	v29 =	vmul.f32 v27, v27;
	v31 =	vmul.f32 v21, v22  }
0x3e4: {  	v15 =	vadd.f32 v15, v17;
	v17 =	vmul.f32 v25, v25  }
0x3e5: {  	v12 =	vadd.f32 $2.857142980e-01, v12;
	v21 =	vmul.f32 $2.222222240e-01, v29;
	v63 =	vmul.f32 v31, v31  }
0x3e6: {  	v18 =	vsub.f32 v35, v18;
	v22 =	vmul.f32 $2.222222240e-01, v17  }
0x3e7: {  	v12 =	vmul.f32 v12, v19;
	v21 =	vadd.f32 $2.857142980e-01, v21;
	v41 =	vmul.f32 $2.222222240e-01, v63  }
0x3e8: {  	v33 =	vshra.s32 v33, $0x17;
	v36 =	vshra.s32 v36, $0x17;
	v22 =	vadd.f32 $2.857142980e-01, v22  }
0x3e9: {  	v12 =	vadd.f32 $4.000000060e-01, v12;
	v21 =	vmul.f32 v21, v29;
	v34 =	vadd.f32 $2.857142980e-01, v41  }
0x3ea: {  	v42 =	vshra.s32 v42, $0x17;
	v18 =	vmul.f32 v18, v18;
	v22 =	vmul.f32 v22, v17  }
0x3eb: {  	v12 =	vmul.f32 v12, v19;
	v21 =	vadd.f32 $4.000000060e-01, v21;
	v34 =	vmul.f32 v34, v63  }
0x3ec: {  	v36 =	vadd.s32 $0xFFFFFF81, v36;
	v37 =	vadd.s32 $0xFFFFFF81, v42;
	v22 =	vadd.f32 $4.000000060e-01, v22  }
0x3ed: {  	v43 =	vadd.f32 $6.666666860e-01, v12;
	v21 =	vmul.f32 v21, v29;
	v34 =	vadd.f32 $4.000000060e-01, v34  }
0x3ee: {  	v33 =	vadd.s32 $0xFFFFFF81, v33;
	v37 =	vcvt.s32.f32 v37;
	v12 =	vld [tilespmem:s15+$0xF030];
	v22 =	vmul.f32 v22, v17  }
0x3ef: {  	v19 =	vmul.f32 v43, v19;
	v44 =	vadd.f32 $6.666666860e-01, v21;
	v21 =	vld [tilespmem:s15+$0xF020];
	v34 =	vmul.f32 v34, v63  }
0x3f0: {  	v36 =	vcvt.s32.f32 v36;
	v33 =	vcvt.s32.f32 v33;
	v45 =	vadd.f32 $6.666666860e-01, v22;
	v22 =	vld [tilespmem:s15+$0xF010]  }
0x3f1: {  	v37 =	vmul.f32 $6.931471820e-01, v37;
	v19 =	vadd.f32 $2.000000000e+00, v19;
	v34 =	vadd.f32 $6.666666860e-01, v34  }
0x3f2: {  	v16 =	vsub.f32 v30, v16;
	v46 =	vld [tilespmem:s15+$0xF000];
	v29 =	vmul.f32 v44, v29;
	v17 =	vmul.f32 v45, v17  }
0x3f3: {  	v19 =	vmul.f32 v19, v20;
	v20 =	vmax.f32 v12, $9.999999710e-10;
	v32 =	vmul.f32 v34, v63  }
0x3f4: {  	v47 =	vmax.f32 v21, $9.999999710e-10;
	(erf) = vrcp.f32 v20;
	v20 =	vadd.f32 $2.000000000e+00, v29  }
0x3f5: {  	v17 =	vadd.f32 $2.000000000e+00, v17;
	v29 =	vmax.f32 v22, $9.999999710e-10;
	(erf) = vrcp.f32 v47  }
0x3f6: {  	v26 =	vshra.s32 v26, $0x17;
	(erf) = vrcp.f32 v29;
	v20 =	vmul.f32 v20, v27  }
0x3f7: {  	v29 =	vmax.f32 v46, $9.999999710e-10;
	v27 =	vmul.f32 $6.931471820e-01, v36;
	v17 =	vmul.f32 v17, v25  }
0x3f8: {  	v25 =	vmul.f32 $6.931471820e-01, v33;
	(erf) = vrcp.f32 v29;
	v29 =	vadd.f32 $2.000000000e+00, v32  }
0x3f9: {  	v26 =	vadd.s32 $0xFFFFFF81, v26;
	v19 =	vadd.f32 v19, v37;
	v20 =	vadd.f32 v20, v27  }
0x3fa: {  	v26 =	vcvt.s32.f32 v26;
	v17 =	vadd.f32 v17, v25;
	v25 =	vmul.f32 v29, v31  }
0x3fb: {  	v14 =	vsub.f32 v24, v14;
	v19 =	vmul.f32 v19, v35;
	v20 =	vmul.f32 v20, v30  }
0x3fc: {  	v16 =	vmul.f32 v16, v16;
	v26 =	vmul.f32 $6.931471820e-01, v26  }
0x3fd: {  	v18 =	vadd.f32 v18, v28;
	v19 =	vadd.f32 v19, v15;
	v15 =	vld.idx.msk [tilespmem:v11+s28+$0x0], $0xffff;
	v11 =	vmul.f32 v14, v14  }
0x3fe: {  	v13 =	vsub.f32 v23, v13;
	v14 =	vadd.f32 v25, v26;
	v25 =	vpop (erf)  }
0x3ff: {  	v18 =	vadd.f32 v16, v18;
	v19 =	vadd.f32 v20, v19;
	v20 =	vpop (erf)  }
0x400: {  	v16 =	vld.idx.msk [tilespmem:v10+s28+$0x0], $0xffff;
	v17 =	vmul.f32 v17, v24;
	v24 =	vpop (erf)  }
0x401: {  	v10 =	vmul.f32 v13, v13;
	v13 =	vld.idx.msk [tilespmem:v9+s28+$0x0], $0xffff;
	v9 =	vadd.f32 v11, v18;
	v11 =	vpop (erf)  }
0x402: {  	v31 =	vmul.f32 v11, v15;
	_ =	sdelay $0x1  }
0x403: {  	s17 =	simm.s32 $0xFC1;
	v11 =	vld.idx.msk [tilespmem:v8+s28+$0x0], $0xffff;
	v8 =	vand.u32 $0x7FFFFF, v31  }
0x404: {  	v50 =	vadd.s32 s17, v3;
	v14 =	vmul.f32 v14, v23;
	v23 =	vor.u32 $0x3F800000, v8  }
0x405: {  	v52 =	vadd.s32 s17, v1;
	s15 =	simm.s32 $0x40;
	v48 =	vmul.f32 v24, v16;
	v8 =	vadd.f32 $1.000000000e+00, v23  }
0x406: {  	v28 =	vor.u32 s15, v2;
	v18 =	vadd.f32 v17, v19;
	v29 =	vmul.f32 v20, v13  }
0x407: {  	v17 =	vadd.f32 v10, v9;
	v9 =	vand.u32 $0x7FFFFF, v48;
	(erf) = vrcp.f32 v8  }
0x408: {  	v24 =	vor.u32 $0x3F800000, v9;
	v9 =	vand.u32 $0x7FFFFF, v29;
	v49 =	vmul.f32 v25, v11;
	v8 =	vld [tilespmem:s1+$0xF030]  }
0x409: {  	v26 =	vadd.s32 s17, v5;
	v10 =	vadd.f32 $1.000000000e+00, v24;
	v25 =	vor.u32 $0x3F800000, v9  }
0x40a: {  	v20 =	vor.u32 s15, v4;
	v27 =	vadd.f32 $1.000000000e+00, v25;
	v9 =	vand.u32 $0x7FFFFF, v49  }
0x40b: {  	v20 =	vsel vm1, v20, v26;
	(erf) = vrcp.f32 v10;
	v30 =	vor.u32 $0x3F800000, v9;
	v9 =	vld [tilespmem:s1+$0xF020]  }
0x40c: {  	v26 =	vsub.s32 $0xFFF, v20;
	(erf) = vrcp.f32 v27;
	v51 =	vadd.f32 $1.000000000e+00, v30  }
0x40d: {  	v19 =	vadd.s32 s17, v7;
	v20 =	vsel vm0, v26, v20;
	v26 =	vmax.f32 v8, $9.999999710e-10  }
0x40e: {  	v18 =	vadd.f32 v14, v18;
	v14 =	vor.u32 s15, v6;
	v10 =	vld [tilespmem:s1+$0xF010];
	(erf) = vrcp.f32 v51  }
0x40f: {  	v33 =	vsel vm1, v28, v50;
	v19 =	vsel vm1, v14, v19;
	v14 =	vld [tilespmem:s1+$0xF000];
	v23 =	vadd.f32 $-1.000000000e+00, v23  }
0x410: {  	v27 =	vor.u32 s15, v0;
	(erf) = vrcp.f32 v26;
	v28 =	vmax.f32 v9, $9.999999710e-10;
	v26 =	vpop (erf)  }
0x411: {  	(erf) = vrcp.f32 v28;
	v28 =	vmul.f32 v26, v23;
	v23 =	vadd.f32 $-1.000000000e+00, v24  }
0x412: {  	v21 =	vsub.f32 v13, v21;
	v53 =	vsel vm1, v27, v52;
	v27 =	vsub.s32 $0xFFF, v19  }
0x413: {  	v54 =	vxor.u32 $0xFFF, v33;
	v19 =	vsel vm0, v27, v19;
	v27 =	vmax.f32 v10, $9.999999710e-10  }
0x414: {  	v55 =	vmax.f32 v14, $9.999999710e-10;
	(erf) = vrcp.f32 v27;
	v24 =	vadd.f32 $-1.000000000e+00, v25;
	v25 =	vpop (erf)  }
0x415: {  	v35 =	vsub.s32 $0xFFF, v53;
	v36 =	vmul.f32 v28, v28;
	v27 =	vmul.f32 v25, v23;
	v23 =	vpop (erf)  }
0x416: {  	(erf) = vrcp.f32 v55;
	v25 =	vmul.f32 v23, v24;
	v23 =	vadd.f32 $-1.000000000e+00, v30  }
0x417: {  	v26 =	vsel vm0, v54, v33;
	v34 =	vmul.f32 v27, v27;
	v24 =	vmul.f32 $2.222222240e-01, v36;
	v30 =	vpop (erf)  }
0x418: {  	v33 =	vsel vm0, v35, v53;
	v35 =	vmul.f32 v25, v25;
	v23 =	vmul.f32 v30, v23  }
0x419: {  	v22 =	vsub.f32 v16, v22;
	v56 =	vmul.f32 $2.222222240e-01, v34;
	v24 =	vadd.f32 $2.857142980e-01, v24  }
0x41a: {  	v39 =	vshra.s32 v29, $0x17;
	v57 =	vmul.f32 $2.222222240e-01, v35;
	v37 =	vmul.f32 v23, v23  }
0x41b: {  	v31 =	vshra.s32 v31, $0x17;
	v40 =	vadd.f32 $2.857142980e-01, v56;
	v58 =	vmul.f32 v24, v36  }
0x41c: {  	v59 =	vshra.s32 v49, $0x17;
	v38 =	vadd.f32 $2.857142980e-01, v57;
	v60 =	vmul.f32 $2.222222240e-01, v37  }
0x41d: {  	v24 =	vmul.f32 v22, v22;
	v22 =	vpop (erf);
	v61 =	vmul.f32 v40, v34;
	v41 =	vadd.f32 $4.000000060e-01, v58  }
0x41e: {  	v30 =	vsub.f32 v15, v46;
	v29 =	vpop (erf);
	v62 =	vmul.f32 v38, v35;
	v63 =	vadd.f32 $2.857142980e-01, v60  }
0x41f: {  	v40 =	vshra.s32 v48, $0x17;
	v32 =	vpop (erf);
	v43 =	vadd.f32 $4.000000060e-01, v61;
	v42 =	vmul.f32 v41, v36  }
0x420: {  	s1 =	simm.s32 $0x200;
	v41 =	vadd.s32 $0xFFFFFF81, v59;
	v38 =	vpop (erf);
	v44 =	vadd.f32 $4.000000060e-01, v62;
	v45 =	vmul.f32 v63, v37  }
.LBB2_17:
0x421: {  	p1 =	sne.s32 s1, $0x3F00;
	v42 =	vadd.f32 $6.666666860e-01, v42;
	v43 =	vmul.f32 v43, v34;
	v39 =	vadd.s32 $0xFFFFFF81, v39  }
0x422: {  	v40 =	vadd.s32 $0xFFFFFF81, v40;
	v44 =	vmul.f32 v44, v35;
	v45 =	vadd.f32 $4.000000060e-01, v45  }
0x423: {  	v31 =	vadd.s32 $0xFFFFFF81, v31;
	v36 =	vmul.f32 v42, v36;
	v42 =	vadd.f32 $6.666666860e-01, v43  }
0x424: {  	v41 =	vcvt.s32.f32 v41;
	v43 =	vadd.f32 $6.666666860e-01, v44;
	v44 =	vmul.f32 v45, v37  }
0x425: {  	v31 =	vcvt.s32.f32 v31;
	v36 =	vadd.f32 $2.000000000e+00, v36;
	v34 =	vmul.f32 v42, v34  }
0x426: {  	v40 =	vcvt.s32.f32 v40;
	v35 =	vmul.f32 v43, v35;
	v42 =	vadd.f32 $6.666666860e-01, v44  }
0x427: {  	v31 =	vmul.f32 $6.931471820e-01, v31;
	v28 =	vmul.f32 v36, v28;
	v34 =	vadd.f32 $2.000000000e+00, v34  }
0x428: {  	v36 =	vcvt.s32.f32 v39;
	v35 =	vadd.f32 $2.000000000e+00, v35;
	v37 =	vmul.f32 v42, v37  }
0x429: {  	v28 =	vadd.f32 v28, v31;
	v27 =	vmul.f32 v34, v27;
	v31 =	vmul.f32 $6.931471820e-01, v40  }
0x42a: {  	v34 =	vmul.f32 $6.931471820e-01, v36;
	v33 =	vld.idx.msk [tilespmem:v33+s28+$0x0], $0xffff;
	v25 =	vmul.f32 v35, v25;
	v35 =	vadd.f32 $2.000000000e+00, v37  }
0x42b: {  	v30 =	vmul.f32 v30, v30;
	v15 =	vmul.f32 v28, v15;
	v27 =	vadd.f32 v27, v31  }
0x42c: {  	v28 =	vmul.f32 $6.931471820e-01, v41;
	v26 =	vld.idx.msk [tilespmem:v26+s28+$0x0], $0xffff;
	v25 =	vadd.f32 v25, v34;
	v23 =	vmul.f32 v35, v23  }
0x42d: {  	v17 =	vadd.f32 v30, v17;
	v30 =	vadd.f32 v15, v18;
	v16 =	vmul.f32 v27, v16  }
0x42e: {  	v18 =	vmul.f32 v21, v21;
	v21 =	vsub.f32 v11, v12;
	v20 =	vld.idx.msk [tilespmem:v20+s28+$0x0], $0xffff;
	v23 =	vadd.f32 v23, v28  }
0x42f: {  	v17 =	vadd.f32 v24, v17;
	v12 =	vmovc v8;
	v13 =	vmul.f32 v25, v13;
	v24 =	vadd.f32 v16, v30  }
0x430: {  	v31 =	vmul.f32 v38, v33;
	v15 =	vmov v33;
	v8 =	vld.idx.msk [tilespmem:v19+s28+$0x0], $0xffff;
	v19 =	vmul.f32 v21, v21  }
0x431: {  	s15 =	sadd.s32 $0x40, s15;
	v17 =	vadd.f32 v18, v17;
	v11 =	vmul.f32 v23, v11;
	v24 =	vadd.f32 v13, v24  }
0x432: {  	v21 =	vor.u32 s15, v6;
	v38 =	vmul.f32 v32, v26;
	v16 =	vmov v26  }
0x433: {  	s17 =	sadd.s32 $0x1, s17;
	v23 =	vand.u32 $0x7FFFFF, v31;
	v17 =	vadd.f32 v19, v17;
	v18 =	vadd.f32 v11, v24  }
0x434: {  	v19 =	vadd.s32 s17, v7;
	v23 =	vor.u32 $0x3F800000, v23;
	v39 =	vmul.f32 v29, v20;
	v13 =	vmovc v20  }
0x435: {  	v20 =	vor.u32 s15, v4;
	v24 =	vadd.f32 $1.000000000e+00, v23;
	v27 =	vand.u32 $0x7FFFFF, v38  }
0x436: {  	v25 =	vor.u32 $0x3F800000, v27;
	v26 =	vand.u32 $0x7FFFFF, v39;
	v32 =	vmul.f32 v22, v8;
	v11 =	vmovc v8  }
0x437: {  	v22 =	vadd.f32 $1.000000000e+00, v25;
	v27 =	vor.u32 $0x3F800000, v26;
	(erf) = vrcp.f32 v24  }
0x438: {  	s5 =	sshra.s32 s1, $0x2;
	v24 =	vadd.s32 s17, v5;
	v26 =	vadd.f32 $1.000000000e+00, v27;
	v28 =	vand.u32 $0x7FFFFF, v32  }
0x439: {  	v29 =	vor.u32 s15, v2;
	v30 =	vor.u32 $0x3F800000, v28;
	v8 =	vld [tilespmem:s5+$0xF030];
	(erf) = vrcp.f32 v22  }
0x43a: {  	v22 =	vadd.s32 s17, v3;
	v28 =	vadd.f32 $1.000000000e+00, v30;
	v37 =	vld [tilespmem:s5+$0xF020];
	(erf) = vrcp.f32 v26  }
0x43b: {  	v33 =	vadd.s32 s17, v1;
	v19 =	vsel vm1, v21, v19;
	v26 =	vor.u32 s15, v0;
	v40 =	vld [tilespmem:s5+$0xF010]  }
0x43c: {  	v20 =	vsel vm1, v20, v24;
	v21 =	vsel vm1, v29, v22;
	(erf) = vrcp.f32 v28  }
0x43d: {  	v24 =	vsub.s32 $0xFFF, v20;
	v22 =	vsel vm1, v26, v33;
	v26 =	vsub.s32 $0xFFF, v19  }
0x43e: {  	v33 =	vxor.u32 $0xFFF, v21;
	v29 =	vsub.s32 $0xFFF, v22;
	v19 =	vsel vm0, v26, v19;
	v41 =	vld [tilespmem:s5+$0xF000]  }
0x43f: {  	v23 =	vadd.f32 $-1.000000000e+00, v23;
	v20 =	vsel vm0, v24, v20;
	v28 =	vmax.f32 v8, $9.999999710e-10  }
0x440: {  	v26 =	vmax.f32 v37, $9.999999710e-10;
	v34 =	vmax.f32 v40, $9.999999710e-10;
	(erf) = vrcp.f32 v28;
	v24 =	vpop (erf)  }
0x441: {  	v35 =	vadd.f32 $-1.000000000e+00, v25;
	(erf) = vrcp.f32 v26;
	v28 =	vmul.f32 v24, v23  }
0x442: {  	v26 =	vsel vm0, v33, v21;
	v21 =	vadd.f32 $-1.000000000e+00, v27;
	(erf) = vrcp.f32 v34;
	v24 =	vpop (erf)  }
0x443: {  	v25 =	vmax.f32 v41, $9.999999710e-10;
	v36 =	vmul.f32 v28, v28;
	v27 =	vmul.f32 v24, v35;
	v23 =	vpop (erf)  }
0x444: {  	(erf) = vrcp.f32 v25;
	v25 =	vmul.f32 v23, v21;
	v23 =	vadd.f32 $-1.000000000e+00, v30  }
0x445: {  	v33 =	vsel vm0, v29, v22;
	v22 =	vmul.f32 $2.222222240e-01, v36;
	v34 =	vmul.f32 v27, v27;
	v24 =	vpop (erf)  }
0x446: {  	v21 =	vsub.f32 v13, v9;
	v9 =	vmovc v37;
	v35 =	vmul.f32 v25, v25;
	v23 =	vmul.f32 v24, v23  }
0x447: {  	v43 =	vsub.f32 v16, v10;
	v10 =	vmovc v40;
	v24 =	vadd.f32 $2.857142980e-01, v22;
	v42 =	vmul.f32 $2.222222240e-01, v34  }
0x448: {  	v30 =	vsub.f32 v15, v14;
	v14 =	vmovc v41;
	v40 =	vmul.f32 $2.222222240e-01, v35;
	v37 =	vmul.f32 v23, v23  }
0x449: {  	v22 =	vpop (erf);
	v41 =	vmul.f32 v24, v36;
	v24 =	vmul.f32 v43, v43;
	v42 =	vadd.f32 $2.857142980e-01, v42  }
.Ltmp9:
0x44a: {  	v45 =	vshra.s32 v32, $0x17;
	v29 =	vpop (erf);
	v43 =	vadd.f32 $2.857142980e-01, v40;
	v44 =	vmul.f32 $2.222222240e-01, v37;
	(pc) =	sbr.rel @p1 .LBB2_17-.Ltmp9, $4  }
0x44b: {  	v39 =	vshra.s32 v39, $0x17;
	v32 =	vpop (erf);
	v41 =	vadd.f32 $4.000000060e-01, v41;
	v46 =	vmul.f32 v42, v34  }
0x44c: {  	v40 =	vshra.s32 v38, $0x17;
	v47 =	vmul.f32 v43, v35;
	v48 =	vadd.f32 $2.857142980e-01, v44  }
0x44d: {  	v31 =	vshra.s32 v31, $0x17;
	v38 =	vpop (erf);
	v42 =	vmul.f32 v41, v36;
	v43 =	vadd.f32 $4.000000060e-01, v46  }
0x44e: {  	s1 =	sadd.s32 $0x100, s1;
	v41 =	vadd.s32 $0xFFFFFF81, v45;
	v44 =	vadd.f32 $4.000000060e-01, v47;
	v45 =	vmul.f32 v48, v37  }
0x44f: {  	_ =	sdelay $0x2  }
0x450: {  	v42 =	vadd.f32 $6.666666860e-01, v42;
	v43 =	vmul.f32 v43, v34;
	v40 =	vadd.s32 $0xFFFFFF81, v40  }
0x451: {  	v46 =	vadd.s32 $0xFFFFFF81, v31;
	v31 =	vld.idx.msk [tilespmem:v33+s28+$0x0], $0xffff;
	v41 =	vcvt.s32.f32 v41;
	v39 =	vadd.s32 $0xFFFFFF81, v39  }
0x452: {  	v26 =	vld.idx.msk [tilespmem:v26+s28+$0x0], $0xffff;
	v30 =	vmul.f32 v30, v30;
	v12 =	vsub.f32 v11, v12;
	v44 =	vmul.f32 v44, v35  }
0x453: {  	v20 =	vld.idx.msk [tilespmem:v20+s28+$0x0], $0xffff;
	v45 =	vadd.f32 $4.000000060e-01, v45;
	v48 =	vcvt.s32.f32 v46;
	v49 =	vcvt.s32.f32 v40  }
0x454: {  	v39 =	vcvt.s32.f32 v39;
	v36 =	vmul.f32 v42, v36;
	v61 =	vadd.f32 $6.666666860e-01, v43  }
0x455: {  	v19 =	vld.idx.msk [tilespmem:v19+s28+$0x0], $0xffff;
	v62 =	vadd.f32 $6.666666860e-01, v44;
	v63 =	vmul.f32 v45, v37;
	v52 =	vmul.f32 $6.931471820e-01, v48  }
0x456: {  	v58 =	vmul.f32 $6.931471820e-01, v49;
	v36 =	vadd.f32 $2.000000000e+00, v36;
	v38 =	vmul.f32 v38, v31  }
0x457: {  	v33 =	vmul.f32 v61, v34;
	v50 =	vmul.f32 v62, v35;
	v51 =	vadd.f32 $6.666666860e-01, v63  }
0x458: {  	v32 =	vmul.f32 v32, v26;
	v29 =	vmul.f32 v29, v20;
	v53 =	vand.u32 $0x7FFFFF, v38  }
0x459: {  	v28 =	vmul.f32 v36, v28;
	v36 =	vmul.f32 v51, v37;
	v37 =	vor.u32 $0x3F800000, v53  }
0x45a: {  	v22 =	vmul.f32 v22, v19;
	v55 =	vand.u32 $0x7FFFFF, v32;
	v54 =	vadd.f32 $1.000000000e+00, v37  }
0x45b: {  	v33 =	vadd.f32 $2.000000000e+00, v33;
	v56 =	vand.u32 $0x7FFFFF, v29;
	v40 =	vor.u32 $0x3F800000, v55  }
0x45c: {  	v42 =	vor.u32 $0x3F800000, v56;
	v57 =	vadd.f32 $1.000000000e+00, v40;
	(erf) = vrcp.f32 v54  }
0x45d: {  	v60 =	vand.u32 $0x7FFFFF, v22;
	v27 =	vmul.f32 v33, v27;
	v59 =	vadd.f32 $1.000000000e+00, v42  }
0x45e: {  	v28 =	vadd.f32 v28, v52;
	v61 =	vor.u32 $0x3F800000, v60;
	(erf) = vrcp.f32 v57  }
0x45f: {  	v62 =	vadd.f32 $1.000000000e+00, v61;
	v27 =	vadd.f32 v27, v58;
	(erf) = vrcp.f32 v59  }
0x460: {  	v17 =	vadd.f32 v30, v17;
	v35 =	vadd.f32 $2.000000000e+00, v50;
	v15 =	vmul.f32 v28, v15  }
0x461: {  	v63 =	vadd.f32 $2.000000000e+00, v36;
	v16 =	vmul.f32 v27, v16;
	(erf) = vrcp.f32 v62  }
0x462: {  	v39 =	vmul.f32 $6.931471820e-01, v39;
	v17 =	vadd.f32 v24, v17;
	v25 =	vmul.f32 v35, v25  }
0x463: {  	v33 =	vmul.f32 $6.931471820e-01, v41;
	v23 =	vmul.f32 v63, v23;
	v15 =	vadd.f32 v15, v18  }
0x464: {  	v12 =	vmul.f32 v12, v12;
	v36 =	vadd.f32 $-1.000000000e+00, v37;
	v25 =	vadd.f32 v25, v39  }
0x465: {  	v18 =	vmul.f32 v21, v21;
	v34 =	vadd.f32 v23, v33;
	v15 =	vadd.f32 v16, v15;
	v16 =	vpop (erf)  }
0x466: {  	v37 =	vadd.f32 $-1.000000000e+00, v40;
	v13 =	vmul.f32 v25, v13;
	v16 =	vmul.f32 v16, v36  }
0x467: {  	v17 =	vadd.f32 v18, v17;
	v18 =	vadd.f32 $-1.000000000e+00, v42;
	v39 =	vmul.f32 v34, v11;
	v40 =	vpop (erf)  }
0x468: {  	v13 =	vadd.f32 v13, v15;
	v21 =	vmul.f32 v40, v37;
	v41 =	vpop (erf);
	v15 =	vmul.f32 v16, v16  }
0x469: {  	v12 =	vadd.f32 v12, v17;
	v17 =	vmul.f32 v41, v18;
	v18 =	vadd.f32 $-1.000000000e+00, v61  }
0x46a: {  	v9 =	vsub.f32 v20, v9;
	v44 =	vpop (erf);
	v43 =	vmul.f32 v21, v21;
	v42 =	vmul.f32 $2.222222240e-01, v15  }
0x46b: {  	v10 =	vsub.f32 v26, v10;
	v45 =	vmul.f32 v17, v17;
	v18 =	vmul.f32 v44, v18  }
0x46c: {  	v11 =	vadd.f32 v39, v13;
	v46 =	vmul.f32 $2.222222240e-01, v43;
	v13 =	vadd.f32 $2.857142980e-01, v42  }
0x46d: {  	v14 =	vsub.f32 v31, v14;
	v47 =	vmul.f32 $2.222222240e-01, v45;
	v48 =	vmul.f32 v18, v18  }
0x46e: {  	v10 =	vmul.f32 v10, v10;
	v24 =	vadd.f32 $2.857142980e-01, v46;
	v13 =	vmul.f32 v13, v15  }
0x46f: {  	v22 =	vshra.s32 v22, $0x17;
	v27 =	vadd.f32 $2.857142980e-01, v47;
	v49 =	vmul.f32 $2.222222240e-01, v48  }
0x470: {  	v29 =	vshra.s32 v29, $0x17;
	v24 =	vmul.f32 v24, v43;
	v13 =	vadd.f32 $4.000000060e-01, v13  }
0x471: {  	v32 =	vshra.s32 v32, $0x17;
	v27 =	vmul.f32 v27, v45;
	v30 =	vadd.f32 $2.857142980e-01, v49  }
0x472: {  	v50 =	vshra.s32 v38, $0x17;
	v24 =	vadd.f32 $4.000000060e-01, v24;
	v13 =	vmul.f32 v13, v15  }
0x473: {  	v14 =	vmul.f32 v14, v14;
	v27 =	vadd.f32 $4.000000060e-01, v27;
	v30 =	vmul.f32 v30, v48  }
0x474: {  	v22 =	vadd.s32 $0xFFFFFF81, v22;
	v24 =	vmul.f32 v24, v43;
	v13 =	vadd.f32 $6.666666860e-01, v13  }
0x475: {  	v29 =	vadd.s32 $0xFFFFFF81, v29;
	v27 =	vmul.f32 v27, v45;
	v30 =	vadd.f32 $4.000000060e-01, v30  }
0x476: {  	v32 =	vadd.s32 $0xFFFFFF81, v32;
	v13 =	vmul.f32 v13, v15;
	v15 =	vadd.f32 $6.666666860e-01, v24  }
0x477: {  	v33 =	vadd.s32 $0xFFFFFF81, v50;
	v51 =	vadd.f32 $6.666666860e-01, v27;
	v52 =	vmul.f32 v30, v48  }
0x478: {  	v53 =	vcvt.s32.f32 v33;
	v13 =	vadd.f32 $2.000000000e+00, v13;
	v15 =	vmul.f32 v15, v43  }
0x479: {  	v54 =	vcvt.s32.f32 v32;
	v24 =	vmul.f32 v51, v45;
	v55 =	vadd.f32 $6.666666860e-01, v52  }
0x47a: {  	v13 =	vmul.f32 v13, v16;
	v16 =	vmul.f32 $6.931471820e-01, v53;
	v15 =	vadd.f32 $2.000000000e+00, v15  }
0x47b: {  	v56 =	vcvt.s32.f32 v29;
	v24 =	vadd.f32 $2.000000000e+00, v24;
	v25 =	vmul.f32 v55, v48  }
0x47c: {  	v13 =	vadd.f32 v13, v16;
	v15 =	vmul.f32 v15, v21;
	v16 =	vmul.f32 $6.931471820e-01, v54  }
0x47d: {  	v57 =	vmul.f32 $6.931471820e-01, v56;
	v17 =	vmul.f32 v24, v17;
	v58 =	vadd.f32 $2.000000000e+00, v25  }
0x47e: {  	v22 =	vcvt.s32.f32 v22;
	v13 =	vmul.f32 v13, v31;
	v15 =	vadd.f32 v15, v16  }
0x47f: {  	v12 =	vadd.f32 v14, v12;
	v16 =	vadd.f32 v17, v57;
	v17 =	vmul.f32 v58, v18  }
0x480: {  	v18 =	vmul.f32 $6.931471820e-01, v22;
	v11 =	vadd.f32 v13, v11;
	v59 =	vmul.f32 v15, v26  }
0x481: {  	v8 =	vsub.f32 v19, v8;
	v9 =	vmul.f32 v9, v9;
	v10 =	vadd.f32 v10, v12  }
.Ltmp10:
0x482: {  	v60 =	vadd.f32 v17, v18;
	v61 =	vmul.f32 v16, v20;
	v11 =	vadd.f32 v59, v11;
	(pc) =	sbr.rel @p0 .LBB2_20-.Ltmp10, $4  }
0x483: {  	v8 =	vmul.f32 v8, v8;
	v9 =	vadd.f32 v9, v10  }
0x484: {  	v63 =	vmul.f32 v60, v19;
	v62 =	vadd.f32 v61, v11  }
0x485: {  	v19 =	vadd.f32 v8, v9  }
0x486: {  	v16 =	vadd.f32 v63, v62  }
0x487: {  	s0 =	sadd.s32 s0, s11  }
.Ltmp11:
0x488: {  	s0 =	sshrl.u32 s0, $0x3;
	(pc) =	sbr.rel .LBB2_2-.Ltmp11, $4  }
0x489: {  	s1 =	sadd.s32 s2, s0  }
0x48a: {  	[tilespmem:s18], [sflag:$0x1] =	stream.linear.gather [hbm4b:s1+s3], $0x4000, $0x38;
	[tilespmem:$0x100C0] =	vst v63  }
0x48b: {  	s31 =	sadd.s32 $0x1, s31;
	s0 =	sadd.s32 s4, s0  }
0x48c: {  	[tilespmem:s19], [sflag:$0x2] =	stream.linear.gather [hbm4b:s0+s3], $0x4000, $0x38;
	[tilespmem:$0x100C0] =	vst v63  }
.LBB2_21:
0x48d: {  	_ =	sfence.sel $0x180000  }
0x48e: {  	[bflag:$0x0] =	sbarrier.arrive $0xFFFF  }
0x48f: {  	_ =	strace $0x90000047  }
0x490: {  	s0 =	stileid.u32;
	[bflag:$0x2] =	sbarrier.arrive $0xFFFF  }
0x491: {  	p0 =	sne.s32 s0, $0x0;
	s0 =	rddreg [dreg:$0x1]  }
0x492: {  	s0 =	sadd.s32 @!p0 $0x100000, s0  }
0x493: {  	[sflag:s0] =	ssyncadd.tile.s32 @!p0 $0x1;
	_ =	shalt  }
.Lfunc_end2:
_tile_overlayer_lowered:
.L_overlay_start_2:
0x494: {  	(tag) =	ssettag $0x2  }
0x495: {  	s0 =	rddreg [dreg:$0x0];
	s2 =	stileid.u32  }
0x496: {  	s1 =	rddreg [dreg:$0x1];
	p0 =	sne.s32 s2, $0x0  }
0x497: {  	s3 =	rddreg [dreg:$0x2];
	[bflag:$0x3] =	sbarrier.arrive $0xFFFF;
	s2 =	simm.s32 @!p0 $0x1C03  }
0x498: {  	[timem:s3], [sflag:s2] =	dma.local @!p0 [hbm:s0], s1  }
0x499: {  	s0 =	simm.s32 @!p0 $0x3  }
0x49a: {  	_ =	swait.ge @!p0 [sflag:s0], s1  }
0x49b: {  	s1 =	ssub.s32 @!p0 $0x0, s1;
	[sflag:s0] =	ssyncset.done @!p0 $0x0  }
0x49c: {  	[sflag:s0] =	ssyncadd.s32 @!p0 s1  }
0x49d: {  	[bflag:$0x3] =	sbarrier.arrive $0xFFFF  }
0x49e: {  	_ =	shalt  }

</sc_bundles>
